<compile_context>
chip_gen: v7x
topology: tpu7x:2x2x1
jax: 0.10.2.dev20260603
libtpu: 0.0.44.dev20260713+nightly
codegen_flags: <defaults>
</compile_context>

<pallas_src>
import functools

import jax
import jax.numpy as jnp
from jax import lax
from jax.experimental import pallas as pl
from jax.experimental.pallas import tpu as pltpu
from jax.experimental.pallas import tpu_sc as plsc

_N_EXP = 8
_D_IN = 1024
_D_HID = 512
_T = 2048
_B = 256
_NBR = 24
_CAP = _NBR * _B
_NBS = _T // _B
_NB = _NBR + _NBS
_NW = 32
_SLOTS_W = _CAP // _NW
_TOK_W = _T // _NW


def _top2(x, gate_w):
    logits = jax.lax.dot_general(
        x, gate_w, (((1,), (1,)), ((), ())), preferred_element_type=jnp.float32
    )
    m = jnp.max(logits, axis=-1, keepdims=True)
    p = jnp.exp(logits - m)
    s = p / jnp.sum(p, axis=-1, keepdims=True)
    lane = lax.broadcasted_iota(jnp.int32, s.shape, 1)
    m1 = jnp.max(s, axis=-1, keepdims=True)
    i1 = jnp.min(jnp.where(s >= m1, lane, _N_EXP), axis=-1, keepdims=True)
    s2 = jnp.where(lane == i1, -jnp.inf, s)
    m2 = jnp.max(s2, axis=-1, keepdims=True)
    i2 = jnp.min(jnp.where(s2 >= m2, lane, _N_EXP), axis=-1, keepdims=True)
    return m1, i1.astype(jnp.float32), m2, i2.astype(jnp.float32)



def _meta_body(x_ref, gate_ref, dest_ref, pw_ref, eid_ref, valid_ref):
    x = x_ref[...]
    m1, i1f, m2, i2f = _top2(x, gate_ref[...])
    pw_ref[:, 0:1] = m1
    pw_ref[:, 1:2] = m2

    lane8 = lax.broadcasted_iota(jnp.int32, (512, _N_EXP), 1).astype(jnp.float32)
    r_io = lax.broadcasted_iota(jnp.int32, (512, 512), 0)
    c_io = lax.broadcasted_iota(jnp.int32, (512, 512), 1)
    ltri = (r_io > c_io).astype(jnp.float32)

    base = jnp.zeros((1, _N_EXP), jnp.float32)
    ranks = []
    onehots = []
    for c in range(8):
        src = i1f if c < 4 else i2f
        r0 = (c % 4) * 512
        ev = src[r0:r0 + 512, :]
        oh = (ev == lane8).astype(jnp.float32)
        cum = lax.dot_general(
            ltri, oh, (((1,), (0,)), ((), ())), preferred_element_type=jnp.float32
        )
        ranks.append(jnp.sum(oh * (cum + base), axis=1, keepdims=True))
        onehots.append(oh)
        base = base + jnp.sum(oh, axis=0, keepdims=True)

    counts = base
    padded = jnp.ceil(counts * (1.0 / _B)) * _B
    u_r = lax.broadcasted_iota(jnp.int32, (_N_EXP, _N_EXP), 0)
    u_c = lax.broadcasted_iota(jnp.int32, (_N_EXP, _N_EXP), 1)
    utri = (u_r < u_c).astype(jnp.float32)
    offs = lax.dot_general(
        padded, utri, (((1,), (0,)), ((), ())), preferred_element_type=jnp.float32
    )

    for c in range(8):
        r0 = (c % 4) * 512
        col = 0 if c < 4 else 1
        dest_c = ranks[c] + jnp.sum(onehots[c] * offs, axis=1, keepdims=True)
        dest_ref[pl.ds(r0, 512), col:col + 1] = dest_c.astype(jnp.int32)

    ends = offs + padded
    b_row = lax.broadcasted_iota(jnp.int32, (_NB, 1), 0).astype(jnp.float32) * _B
    eid = jnp.sum((ends <= b_row).astype(jnp.float32), axis=1, keepdims=True)
    eid = jnp.minimum(eid, float(_N_EXP - 1))
    total = jnp.sum(padded, axis=1, keepdims=True)
    valid = (b_row < total).astype(jnp.int32)
    eid_ref[...] = eid.astype(jnp.int32)
    valid_ref[...] = valid


def _meta(xf, gate_w, interpret=False):
    return pl.pallas_call(
        _meta_body,
        in_specs=[
            pl.BlockSpec((_T, _D_IN), lambda: (0, 0)),
            pl.BlockSpec((_N_EXP, _D_IN), lambda: (0, 0)),
        ],
        out_specs=[
            pl.BlockSpec((_T, 2), lambda: (0, 0)),
            pl.BlockSpec((_T, 2), lambda: (0, 0)),
            pl.BlockSpec((_NB, 1), lambda: (0, 0)),
            pl.BlockSpec((_NB, 1), lambda: (0, 0)),
        ],
        out_shape=[
            jax.ShapeDtypeStruct((_T, 2), jnp.int32),
            jax.ShapeDtypeStruct((_T, 2), jnp.float32),
            jax.ShapeDtypeStruct((_NB, 1), jnp.int32),
            jax.ShapeDtypeStruct((_NB, 1), jnp.int32),
        ],
        interpret=interpret,
    )(xf, gate_w)



@functools.cache
def _dispatch_sc_kernel():
    mesh = plsc.VectorSubcoreMesh(core_axis_name="c", subcore_axis_name="s")
    return functools.partial(
        pl.kernel,
        out_type=(
            jax.ShapeDtypeStruct((_CAP, _D_IN), jnp.float32),
            jax.ShapeDtypeStruct((_CAP,), jnp.float32),
        ),
        mesh=mesh,
        scratch_types=[
            pltpu.VMEM((2 * _T,), jnp.int32),
            pltpu.VMEM((2 * _T,), jnp.float32),
            pltpu.VMEM((_CAP,), jnp.int32),
            pltpu.VMEM((_CAP,), jnp.float32),
            pltpu.VMEM_SHARED((_CAP,), jnp.int32),
            pltpu.VMEM((_SLOTS_W,), jnp.int32),
            pltpu.VMEM((_SLOTS_W // 2, _D_IN), jnp.float32),
            pltpu.SemaphoreType.DMA,
        ],
        compiler_params=pltpu.CompilerParams(needs_layout_passes=False),
    )(_dispatch_sc_body)


def _dispatch_sc_body(dest_hbm, pwp_hbm, x_hbm, xs_out, pw_out,
                      dest_v, pwp_v, tok_v, pws_v, tok_sh, idx_v, rows_v, sem):
    cid = lax.axis_index("c")
    sid = lax.axis_index("s")

    @pl.when(sid == 0)
    def _build():
        pltpu.sync_copy(dest_hbm, dest_v)
        pltpu.sync_copy(pwp_hbm, pwp_v)
        zero_f = jnp.zeros((16,), jnp.float32)

        def zbody(i, carry):
            tok_v[pl.ds(i * 16, 16)] = jnp.bitwise_and(
                lax.iota(jnp.int32, 16) + i * 16, _T - 1
            )
            pws_v[pl.ds(i * 16, 16)] = zero_f
            return carry

        lax.fori_loop(0, _CAP // 16, zbody, 0)

        def sbody(i, carry):
            d = dest_v[pl.ds(i * 16, 16)]
            j = lax.iota(jnp.int32, 16) + i * 16
            t = lax.shift_right_logical(j, 1)
            w = pwp_v[pl.ds(i * 16, 16)]
            plsc.store_scatter(tok_v, [d], t)
            plsc.store_scatter(pws_v, [d], w)
            return carry

        lax.fori_loop(0, (2 * _T) // 16, sbody, 0)
        pltpu.sync_copy(tok_v, tok_sh)

        @pl.when(cid == 0)
        def _():
            pltpu.sync_copy(pws_v, pw_out)

    plsc.subcore_barrier()

    wid = sid * 2 + cid
    base = wid * _SLOTS_W
    pltpu.sync_copy(tok_sh.at[pl.ds(base, _SLOTS_W)], idx_v)
    half = _SLOTS_W // 2
    for h in range(2):
        cp = pltpu.async_copy(x_hbm.at[idx_v.at[pl.ds(h * half, half)]], rows_v, sem)
        cp.wait()
        pltpu.sync_copy(rows_v, xs_out.at[pl.ds(base + h * half, half)])



def _swiglu(xs, w1, w2, scale):
    h = jax.lax.dot_general(
        xs, w1, (((1,), (1,)), ((), ())), preferred_element_type=jnp.float32
    )
    y = h[:, :_D_HID]
    g = h[:, _D_HID:]
    act = y * (g * jax.lax.logistic(g))
    if scale is not None:
        act = act * scale
    return jax.lax.dot_general(
        act, w2, (((1,), (1,)), ((), ())), preferred_element_type=jnp.float32
    )


def _gmm_body(eid_ref, valid_ref, xs_ref, xb_ref, pw_ref,
              w1_ref, w2_ref, sw1_ref, sw2_ref, y_ref):
    b = pl.program_id(0)

    @pl.when(b < _NBR)
    def _routed():
        @pl.when(valid_ref[b] != 0)
        def _():
            y_ref[...] = _swiglu(xs_ref[...], w1_ref[0], w2_ref[0], pw_ref[...])

    @pl.when(b >= _NBR)
    def _shared():
        y_ref[...] = _swiglu(xb_ref[...], sw1_ref[...], sw2_ref[...], None)


def _gmm(eid, valid, x_sorted, xf, pw2d,
         expert_fc1, expert_fc2, shared_fc1, shared_fc2, interpret=False):
    grid_spec = pltpu.PrefetchScalarGridSpec(
        num_scalar_prefetch=2,
        grid=(_NB,),
        in_specs=[
            pl.BlockSpec((_B, _D_IN), lambda b, e, v: (jnp.minimum(b, _NBR - 1), 0)),
            pl.BlockSpec((_B, _D_IN), lambda b, e, v: (jnp.clip(b - _NBR, 0, _NBS - 1), 0)),
            pl.BlockSpec((_B, 1), lambda b, e, v: (jnp.minimum(b, _NBR - 1), 0)),
            pl.BlockSpec((1, 2 * _D_HID, _D_IN), lambda b, e, v: (e[b], 0, 0)),
            pl.BlockSpec((1, _D_IN, _D_HID), lambda b, e, v: (e[b], 0, 0)),
            pl.BlockSpec((2 * _D_HID, _D_IN), lambda b, e, v: (0, 0)),
            pl.BlockSpec((_D_IN, _D_HID), lambda b, e, v: (0, 0)),
        ],
        out_specs=pl.BlockSpec((_B, _D_IN), lambda b, e, v: (b, 0)),
    )
    return pl.pallas_call(
        _gmm_body,
        grid_spec=grid_spec,
        out_shape=jax.ShapeDtypeStruct((_NB * _B, _D_IN), jnp.float32),
        compiler_params=pltpu.CompilerParams(
            dimension_semantics=("arbitrary",),
        ),
        interpret=interpret,
    )(eid, valid, x_sorted, xf, pw2d,
      expert_fc1, expert_fc2, shared_fc1, shared_fc2)



@functools.cache
def _combine_sc_kernel():
    mesh = plsc.VectorSubcoreMesh(core_axis_name="c", subcore_axis_name="s")
    return functools.partial(
        pl.kernel,
        out_type=jax.ShapeDtypeStruct((_T, _D_IN), jnp.float32),
        mesh=mesh,
        scratch_types=[
            pltpu.VMEM((_TOK_W // 2,), jnp.int32),
            pltpu.VMEM((_TOK_W // 2, _D_IN), jnp.float32),
            pltpu.VMEM((_TOK_W // 2, _D_IN), jnp.float32),
            pltpu.SemaphoreType.DMA,
        ],
        compiler_params=pltpu.CompilerParams(needs_layout_passes=False),
    )(_combine_sc_body)


def _combine_sc_body(d0_hbm, d1_hbm, y_hbm, z_out, d_v, acc_v, buf_v, sem):
    cid = lax.axis_index("c")
    sid = lax.axis_index("s")
    wid = sid * 2 + cid
    gt0 = wid * _TOK_W
    half = _TOK_W // 2

    def _accumulate(i, carry):
        for k in range(_D_IN // 16):
            sl = pl.ds(k * 16, 16)
            acc_v[i, sl] = acc_v[i, sl] + buf_v[i, sl]
        return carry

    for h in range(2):
        t0 = gt0 + h * half
        pltpu.sync_copy(d0_hbm.at[pl.ds(t0, half)], d_v)
        pltpu.async_copy(y_hbm.at[d_v], acc_v, sem).wait()
        pltpu.sync_copy(d1_hbm.at[pl.ds(t0, half)], d_v)
        pltpu.async_copy(y_hbm.at[d_v], buf_v, sem).wait()
        lax.fori_loop(0, half, _accumulate, 0)
        pltpu.sync_copy(y_hbm.at[pl.ds(_CAP + t0, half)], buf_v)
        lax.fori_loop(0, half, _accumulate, 0)
        pltpu.sync_copy(acc_v, z_out.at[pl.ds(t0, half)])



@jax.jit
def kernel(x, gate_w, expert_fc1, expert_fc2, shared_fc1, shared_fc2):
    xf = x.reshape(-1, _D_IN)
    dest2, pw2, eid, valid = _meta(xf, gate_w)
    dest_flat = dest2.reshape(-1)
    pw_pairs = pw2.reshape(-1)
    x_sorted, pw_slots = _dispatch_sc_kernel()(dest_flat, pw_pairs, xf)
    y = _gmm(eid.reshape(-1), valid.reshape(-1), x_sorted, xf,
             pw_slots.reshape(_CAP, 1),
             expert_fc1, expert_fc2, shared_fc1, shared_fc2)
    z = _combine_sc_kernel()(dest2[:, 0], dest2[:, 1], y)
    return z.reshape(x.shape)

# --- scband reference (transcript-rebuilt; emitter-appended) ---
"""Pipeline reference for scband-mo-ebase-51548197486725 (READ-ONLY COPY).

The authoritative reference and input builder live on the scoring server;
editing this copy changes nothing except your own understanding.
"""

import jax, jax.numpy as jnp
import numpy as np

IN_FEATURES = 1024
D_INTERMEDIATE = 512
N_ROUTED = 8
N_SHARED = 1
TOP_K = 2
ROUTE_SCALE = 1.0


def setup_inputs(seed: int = 0) -> dict:
    key = jax.random.key(seed)
    ks = jax.random.split(key, 6)
    s = 0.02
    return {
        "x": jax.random.normal(ks[0], (1, 2048, IN_FEATURES), dtype=jnp.float32),
        "gate_w": jax.random.normal(ks[1], (N_ROUTED, IN_FEATURES), dtype=jnp.float32) * s,
        "expert_fc1": jax.random.normal(ks[2], (N_ROUTED, 2 * D_INTERMEDIATE, IN_FEATURES), dtype=jnp.float32) * s,
        "expert_fc2": jax.random.normal(ks[3], (N_ROUTED, IN_FEATURES, D_INTERMEDIATE), dtype=jnp.float32) * s,
        "shared_fc1": jax.random.normal(ks[4], (2 * N_SHARED * D_INTERMEDIATE, IN_FEATURES), dtype=jnp.float32) * s,
        "shared_fc2": jax.random.normal(ks[5], (IN_FEATURES, N_SHARED * D_INTERMEDIATE), dtype=jnp.float32) * s,
    }


def _gated_mlp(x, fc1_w, fc2_w):
    # fc1 -> chunk into (y, gate) -> y * silu(gate) -> fc2  (SwiGLU / GatedMLP)
    h = x @ fc1_w.T
    y, g = jnp.split(h, 2, axis=-1)
    return (y * jax.nn.silu(g)) @ fc2_w.T


def reference(x, gate_w, expert_fc1, expert_fc2, shared_fc1, shared_fc2):
    x_shape = x.shape
    xf = x.reshape(-1, IN_FEATURES)
    # Gate: linear -> softmax -> top-k
    scores = jax.nn.softmax(xf @ gate_w.T, axis=-1)
    weights, indices = jax.lax.top_k(scores, TOP_K)
    weights = weights * ROUTE_SCALE
    z = jnp.zeros_like(xf)
    for i in range(N_ROUTED):
        # per-token routing weight for expert i (0 for tokens not routed to i,
        # so contribution matches the torch gather/scatter implementation exactly)
        w_i = jnp.where(indices == i, weights, 0.0).sum(axis=-1)
        z = z + _gated_mlp(xf, expert_fc1[i], expert_fc2[i]) * w_i[:, None]
    z = z + _gated_mlp(xf, shared_fc1, shared_fc2)
    return z.reshape(x_shape)

if __name__ == "__main__":
    import jax
    _d = setup_inputs()
    print(jax.jit(kernel)(*tuple(_d.values())))

</pallas_src>

<mosaic_0001>
#map = affine_map<(d0, d1) -> (0)>
#map1 = affine_map<(d0, d1) -> (0, 0)>
module attributes {stable_mosaic.version = 14 : i64} {
  func.func @_combine_sc_body(%arg0: i32, %arg1: i32, %arg2: memref<2048xi32, #tpu.memory_space<hbm>>, %arg3: memref<2048xi32, #tpu.memory_space<hbm>>, %arg4: memref<8192x1024xf32, #tpu.memory_space<hbm>>, %arg5: memref<2048x1024xf32, #tpu.memory_space<hbm>>, %arg6: memref<32xi32, #tpu.memory_space<vmem>>, %arg7: memref<32x1024xf32, #tpu.memory_space<vmem>>, %arg8: memref<32x1024xf32, #tpu.memory_space<vmem>>, %arg9: memref<!tpu.dma_semaphore, #tpu.memory_space<semaphore_mem>>) attributes {dimension_semantics = [#tpu.dimension_semantics<core_parallel>, #tpu.dimension_semantics<subcore_parallel>], iteration_bounds = array<i64: 2, 16>, scalar_prefetch = 0 : i64, scratch_operands = 4 : i64, tpu.core_type = #tpu.core_type<sc_vector_subcore>, window_params = [{transform_indices = #map}, {transform_indices = #map}, {transform_indices = #map1}, {transform_indices = #map1}]} {
    %mul3A = arith.constant 2 : i32
    %mul3A_0 = arith.muli %arg1, %mul3A : i32
    %add3A = arith.addi %mul3A_0, %arg0 : i32
    %mul3A_1 = arith.constant 64 : i32
    %mul3A_2 = arith.muli %add3A, %mul3A_1 : i32
    %add3A_3 = arith.constant 0 : i32
    %add3A_4 = arith.addi %mul3A_2, %add3A_3 : i32
    "tpu.region"() ({
      %run_scoped3A = tpu.sem_alloc : memref<!tpu.dma_semaphore, #tpu.memory_space<semaphore_mem>>
      %dma_start3A_56 = tpu.memref_slice %arg2[%add3A_4] : memref<2048xi32, #tpu.memory_space<hbm>> -> memref<32xi32, #tpu.memory_space<hbm>>
      %dma_start3A_57 = tpu.memref_slice %arg2[%add3A_4] : memref<2048xi32, #tpu.memory_space<hbm>> -> memref<32xi32, #tpu.memory_space<hbm>>
      tpu.enqueue_dma source(%dma_start3A_57 : memref<32xi32, #tpu.memory_space<hbm>>) target(%arg6 : memref<32xi32, #tpu.memory_space<vmem>>) target_semaphore(%run_scoped3A : memref<!tpu.dma_semaphore, #tpu.memory_space<semaphore_mem>>)
      %dma_wait3A_58 = tpu.memref_slice %arg2[%add3A_4] : memref<2048xi32, #tpu.memory_space<hbm>> -> memref<32xi32, #tpu.memory_space<hbm>>
      %dma_wait3A_59 = tpu.memref_slice %arg2[%add3A_4] : memref<2048xi32, #tpu.memory_space<hbm>> -> memref<32xi32, #tpu.memory_space<hbm>>
      tpu.wait_dma2 semaphore(%run_scoped3A : memref<!tpu.dma_semaphore, #tpu.memory_space<semaphore_mem>>) src(%dma_wait3A_59 : memref<32xi32, #tpu.memory_space<hbm>>) dst(%arg6 : memref<32xi32, #tpu.memory_space<vmem>>)
      tpu.yield
    }) : () -> ()
    %dma_start3A = arith.constant 0 : i32
    %dma_start3A_5 = arith.constant 0 : i32
    %dma_start3A_6 = tpu.memref_slice %arg4[%dma_start3A, %dma_start3A_5] : memref<8192x1024xf32, #tpu.memory_space<hbm>> -> memref<8192x1024xf32, #tpu.memory_space<hbm>>
    tpu.enqueue_indirect_dma source(%dma_start3A_6 : memref<8192x1024xf32, #tpu.memory_space<hbm>>) target(%arg7 : memref<32x1024xf32, #tpu.memory_space<vmem>>) offsets(%arg6 : memref<32xi32, #tpu.memory_space<vmem>>) semaphore(%arg9 : memref<!tpu.dma_semaphore, #tpu.memory_space<semaphore_mem>>)
    %dma_wait3A = arith.constant 0 : i32
    %dma_wait3A_7 = arith.constant 0 : i32
    %dma_wait3A_8 = tpu.memref_slice %arg4[%dma_wait3A, %dma_wait3A_7] : memref<8192x1024xf32, #tpu.memory_space<hbm>> -> memref<8192x1024xf32, #tpu.memory_space<hbm>>
    tpu.wait_indirect_dma semaphore(%arg9 : memref<!tpu.dma_semaphore, #tpu.memory_space<semaphore_mem>>) src(%dma_wait3A_8 : memref<8192x1024xf32, #tpu.memory_space<hbm>>) dst(%arg7 : memref<32x1024xf32, #tpu.memory_space<vmem>>)
    "tpu.region"() ({
      %run_scoped3A = tpu.sem_alloc : memref<!tpu.dma_semaphore, #tpu.memory_space<semaphore_mem>>
      %dma_start3A_56 = tpu.memref_slice %arg3[%add3A_4] : memref<2048xi32, #tpu.memory_space<hbm>> -> memref<32xi32, #tpu.memory_space<hbm>>
      %dma_start3A_57 = tpu.memref_slice %arg3[%add3A_4] : memref<2048xi32, #tpu.memory_space<hbm>> -> memref<32xi32, #tpu.memory_space<hbm>>
      tpu.enqueue_dma source(%dma_start3A_57 : memref<32xi32, #tpu.memory_space<hbm>>) target(%arg6 : memref<32xi32, #tpu.memory_space<vmem>>) target_semaphore(%run_scoped3A : memref<!tpu.dma_semaphore, #tpu.memory_space<semaphore_mem>>)
      %dma_wait3A_58 = tpu.memref_slice %arg3[%add3A_4] : memref<2048xi32, #tpu.memory_space<hbm>> -> memref<32xi32, #tpu.memory_space<hbm>>
      %dma_wait3A_59 = tpu.memref_slice %arg3[%add3A_4] : memref<2048xi32, #tpu.memory_space<hbm>> -> memref<32xi32, #tpu.memory_space<hbm>>
      tpu.wait_dma2 semaphore(%run_scoped3A : memref<!tpu.dma_semaphore, #tpu.memory_space<semaphore_mem>>) src(%dma_wait3A_59 : memref<32xi32, #tpu.memory_space<hbm>>) dst(%arg6 : memref<32xi32, #tpu.memory_space<vmem>>)
      tpu.yield
    }) : () -> ()
    %dma_start3A_9 = arith.constant 0 : i32
    %dma_start3A_10 = arith.constant 0 : i32
    %dma_start3A_11 = tpu.memref_slice %arg4[%dma_start3A_9, %dma_start3A_10] : memref<8192x1024xf32, #tpu.memory_space<hbm>> -> memref<8192x1024xf32, #tpu.memory_space<hbm>>
    tpu.enqueue_indirect_dma source(%dma_start3A_11 : memref<8192x1024xf32, #tpu.memory_space<hbm>>) target(%arg8 : memref<32x1024xf32, #tpu.memory_space<vmem>>) offsets(%arg6 : memref<32xi32, #tpu.memory_space<vmem>>) semaphore(%arg9 : memref<!tpu.dma_semaphore, #tpu.memory_space<semaphore_mem>>)
    %dma_wait3A_12 = arith.constant 0 : i32
    %dma_wait3A_13 = arith.constant 0 : i32
    %dma_wait3A_14 = tpu.memref_slice %arg4[%dma_wait3A_12, %dma_wait3A_13] : memref<8192x1024xf32, #tpu.memory_space<hbm>> -> memref<8192x1024xf32, #tpu.memory_space<hbm>>
    tpu.wait_indirect_dma semaphore(%arg9 : memref<!tpu.dma_semaphore, #tpu.memory_space<semaphore_mem>>) src(%dma_wait3A_14 : memref<8192x1024xf32, #tpu.memory_space<hbm>>) dst(%arg8 : memref<32x1024xf32, #tpu.memory_space<vmem>>)
    %scan3A = arith.constant 0 : i32
    %scan3A_15 = arith.constant 0 : i32
    %scan3A_16 = arith.constant 32 : i32
    %scan3A_17 = arith.addi %scan3A_15, %scan3A_16 : i32
    %scan3A_18 = arith.constant 1 : i32
    scf.for %scan3A_56 = %scan3A_15 to %scan3A_17 step %scan3A_18  : i32 {
      %get3A = arith.index_cast %scan3A_56 : i32 to index
      %get3A_57 = arith.constant 0 : index
      %get3A_58 = tpu.vector_load %arg7[%get3A, %get3A_57] {strides = array<i32>} : memref<32x1024xf32, #tpu.memory_space<vmem>>, vector<16xf32>,
      %get3A_59 = arith.index_cast %scan3A_56 : i32 to index
      %get3A_60 = arith.constant 0 : index
      %get3A_61 = tpu.vector_load %arg8[%get3A_59, %get3A_60] {strides = array<i32>} : memref<32x1024xf32, #tpu.memory_space<vmem>>, vector<16xf32>,
      %add3A_62 = arith.addf %get3A_58, %get3A_61 : vector<16xf32>
      %swap3A = arith.index_cast %scan3A_56 : i32 to index
      %swap3A_63 = arith.constant 0 : index
      %swap3A_64 = tpu.vector_load %arg7[%swap3A, %swap3A_63] {strides = array<i32>} : memref<32x1024xf32, #tpu.memory_space<vmem>>, vector<16xf32>,
      tpu.vector_store %arg7[%swap3A, %swap3A_63], %add3A_62 {strides = array<i32>} : memref<32x1024xf32, #tpu.memory_space<vmem>>, vector<16xf32>,
      %get3A_65 = arith.index_cast %scan3A_56 : i32 to index
      %get3A_66 = arith.constant 16 : index
      %get3A_67 = tpu.vector_load %arg7[%get3A_65, %get3A_66] {strides = array<i32>} : memref<32x1024xf32, #tpu.memory_space<vmem>>, vector<16xf32>,
      %get3A_68 = arith.index_cast %scan3A_56 : i32 to index
      %get3A_69 = arith.constant 16 : index
      %get3A_70 = tpu.vector_load %arg8[%get3A_68, %get3A_69] {strides = array<i32>} : memref<32x1024xf32, #tpu.memory_space<vmem>>, vector<16xf32>,
      %add3A_71 = arith.addf %get3A_67, %get3A_70 : vector<16xf32>
      %swap3A_72 = arith.index_cast %scan3A_56 : i32 to index
      %swap3A_73 = arith.constant 16 : index
      %swap3A_74 = tpu.vector_load %arg7[%swap3A_72, %swap3A_73] {strides = array<i32>} : memref<32x1024xf32, #tpu.memory_space<vmem>>, vector<16xf32>,
      tpu.vector_store %arg7[%swap3A_72, %swap3A_73], %add3A_71 {strides = array<i32>} : memref<32x1024xf32, #tpu.memory_space<vmem>>, vector<16xf32>,
      %get3A_75 = arith.index_cast %scan3A_56 : i32 to index
      %get3A_76 = arith.constant 32 : index
      %get3A_77 = tpu.vector_load %arg7[%get3A_75, %get3A_76] {strides = array<i32>} : memref<32x1024xf32, #tpu.memory_space<vmem>>, vector<16xf32>,
      %get3A_78 = arith.index_cast %scan3A_56 : i32 to index
      %get3A_79 = arith.constant 32 : index
      %get3A_80 = tpu.vector_load %arg8[%get3A_78, %get3A_79] {strides = array<i32>} : memref<32x1024xf32, #tpu.memory_space<vmem>>, vector<16xf32>,
      %add3A_81 = arith.addf %get3A_77, %get3A_80 : vector<16xf32>
      %swap3A_82 = arith.index_cast %scan3A_56 : i32 to index
      %swap3A_83 = arith.constant 32 : index
      %swap3A_84 = tpu.vector_load %arg7[%swap3A_82, %swap3A_83] {strides = array<i32>} : memref<32x1024xf32, #tpu.memory_space<vmem>>, vector<16xf32>,
      tpu.vector_store %arg7[%swap3A_82, %swap3A_83], %add3A_81 {strides = array<i32>} : memref<32x1024xf32, #tpu.memory_space<vmem>>, vector<16xf32>,
      %get3A_85 = arith.index_cast %scan3A_56 : i32 to index
      %get3A_86 = arith.constant 48 : index
      %get3A_87 = tpu.vector_load %arg7[%get3A_85, %get3A_86] {strides = array<i32>} : memref<32x1024xf32, #tpu.memory_space<vmem>>, vector<16xf32>,
      %get3A_88 = arith.index_cast %scan3A_56 : i32 to index
      %get3A_89 = arith.constant 48 : index
      %get3A_90 = tpu.vector_load %arg8[%get3A_88, %get3A_89] {strides = array<i32>} : memref<32x1024xf32, #tpu.memory_space<vmem>>, vector<16xf32>,
      %add3A_91 = arith.addf %get3A_87, %get3A_90 : vector<16xf32>
      %swap3A_92 = arith.index_cast %scan3A_56 : i32 to index
      %swap3A_93 = arith.constant 48 : index
      %swap3A_94 = tpu.vector_load %arg7[%swap3A_92, %swap3A_93] {strides = array<i32>} : memref<32x1024xf32, #tpu.memory_space<vmem>>, vector<16xf32>,
      tpu.vector_store %arg7[%swap3A_92, %swap3A_93], %add3A_91 {strides = array<i32>} : memref<32x1024xf32, #tpu.memory_space<vmem>>, vector<16xf32>,
      %get3A_95 = arith.index_cast %scan3A_56 : i32 to index
      %get3A_96 = arith.constant 64 : index
      %get3A_97 = tpu.vector_load %arg7[%get3A_95, %get3A_96] {strides = array<i32>} : memref<32x1024xf32, #tpu.memory_space<vmem>>, vector<16xf32>,
      %get3A_98 = arith.index_cast %scan3A_56 : i32 to index
      %get3A_99 = arith.constant 64 : index
      %get3A_100 = tpu.vector_load %arg8[%get3A_98, %get3A_99] {strides = array<i32>} : memref<32x1024xf32, #tpu.memory_space<vmem>>, vector<16xf32>,
      %add3A_101 = arith.addf %get3A_97, %get3A_100 : vector<16xf32>
      %swap3A_102 = arith.index_cast %scan3A_56 : i32 to index
      %swap3A_103 = arith.constant 64 : index
      %swap3A_104 = tpu.vector_load %arg7[%swap3A_102, %swap3A_103] {strides = array<i32>} : memref<32x1024xf32, #tpu.memory_space<vmem>>, vector<16xf32>,
      tpu.vector_store %arg7[%swap3A_102, %swap3A_103], %add3A_101 {strides = array<i32>} : memref<32x1024xf32, #tpu.memory_space<vmem>>, vector<16xf32>,
      %get3A_105 = arith.index_cast %scan3A_56 : i32 to index
      %get3A_106 = arith.constant 80 : index
      %get3A_107 = tpu.vector_load %arg7[%get3A_105, %get3A_106] {strides = array<i32>} : memref<32x1024xf32, #tpu.memory_space<vmem>>, vector<16xf32>,
      %get3A_108 = arith.index_cast %scan3A_56 : i32 to index
      %get3A_109 = arith.constant 80 : index
      %get3A_110 = tpu.vector_load %arg8[%get3A_108, %get3A_109] {strides = array<i32>} : memref<32x1024xf32, #tpu.memory_space<vmem>>, vector<16xf32>,
      %add3A_111 = arith.addf %get3A_107, %get3A_110 : vector<16xf32>
      %swap3A_112 = arith.index_cast %scan3A_56 : i32 to index
      %swap3A_113 = arith.constant 80 : index
      %swap3A_114 = tpu.vector_load %arg7[%swap3A_112, %swap3A_113] {strides = array<i32>} : memref<32x1024xf32, #tpu.memory_space<vmem>>, vector<16xf32>,
      tpu.vector_store %arg7[%swap3A_112, %swap3A_113], %add3A_111 {strides = array<i32>} : memref<32x1024xf32, #tpu.memory_space<vmem>>, vector<16xf32>,
      %get3A_115 = arith.index_cast %scan3A_56 : i32 to index
      %get3A_116 = arith.constant 96 : index
      %get3A_117 = tpu.vector_load %arg7[%get3A_115, %get3A_116] {strides = array<i32>} : memref<32x1024xf32, #tpu.memory_space<vmem>>, vector<16xf32>,
      %get3A_118 = arith.index_cast %scan3A_56 : i32 to index
      %get3A_119 = arith.constant 96 : index
      %get3A_120 = tpu.vector_load %arg8[%get3A_118, %get3A_119] {strides = array<i32>} : memref<32x1024xf32, #tpu.memory_space<vmem>>, vector<16xf32>,
      %add3A_121 = arith.addf %get3A_117, %get3A_120 : vector<16xf32>
      %swap3A_122 = arith.index_cast %scan3A_56 : i32 to index
      %swap3A_123 = arith.constant 96 : index
      %swap3A_124 = tpu.vector_load %arg7[%swap3A_122, %swap3A_123] {strides = array<i32>} : memref<32x1024xf32, #tpu.memory_space<vmem>>, vector<16xf32>,
      tpu.vector_store %arg7[%swap3A_122, %swap3A_123], %add3A_121 {strides = array<i32>} : memref<32x1024xf32, #tpu.memory_space<vmem>>, vector<16xf32>,
      %get3A_125 = arith.index_cast %scan3A_56 : i32 to index
      %get3A_126 = arith.constant 112 : index
      %get3A_127 = tpu.vector_load %arg7[%get3A_125, %get3A_126] {strides = array<i32>} : memref<32x1024xf32, #tpu.memory_space<vmem>>, vector<16xf32>,
      %get3A_128 = arith.index_cast %scan3A_56 : i32 to index
      %get3A_129 = arith.constant 112 : index
      %get3A_130 = tpu.vector_load %arg8[%get3A_128, %get3A_129] {strides = array<i32>} : memref<32x1024xf32, #tpu.memory_space<vmem>>, vector<16xf32>,
      %add3A_131 = arith.addf %get3A_127, %get3A_130 : vector<16xf32>
      %swap3A_132 = arith.index_cast %scan3A_56 : i32 to index
      %swap3A_133 = arith.constant 112 : index
      %swap3A_134 = tpu.vector_load %arg7[%swap3A_132, %swap3A_133] {strides = array<i32>} : memref<32x1024xf32, #tpu.memory_space<vmem>>, vector<16xf32>,
      tpu.vector_store %arg7[%swap3A_132, %swap3A_133], %add3A_131 {strides = array<i32>} : memref<32x1024xf32, #tpu.memory_space<vmem>>, vector<16xf32>,
      %get3A_135 = arith.index_cast %scan3A_56 : i32 to index
      %get3A_136 = arith.constant 128 : index
      %get3A_137 = tpu.vector_load %arg7[%get3A_135, %get3A_136] {strides = array<i32>} : memref<32x1024xf32, #tpu.memory_space<vmem>>, vector<16xf32>,
      %get3A_138 = arith.index_cast %scan3A_56 : i32 to index
      %get3A_139 = arith.constant 128 : index
      %get3A_140 = tpu.vector_load %arg8[%get3A_138, %get3A_139] {strides = array<i32>} : memref<32x1024xf32, #tpu.memory_space<vmem>>, vector<16xf32>,
      %add3A_141 = arith.addf %get3A_137, %get3A_140 : vector<16xf32>
      %swap3A_142 = arith.index_cast %scan3A_56 : i32 to index
      %swap3A_143 = arith.constant 128 : index
      %swap3A_144 = tpu.vector_load %arg7[%swap3A_142, %swap3A_143] {strides = array<i32>} : memref<32x1024xf32, #tpu.memory_space<vmem>>, vector<16xf32>,
      tpu.vector_store %arg7[%swap3A_142, %swap3A_143], %add3A_141 {strides = array<i32>} : memref<32x1024xf32, #tpu.memory_space<vmem>>, vector<16xf32>,
      %get3A_145 = arith.index_cast %scan3A_56 : i32 to index
      %get3A_146 = arith.constant 144 : index
      %get3A_147 = tpu.vector_load %arg7[%get3A_145, %get3A_146] {strides = array<i32>} : memref<32x1024xf32, #tpu.memory_space<vmem>>, vector<16xf32>,
      %get3A_148 = arith.index_cast %scan3A_56 : i32 to index
      %get3A_149 = arith.constant 144 : index
      %get3A_150 = tpu.vector_load %arg8[%get3A_148, %get3A_149] {strides = array<i32>} : memref<32x1024xf32, #tpu.memory_space<vmem>>, vector<16xf32>,
      %add3A_151 = arith.addf %get3A_147, %get3A_150 : vector<16xf32>
      %swap3A_152 = arith.index_cast %scan3A_56 : i32 to index
      %swap3A_153 = arith.constant 144 : index
      %swap3A_154 = tpu.vector_load %arg7[%swap3A_152, %swap3A_153] {strides = array<i32>} : memref<32x1024xf32, #tpu.memory_space<vmem>>, vector<16xf32>,
      tpu.vector_store %arg7[%swap3A_152, %swap3A_153], %add3A_151 {strides = array<i32>} : memref<32x1024xf32, #tpu.memory_space<vmem>>, vector<16xf32>,
      %get3A_155 = arith.index_cast %scan3A_56 : i32 to index
      %get3A_156 = arith.constant 160 : index
      %get3A_157 = tpu.vector_load %arg7[%get3A_155, %get3A_156] {strides = array<i32>} : memref<32x1024xf32, #tpu.memory_space<vmem>>, vector<16xf32>,
      %get3A_158 = arith.index_cast %scan3A_56 : i32 to index
      %get3A_159 = arith.constant 160 : index
      %get3A_160 = tpu.vector_load %arg8[%get3A_158, %get3A_159] {strides = array<i32>} : memref<32x1024xf32, #tpu.memory_space<vmem>>, vector<16xf32>,
      %add3A_161 = arith.addf %get3A_157, %get3A_160 : vector<16xf32>
      %swap3A_162 = arith.index_cast %scan3A_56 : i32 to index
      %swap3A_163 = arith.constant 160 : index
      %swap3A_164 = tpu.vector_load %arg7[%swap3A_162, %swap3A_163] {strides = array<i32>} : memref<32x1024xf32, #tpu.memory_space<vmem>>, vector<16xf32>,
      tpu.vector_store %arg7[%swap3A_162, %swap3A_163], %add3A_161 {strides = array<i32>} : memref<32x1024xf32, #tpu.memory_space<vmem>>, vector<16xf32>,
      %get3A_165 = arith.index_cast %scan3A_56 : i32 to index
      %get3A_166 = arith.constant 176 : index
      %get3A_167 = tpu.vector_load %arg7[%get3A_165, %get3A_166] {strides = array<i32>} : memref<32x1024xf32, #tpu.memory_space<vmem>>, vector<16xf32>,
      %get3A_168 = arith.index_cast %scan3A_56 : i32 to index
      %get3A_169 = arith.constant 176 : index
      %get3A_170 = tpu.vector_load %arg8[%get3A_168, %get3A_169] {strides = array<i32>} : memref<32x1024xf32, #tpu.memory_space<vmem>>, vector<16xf32>,
      %add3A_171 = arith.addf %get3A_167, %get3A_170 : vector<16xf32>
      %swap3A_172 = arith.index_cast %scan3A_56 : i32 to index
      %swap3A_173 = arith.constant 176 : index
      %swap3A_174 = tpu.vector_load %arg7[%swap3A_172, %swap3A_173] {strides = array<i32>} : memref<32x1024xf32, #tpu.memory_space<vmem>>, vector<16xf32>,
      tpu.vector_store %arg7[%swap3A_172, %swap3A_173], %add3A_171 {strides = array<i32>} : memref<32x1024xf32, #tpu.memory_space<vmem>>, vector<16xf32>,
      %get3A_175 = arith.index_cast %scan3A_56 : i32 to index
      %get3A_176 = arith.constant 192 : index
      %get3A_177 = tpu.vector_load %arg7[%get3A_175, %get3A_176] {strides = array<i32>} : memref<32x1024xf32, #tpu.memory_space<vmem>>, vector<16xf32>,
      %get3A_178 = arith.index_cast %scan3A_56 : i32 to index
      %get3A_179 = arith.constant 192 : index
      %get3A_180 = tpu.vector_load %arg8[%get3A_178, %get3A_179] {strides = array<i32>} : memref<32x1024xf32, #tpu.memory_space<vmem>>, vector<16xf32>,
      %add3A_181 = arith.addf %get3A_177, %get3A_180 : vector<16xf32>
      %swap3A_182 = arith.index_cast %scan3A_56 : i32 to index
      %swap3A_183 = arith.constant 192 : index
      %swap3A_184 = tpu.vector_load %arg7[%swap3A_182, %swap3A_183] {strides = array<i32>} : memref<32x1024xf32, #tpu.memory_space<vmem>>, vector<16xf32>,
      tpu.vector_store %arg7[%swap3A_182, %swap3A_183], %add3A_181 {strides = array<i32>} : memref<32x1024xf32, #tpu.memory_space<vmem>>, vector<16xf32>,
      %get3A_185 = arith.index_cast %scan3A_56 : i32 to index
      %get3A_186 = arith.constant 208 : index
      %get3A_187 = tpu.vector_load %arg7[%get3A_185, %get3A_186] {strides = array<i32>} : memref<32x1024xf32, #tpu.memory_space<vmem>>, vector<16xf32>,
      %get3A_188 = arith.index_cast %scan3A_56 : i32 to index
      %get3A_189 = arith.constant 208 : index
      %get3A_190 = tpu.vector_load %arg8[%get3A_188, %get3A_189] {strides = array<i32>} : memref<32x1024xf32, #tpu.memory_space<vmem>>, vector<16xf32>,
      %add3A_191 = arith.addf %get3A_187, %get3A_190 : vector<16xf32>
      %swap3A_192 = arith.index_cast %scan3A_56 : i32 to index
      %swap3A_193 = arith.constant 208 : index
      %swap3A_194 = tpu.vector_load %arg7[%swap3A_192, %swap3A_193] {strides = array<i32>} : memref<32x1024xf32, #tpu.memory_space<vmem>>, vector<16xf32>,
      tpu.vector_store %arg7[%swap3A_192, %swap3A_193], %add3A_191 {strides = array<i32>} : memref<32x1024xf32, #tpu.memory_space<vmem>>, vector<16xf32>,
      %get3A_195 = arith.index_cast %scan3A_56 : i32 to index
      %get3A_196 = arith.constant 224 : index
      %get3A_197 = tpu.vector_load %arg7[%get3A_195, %get3A_196] {strides = array<i32>} : memref<32x1024xf32, #tpu.memory_space<vmem>>, vector<16xf32>,
      %get3A_198 = arith.index_cast %scan3A_56 : i32 to index
      %get3A_199 = arith.constant 224 : index
      %get3A_200 = tpu.vector_load %arg8[%get3A_198, %get3A_199] {strides = array<i32>} : memref<32x1024xf32, #tpu.memory_space<vmem>>, vector<16xf32>,
      %add3A_201 = arith.addf %get3A_197, %get3A_200 : vector<16xf32>
      %swap3A_202 = arith.index_cast %scan3A_56 : i32 to index
      %swap3A_203 = arith.constant 224 : index
      %swap3A_204 = tpu.vector_load %arg7[%swap3A_202, %swap3A_203] {strides = array<i32>} : memref<32x1024xf32, #tpu.memory_space<vmem>>, vector<16xf32>,
      tpu.vector_store %arg7[%swap3A_202, %swap3A_203], %add3A_201 {strides = array<i32>} : memref<32x1024xf32, #tpu.memory_space<vmem>>, vector<16xf32>,
      %get3A_205 = arith.index_cast %scan3A_56 : i32 to index
      %get3A_206 = arith.constant 240 : index
      %get3A_207 = tpu.vector_load %arg7[%get3A_205, %get3A_206] {strides = array<i32>} : memref<32x1024xf32, #tpu.memory_space<vmem>>, vector<16xf32>,
      %get3A_208 = arith.index_cast %scan3A_56 : i32 to index
      %get3A_209 = arith.constant 240 : index
      %get3A_210 = tpu.vector_load %arg8[%get3A_208, %get3A_209] {strides = array<i32>} : memref<32x1024xf32, #tpu.memory_space<vmem>>, vector<16xf32>,
      %add3A_211 = arith.addf %get3A_207, %get3A_210 : vector<16xf32>
      %swap3A_212 = arith.index_cast %scan3A_56 : i32 to index
      %swap3A_213 = arith.constant 240 : index
      %swap3A_214 = tpu.vector_load %arg7[%swap3A_212, %swap3A_213] {strides = array<i32>} : memref<32x1024xf32, #tpu.memory_space<vmem>>, vector<16xf32>,
      tpu.vector_store %arg7[%swap3A_212, %swap3A_213], %add3A_211 {strides = array<i32>} : memref<32x1024xf32, #tpu.memory_space<vmem>>, vector<16xf32>,
      %get3A_215 = arith.index_cast %scan3A_56 : i32 to index
      %get3A_216 = arith.constant 256 : index
      %get3A_217 = tpu.vector_load %arg7[%get3A_215, %get3A_216] {strides = array<i32>} : memref<32x1024xf32, #tpu.memory_space<vmem>>, vector<16xf32>,
      %get3A_218 = arith.index_cast %scan3A_56 : i32 to index
      %get3A_219 = arith.constant 256 : index
      %get3A_220 = tpu.vector_load %arg8[%get3A_218, %get3A_219] {strides = array<i32>} : memref<32x1024xf32, #tpu.memory_space<vmem>>, vector<16xf32>,
      %add3A_221 = arith.addf %get3A_217, %get3A_220 : vector<16xf32>
      %swap3A_222 = arith.index_cast %scan3A_56 : i32 to index
      %swap3A_223 = arith.constant 256 : index
      %swap3A_224 = tpu.vector_load %arg7[%swap3A_222, %swap3A_223] {strides = array<i32>} : memref<32x1024xf32, #tpu.memory_space<vmem>>, vector<16xf32>,
      tpu.vector_store %arg7[%swap3A_222, %swap3A_223], %add3A_221 {strides = array<i32>} : memref<32x1024xf32, #tpu.memory_space<vmem>>, vector<16xf32>,
      %get3A_225 = arith.index_cast %scan3A_56 : i32 to index
      %get3A_226 = arith.constant 272 : index
      %get3A_227 = tpu.vector_load %arg7[%get3A_225, %get3A_226] {strides = array<i32>} : memref<32x1024xf32, #tpu.memory_space<vmem>>, vector<16xf32>,
      %get3A_228 = arith.index_cast %scan3A_56 : i32 to index
      %get3A_229 = arith.constant 272 : index
      %get3A_230 = tpu.vector_load %arg8[%get3A_228, %get3A_229] {strides = array<i32>} : memref<32x1024xf32, #tpu.memory_space<vmem>>, vector<16xf32>,
      %add3A_231 = arith.addf %get3A_227, %get3A_230 : vector<16xf32>
      %swap3A_232 = arith.index_cast %scan3A_56 : i32 to index
      %swap3A_233 = arith.constant 272 : index
      %swap3A_234 = tpu.vector_load %arg7[%swap3A_232, %swap3A_233] {strides = array<i32>} : memref<32x1024xf32, #tpu.memory_space<vmem>>, vector<16xf32>,
      tpu.vector_store %arg7[%swap3A_232, %swap3A_233], %add3A_231 {strides = array<i32>} : memref<32x1024xf32, #tpu.memory_space<vmem>>, vector<16xf32>,
      %get3A_235 = arith.index_cast %scan3A_56 : i32 to index
      %get3A_236 = arith.constant 288 : index
      %get3A_237 = tpu.vector_load %arg7[%get3A_235, %get3A_236] {strides = array<i32>} : memref<32x1024xf32, #tpu.memory_space<vmem>>, vector<16xf32>,
      %get3A_238 = arith.index_cast %scan3A_56 : i32 to index
      %get3A_239 = arith.constant 288 : index
      %get3A_240 = tpu.vector_load %arg8[%get3A_238, %get3A_239] {strides = array<i32>} : memref<32x1024xf32, #tpu.memory_space<vmem>>, vector<16xf32>,
      %add3A_241 = arith.addf %get3A_237, %get3A_240 : vector<16xf32>
      %swap3A_242 = arith.index_cast %scan3A_56 : i32 to index
      %swap3A_243 = arith.constant 288 : index
      %swap3A_244 = tpu.vector_load %arg7[%swap3A_242, %swap3A_243] {strides = array<i32>} : memref<32x1024xf32, #tpu.memory_space<vmem>>, vector<16xf32>,
      tpu.vector_store %arg7[%swap3A_242, %swap3A_243], %add3A_241 {strides = array<i32>} : memref<32x1024xf32, #tpu.memory_space<vmem>>, vector<16xf32>,
      %get3A_245 = arith.index_cast %scan3A_56 : i32 to index
      %get3A_246 = arith.constant 304 : index
      %get3A_247 = tpu.vector_load %arg7[%get3A_245, %get3A_246] {strides = array<i32>} : memref<32x1024xf32, #tpu.memory_space<vmem>>, vector<16xf32>,
      %get3A_248 = arith.index_cast %scan3A_56 : i32 to index
      %get3A_249 = arith.constant 304 : index
      %get3A_250 = tpu.vector_load %arg8[%get3A_248, %get3A_249] {strides = array<i32>} : memref<32x1024xf32, #tpu.memory_space<vmem>>, vector<16xf32>,
      %add3A_251 = arith.addf %get3A_247, %get3A_250 : vector<16xf32>
      %swap3A_252 = arith.index_cast %scan3A_56 : i32 to index
      %swap3A_253 = arith.constant 304 : index
      %swap3A_254 = tpu.vector_load %arg7[%swap3A_252, %swap3A_253] {strides = array<i32>} : memref<32x1024xf32, #tpu.memory_space<vmem>>, vector<16xf32>,
      tpu.vector_store %arg7[%swap3A_252, %swap3A_253], %add3A_251 {strides = array<i32>} : memref<32x1024xf32, #tpu.memory_space<vmem>>, vector<16xf32>,
      %get3A_255 = arith.index_cast %scan3A_56 : i32 to index
      %get3A_256 = arith.constant 320 : index
      %get3A_257 = tpu.vector_load %arg7[%get3A_255, %get3A_256] {strides = array<i32>} : memref<32x1024xf32, #tpu.memory_space<vmem>>, vector<16xf32>,
      %get3A_258 = arith.index_cast %scan3A_56 : i32 to index
      %get3A_259 = arith.constant 320 : index
      %get3A_260 = tpu.vector_load %arg8[%get3A_258, %get3A_259] {strides = array<i32>} : memref<32x1024xf32, #tpu.memory_space<vmem>>, vector<16xf32>,
      %add3A_261 = arith.addf %get3A_257, %get3A_260 : vector<16xf32>
      %swap3A_262 = arith.index_cast %scan3A_56 : i32 to index
      %swap3A_263 = arith.constant 320 : index
      %swap3A_264 = tpu.vector_load %arg7[%swap3A_262, %swap3A_263] {strides = array<i32>} : memref<32x1024xf32, #tpu.memory_space<vmem>>, vector<16xf32>,
      tpu.vector_store %arg7[%swap3A_262, %swap3A_263], %add3A_261 {strides = array<i32>} : memref<32x1024xf32, #tpu.memory_space<vmem>>, vector<16xf32>,
      %get3A_265 = arith.index_cast %scan3A_56 : i32 to index
      %get3A_266 = arith.constant 336 : index
      %get3A_267 = tpu.vector_load %arg7[%get3A_265, %get3A_266] {strides = array<i32>} : memref<32x1024xf32, #tpu.memory_space<vmem>>, vector<16xf32>,
      %get3A_268 = arith.index_cast %scan3A_56 : i32 to index
      %get3A_269 = arith.constant 336 : index
      %get3A_270 = tpu.vector_load %arg8[%get3A_268, %get3A_269] {strides = array<i32>} : memref<32x1024xf32, #tpu.memory_space<vmem>>, vector<16xf32>,
      %add3A_271 = arith.addf %get3A_267, %get3A_270 : vector<16xf32>
      %swap3A_272 = arith.index_cast %scan3A_56 : i32 to index
      %swap3A_273 = arith.constant 336 : index
      %swap3A_274 = tpu.vector_load %arg7[%swap3A_272, %swap3A_273] {strides = array<i32>} : memref<32x1024xf32, #tpu.memory_space<vmem>>, vector<16xf32>,
      tpu.vector_store %arg7[%swap3A_272, %swap3A_273], %add3A_271 {strides = array<i32>} : memref<32x1024xf32, #tpu.memory_space<vmem>>, vector<16xf32>,
      %get3A_275 = arith.index_cast %scan3A_56 : i32 to index
      %get3A_276 = arith.constant 352 : index
      %get3A_277 = tpu.vector_load %arg7[%get3A_275, %get3A_276] {strides = array<i32>} : memref<32x1024xf32, #tpu.memory_space<vmem>>, vector<16xf32>,
      %get3A_278 = arith.index_cast %scan3A_56 : i32 to index
      %get3A_279 = arith.constant 352 : index
      %get3A_280 = tpu.vector_load %arg8[%get3A_278, %get3A_279] {strides = array<i32>} : memref<32x1024xf32, #tpu.memory_space<vmem>>, vector<16xf32>,
      %add3A_281 = arith.addf %get3A_277, %get3A_280 : vector<16xf32>
      %swap3A_282 = arith.index_cast %scan3A_56 : i32 to index
      %swap3A_283 = arith.constant 352 : index
      %swap3A_284 = tpu.vector_load %arg7[%swap3A_282, %swap3A_283] {strides = array<i32>} : memref<32x1024xf32, #tpu.memory_space<vmem>>, vector<16xf32>,
      tpu.vector_store %arg7[%swap3A_282, %swap3A_283], %add3A_281 {strides = array<i32>} : memref<32x1024xf32, #tpu.memory_space<vmem>>, vector<16xf32>,
      %get3A_285 = arith.index_cast %scan3A_56 : i32 to index
      %get3A_286 = arith.constant 368 : index
      %get3A_287 = tpu.vector_load %arg7[%get3A_285, %get3A_286] {strides = array<i32>} : memref<32x1024xf32, #tpu.memory_space<vmem>>, vector<16xf32>,
      %get3A_288 = arith.index_cast %scan3A_56 : i32 to index
      %get3A_289 = arith.constant 368 : index
      %get3A_290 = tpu.vector_load %arg8[%get3A_288, %get3A_289] {strides = array<i32>} : memref<32x1024xf32, #tpu.memory_space<vmem>>, vector<16xf32>,
      %add3A_291 = arith.addf %get3A_287, %get3A_290 : vector<16xf32>
      %swap3A_292 = arith.index_cast %scan3A_56 : i32 to index
      %swap3A_293 = arith.constant 368 : index
      %swap3A_294 = tpu.vector_load %arg7[%swap3A_292, %swap3A_293] {strides = array<i32>} : memref<32x1024xf32, #tpu.memory_space<vmem>>, vector<16xf32>,
      tpu.vector_store %arg7[%swap3A_292, %swap3A_293], %add3A_291 {strides = array<i32>} : memref<32x1024xf32, #tpu.memory_space<vmem>>, vector<16xf32>,
      %get3A_295 = arith.index_cast %scan3A_56 : i32 to index
      %get3A_296 = arith.constant 384 : index
      %get3A_297 = tpu.vector_load %arg7[%get3A_295, %get3A_296] {strides = array<i32>} : memref<32x1024xf32, #tpu.memory_space<vmem>>, vector<16xf32>,
      %get3A_298 = arith.index_cast %scan3A_56 : i32 to index
      %get3A_299 = arith.constant 384 : index
      %get3A_300 = tpu.vector_load %arg8[%get3A_298, %get3A_299] {strides = array<i32>} : memref<32x1024xf32, #tpu.memory_space<vmem>>, vector<16xf32>,
      %add3A_301 = arith.addf %get3A_297, %get3A_300 : vector<16xf32>
      %swap3A_302 = arith.index_cast %scan3A_56 : i32 to index
      %swap3A_303 = arith.constant 384 : index
      %swap3A_304 = tpu.vector_load %arg7[%swap3A_302, %swap3A_303] {strides = array<i32>} : memref<32x1024xf32, #tpu.memory_space<vmem>>, vector<16xf32>,
      tpu.vector_store %arg7[%swap3A_302, %swap3A_303], %add3A_301 {strides = array<i32>} : memref<32x1024xf32, #tpu.memory_space<vmem>>, vector<16xf32>,
      %get3A_305 = arith.index_cast %scan3A_56 : i32 to index
      %get3A_306 = arith.constant 400 : index
      %get3A_307 = tpu.vector_load %arg7[%get3A_305, %get3A_306] {strides = array<i32>} : memref<32x1024xf32, #tpu.memory_space<vmem>>, vector<16xf32>,
      %get3A_308 = arith.index_cast %scan3A_56 : i32 to index
      %get3A_309 = arith.constant 400 : index
      %get3A_310 = tpu.vector_load %arg8[%get3A_308, %get3A_309] {strides = array<i32>} : memref<32x1024xf32, #tpu.memory_space<vmem>>, vector<16xf32>,
      %add3A_311 = arith.addf %get3A_307, %get3A_310 : vector<16xf32>
      %swap3A_312 = arith.index_cast %scan3A_56 : i32 to index
      %swap3A_313 = arith.constant 400 : index
      %swap3A_314 = tpu.vector_load %arg7[%swap3A_312, %swap3A_313] {strides = array<i32>} : memref<32x1024xf32, #tpu.memory_space<vmem>>, vector<16xf32>,
      tpu.vector_store %arg7[%swap3A_312, %swap3A_313], %add3A_311 {strides = array<i32>} : memref<32x1024xf32, #tpu.memory_space<vmem>>, vector<16xf32>,
      %get3A_315 = arith.index_cast %scan3A_56 : i32 to index
      %get3A_316 = arith.constant 416 : index
      %get3A_317 = tpu.vector_load %arg7[%get3A_315, %get3A_316] {strides = array<i32>} : memref<32x1024xf32, #tpu.memory_space<vmem>>, vector<16xf32>,
      %get3A_318 = arith.index_cast %scan3A_56 : i32 to index
      %get3A_319 = arith.constant 416 : index
      %get3A_320 = tpu.vector_load %arg8[%get3A_318, %get3A_319] {strides = array<i32>} : memref<32x1024xf32, #tpu.memory_space<vmem>>, vector<16xf32>,
      %add3A_321 = arith.addf %get3A_317, %get3A_320 : vector<16xf32>
      %swap3A_322 = arith.index_cast %scan3A_56 : i32 to index
      %swap3A_323 = arith.constant 416 : index
      %swap3A_324 = tpu.vector_load %arg7[%swap3A_322, %swap3A_323] {strides = array<i32>} : memref<32x1024xf32, #tpu.memory_space<vmem>>, vector<16xf32>,
      tpu.vector_store %arg7[%swap3A_322, %swap3A_323], %add3A_321 {strides = array<i32>} : memref<32x1024xf32, #tpu.memory_space<vmem>>, vector<16xf32>,
      %get3A_325 = arith.index_cast %scan3A_56 : i32 to index
      %get3A_326 = arith.constant 432 : index
      %get3A_327 = tpu.vector_load %arg7[%get3A_325, %get3A_326] {strides = array<i32>} : memref<32x1024xf32, #tpu.memory_space<vmem>>, vector<16xf32>,
      %get3A_328 = arith.index_cast %scan3A_56 : i32 to index
      %get3A_329 = arith.constant 432 : index
      %get3A_330 = tpu.vector_load %arg8[%get3A_328, %get3A_329] {strides = array<i32>} : memref<32x1024xf32, #tpu.memory_space<vmem>>, vector<16xf32>,
      %add3A_331 = arith.addf %get3A_327, %get3A_330 : vector<16xf32>
      %swap3A_332 = arith.index_cast %scan3A_56 : i32 to index
      %swap3A_333 = arith.constant 432 : index
      %swap3A_334 = tpu.vector_load %arg7[%swap3A_332, %swap3A_333] {strides = array<i32>} : memref<32x1024xf32, #tpu.memory_space<vmem>>, vector<16xf32>,
      tpu.vector_store %arg7[%swap3A_332, %swap3A_333], %add3A_331 {strides = array<i32>} : memref<32x1024xf32, #tpu.memory_space<vmem>>, vector<16xf32>,
      %get3A_335 = arith.index_cast %scan3A_56 : i32 to index
      %get3A_336 = arith.constant 448 : index
      %get3A_337 = tpu.vector_load %arg7[%get3A_335, %get3A_336] {strides = array<i32>} : memref<32x1024xf32, #tpu.memory_space<vmem>>, vector<16xf32>,
      %get3A_338 = arith.index_cast %scan3A_56 : i32 to index
      %get3A_339 = arith.constant 448 : index
      %get3A_340 = tpu.vector_load %arg8[%get3A_338, %get3A_339] {strides = array<i32>} : memref<32x1024xf32, #tpu.memory_space<vmem>>, vector<16xf32>,
      %add3A_341 = arith.addf %get3A_337, %get3A_340 : vector<16xf32>
      %swap3A_342 = arith.index_cast %scan3A_56 : i32 to index
      %swap3A_343 = arith.constant 448 : index
      %swap3A_344 = tpu.vector_load %arg7[%swap3A_342, %swap3A_343] {strides = array<i32>} : memref<32x1024xf32, #tpu.memory_space<vmem>>, vector<16xf32>,
      tpu.vector_store %arg7[%swap3A_342, %swap3A_343], %add3A_341 {strides = array<i32>} : memref<32x1024xf32, #tpu.memory_space<vmem>>, vector<16xf32>,
      %get3A_345 = arith.index_cast %scan3A_56 : i32 to index
      %get3A_346 = arith.constant 464 : index
      %get3A_347 = tpu.vector_load %arg7[%get3A_345, %get3A_346] {strides = array<i32>} : memref<32x1024xf32, #tpu.memory_space<vmem>>, vector<16xf32>,
      %get3A_348 = arith.index_cast %scan3A_56 : i32 to index
      %get3A_349 = arith.constant 464 : index
      %get3A_350 = tpu.vector_load %arg8[%get3A_348, %get3A_349] {strides = array<i32>} : memref<32x1024xf32, #tpu.memory_space<vmem>>, vector<16xf32>,
      %add3A_351 = arith.addf %get3A_347, %get3A_350 : vector<16xf32>
      %swap3A_352 = arith.index_cast %scan3A_56 : i32 to index
      %swap3A_353 = arith.constant 464 : index
      %swap3A_354 = tpu.vector_load %arg7[%swap3A_352, %swap3A_353] {strides = array<i32>} : memref<32x1024xf32, #tpu.memory_space<vmem>>, vector<16xf32>,
      tpu.vector_store %arg7[%swap3A_352, %swap3A_353], %add3A_351 {strides = array<i32>} : memref<32x1024xf32, #tpu.memory_space<vmem>>, vector<16xf32>,
      %get3A_355 = arith.index_cast %scan3A_56 : i32 to index
      %get3A_356 = arith.constant 480 : index
      %get3A_357 = tpu.vector_load %arg7[%get3A_355, %get3A_356] {strides = array<i32>} : memref<32x1024xf32, #tpu.memory_space<vmem>>, vector<16xf32>,
      %get3A_358 = arith.index_cast %scan3A_56 : i32 to index
      %get3A_359 = arith.constant 480 : index
      %get3A_360 = tpu.vector_load %arg8[%get3A_358, %get3A_359] {strides = array<i32>} : memref<32x1024xf32, #tpu.memory_space<vmem>>, vector<16xf32>,
      %add3A_361 = arith.addf %get3A_357, %get3A_360 : vector<16xf32>
      %swap3A_362 = arith.index_cast %scan3A_56 : i32 to index
      %swap3A_363 = arith.constant 480 : index
      %swap3A_364 = tpu.vector_load %arg7[%swap3A_362, %swap3A_363] {strides = array<i32>} : memref<32x1024xf32, #tpu.memory_space<vmem>>, vector<16xf32>,
      tpu.vector_store %arg7[%swap3A_362, %swap3A_363], %add3A_361 {strides = array<i32>} : memref<32x1024xf32, #tpu.memory_space<vmem>>, vector<16xf32>,
      %get3A_365 = arith.index_cast %scan3A_56 : i32 to index
      %get3A_366 = arith.constant 496 : index
      %get3A_367 = tpu.vector_load %arg7[%get3A_365, %get3A_366] {strides = array<i32>} : memref<32x1024xf32, #tpu.memory_space<vmem>>, vector<16xf32>,
      %get3A_368 = arith.index_cast %scan3A_56 : i32 to index
      %get3A_369 = arith.constant 496 : index
      %get3A_370 = tpu.vector_load %arg8[%get3A_368, %get3A_369] {strides = array<i32>} : memref<32x1024xf32, #tpu.memory_space<vmem>>, vector<16xf32>,
      %add3A_371 = arith.addf %get3A_367, %get3A_370 : vector<16xf32>
      %swap3A_372 = arith.index_cast %scan3A_56 : i32 to index
      %swap3A_373 = arith.constant 496 : index
      %swap3A_374 = tpu.vector_load %arg7[%swap3A_372, %swap3A_373] {strides = array<i32>} : memref<32x1024xf32, #tpu.memory_space<vmem>>, vector<16xf32>,
      tpu.vector_store %arg7[%swap3A_372, %swap3A_373], %add3A_371 {strides = array<i32>} : memref<32x1024xf32, #tpu.memory_space<vmem>>, vector<16xf32>,
      %get3A_375 = arith.index_cast %scan3A_56 : i32 to index
      %get3A_376 = arith.constant 512 : index
      %get3A_377 = tpu.vector_load %arg7[%get3A_375, %get3A_376] {strides = array<i32>} : memref<32x1024xf32, #tpu.memory_space<vmem>>, vector<16xf32>,
      %get3A_378 = arith.index_cast %scan3A_56 : i32 to index
      %get3A_379 = arith.constant 512 : index
      %get3A_380 = tpu.vector_load %arg8[%get3A_378, %get3A_379] {strides = array<i32>} : memref<32x1024xf32, #tpu.memory_space<vmem>>, vector<16xf32>,
      %add3A_381 = arith.addf %get3A_377, %get3A_380 : vector<16xf32>
      %swap3A_382 = arith.index_cast %scan3A_56 : i32 to index
      %swap3A_383 = arith.constant 512 : index
      %swap3A_384 = tpu.vector_load %arg7[%swap3A_382, %swap3A_383] {strides = array<i32>} : memref<32x1024xf32, #tpu.memory_space<vmem>>, vector<16xf32>,
      tpu.vector_store %arg7[%swap3A_382, %swap3A_383], %add3A_381 {strides = array<i32>} : memref<32x1024xf32, #tpu.memory_space<vmem>>, vector<16xf32>,
      %get3A_385 = arith.index_cast %scan3A_56 : i32 to index
      %get3A_386 = arith.constant 528 : index
      %get3A_387 = tpu.vector_load %arg7[%get3A_385, %get3A_386] {strides = array<i32>} : memref<32x1024xf32, #tpu.memory_space<vmem>>, vector<16xf32>,
      %get3A_388 = arith.index_cast %scan3A_56 : i32 to index
      %get3A_389 = arith.constant 528 : index
      %get3A_390 = tpu.vector_load %arg8[%get3A_388, %get3A_389] {strides = array<i32>} : memref<32x1024xf32, #tpu.memory_space<vmem>>, vector<16xf32>,
      %add3A_391 = arith.addf %get3A_387, %get3A_390 : vector<16xf32>
      %swap3A_392 = arith.index_cast %scan3A_56 : i32 to index
      %swap3A_393 = arith.constant 528 : index
      %swap3A_394 = tpu.vector_load %arg7[%swap3A_392, %swap3A_393] {strides = array<i32>} : memref<32x1024xf32, #tpu.memory_space<vmem>>, vector<16xf32>,
      tpu.vector_store %arg7[%swap3A_392, %swap3A_393], %add3A_391 {strides = array<i32>} : memref<32x1024xf32, #tpu.memory_space<vmem>>, vector<16xf32>,
      %get3A_395 = arith.index_cast %scan3A_56 : i32 to index
      %get3A_396 = arith.constant 544 : index
      %get3A_397 = tpu.vector_load %arg7[%get3A_395, %get3A_396] {strides = array<i32>} : memref<32x1024xf32, #tpu.memory_space<vmem>>, vector<16xf32>,
      %get3A_398 = arith.index_cast %scan3A_56 : i32 to index
      %get3A_399 = arith.constant 544 : index
      %get3A_400 = tpu.vector_load %arg8[%get3A_398, %get3A_399] {strides = array<i32>} : memref<32x1024xf32, #tpu.memory_space<vmem>>, vector<16xf32>,
      %add3A_401 = arith.addf %get3A_397, %get3A_400 : vector<16xf32>
      %swap3A_402 = arith.index_cast %scan3A_56 : i32 to index
      %swap3A_403 = arith.constant 544 : index
      %swap3A_404 = tpu.vector_load %arg7[%swap3A_402, %swap3A_403] {strides = array<i32>} : memref<32x1024xf32, #tpu.memory_space<vmem>>, vector<16xf32>,
      tpu.vector_store %arg7[%swap3A_402, %swap3A_403], %add3A_401 {strides = array<i32>} : memref<32x1024xf32, #tpu.memory_space<vmem>>, vector<16xf32>,
      %get3A_405 = arith.index_cast %scan3A_56 : i32 to index
      %get3A_406 = arith.constant 560 : index
      %get3A_407 = tpu.vector_load %arg7[%get3A_405, %get3A_406] {strides = array<i32>} : memref<32x1024xf32, #tpu.memory_space<vmem>>, vector<16xf32>,
      %get3A_408 = arith.index_cast %scan3A_56 : i32 to index
      %get3A_409 = arith.constant 560 : index
      %get3A_410 = tpu.vector_load %arg8[%get3A_408, %get3A_409] {strides = array<i32>} : memref<32x1024xf32, #tpu.memory_space<vmem>>, vector<16xf32>,
      %add3A_411 = arith.addf %get3A_407, %get3A_410 : vector<16xf32>
      %swap3A_412 = arith.index_cast %scan3A_56 : i32 to index
      %swap3A_413 = arith.constant 560 : index
      %swap3A_414 = tpu.vector_load %arg7[%swap3A_412, %swap3A_413] {strides = array<i32>} : memref<32x1024xf32, #tpu.memory_space<vmem>>, vector<16xf32>,
      tpu.vector_store %arg7[%swap3A_412, %swap3A_413], %add3A_411 {strides = array<i32>} : memref<32x1024xf32, #tpu.memory_space<vmem>>, vector<16xf32>,
      %get3A_415 = arith.index_cast %scan3A_56 : i32 to index
      %get3A_416 = arith.constant 576 : index
      %get3A_417 = tpu.vector_load %arg7[%get3A_415, %get3A_416] {strides = array<i32>} : memref<32x1024xf32, #tpu.memory_space<vmem>>, vector<16xf32>,
      %get3A_418 = arith.index_cast %scan3A_56 : i32 to index
      %get3A_419 = arith.constant 576 : index
      %get3A_420 = tpu.vector_load %arg8[%get3A_418, %get3A_419] {strides = array<i32>} : memref<32x1024xf32, #tpu.memory_space<vmem>>, vector<16xf32>,
      %add3A_421 = arith.addf %get3A_417, %get3A_420 : vector<16xf32>
      %swap3A_422 = arith.index_cast %scan3A_56 : i32 to index
      %swap3A_423 = arith.constant 576 : index
      %swap3A_424 = tpu.vector_load %arg7[%swap3A_422, %swap3A_423] {strides = array<i32>} : memref<32x1024xf32, #tpu.memory_space<vmem>>, vector<16xf32>,
      tpu.vector_store %arg7[%swap3A_422, %swap3A_423], %add3A_421 {strides = array<i32>} : memref<32x1024xf32, #tpu.memory_space<vmem>>, vector<16xf32>,
      %get3A_425 = arith.index_cast %scan3A_56 : i32 to index
      %get3A_426 = arith.constant 592 : index
      %get3A_427 = tpu.vector_load %arg7[%get3A_425, %get3A_426] {strides = array<i32>} : memref<32x1024xf32, #tpu.memory_space<vmem>>, vector<16xf32>,
      %get3A_428 = arith.index_cast %scan3A_56 : i32 to index
      %get3A_429 = arith.constant 592 : index
      %get3A_430 = tpu.vector_load %arg8[%get3A_428, %get3A_429] {strides = array<i32>} : memref<32x1024xf32, #tpu.memory_space<vmem>>, vector<16xf32>,
      %add3A_431 = arith.addf %get3A_427, %get3A_430 : vector<16xf32>
      %swap3A_432 = arith.index_cast %scan3A_56 : i32 to index
      %swap3A_433 = arith.constant 592 : index
      %swap3A_434 = tpu.vector_load %arg7[%swap3A_432, %swap3A_433] {strides = array<i32>} : memref<32x1024xf32, #tpu.memory_space<vmem>>, vector<16xf32>,
      tpu.vector_store %arg7[%swap3A_432, %swap3A_433], %add3A_431 {strides = array<i32>} : memref<32x1024xf32, #tpu.memory_space<vmem>>, vector<16xf32>,
      %get3A_435 = arith.index_cast %scan3A_56 : i32 to index
      %get3A_436 = arith.constant 608 : index
      %get3A_437 = tpu.vector_load %arg7[%get3A_435, %get3A_436] {strides = array<i32>} : memref<32x1024xf32, #tpu.memory_space<vmem>>, vector<16xf32>,
      %get3A_438 = arith.index_cast %scan3A_56 : i32 to index
      %get3A_439 = arith.constant 608 : index
      %get3A_440 = tpu.vector_load %arg8[%get3A_438, %get3A_439] {strides = array<i32>} : memref<32x1024xf32, #tpu.memory_space<vmem>>, vector<16xf32>,
      %add3A_441 = arith.addf %get3A_437, %get3A_440 : vector<16xf32>
      %swap3A_442 = arith.index_cast %scan3A_56 : i32 to index
      %swap3A_443 = arith.constant 608 : index
      %swap3A_444 = tpu.vector_load %arg7[%swap3A_442, %swap3A_443] {strides = array<i32>} : memref<32x1024xf32, #tpu.memory_space<vmem>>, vector<16xf32>,
      tpu.vector_store %arg7[%swap3A_442, %swap3A_443], %add3A_441 {strides = array<i32>} : memref<32x1024xf32, #tpu.memory_space<vmem>>, vector<16xf32>,
      %get3A_445 = arith.index_cast %scan3A_56 : i32 to index
      %get3A_446 = arith.constant 624 : index
      %get3A_447 = tpu.vector_load %arg7[%get3A_445, %get3A_446] {strides = array<i32>} : memref<32x1024xf32, #tpu.memory_space<vmem>>, vector<16xf32>,
      %get3A_448 = arith.index_cast %scan3A_56 : i32 to index
      %get3A_449 = arith.constant 624 : index
      %get3A_450 = tpu.vector_load %arg8[%get3A_448, %get3A_449] {strides = array<i32>} : memref<32x1024xf32, #tpu.memory_space<vmem>>, vector<16xf32>,
      %add3A_451 = arith.addf %get3A_447, %get3A_450 : vector<16xf32>
      %swap3A_452 = arith.index_cast %scan3A_56 : i32 to index
      %swap3A_453 = arith.constant 624 : index
      %swap3A_454 = tpu.vector_load %arg7[%swap3A_452, %swap3A_453] {strides = array<i32>} : memref<32x1024xf32, #tpu.memory_space<vmem>>, vector<16xf32>,
      tpu.vector_store %arg7[%swap3A_452, %swap3A_453], %add3A_451 {strides = array<i32>} : memref<32x1024xf32, #tpu.memory_space<vmem>>, vector<16xf32>,
      %get3A_455 = arith.index_cast %scan3A_56 : i32 to index
      %get3A_456 = arith.constant 640 : index
      %get3A_457 = tpu.vector_load %arg7[%get3A_455, %get3A_456] {strides = array<i32>} : memref<32x1024xf32, #tpu.memory_space<vmem>>, vector<16xf32>,
      %get3A_458 = arith.index_cast %scan3A_56 : i32 to index
      %get3A_459 = arith.constant 640 : index
      %get3A_460 = tpu.vector_load %arg8[%get3A_458, %get3A_459] {strides = array<i32>} : memref<32x1024xf32, #tpu.memory_space<vmem>>, vector<16xf32>,
      %add3A_461 = arith.addf %get3A_457, %get3A_460 : vector<16xf32>
      %swap3A_462 = arith.index_cast %scan3A_56 : i32 to index
      %swap3A_463 = arith.constant 640 : index
      %swap3A_464 = tpu.vector_load %arg7[%swap3A_462, %swap3A_463] {strides = array<i32>} : memref<32x1024xf32, #tpu.memory_space<vmem>>, vector<16xf32>,
      tpu.vector_store %arg7[%swap3A_462, %swap3A_463], %add3A_461 {strides = array<i32>} : memref<32x1024xf32, #tpu.memory_space<vmem>>, vector<16xf32>,
      %get3A_465 = arith.index_cast %scan3A_56 : i32 to index
      %get3A_466 = arith.constant 656 : index
      %get3A_467 = tpu.vector_load %arg7[%get3A_465, %get3A_466] {strides = array<i32>} : memref<32x1024xf32, #tpu.memory_space<vmem>>, vector<16xf32>,
      %get3A_468 = arith.index_cast %scan3A_56 : i32 to index
      %get3A_469 = arith.constant 656 : index
      %get3A_470 = tpu.vector_load %arg8[%get3A_468, %get3A_469] {strides = array<i32>} : memref<32x1024xf32, #tpu.memory_space<vmem>>, vector<16xf32>,
      %add3A_471 = arith.addf %get3A_467, %get3A_470 : vector<16xf32>
      %swap3A_472 = arith.index_cast %scan3A_56 : i32 to index
      %swap3A_473 = arith.constant 656 : index
      %swap3A_474 = tpu.vector_load %arg7[%swap3A_472, %swap3A_473] {strides = array<i32>} : memref<32x1024xf32, #tpu.memory_space<vmem>>, vector<16xf32>,
      tpu.vector_store %arg7[%swap3A_472, %swap3A_473], %add3A_471 {strides = array<i32>} : memref<32x1024xf32, #tpu.memory_space<vmem>>, vector<16xf32>,
      %get3A_475 = arith.index_cast %scan3A_56 : i32 to index
      %get3A_476 = arith.constant 672 : index
      %get3A_477 = tpu.vector_load %arg7[%get3A_475, %get3A_476] {strides = array<i32>} : memref<32x1024xf32, #tpu.memory_space<vmem>>, vector<16xf32>,
      %get3A_478 = arith.index_cast %scan3A_56 : i32 to index
      %get3A_479 = arith.constant 672 : index
      %get3A_480 = tpu.vector_load %arg8[%get3A_478, %get3A_479] {strides = array<i32>} : memref<32x1024xf32, #tpu.memory_space<vmem>>, vector<16xf32>,
      %add3A_481 = arith.addf %get3A_477, %get3A_480 : vector<16xf32>
      %swap3A_482 = arith.index_cast %scan3A_56 : i32 to index
      %swap3A_483 = arith.constant 672 : index
      %swap3A_484 = tpu.vector_load %arg7[%swap3A_482, %swap3A_483] {strides = array<i32>} : memref<32x1024xf32, #tpu.memory_space<vmem>>, vector<16xf32>,
      tpu.vector_store %arg7[%swap3A_482, %swap3A_483], %add3A_481 {strides = array<i32>} : memref<32x1024xf32, #tpu.memory_space<vmem>>, vector<16xf32>,
      %get3A_485 = arith.index_cast %scan3A_56 : i32 to index
      %get3A_486 = arith.constant 688 : index
      %get3A_487 = tpu.vector_load %arg7[%get3A_485, %get3A_486] {strides = array<i32>} : memref<32x1024xf32, #tpu.memory_space<vmem>>, vector<16xf32>,
      %get3A_488 = arith.index_cast %scan3A_56 : i32 to index
      %get3A_489 = arith.constant 688 : index
      %get3A_490 = tpu.vector_load %arg8[%get3A_488, %get3A_489] {strides = array<i32>} : memref<32x1024xf32, #tpu.memory_space<vmem>>, vector<16xf32>,
      %add3A_491 = arith.addf %get3A_487, %get3A_490 : vector<16xf32>
      %swap3A_492 = arith.index_cast %scan3A_56 : i32 to index
      %swap3A_493 = arith.constant 688 : index
      %swap3A_494 = tpu.vector_load %arg7[%swap3A_492, %swap3A_493] {strides = array<i32>} : memref<32x1024xf32, #tpu.memory_space<vmem>>, vector<16xf32>,
      tpu.vector_store %arg7[%swap3A_492, %swap3A_493], %add3A_491 {strides = array<i32>} : memref<32x1024xf32, #tpu.memory_space<vmem>>, vector<16xf32>,
      %get3A_495 = arith.index_cast %scan3A_56 : i32 to index
      %get3A_496 = arith.constant 704 : index
      %get3A_497 = tpu.vector_load %arg7[%get3A_495, %get3A_496] {strides = array<i32>} : memref<32x1024xf32, #tpu.memory_space<vmem>>, vector<16xf32>,
      %get3A_498 = arith.index_cast %scan3A_56 : i32 to index
      %get3A_499 = arith.constant 704 : index
      %get3A_500 = tpu.vector_load %arg8[%get3A_498, %get3A_499] {strides = array<i32>} : memref<32x1024xf32, #tpu.memory_space<vmem>>, vector<16xf32>,
      %add3A_501 = arith.addf %get3A_497, %get3A_500 : vector<16xf32>
      %swap3A_502 = arith.index_cast %scan3A_56 : i32 to index
      %swap3A_503 = arith.constant 704 : index
      %swap3A_504 = tpu.vector_load %arg7[%swap3A_502, %swap3A_503] {strides = array<i32>} : memref<32x1024xf32, #tpu.memory_space<vmem>>, vector<16xf32>,
      tpu.vector_store %arg7[%swap3A_502, %swap3A_503], %add3A_501 {strides = array<i32>} : memref<32x1024xf32, #tpu.memory_space<vmem>>, vector<16xf32>,
      %get3A_505 = arith.index_cast %scan3A_56 : i32 to index
      %get3A_506 = arith.constant 720 : index
      %get3A_507 = tpu.vector_load %arg7[%get3A_505, %get3A_506] {strides = array<i32>} : memref<32x1024xf32, #tpu.memory_space<vmem>>, vector<16xf32>,
      %get3A_508 = arith.index_cast %scan3A_56 : i32 to index
      %get3A_509 = arith.constant 720 : index
      %get3A_510 = tpu.vector_load %arg8[%get3A_508, %get3A_509] {strides = array<i32>} : memref<32x1024xf32, #tpu.memory_space<vmem>>, vector<16xf32>,
      %add3A_511 = arith.addf %get3A_507, %get3A_510 : vector<16xf32>
      %swap3A_512 = arith.index_cast %scan3A_56 : i32 to index
      %swap3A_513 = arith.constant 720 : index
      %swap3A_514 = tpu.vector_load %arg7[%swap3A_512, %swap3A_513] {strides = array<i32>} : memref<32x1024xf32, #tpu.memory_space<vmem>>, vector<16xf32>,
      tpu.vector_store %arg7[%swap3A_512, %swap3A_513], %add3A_511 {strides = array<i32>} : memref<32x1024xf32, #tpu.memory_space<vmem>>, vector<16xf32>,
      %get3A_515 = arith.index_cast %scan3A_56 : i32 to index
      %get3A_516 = arith.constant 736 : index
      %get3A_517 = tpu.vector_load %arg7[%get3A_515, %get3A_516] {strides = array<i32>} : memref<32x1024xf32, #tpu.memory_space<vmem>>, vector<16xf32>,
      %get3A_518 = arith.index_cast %scan3A_56 : i32 to index
      %get3A_519 = arith.constant 736 : index
      %get3A_520 = tpu.vector_load %arg8[%get3A_518, %get3A_519] {strides = array<i32>} : memref<32x1024xf32, #tpu.memory_space<vmem>>, vector<16xf32>,
      %add3A_521 = arith.addf %get3A_517, %get3A_520 : vector<16xf32>
      %swap3A_522 = arith.index_cast %scan3A_56 : i32 to index
      %swap3A_523 = arith.constant 736 : index
      %swap3A_524 = tpu.vector_load %arg7[%swap3A_522, %swap3A_523] {strides = array<i32>} : memref<32x1024xf32, #tpu.memory_space<vmem>>, vector<16xf32>,
      tpu.vector_store %arg7[%swap3A_522, %swap3A_523], %add3A_521 {strides = array<i32>} : memref<32x1024xf32, #tpu.memory_space<vmem>>, vector<16xf32>,
      %get3A_525 = arith.index_cast %scan3A_56 : i32 to index
      %get3A_526 = arith.constant 752 : index
      %get3A_527 = tpu.vector_load %arg7[%get3A_525, %get3A_526] {strides = array<i32>} : memref<32x1024xf32, #tpu.memory_space<vmem>>, vector<16xf32>,
      %get3A_528 = arith.index_cast %scan3A_56 : i32 to index
      %get3A_529 = arith.constant 752 : index
      %get3A_530 = tpu.vector_load %arg8[%get3A_528, %get3A_529] {strides = array<i32>} : memref<32x1024xf32, #tpu.memory_space<vmem>>, vector<16xf32>,
      %add3A_531 = arith.addf %get3A_527, %get3A_530 : vector<16xf32>
      %swap3A_532 = arith.index_cast %scan3A_56 : i32 to index
      %swap3A_533 = arith.constant 752 : index
      %swap3A_534 = tpu.vector_load %arg7[%swap3A_532, %swap3A_533] {strides = array<i32>} : memref<32x1024xf32, #tpu.memory_space<vmem>>, vector<16xf32>,
      tpu.vector_store %arg7[%swap3A_532, %swap3A_533], %add3A_531 {strides = array<i32>} : memref<32x1024xf32, #tpu.memory_space<vmem>>, vector<16xf32>,
      %get3A_535 = arith.index_cast %scan3A_56 : i32 to index
      %get3A_536 = arith.constant 768 : index
      %get3A_537 = tpu.vector_load %arg7[%get3A_535, %get3A_536] {strides = array<i32>} : memref<32x1024xf32, #tpu.memory_space<vmem>>, vector<16xf32>,
      %get3A_538 = arith.index_cast %scan3A_56 : i32 to index
      %get3A_539 = arith.constant 768 : index
      %get3A_540 = tpu.vector_load %arg8[%get3A_538, %get3A_539] {strides = array<i32>} : memref<32x1024xf32, #tpu.memory_space<vmem>>, vector<16xf32>,
      %add3A_541 = arith.addf %get3A_537, %get3A_540 : vector<16xf32>
      %swap3A_542 = arith.index_cast %scan3A_56 : i32 to index
      %swap3A_543 = arith.constant 768 : index
      %swap3A_544 = tpu.vector_load %arg7[%swap3A_542, %swap3A_543] {strides = array<i32>} : memref<32x1024xf32, #tpu.memory_space<vmem>>, vector<16xf32>,
      tpu.vector_store %arg7[%swap3A_542, %swap3A_543], %add3A_541 {strides = array<i32>} : memref<32x1024xf32, #tpu.memory_space<vmem>>, vector<16xf32>,
      %get3A_545 = arith.index_cast %scan3A_56 : i32 to index
      %get3A_546 = arith.constant 784 : index
      %get3A_547 = tpu.vector_load %arg7[%get3A_545, %get3A_546] {strides = array<i32>} : memref<32x1024xf32, #tpu.memory_space<vmem>>, vector<16xf32>,
      %get3A_548 = arith.index_cast %scan3A_56 : i32 to index
      %get3A_549 = arith.constant 784 : index
      %get3A_550 = tpu.vector_load %arg8[%get3A_548, %get3A_549] {strides = array<i32>} : memref<32x1024xf32, #tpu.memory_space<vmem>>, vector<16xf32>,
      %add3A_551 = arith.addf %get3A_547, %get3A_550 : vector<16xf32>
      %swap3A_552 = arith.index_cast %scan3A_56 : i32 to index
      %swap3A_553 = arith.constant 784 : index
      %swap3A_554 = tpu.vector_load %arg7[%swap3A_552, %swap3A_553] {strides = array<i32>} : memref<32x1024xf32, #tpu.memory_space<vmem>>, vector<16xf32>,
      tpu.vector_store %arg7[%swap3A_552, %swap3A_553], %add3A_551 {strides = array<i32>} : memref<32x1024xf32, #tpu.memory_space<vmem>>, vector<16xf32>,
      %get3A_555 = arith.index_cast %scan3A_56 : i32 to index
      %get3A_556 = arith.constant 800 : index
      %get3A_557 = tpu.vector_load %arg7[%get3A_555, %get3A_556] {strides = array<i32>} : memref<32x1024xf32, #tpu.memory_space<vmem>>, vector<16xf32>,
      %get3A_558 = arith.index_cast %scan3A_56 : i32 to index
      %get3A_559 = arith.constant 800 : index
      %get3A_560 = tpu.vector_load %arg8[%get3A_558, %get3A_559] {strides = array<i32>} : memref<32x1024xf32, #tpu.memory_space<vmem>>, vector<16xf32>,
      %add3A_561 = arith.addf %get3A_557, %get3A_560 : vector<16xf32>
      %swap3A_562 = arith.index_cast %scan3A_56 : i32 to index
      %swap3A_563 = arith.constant 800 : index
      %swap3A_564 = tpu.vector_load %arg7[%swap3A_562, %swap3A_563] {strides = array<i32>} : memref<32x1024xf32, #tpu.memory_space<vmem>>, vector<16xf32>,
      tpu.vector_store %arg7[%swap3A_562, %swap3A_563], %add3A_561 {strides = array<i32>} : memref<32x1024xf32, #tpu.memory_space<vmem>>, vector<16xf32>,
      %get3A_565 = arith.index_cast %scan3A_56 : i32 to index
      %get3A_566 = arith.constant 816 : index
      %get3A_567 = tpu.vector_load %arg7[%get3A_565, %get3A_566] {strides = array<i32>} : memref<32x1024xf32, #tpu.memory_space<vmem>>, vector<16xf32>,
      %get3A_568 = arith.index_cast %scan3A_56 : i32 to index
      %get3A_569 = arith.constant 816 : index
      %get3A_570 = tpu.vector_load %arg8[%get3A_568, %get3A_569] {strides = array<i32>} : memref<32x1024xf32, #tpu.memory_space<vmem>>, vector<16xf32>,
      %add3A_571 = arith.addf %get3A_567, %get3A_570 : vector<16xf32>
      %swap3A_572 = arith.index_cast %scan3A_56 : i32 to index
      %swap3A_573 = arith.constant 816 : index
      %swap3A_574 = tpu.vector_load %arg7[%swap3A_572, %swap3A_573] {strides = array<i32>} : memref<32x1024xf32, #tpu.memory_space<vmem>>, vector<16xf32>,
      tpu.vector_store %arg7[%swap3A_572, %swap3A_573], %add3A_571 {strides = array<i32>} : memref<32x1024xf32, #tpu.memory_space<vmem>>, vector<16xf32>,
      %get3A_575 = arith.index_cast %scan3A_56 : i32 to index
      %get3A_576 = arith.constant 832 : index
      %get3A_577 = tpu.vector_load %arg7[%get3A_575, %get3A_576] {strides = array<i32>} : memref<32x1024xf32, #tpu.memory_space<vmem>>, vector<16xf32>,
      %get3A_578 = arith.index_cast %scan3A_56 : i32 to index
      %get3A_579 = arith.constant 832 : index
      %get3A_580 = tpu.vector_load %arg8[%get3A_578, %get3A_579] {strides = array<i32>} : memref<32x1024xf32, #tpu.memory_space<vmem>>, vector<16xf32>,
      %add3A_581 = arith.addf %get3A_577, %get3A_580 : vector<16xf32>
      %swap3A_582 = arith.index_cast %scan3A_56 : i32 to index
      %swap3A_583 = arith.constant 832 : index
      %swap3A_584 = tpu.vector_load %arg7[%swap3A_582, %swap3A_583] {strides = array<i32>} : memref<32x1024xf32, #tpu.memory_space<vmem>>, vector<16xf32>,
      tpu.vector_store %arg7[%swap3A_582, %swap3A_583], %add3A_581 {strides = array<i32>} : memref<32x1024xf32, #tpu.memory_space<vmem>>, vector<16xf32>,
      %get3A_585 = arith.index_cast %scan3A_56 : i32 to index
      %get3A_586 = arith.constant 848 : index
      %get3A_587 = tpu.vector_load %arg7[%get3A_585, %get3A_586] {strides = array<i32>} : memref<32x1024xf32, #tpu.memory_space<vmem>>, vector<16xf32>,
      %get3A_588 = arith.index_cast %scan3A_56 : i32 to index
      %get3A_589 = arith.constant 848 : index
      %get3A_590 = tpu.vector_load %arg8[%get3A_588, %get3A_589] {strides = array<i32>} : memref<32x1024xf32, #tpu.memory_space<vmem>>, vector<16xf32>,
      %add3A_591 = arith.addf %get3A_587, %get3A_590 : vector<16xf32>
      %swap3A_592 = arith.index_cast %scan3A_56 : i32 to index
      %swap3A_593 = arith.constant 848 : index
      %swap3A_594 = tpu.vector_load %arg7[%swap3A_592, %swap3A_593] {strides = array<i32>} : memref<32x1024xf32, #tpu.memory_space<vmem>>, vector<16xf32>,
      tpu.vector_store %arg7[%swap3A_592, %swap3A_593], %add3A_591 {strides = array<i32>} : memref<32x1024xf32, #tpu.memory_space<vmem>>, vector<16xf32>,
      %get3A_595 = arith.index_cast %scan3A_56 : i32 to index
      %get3A_596 = arith.constant 864 : index
      %get3A_597 = tpu.vector_load %arg7[%get3A_595, %get3A_596] {strides = array<i32>} : memref<32x1024xf32, #tpu.memory_space<vmem>>, vector<16xf32>,
      %get3A_598 = arith.index_cast %scan3A_56 : i32 to index
      %get3A_599 = arith.constant 864 : index
      %get3A_600 = tpu.vector_load %arg8[%get3A_598, %get3A_599] {strides = array<i32>} : memref<32x1024xf32, #tpu.memory_space<vmem>>, vector<16xf32>,
      %add3A_601 = arith.addf %get3A_597, %get3A_600 : vector<16xf32>
      %swap3A_602 = arith.index_cast %scan3A_56 : i32 to index
      %swap3A_603 = arith.constant 864 : index
      %swap3A_604 = tpu.vector_load %arg7[%swap3A_602, %swap3A_603] {strides = array<i32>} : memref<32x1024xf32, #tpu.memory_space<vmem>>, vector<16xf32>,
      tpu.vector_store %arg7[%swap3A_602, %swap3A_603], %add3A_601 {strides = array<i32>} : memref<32x1024xf32, #tpu.memory_space<vmem>>, vector<16xf32>,
      %get3A_605 = arith.index_cast %scan3A_56 : i32 to index
      %get3A_606 = arith.constant 880 : index
      %get3A_607 = tpu.vector_load %arg7[%get3A_605, %get3A_606] {strides = array<i32>} : memref<32x1024xf32, #tpu.memory_space<vmem>>, vector<16xf32>,
      %get3A_608 = arith.index_cast %scan3A_56 : i32 to index
      %get3A_609 = arith.constant 880 : index
      %get3A_610 = tpu.vector_load %arg8[%get3A_608, %get3A_609] {strides = array<i32>} : memref<32x1024xf32, #tpu.memory_space<vmem>>, vector<16xf32>,
      %add3A_611 = arith.addf %get3A_607, %get3A_610 : vector<16xf32>
      %swap3A_612 = arith.index_cast %scan3A_56 : i32 to index
      %swap3A_613 = arith.constant 880 : index
      %swap3A_614 = tpu.vector_load %arg7[%swap3A_612, %swap3A_613] {strides = array<i32>} : memref<32x1024xf32, #tpu.memory_space<vmem>>, vector<16xf32>,
      tpu.vector_store %arg7[%swap3A_612, %swap3A_613], %add3A_611 {strides = array<i32>} : memref<32x1024xf32, #tpu.memory_space<vmem>>, vector<16xf32>,
      %get3A_615 = arith.index_cast %scan3A_56 : i32 to index
      %get3A_616 = arith.constant 896 : index
      %get3A_617 = tpu.vector_load %arg7[%get3A_615, %get3A_616] {strides = array<i32>} : memref<32x1024xf32, #tpu.memory_space<vmem>>, vector<16xf32>,
      %get3A_618 = arith.index_cast %scan3A_56 : i32 to index
      %get3A_619 = arith.constant 896 : index
      %get3A_620 = tpu.vector_load %arg8[%get3A_618, %get3A_619] {strides = array<i32>} : memref<32x1024xf32, #tpu.memory_space<vmem>>, vector<16xf32>,
      %add3A_621 = arith.addf %get3A_617, %get3A_620 : vector<16xf32>
      %swap3A_622 = arith.index_cast %scan3A_56 : i32 to index
      %swap3A_623 = arith.constant 896 : index
      %swap3A_624 = tpu.vector_load %arg7[%swap3A_622, %swap3A_623] {strides = array<i32>} : memref<32x1024xf32, #tpu.memory_space<vmem>>, vector<16xf32>,
      tpu.vector_store %arg7[%swap3A_622, %swap3A_623], %add3A_621 {strides = array<i32>} : memref<32x1024xf32, #tpu.memory_space<vmem>>, vector<16xf32>,
      %get3A_625 = arith.index_cast %scan3A_56 : i32 to index
      %get3A_626 = arith.constant 912 : index
      %get3A_627 = tpu.vector_load %arg7[%get3A_625, %get3A_626] {strides = array<i32>} : memref<32x1024xf32, #tpu.memory_space<vmem>>, vector<16xf32>,
      %get3A_628 = arith.index_cast %scan3A_56 : i32 to index
      %get3A_629 = arith.constant 912 : index
      %get3A_630 = tpu.vector_load %arg8[%get3A_628, %get3A_629] {strides = array<i32>} : memref<32x1024xf32, #tpu.memory_space<vmem>>, vector<16xf32>,
      %add3A_631 = arith.addf %get3A_627, %get3A_630 : vector<16xf32>
      %swap3A_632 = arith.index_cast %scan3A_56 : i32 to index
      %swap3A_633 = arith.constant 912 : index
      %swap3A_634 = tpu.vector_load %arg7[%swap3A_632, %swap3A_633] {strides = array<i32>} : memref<32x1024xf32, #tpu.memory_space<vmem>>, vector<16xf32>,
      tpu.vector_store %arg7[%swap3A_632, %swap3A_633], %add3A_631 {strides = array<i32>} : memref<32x1024xf32, #tpu.memory_space<vmem>>, vector<16xf32>,
      %get3A_635 = arith.index_cast %scan3A_56 : i32 to index
      %get3A_636 = arith.constant 928 : index
      %get3A_637 = tpu.vector_load %arg7[%get3A_635, %get3A_636] {strides = array<i32>} : memref<32x1024xf32, #tpu.memory_space<vmem>>, vector<16xf32>,
      %get3A_638 = arith.index_cast %scan3A_56 : i32 to index
      %get3A_639 = arith.constant 928 : index
      %get3A_640 = tpu.vector_load %arg8[%get3A_638, %get3A_639] {strides = array<i32>} : memref<32x1024xf32, #tpu.memory_space<vmem>>, vector<16xf32>,
      %add3A_641 = arith.addf %get3A_637, %get3A_640 : vector<16xf32>
      %swap3A_642 = arith.index_cast %scan3A_56 : i32 to index
      %swap3A_643 = arith.constant 928 : index
      %swap3A_644 = tpu.vector_load %arg7[%swap3A_642, %swap3A_643] {strides = array<i32>} : memref<32x1024xf32, #tpu.memory_space<vmem>>, vector<16xf32>,
      tpu.vector_store %arg7[%swap3A_642, %swap3A_643], %add3A_641 {strides = array<i32>} : memref<32x1024xf32, #tpu.memory_space<vmem>>, vector<16xf32>,
      %get3A_645 = arith.index_cast %scan3A_56 : i32 to index
      %get3A_646 = arith.constant 944 : index
      %get3A_647 = tpu.vector_load %arg7[%get3A_645, %get3A_646] {strides = array<i32>} : memref<32x1024xf32, #tpu.memory_space<vmem>>, vector<16xf32>,
      %get3A_648 = arith.index_cast %scan3A_56 : i32 to index
      %get3A_649 = arith.constant 944 : index
      %get3A_650 = tpu.vector_load %arg8[%get3A_648, %get3A_649] {strides = array<i32>} : memref<32x1024xf32, #tpu.memory_space<vmem>>, vector<16xf32>,
      %add3A_651 = arith.addf %get3A_647, %get3A_650 : vector<16xf32>
      %swap3A_652 = arith.index_cast %scan3A_56 : i32 to index
      %swap3A_653 = arith.constant 944 : index
      %swap3A_654 = tpu.vector_load %arg7[%swap3A_652, %swap3A_653] {strides = array<i32>} : memref<32x1024xf32, #tpu.memory_space<vmem>>, vector<16xf32>,
      tpu.vector_store %arg7[%swap3A_652, %swap3A_653], %add3A_651 {strides = array<i32>} : memref<32x1024xf32, #tpu.memory_space<vmem>>, vector<16xf32>,
      %get3A_655 = arith.index_cast %scan3A_56 : i32 to index
      %get3A_656 = arith.constant 960 : index
      %get3A_657 = tpu.vector_load %arg7[%get3A_655, %get3A_656] {strides = array<i32>} : memref<32x1024xf32, #tpu.memory_space<vmem>>, vector<16xf32>,
      %get3A_658 = arith.index_cast %scan3A_56 : i32 to index
      %get3A_659 = arith.constant 960 : index
      %get3A_660 = tpu.vector_load %arg8[%get3A_658, %get3A_659] {strides = array<i32>} : memref<32x1024xf32, #tpu.memory_space<vmem>>, vector<16xf32>,
      %add3A_661 = arith.addf %get3A_657, %get3A_660 : vector<16xf32>
      %swap3A_662 = arith.index_cast %scan3A_56 : i32 to index
      %swap3A_663 = arith.constant 960 : index
      %swap3A_664 = tpu.vector_load %arg7[%swap3A_662, %swap3A_663] {strides = array<i32>} : memref<32x1024xf32, #tpu.memory_space<vmem>>, vector<16xf32>,
      tpu.vector_store %arg7[%swap3A_662, %swap3A_663], %add3A_661 {strides = array<i32>} : memref<32x1024xf32, #tpu.memory_space<vmem>>, vector<16xf32>,
      %get3A_665 = arith.index_cast %scan3A_56 : i32 to index
      %get3A_666 = arith.constant 976 : index
      %get3A_667 = tpu.vector_load %arg7[%get3A_665, %get3A_666] {strides = array<i32>} : memref<32x1024xf32, #tpu.memory_space<vmem>>, vector<16xf32>,
      %get3A_668 = arith.index_cast %scan3A_56 : i32 to index
      %get3A_669 = arith.constant 976 : index
      %get3A_670 = tpu.vector_load %arg8[%get3A_668, %get3A_669] {strides = array<i32>} : memref<32x1024xf32, #tpu.memory_space<vmem>>, vector<16xf32>,
      %add3A_671 = arith.addf %get3A_667, %get3A_670 : vector<16xf32>
      %swap3A_672 = arith.index_cast %scan3A_56 : i32 to index
      %swap3A_673 = arith.constant 976 : index
      %swap3A_674 = tpu.vector_load %arg7[%swap3A_672, %swap3A_673] {strides = array<i32>} : memref<32x1024xf32, #tpu.memory_space<vmem>>, vector<16xf32>,
      tpu.vector_store %arg7[%swap3A_672, %swap3A_673], %add3A_671 {strides = array<i32>} : memref<32x1024xf32, #tpu.memory_space<vmem>>, vector<16xf32>,
      %get3A_675 = arith.index_cast %scan3A_56 : i32 to index
      %get3A_676 = arith.constant 992 : index
      %get3A_677 = tpu.vector_load %arg7[%get3A_675, %get3A_676] {strides = array<i32>} : memref<32x1024xf32, #tpu.memory_space<vmem>>, vector<16xf32>,
      %get3A_678 = arith.index_cast %scan3A_56 : i32 to index
      %get3A_679 = arith.constant 992 : index
      %get3A_680 = tpu.vector_load %arg8[%get3A_678, %get3A_679] {strides = array<i32>} : memref<32x1024xf32, #tpu.memory_space<vmem>>, vector<16xf32>,
      %add3A_681 = arith.addf %get3A_677, %get3A_680 : vector<16xf32>
      %swap3A_682 = arith.index_cast %scan3A_56 : i32 to index
      %swap3A_683 = arith.constant 992 : index
      %swap3A_684 = tpu.vector_load %arg7[%swap3A_682, %swap3A_683] {strides = array<i32>} : memref<32x1024xf32, #tpu.memory_space<vmem>>, vector<16xf32>,
      tpu.vector_store %arg7[%swap3A_682, %swap3A_683], %add3A_681 {strides = array<i32>} : memref<32x1024xf32, #tpu.memory_space<vmem>>, vector<16xf32>,
      %get3A_685 = arith.index_cast %scan3A_56 : i32 to index
      %get3A_686 = arith.constant 1008 : index
      %get3A_687 = tpu.vector_load %arg7[%get3A_685, %get3A_686] {strides = array<i32>} : memref<32x1024xf32, #tpu.memory_space<vmem>>, vector<16xf32>,
      %get3A_688 = arith.index_cast %scan3A_56 : i32 to index
      %get3A_689 = arith.constant 1008 : index
      %get3A_690 = tpu.vector_load %arg8[%get3A_688, %get3A_689] {strides = array<i32>} : memref<32x1024xf32, #tpu.memory_space<vmem>>, vector<16xf32>,
      %add3A_691 = arith.addf %get3A_687, %get3A_690 : vector<16xf32>
      %swap3A_692 = arith.index_cast %scan3A_56 : i32 to index
      %swap3A_693 = arith.constant 1008 : index
      %swap3A_694 = tpu.vector_load %arg7[%swap3A_692, %swap3A_693] {strides = array<i32>} : memref<32x1024xf32, #tpu.memory_space<vmem>>, vector<16xf32>,
      tpu.vector_store %arg7[%swap3A_692, %swap3A_693], %add3A_691 {strides = array<i32>} : memref<32x1024xf32, #tpu.memory_space<vmem>>, vector<16xf32>,
    }
    %scan3A_19 = arith.constant 32 : i32
    %add3A_20 = arith.constant 6144 : i32
    %add3A_21 = arith.addi %add3A_20, %add3A_4 : i32
    "tpu.region"() ({
      %run_scoped3A = tpu.sem_alloc : memref<!tpu.dma_semaphore, #tpu.memory_space<semaphore_mem>>
      %dma_start3A_56 = arith.constant 0 : i32
      %dma_start3A_57 = tpu.memref_slice %arg4[%add3A_21, %dma_start3A_56] : memref<8192x1024xf32, #tpu.memory_space<hbm>> -> memref<32x1024xf32, #tpu.memory_space<hbm>>
      %dma_start3A_58 = arith.constant 0 : i32
      %dma_start3A_59 = tpu.memref_slice %arg4[%add3A_21, %dma_start3A_58] : memref<8192x1024xf32, #tpu.memory_space<hbm>> -> memref<32x1024xf32, #tpu.memory_space<hbm>>
      tpu.enqueue_dma source(%dma_start3A_59 : memref<32x1024xf32, #tpu.memory_space<hbm>>) target(%arg8 : memref<32x1024xf32, #tpu.memory_space<vmem>>) target_semaphore(%run_scoped3A : memref<!tpu.dma_semaphore, #tpu.memory_space<semaphore_mem>>)
      %dma_wait3A_60 = arith.constant 0 : i32
      %dma_wait3A_61 = tpu.memref_slice %arg4[%add3A_21, %dma_wait3A_60] : memref<8192x1024xf32, #tpu.memory_space<hbm>> -> memref<32x1024xf32, #tpu.memory_space<hbm>>
      %dma_wait3A_62 = arith.constant 0 : i32
      %dma_wait3A_63 = tpu.memref_slice %arg4[%add3A_21, %dma_wait3A_62] : memref<8192x1024xf32, #tpu.memory_space<hbm>> -> memref<32x1024xf32, #tpu.memory_space<hbm>>
      tpu.wait_dma2 semaphore(%run_scoped3A : memref<!tpu.dma_semaphore, #tpu.memory_space<semaphore_mem>>) src(%dma_wait3A_63 : memref<32x1024xf32, #tpu.memory_space<hbm>>) dst(%arg8 : memref<32x1024xf32, #tpu.memory_space<vmem>>)
      tpu.yield
    }) : () -> ()
    %scan3A_22 = arith.constant 0 : i32
    %scan3A_23 = arith.constant 0 : i32
    %scan3A_24 = arith.constant 32 : i32
    %scan3A_25 = arith.addi %scan3A_23, %scan3A_24 : i32
    %scan3A_26 = arith.constant 1 : i32
    scf.for %scan3A_56 = %scan3A_23 to %scan3A_25 step %scan3A_26  : i32 {
      %get3A = arith.index_cast %scan3A_56 : i32 to index
      %get3A_57 = arith.constant 0 : index
      %get3A_58 = tpu.vector_load %arg7[%get3A, %get3A_57] {strides = array<i32>} : memref<32x1024xf32, #tpu.memory_space<vmem>>, vector<16xf32>,
      %get3A_59 = arith.index_cast %scan3A_56 : i32 to index
      %get3A_60 = arith.constant 0 : index
      %get3A_61 = tpu.vector_load %arg8[%get3A_59, %get3A_60] {strides = array<i32>} : memref<32x1024xf32, #tpu.memory_space<vmem>>, vector<16xf32>,
      %add3A_62 = arith.addf %get3A_58, %get3A_61 : vector<16xf32>
      %swap3A = arith.index_cast %scan3A_56 : i32 to index
      %swap3A_63 = arith.constant 0 : index
      %swap3A_64 = tpu.vector_load %arg7[%swap3A, %swap3A_63] {strides = array<i32>} : memref<32x1024xf32, #tpu.memory_space<vmem>>, vector<16xf32>,
      tpu.vector_store %arg7[%swap3A, %swap3A_63], %add3A_62 {strides = array<i32>} : memref<32x1024xf32, #tpu.memory_space<vmem>>, vector<16xf32>,
      %get3A_65 = arith.index_cast %scan3A_56 : i32 to index
      %get3A_66 = arith.constant 16 : index
      %get3A_67 = tpu.vector_load %arg7[%get3A_65, %get3A_66] {strides = array<i32>} : memref<32x1024xf32, #tpu.memory_space<vmem>>, vector<16xf32>,
      %get3A_68 = arith.index_cast %scan3A_56 : i32 to index
      %get3A_69 = arith.constant 16 : index
      %get3A_70 = tpu.vector_load %arg8[%get3A_68, %get3A_69] {strides = array<i32>} : memref<32x1024xf32, #tpu.memory_space<vmem>>, vector<16xf32>,
      %add3A_71 = arith.addf %get3A_67, %get3A_70 : vector<16xf32>
      %swap3A_72 = arith.index_cast %scan3A_56 : i32 to index
      %swap3A_73 = arith.constant 16 : index
      %swap3A_74 = tpu.vector_load %arg7[%swap3A_72, %swap3A_73] {strides = array<i32>} : memref<32x1024xf32, #tpu.memory_space<vmem>>, vector<16xf32>,
      tpu.vector_store %arg7[%swap3A_72, %swap3A_73], %add3A_71 {strides = array<i32>} : memref<32x1024xf32, #tpu.memory_space<vmem>>, vector<16xf32>,
      %get3A_75 = arith.index_cast %scan3A_56 : i32 to index
      %get3A_76 = arith.constant 32 : index
      %get3A_77 = tpu.vector_load %arg7[%get3A_75, %get3A_76] {strides = array<i32>} : memref<32x1024xf32, #tpu.memory_space<vmem>>, vector<16xf32>,
      %get3A_78 = arith.index_cast %scan3A_56 : i32 to index
      %get3A_79 = arith.constant 32 : index
      %get3A_80 = tpu.vector_load %arg8[%get3A_78, %get3A_79] {strides = array<i32>} : memref<32x1024xf32, #tpu.memory_space<vmem>>, vector<16xf32>,
      %add3A_81 = arith.addf %get3A_77, %get3A_80 : vector<16xf32>
      %swap3A_82 = arith.index_cast %scan3A_56 : i32 to index
      %swap3A_83 = arith.constant 32 : index
      %swap3A_84 = tpu.vector_load %arg7[%swap3A_82, %swap3A_83] {strides = array<i32>} : memref<32x1024xf32, #tpu.memory_space<vmem>>, vector<16xf32>,
      tpu.vector_store %arg7[%swap3A_82, %swap3A_83], %add3A_81 {strides = array<i32>} : memref<32x1024xf32, #tpu.memory_space<vmem>>, vector<16xf32>,
      %get3A_85 = arith.index_cast %scan3A_56 : i32 to index
      %get3A_86 = arith.constant 48 : index
      %get3A_87 = tpu.vector_load %arg7[%get3A_85, %get3A_86] {strides = array<i32>} : memref<32x1024xf32, #tpu.memory_space<vmem>>, vector<16xf32>,
      %get3A_88 = arith.index_cast %scan3A_56 : i32 to index
      %get3A_89 = arith.constant 48 : index
      %get3A_90 = tpu.vector_load %arg8[%get3A_88, %get3A_89] {strides = array<i32>} : memref<32x1024xf32, #tpu.memory_space<vmem>>, vector<16xf32>,
      %add3A_91 = arith.addf %get3A_87, %get3A_90 : vector<16xf32>
      %swap3A_92 = arith.index_cast %scan3A_56 : i32 to index
      %swap3A_93 = arith.constant 48 : index
      %swap3A_94 = tpu.vector_load %arg7[%swap3A_92, %swap3A_93] {strides = array<i32>} : memref<32x1024xf32, #tpu.memory_space<vmem>>, vector<16xf32>,
      tpu.vector_store %arg7[%swap3A_92, %swap3A_93], %add3A_91 {strides = array<i32>} : memref<32x1024xf32, #tpu.memory_space<vmem>>, vector<16xf32>,
      %get3A_95 = arith.index_cast %scan3A_56 : i32 to index
      %get3A_96 = arith.constant 64 : index
      %get3A_97 = tpu.vector_load %arg7[%get3A_95, %get3A_96] {strides = array<i32>} : memref<32x1024xf32, #tpu.memory_space<vmem>>, vector<16xf32>,
      %get3A_98 = arith.index_cast %scan3A_56 : i32 to index
      %get3A_99 = arith.constant 64 : index
      %get3A_100 = tpu.vector_load %arg8[%get3A_98, %get3A_99] {strides = array<i32>} : memref<32x1024xf32, #tpu.memory_space<vmem>>, vector<16xf32>,
      %add3A_101 = arith.addf %get3A_97, %get3A_100 : vector<16xf32>
      %swap3A_102 = arith.index_cast %scan3A_56 : i32 to index
      %swap3A_103 = arith.constant 64 : index
      %swap3A_104 = tpu.vector_load %arg7[%swap3A_102, %swap3A_103] {strides = array<i32>} : memref<32x1024xf32, #tpu.memory_space<vmem>>, vector<16xf32>,
      tpu.vector_store %arg7[%swap3A_102, %swap3A_103], %add3A_101 {strides = array<i32>} : memref<32x1024xf32, #tpu.memory_space<vmem>>, vector<16xf32>,
      %get3A_105 = arith.index_cast %scan3A_56 : i32 to index
      %get3A_106 = arith.constant 80 : index
      %get3A_107 = tpu.vector_load %arg7[%get3A_105, %get3A_106] {strides = array<i32>} : memref<32x1024xf32, #tpu.memory_space<vmem>>, vector<16xf32>,
      %get3A_108 = arith.index_cast %scan3A_56 : i32 to index
      %get3A_109 = arith.constant 80 : index
      %get3A_110 = tpu.vector_load %arg8[%get3A_108, %get3A_109] {strides = array<i32>} : memref<32x1024xf32, #tpu.memory_space<vmem>>, vector<16xf32>,
      %add3A_111 = arith.addf %get3A_107, %get3A_110 : vector<16xf32>
      %swap3A_112 = arith.index_cast %scan3A_56 : i32 to index
      %swap3A_113 = arith.constant 80 : index
      %swap3A_114 = tpu.vector_load %arg7[%swap3A_112, %swap3A_113] {strides = array<i32>} : memref<32x1024xf32, #tpu.memory_space<vmem>>, vector<16xf32>,
      tpu.vector_store %arg7[%swap3A_112, %swap3A_113], %add3A_111 {strides = array<i32>} : memref<32x1024xf32, #tpu.memory_space<vmem>>, vector<16xf32>,
      %get3A_115 = arith.index_cast %scan3A_56 : i32 to index
      %get3A_116 = arith.constant 96 : index
      %get3A_117 = tpu.vector_load %arg7[%get3A_115, %get3A_116] {strides = array<i32>} : memref<32x1024xf32, #tpu.memory_space<vmem>>, vector<16xf32>,
      %get3A_118 = arith.index_cast %scan3A_56 : i32 to index
      %get3A_119 = arith.constant 96 : index
      %get3A_120 = tpu.vector_load %arg8[%get3A_118, %get3A_119] {strides = array<i32>} : memref<32x1024xf32, #tpu.memory_space<vmem>>, vector<16xf32>,
      %add3A_121 = arith.addf %get3A_117, %get3A_120 : vector<16xf32>
      %swap3A_122 = arith.index_cast %scan3A_56 : i32 to index
      %swap3A_123 = arith.constant 96 : index
      %swap3A_124 = tpu.vector_load %arg7[%swap3A_122, %swap3A_123] {strides = array<i32>} : memref<32x1024xf32, #tpu.memory_space<vmem>>, vector<16xf32>,
      tpu.vector_store %arg7[%swap3A_122, %swap3A_123], %add3A_121 {strides = array<i32>} : memref<32x1024xf32, #tpu.memory_space<vmem>>, vector<16xf32>,
      %get3A_125 = arith.index_cast %scan3A_56 : i32 to index
      %get3A_126 = arith.constant 112 : index
      %get3A_127 = tpu.vector_load %arg7[%get3A_125, %get3A_126] {strides = array<i32>} : memref<32x1024xf32, #tpu.memory_space<vmem>>, vector<16xf32>,
      %get3A_128 = arith.index_cast %scan3A_56 : i32 to index
      %get3A_129 = arith.constant 112 : index
      %get3A_130 = tpu.vector_load %arg8[%get3A_128, %get3A_129] {strides = array<i32>} : memref<32x1024xf32, #tpu.memory_space<vmem>>, vector<16xf32>,
      %add3A_131 = arith.addf %get3A_127, %get3A_130 : vector<16xf32>
      %swap3A_132 = arith.index_cast %scan3A_56 : i32 to index
      %swap3A_133 = arith.constant 112 : index
      %swap3A_134 = tpu.vector_load %arg7[%swap3A_132, %swap3A_133] {strides = array<i32>} : memref<32x1024xf32, #tpu.memory_space<vmem>>, vector<16xf32>,
      tpu.vector_store %arg7[%swap3A_132, %swap3A_133], %add3A_131 {strides = array<i32>} : memref<32x1024xf32, #tpu.memory_space<vmem>>, vector<16xf32>,
      %get3A_135 = arith.index_cast %scan3A_56 : i32 to index
      %get3A_136 = arith.constant 128 : index
      %get3A_137 = tpu.vector_load %arg7[%get3A_135, %get3A_136] {strides = array<i32>} : memref<32x1024xf32, #tpu.memory_space<vmem>>, vector<16xf32>,
      %get3A_138 = arith.index_cast %scan3A_56 : i32 to index
      %get3A_139 = arith.constant 128 : index
      %get3A_140 = tpu.vector_load %arg8[%get3A_138, %get3A_139] {strides = array<i32>} : memref<32x1024xf32, #tpu.memory_space<vmem>>, vector<16xf32>,
      %add3A_141 = arith.addf %get3A_137, %get3A_140 : vector<16xf32>
      %swap3A_142 = arith.index_cast %scan3A_56 : i32 to index
      %swap3A_143 = arith.constant 128 : index
      %swap3A_144 = tpu.vector_load %arg7[%swap3A_142, %swap3A_143] {strides = array<i32>} : memref<32x1024xf32, #tpu.memory_space<vmem>>, vector<16xf32>,
      tpu.vector_store %arg7[%swap3A_142, %swap3A_143], %add3A_141 {strides = array<i32>} : memref<32x1024xf32, #tpu.memory_space<vmem>>, vector<16xf32>,
      %get3A_145 = arith.index_cast %scan3A_56 : i32 to index
      %get3A_146 = arith.constant 144 : index
      %get3A_147 = tpu.vector_load %arg7[%get3A_145, %get3A_146] {strides = array<i32>} : memref<32x1024xf32, #tpu.memory_space<vmem>>, vector<16xf32>,
      %get3A_148 = arith.index_cast %scan3A_56 : i32 to index
      %get3A_149 = arith.constant 144 : index
      %get3A_150 = tpu.vector_load %arg8[%get3A_148, %get3A_149] {strides = array<i32>} : memref<32x1024xf32, #tpu.memory_space<vmem>>, vector<16xf32>,
      %add3A_151 = arith.addf %get3A_147, %get3A_150 : vector<16xf32>
      %swap3A_152 = arith.index_cast %scan3A_56 : i32 to index
      %swap3A_153 = arith.constant 144 : index
      %swap3A_154 = tpu.vector_load %arg7[%swap3A_152, %swap3A_153] {strides = array<i32>} : memref<32x1024xf32, #tpu.memory_space<vmem>>, vector<16xf32>,
      tpu.vector_store %arg7[%swap3A_152, %swap3A_153], %add3A_151 {strides = array<i32>} : memref<32x1024xf32, #tpu.memory_space<vmem>>, vector<16xf32>,
      %get3A_155 = arith.index_cast %scan3A_56 : i32 to index
      %get3A_156 = arith.constant 160 : index
      %get3A_157 = tpu.vector_load %arg7[%get3A_155, %get3A_156] {strides = array<i32>} : memref<32x1024xf32, #tpu.memory_space<vmem>>, vector<16xf32>,
      %get3A_158 = arith.index_cast %scan3A_56 : i32 to index
      %get3A_159 = arith.constant 160 : index
      %get3A_160 = tpu.vector_load %arg8[%get3A_158, %get3A_159] {strides = array<i32>} : memref<32x1024xf32, #tpu.memory_space<vmem>>, vector<16xf32>,
      %add3A_161 = arith.addf %get3A_157, %get3A_160 : vector<16xf32>
      %swap3A_162 = arith.index_cast %scan3A_56 : i32 to index
      %swap3A_163 = arith.constant 160 : index
      %swap3A_164 = tpu.vector_load %arg7[%swap3A_162, %swap3A_163] {strides = array<i32>} : memref<32x1024xf32, #tpu.memory_space<vmem>>, vector<16xf32>,
      tpu.vector_store %arg7[%swap3A_162, %swap3A_163], %add3A_161 {strides = array<i32>} : memref<32x1024xf32, #tpu.memory_space<vmem>>, vector<16xf32>,
      %get3A_165 = arith.index_cast %scan3A_56 : i32 to index
      %get3A_166 = arith.constant 176 : index
      %get3A_167 = tpu.vector_load %arg7[%get3A_165, %get3A_166] {strides = array<i32>} : memref<32x1024xf32, #tpu.memory_space<vmem>>, vector<16xf32>,
      %get3A_168 = arith.index_cast %scan3A_56 : i32 to index
      %get3A_169 = arith.constant 176 : index
      %get3A_170 = tpu.vector_load %arg8[%get3A_168, %get3A_169] {strides = array<i32>} : memref<32x1024xf32, #tpu.memory_space<vmem>>, vector<16xf32>,
      %add3A_171 = arith.addf %get3A_167, %get3A_170 : vector<16xf32>
      %swap3A_172 = arith.index_cast %scan3A_56 : i32 to index
      %swap3A_173 = arith.constant 176 : index
      %swap3A_174 = tpu.vector_load %arg7[%swap3A_172, %swap3A_173] {strides = array<i32>} : memref<32x1024xf32, #tpu.memory_space<vmem>>, vector<16xf32>,
      tpu.vector_store %arg7[%swap3A_172, %swap3A_173], %add3A_171 {strides = array<i32>} : memref<32x1024xf32, #tpu.memory_space<vmem>>, vector<16xf32>,
      %get3A_175 = arith.index_cast %scan3A_56 : i32 to index
      %get3A_176 = arith.constant 192 : index
      %get3A_177 = tpu.vector_load %arg7[%get3A_175, %get3A_176] {strides = array<i32>} : memref<32x1024xf32, #tpu.memory_space<vmem>>, vector<16xf32>,
      %get3A_178 = arith.index_cast %scan3A_56 : i32 to index
      %get3A_179 = arith.constant 192 : index
      %get3A_180 = tpu.vector_load %arg8[%get3A_178, %get3A_179] {strides = array<i32>} : memref<32x1024xf32, #tpu.memory_space<vmem>>, vector<16xf32>,
      %add3A_181 = arith.addf %get3A_177, %get3A_180 : vector<16xf32>
      %swap3A_182 = arith.index_cast %scan3A_56 : i32 to index
      %swap3A_183 = arith.constant 192 : index
      %swap3A_184 = tpu.vector_load %arg7[%swap3A_182, %swap3A_183] {strides = array<i32>} : memref<32x1024xf32, #tpu.memory_space<vmem>>, vector<16xf32>,
      tpu.vector_store %arg7[%swap3A_182, %swap3A_183], %add3A_181 {strides = array<i32>} : memref<32x1024xf32, #tpu.memory_space<vmem>>, vector<16xf32>,
      %get3A_185 = arith.index_cast %scan3A_56 : i32 to index
      %get3A_186 = arith.constant 208 : index
      %get3A_187 = tpu.vector_load %arg7[%get3A_185, %get3A_186] {strides = array<i32>} : memref<32x1024xf32, #tpu.memory_space<vmem>>, vector<16xf32>,
      %get3A_188 = arith.index_cast %scan3A_56 : i32 to index
      %get3A_189 = arith.constant 208 : index
      %get3A_190 = tpu.vector_load %arg8[%get3A_188, %get3A_189] {strides = array<i32>} : memref<32x1024xf32, #tpu.memory_space<vmem>>, vector<16xf32>,
      %add3A_191 = arith.addf %get3A_187, %get3A_190 : vector<16xf32>
      %swap3A_192 = arith.index_cast %scan3A_56 : i32 to index
      %swap3A_193 = arith.constant 208 : index
      %swap3A_194 = tpu.vector_load %arg7[%swap3A_192, %swap3A_193] {strides = array<i32>} : memref<32x1024xf32, #tpu.memory_space<vmem>>, vector<16xf32>,
      tpu.vector_store %arg7[%swap3A_192, %swap3A_193], %add3A_191 {strides = array<i32>} : memref<32x1024xf32, #tpu.memory_space<vmem>>, vector<16xf32>,
      %get3A_195 = arith.index_cast %scan3A_56 : i32 to index
      %get3A_196 = arith.constant 224 : index
      %get3A_197 = tpu.vector_load %arg7[%get3A_195, %get3A_196] {strides = array<i32>} : memref<32x1024xf32, #tpu.memory_space<vmem>>, vector<16xf32>,
      %get3A_198 = arith.index_cast %scan3A_56 : i32 to index
      %get3A_199 = arith.constant 224 : index
      %get3A_200 = tpu.vector_load %arg8[%get3A_198, %get3A_199] {strides = array<i32>} : memref<32x1024xf32, #tpu.memory_space<vmem>>, vector<16xf32>,
      %add3A_201 = arith.addf %get3A_197, %get3A_200 : vector<16xf32>
      %swap3A_202 = arith.index_cast %scan3A_56 : i32 to index
      %swap3A_203 = arith.constant 224 : index
      %swap3A_204 = tpu.vector_load %arg7[%swap3A_202, %swap3A_203] {strides = array<i32>} : memref<32x1024xf32, #tpu.memory_space<vmem>>, vector<16xf32>,
      tpu.vector_store %arg7[%swap3A_202, %swap3A_203], %add3A_201 {strides = array<i32>} : memref<32x1024xf32, #tpu.memory_space<vmem>>, vector<16xf32>,
      %get3A_205 = arith.index_cast %scan3A_56 : i32 to index
      %get3A_206 = arith.constant 240 : index
      %get3A_207 = tpu.vector_load %arg7[%get3A_205, %get3A_206] {strides = array<i32>} : memref<32x1024xf32, #tpu.memory_space<vmem>>, vector<16xf32>,
      %get3A_208 = arith.index_cast %scan3A_56 : i32 to index
      %get3A_209 = arith.constant 240 : index
      %get3A_210 = tpu.vector_load %arg8[%get3A_208, %get3A_209] {strides = array<i32>} : memref<32x1024xf32, #tpu.memory_space<vmem>>, vector<16xf32>,
      %add3A_211 = arith.addf %get3A_207, %get3A_210 : vector<16xf32>
      %swap3A_212 = arith.index_cast %scan3A_56 : i32 to index
      %swap3A_213 = arith.constant 240 : index
      %swap3A_214 = tpu.vector_load %arg7[%swap3A_212, %swap3A_213] {strides = array<i32>} : memref<32x1024xf32, #tpu.memory_space<vmem>>, vector<16xf32>,
      tpu.vector_store %arg7[%swap3A_212, %swap3A_213], %add3A_211 {strides = array<i32>} : memref<32x1024xf32, #tpu.memory_space<vmem>>, vector<16xf32>,
      %get3A_215 = arith.index_cast %scan3A_56 : i32 to index
      %get3A_216 = arith.constant 256 : index
      %get3A_217 = tpu.vector_load %arg7[%get3A_215, %get3A_216] {strides = array<i32>} : memref<32x1024xf32, #tpu.memory_space<vmem>>, vector<16xf32>,
      %get3A_218 = arith.index_cast %scan3A_56 : i32 to index
      %get3A_219 = arith.constant 256 : index
      %get3A_220 = tpu.vector_load %arg8[%get3A_218, %get3A_219] {strides = array<i32>} : memref<32x1024xf32, #tpu.memory_space<vmem>>, vector<16xf32>,
      %add3A_221 = arith.addf %get3A_217, %get3A_220 : vector<16xf32>
      %swap3A_222 = arith.index_cast %scan3A_56 : i32 to index
      %swap3A_223 = arith.constant 256 : index
      %swap3A_224 = tpu.vector_load %arg7[%swap3A_222, %swap3A_223] {strides = array<i32>} : memref<32x1024xf32, #tpu.memory_space<vmem>>, vector<16xf32>,
      tpu.vector_store %arg7[%swap3A_222, %swap3A_223], %add3A_221 {strides = array<i32>} : memref<32x1024xf32, #tpu.memory_space<vmem>>, vector<16xf32>,
      %get3A_225 = arith.index_cast %scan3A_56 : i32 to index
      %get3A_226 = arith.constant 272 : index
      %get3A_227 = tpu.vector_load %arg7[%get3A_225, %get3A_226] {strides = array<i32>} : memref<32x1024xf32, #tpu.memory_space<vmem>>, vector<16xf32>,
      %get3A_228 = arith.index_cast %scan3A_56 : i32 to index
      %get3A_229 = arith.constant 272 : index
      %get3A_230 = tpu.vector_load %arg8[%get3A_228, %get3A_229] {strides = array<i32>} : memref<32x1024xf32, #tpu.memory_space<vmem>>, vector<16xf32>,
      %add3A_231 = arith.addf %get3A_227, %get3A_230 : vector<16xf32>
      %swap3A_232 = arith.index_cast %scan3A_56 : i32 to index
      %swap3A_233 = arith.constant 272 : index
      %swap3A_234 = tpu.vector_load %arg7[%swap3A_232, %swap3A_233] {strides = array<i32>} : memref<32x1024xf32, #tpu.memory_space<vmem>>, vector<16xf32>,
      tpu.vector_store %arg7[%swap3A_232, %swap3A_233], %add3A_231 {strides = array<i32>} : memref<32x1024xf32, #tpu.memory_space<vmem>>, vector<16xf32>,
      %get3A_235 = arith.index_cast %scan3A_56 : i32 to index
      %get3A_236 = arith.constant 288 : index
      %get3A_237 = tpu.vector_load %arg7[%get3A_235, %get3A_236] {strides = array<i32>} : memref<32x1024xf32, #tpu.memory_space<vmem>>, vector<16xf32>,
      %get3A_238 = arith.index_cast %scan3A_56 : i32 to index
      %get3A_239 = arith.constant 288 : index
      %get3A_240 = tpu.vector_load %arg8[%get3A_238, %get3A_239] {strides = array<i32>} : memref<32x1024xf32, #tpu.memory_space<vmem>>, vector<16xf32>,
      %add3A_241 = arith.addf %get3A_237, %get3A_240 : vector<16xf32>
      %swap3A_242 = arith.index_cast %scan3A_56 : i32 to index
      %swap3A_243 = arith.constant 288 : index
      %swap3A_244 = tpu.vector_load %arg7[%swap3A_242, %swap3A_243] {strides = array<i32>} : memref<32x1024xf32, #tpu.memory_space<vmem>>, vector<16xf32>,
      tpu.vector_store %arg7[%swap3A_242, %swap3A_243], %add3A_241 {strides = array<i32>} : memref<32x1024xf32, #tpu.memory_space<vmem>>, vector<16xf32>,
      %get3A_245 = arith.index_cast %scan3A_56 : i32 to index
      %get3A_246 = arith.constant 304 : index
      %get3A_247 = tpu.vector_load %arg7[%get3A_245, %get3A_246] {strides = array<i32>} : memref<32x1024xf32, #tpu.memory_space<vmem>>, vector<16xf32>,
      %get3A_248 = arith.index_cast %scan3A_56 : i32 to index
      %get3A_249 = arith.constant 304 : index
      %get3A_250 = tpu.vector_load %arg8[%get3A_248, %get3A_249] {strides = array<i32>} : memref<32x1024xf32, #tpu.memory_space<vmem>>, vector<16xf32>,
      %add3A_251 = arith.addf %get3A_247, %get3A_250 : vector<16xf32>
      %swap3A_252 = arith.index_cast %scan3A_56 : i32 to index
      %swap3A_253 = arith.constant 304 : index
      %swap3A_254 = tpu.vector_load %arg7[%swap3A_252, %swap3A_253] {strides = array<i32>} : memref<32x1024xf32, #tpu.memory_space<vmem>>, vector<16xf32>,
      tpu.vector_store %arg7[%swap3A_252, %swap3A_253], %add3A_251 {strides = array<i32>} : memref<32x1024xf32, #tpu.memory_space<vmem>>, vector<16xf32>,
      %get3A_255 = arith.index_cast %scan3A_56 : i32 to index
      %get3A_256 = arith.constant 320 : index
      %get3A_257 = tpu.vector_load %arg7[%get3A_255, %get3A_256] {strides = array<i32>} : memref<32x1024xf32, #tpu.memory_space<vmem>>, vector<16xf32>,
      %get3A_258 = arith.index_cast %scan3A_56 : i32 to index
      %get3A_259 = arith.constant 320 : index
      %get3A_260 = tpu.vector_load %arg8[%get3A_258, %get3A_259] {strides = array<i32>} : memref<32x1024xf32, #tpu.memory_space<vmem>>, vector<16xf32>,
      %add3A_261 = arith.addf %get3A_257, %get3A_260 : vector<16xf32>
      %swap3A_262 = arith.index_cast %scan3A_56 : i32 to index
      %swap3A_263 = arith.constant 320 : index
      %swap3A_264 = tpu.vector_load %arg7[%swap3A_262, %swap3A_263] {strides = array<i32>} : memref<32x1024xf32, #tpu.memory_space<vmem>>, vector<16xf32>,
      tpu.vector_store %arg7[%swap3A_262, %swap3A_263], %add3A_261 {strides = array<i32>} : memref<32x1024xf32, #tpu.memory_space<vmem>>, vector<16xf32>,
      %get3A_265 = arith.index_cast %scan3A_56 : i32 to index
      %get3A_266 = arith.constant 336 : index
      %get3A_267 = tpu.vector_load %arg7[%get3A_265, %get3A_266] {strides = array<i32>} : memref<32x1024xf32, #tpu.memory_space<vmem>>, vector<16xf32>,
      %get3A_268 = arith.index_cast %scan3A_56 : i32 to index
      %get3A_269 = arith.constant 336 : index
      %get3A_270 = tpu.vector_load %arg8[%get3A_268, %get3A_269] {strides = array<i32>} : memref<32x1024xf32, #tpu.memory_space<vmem>>, vector<16xf32>,
      %add3A_271 = arith.addf %get3A_267, %get3A_270 : vector<16xf32>
      %swap3A_272 = arith.index_cast %scan3A_56 : i32 to index
      %swap3A_273 = arith.constant 336 : index
      %swap3A_274 = tpu.vector_load %arg7[%swap3A_272, %swap3A_273] {strides = array<i32>} : memref<32x1024xf32, #tpu.memory_space<vmem>>, vector<16xf32>,
      tpu.vector_store %arg7[%swap3A_272, %swap3A_273], %add3A_271 {strides = array<i32>} : memref<32x1024xf32, #tpu.memory_space<vmem>>, vector<16xf32>,
      %get3A_275 = arith.index_cast %scan3A_56 : i32 to index
      %get3A_276 = arith.constant 352 : index
      %get3A_277 = tpu.vector_load %arg7[%get3A_275, %get3A_276] {strides = array<i32>} : memref<32x1024xf32, #tpu.memory_space<vmem>>, vector<16xf32>,
      %get3A_278 = arith.index_cast %scan3A_56 : i32 to index
      %get3A_279 = arith.constant 352 : index
      %get3A_280 = tpu.vector_load %arg8[%get3A_278, %get3A_279] {strides = array<i32>} : memref<32x1024xf32, #tpu.memory_space<vmem>>, vector<16xf32>,
      %add3A_281 = arith.addf %get3A_277, %get3A_280 : vector<16xf32>
      %swap3A_282 = arith.index_cast %scan3A_56 : i32 to index
      %swap3A_283 = arith.constant 352 : index
      %swap3A_284 = tpu.vector_load %arg7[%swap3A_282, %swap3A_283] {strides = array<i32>} : memref<32x1024xf32, #tpu.memory_space<vmem>>, vector<16xf32>,
      tpu.vector_store %arg7[%swap3A_282, %swap3A_283], %add3A_281 {strides = array<i32>} : memref<32x1024xf32, #tpu.memory_space<vmem>>, vector<16xf32>,
      %get3A_285 = arith.index_cast %scan3A_56 : i32 to index
      %get3A_286 = arith.constant 368 : index
      %get3A_287 = tpu.vector_load %arg7[%get3A_285, %get3A_286] {strides = array<i32>} : memref<32x1024xf32, #tpu.memory_space<vmem>>, vector<16xf32>,
      %get3A_288 = arith.index_cast %scan3A_56 : i32 to index
      %get3A_289 = arith.constant 368 : index
      %get3A_290 = tpu.vector_load %arg8[%get3A_288, %get3A_289] {strides = array<i32>} : memref<32x1024xf32, #tpu.memory_space<vmem>>, vector<16xf32>,
      %add3A_291 = arith.addf %get3A_287, %get3A_290 : vector<16xf32>
      %swap3A_292 = arith.index_cast %scan3A_56 : i32 to index
      %swap3A_293 = arith.constant 368 : index
      %swap3A_294 = tpu.vector_load %arg7[%swap3A_292, %swap3A_293] {strides = array<i32>} : memref<32x1024xf32, #tpu.memory_space<vmem>>, vector<16xf32>,
      tpu.vector_store %arg7[%swap3A_292, %swap3A_293], %add3A_291 {strides = array<i32>} : memref<32x1024xf32, #tpu.memory_space<vmem>>, vector<16xf32>,
      %get3A_295 = arith.index_cast %scan3A_56 : i32 to index
      %get3A_296 = arith.constant 384 : index
      %get3A_297 = tpu.vector_load %arg7[%get3A_295, %get3A_296] {strides = array<i32>} : memref<32x1024xf32, #tpu.memory_space<vmem>>, vector<16xf32>,
      %get3A_298 = arith.index_cast %scan3A_56 : i32 to index
      %get3A_299 = arith.constant 384 : index
      %get3A_300 = tpu.vector_load %arg8[%get3A_298, %get3A_299] {strides = array<i32>} : memref<32x1024xf32, #tpu.memory_space<vmem>>, vector<16xf32>,
      %add3A_301 = arith.addf %get3A_297, %get3A_300 : vector<16xf32>
      %swap3A_302 = arith.index_cast %scan3A_56 : i32 to index
      %swap3A_303 = arith.constant 384 : index
      %swap3A_304 = tpu.vector_load %arg7[%swap3A_302, %swap3A_303] {strides = array<i32>} : memref<32x1024xf32, #tpu.memory_space<vmem>>, vector<16xf32>,
      tpu.vector_store %arg7[%swap3A_302, %swap3A_303], %add3A_301 {strides = array<i32>} : memref<32x1024xf32, #tpu.memory_space<vmem>>, vector<16xf32>,
      %get3A_305 = arith.index_cast %scan3A_56 : i32 to index
      %get3A_306 = arith.constant 400 : index
      %get3A_307 = tpu.vector_load %arg7[%get3A_305, %get3A_306] {strides = array<i32>} : memref<32x1024xf32, #tpu.memory_space<vmem>>, vector<16xf32>,
      %get3A_308 = arith.index_cast %scan3A_56 : i32 to index
      %get3A_309 = arith.constant 400 : index
      %get3A_310 = tpu.vector_load %arg8[%get3A_308, %get3A_309] {strides = array<i32>} : memref<32x1024xf32, #tpu.memory_space<vmem>>, vector<16xf32>,
      %add3A_311 = arith.addf %get3A_307, %get3A_310 : vector<16xf32>
      %swap3A_312 = arith.index_cast %scan3A_56 : i32 to index
      %swap3A_313 = arith.constant 400 : index
      %swap3A_314 = tpu.vector_load %arg7[%swap3A_312, %swap3A_313] {strides = array<i32>} : memref<32x1024xf32, #tpu.memory_space<vmem>>, vector<16xf32>,
      tpu.vector_store %arg7[%swap3A_312, %swap3A_313], %add3A_311 {strides = array<i32>} : memref<32x1024xf32, #tpu.memory_space<vmem>>, vector<16xf32>,
      %get3A_315 = arith.index_cast %scan3A_56 : i32 to index
      %get3A_316 = arith.constant 416 : index
      %get3A_317 = tpu.vector_load %arg7[%get3A_315, %get3A_316] {strides = array<i32>} : memref<32x1024xf32, #tpu.memory_space<vmem>>, vector<16xf32>,
      %get3A_318 = arith.index_cast %scan3A_56 : i32 to index
      %get3A_319 = arith.constant 416 : index
      %get3A_320 = tpu.vector_load %arg8[%get3A_318, %get3A_319] {strides = array<i32>} : memref<32x1024xf32, #tpu.memory_space<vmem>>, vector<16xf32>,
      %add3A_321 = arith.addf %get3A_317, %get3A_320 : vector<16xf32>
      %swap3A_322 = arith.index_cast %scan3A_56 : i32 to index
      %swap3A_323 = arith.constant 416 : index
      %swap3A_324 = tpu.vector_load %arg7[%swap3A_322, %swap3A_323] {strides = array<i32>} : memref<32x1024xf32, #tpu.memory_space<vmem>>, vector<16xf32>,
      tpu.vector_store %arg7[%swap3A_322, %swap3A_323], %add3A_321 {strides = array<i32>} : memref<32x1024xf32, #tpu.memory_space<vmem>>, vector<16xf32>,
      %get3A_325 = arith.index_cast %scan3A_56 : i32 to index
      %get3A_326 = arith.constant 432 : index
      %get3A_327 = tpu.vector_load %arg7[%get3A_325, %get3A_326] {strides = array<i32>} : memref<32x1024xf32, #tpu.memory_space<vmem>>, vector<16xf32>,
      %get3A_328 = arith.index_cast %scan3A_56 : i32 to index
      %get3A_329 = arith.constant 432 : index
      %get3A_330 = tpu.vector_load %arg8[%get3A_328, %get3A_329] {strides = array<i32>} : memref<32x1024xf32, #tpu.memory_space<vmem>>, vector<16xf32>,
      %add3A_331 = arith.addf %get3A_327, %get3A_330 : vector<16xf32>
      %swap3A_332 = arith.index_cast %scan3A_56 : i32 to index
      %swap3A_333 = arith.constant 432 : index
      %swap3A_334 = tpu.vector_load %arg7[%swap3A_332, %swap3A_333] {strides = array<i32>} : memref<32x1024xf32, #tpu.memory_space<vmem>>, vector<16xf32>,
      tpu.vector_store %arg7[%swap3A_332, %swap3A_333], %add3A_331 {strides = array<i32>} : memref<32x1024xf32, #tpu.memory_space<vmem>>, vector<16xf32>,
      %get3A_335 = arith.index_cast %scan3A_56 : i32 to index
      %get3A_336 = arith.constant 448 : index
      %get3A_337 = tpu.vector_load %arg7[%get3A_335, %get3A_336] {strides = array<i32>} : memref<32x1024xf32, #tpu.memory_space<vmem>>, vector<16xf32>,
      %get3A_338 = arith.index_cast %scan3A_56 : i32 to index
      %get3A_339 = arith.constant 448 : index
      %get3A_340 = tpu.vector_load %arg8[%get3A_338, %get3A_339] {strides = array<i32>} : memref<32x1024xf32, #tpu.memory_space<vmem>>, vector<16xf32>,
      %add3A_341 = arith.addf %get3A_337, %get3A_340 : vector<16xf32>
      %swap3A_342 = arith.index_cast %scan3A_56 : i32 to index
      %swap3A_343 = arith.constant 448 : index
      %swap3A_344 = tpu.vector_load %arg7[%swap3A_342, %swap3A_343] {strides = array<i32>} : memref<32x1024xf32, #tpu.memory_space<vmem>>, vector<16xf32>,
      tpu.vector_store %arg7[%swap3A_342, %swap3A_343], %add3A_341 {strides = array<i32>} : memref<32x1024xf32, #tpu.memory_space<vmem>>, vector<16xf32>,
      %get3A_345 = arith.index_cast %scan3A_56 : i32 to index
      %get3A_346 = arith.constant 464 : index
      %get3A_347 = tpu.vector_load %arg7[%get3A_345, %get3A_346] {strides = array<i32>} : memref<32x1024xf32, #tpu.memory_space<vmem>>, vector<16xf32>,
      %get3A_348 = arith.index_cast %scan3A_56 : i32 to index
      %get3A_349 = arith.constant 464 : index
      %get3A_350 = tpu.vector_load %arg8[%get3A_348, %get3A_349] {strides = array<i32>} : memref<32x1024xf32, #tpu.memory_space<vmem>>, vector<16xf32>,
      %add3A_351 = arith.addf %get3A_347, %get3A_350 : vector<16xf32>
      %swap3A_352 = arith.index_cast %scan3A_56 : i32 to index
      %swap3A_353 = arith.constant 464 : index
      %swap3A_354 = tpu.vector_load %arg7[%swap3A_352, %swap3A_353] {strides = array<i32>} : memref<32x1024xf32, #tpu.memory_space<vmem>>, vector<16xf32>,
      tpu.vector_store %arg7[%swap3A_352, %swap3A_353], %add3A_351 {strides = array<i32>} : memref<32x1024xf32, #tpu.memory_space<vmem>>, vector<16xf32>,
      %get3A_355 = arith.index_cast %scan3A_56 : i32 to index
      %get3A_356 = arith.constant 480 : index
      %get3A_357 = tpu.vector_load %arg7[%get3A_355, %get3A_356] {strides = array<i32>} : memref<32x1024xf32, #tpu.memory_space<vmem>>, vector<16xf32>,
      %get3A_358 = arith.index_cast %scan3A_56 : i32 to index
      %get3A_359 = arith.constant 480 : index
      %get3A_360 = tpu.vector_load %arg8[%get3A_358, %get3A_359] {strides = array<i32>} : memref<32x1024xf32, #tpu.memory_space<vmem>>, vector<16xf32>,
      %add3A_361 = arith.addf %get3A_357, %get3A_360 : vector<16xf32>
      %swap3A_362 = arith.index_cast %scan3A_56 : i32 to index
      %swap3A_363 = arith.constant 480 : index
      %swap3A_364 = tpu.vector_load %arg7[%swap3A_362, %swap3A_363] {strides = array<i32>} : memref<32x1024xf32, #tpu.memory_space<vmem>>, vector<16xf32>,
      tpu.vector_store %arg7[%swap3A_362, %swap3A_363], %add3A_361 {strides = array<i32>} : memref<32x1024xf32, #tpu.memory_space<vmem>>, vector<16xf32>,
      %get3A_365 = arith.index_cast %scan3A_56 : i32 to index
      %get3A_366 = arith.constant 496 : index
      %get3A_367 = tpu.vector_load %arg7[%get3A_365, %get3A_366] {strides = array<i32>} : memref<32x1024xf32, #tpu.memory_space<vmem>>, vector<16xf32>,
      %get3A_368 = arith.index_cast %scan3A_56 : i32 to index
      %get3A_369 = arith.constant 496 : index
      %get3A_370 = tpu.vector_load %arg8[%get3A_368, %get3A_369] {strides = array<i32>} : memref<32x1024xf32, #tpu.memory_space<vmem>>, vector<16xf32>,
      %add3A_371 = arith.addf %get3A_367, %get3A_370 : vector<16xf32>
      %swap3A_372 = arith.index_cast %scan3A_56 : i32 to index
      %swap3A_373 = arith.constant 496 : index
      %swap3A_374 = tpu.vector_load %arg7[%swap3A_372, %swap3A_373] {strides = array<i32>} : memref<32x1024xf32, #tpu.memory_space<vmem>>, vector<16xf32>,
      tpu.vector_store %arg7[%swap3A_372, %swap3A_373], %add3A_371 {strides = array<i32>} : memref<32x1024xf32, #tpu.memory_space<vmem>>, vector<16xf32>,
      %get3A_375 = arith.index_cast %scan3A_56 : i32 to index
      %get3A_376 = arith.constant 512 : index
      %get3A_377 = tpu.vector_load %arg7[%get3A_375, %get3A_376] {strides = array<i32>} : memref<32x1024xf32, #tpu.memory_space<vmem>>, vector<16xf32>,
      %get3A_378 = arith.index_cast %scan3A_56 : i32 to index
      %get3A_379 = arith.constant 512 : index
      %get3A_380 = tpu.vector_load %arg8[%get3A_378, %get3A_379] {strides = array<i32>} : memref<32x1024xf32, #tpu.memory_space<vmem>>, vector<16xf32>,
      %add3A_381 = arith.addf %get3A_377, %get3A_380 : vector<16xf32>
      %swap3A_382 = arith.index_cast %scan3A_56 : i32 to index
      %swap3A_383 = arith.constant 512 : index
      %swap3A_384 = tpu.vector_load %arg7[%swap3A_382, %swap3A_383] {strides = array<i32>} : memref<32x1024xf32, #tpu.memory_space<vmem>>, vector<16xf32>,
      tpu.vector_store %arg7[%swap3A_382, %swap3A_383], %add3A_381 {strides = array<i32>} : memref<32x1024xf32, #tpu.memory_space<vmem>>, vector<16xf32>,
      %get3A_385 = arith.index_cast %scan3A_56 : i32 to index
      %get3A_386 = arith.constant 528 : index
      %get3A_387 = tpu.vector_load %arg7[%get3A_385, %get3A_386] {strides = array<i32>} : memref<32x1024xf32, #tpu.memory_space<vmem>>, vector<16xf32>,
      %get3A_388 = arith.index_cast %scan3A_56 : i32 to index
      %get3A_389 = arith.constant 528 : index
      %get3A_390 = tpu.vector_load %arg8[%get3A_388, %get3A_389] {strides = array<i32>} : memref<32x1024xf32, #tpu.memory_space<vmem>>, vector<16xf32>,
      %add3A_391 = arith.addf %get3A_387, %get3A_390 : vector<16xf32>
      %swap3A_392 = arith.index_cast %scan3A_56 : i32 to index
      %swap3A_393 = arith.constant 528 : index
      %swap3A_394 = tpu.vector_load %arg7[%swap3A_392, %swap3A_393] {strides = array<i32>} : memref<32x1024xf32, #tpu.memory_space<vmem>>, vector<16xf32>,
      tpu.vector_store %arg7[%swap3A_392, %swap3A_393], %add3A_391 {strides = array<i32>} : memref<32x1024xf32, #tpu.memory_space<vmem>>, vector<16xf32>,
      %get3A_395 = arith.index_cast %scan3A_56 : i32 to index
      %get3A_396 = arith.constant 544 : index
      %get3A_397 = tpu.vector_load %arg7[%get3A_395, %get3A_396] {strides = array<i32>} : memref<32x1024xf32, #tpu.memory_space<vmem>>, vector<16xf32>,
      %get3A_398 = arith.index_cast %scan3A_56 : i32 to index
      %get3A_399 = arith.constant 544 : index
      %get3A_400 = tpu.vector_load %arg8[%get3A_398, %get3A_399] {strides = array<i32>} : memref<32x1024xf32, #tpu.memory_space<vmem>>, vector<16xf32>,
      %add3A_401 = arith.addf %get3A_397, %get3A_400 : vector<16xf32>
      %swap3A_402 = arith.index_cast %scan3A_56 : i32 to index
      %swap3A_403 = arith.constant 544 : index
      %swap3A_404 = tpu.vector_load %arg7[%swap3A_402, %swap3A_403] {strides = array<i32>} : memref<32x1024xf32, #tpu.memory_space<vmem>>, vector<16xf32>,
      tpu.vector_store %arg7[%swap3A_402, %swap3A_403], %add3A_401 {strides = array<i32>} : memref<32x1024xf32, #tpu.memory_space<vmem>>, vector<16xf32>,
      %get3A_405 = arith.index_cast %scan3A_56 : i32 to index
      %get3A_406 = arith.constant 560 : index
      %get3A_407 = tpu.vector_load %arg7[%get3A_405, %get3A_406] {strides = array<i32>} : memref<32x1024xf32, #tpu.memory_space<vmem>>, vector<16xf32>,
      %get3A_408 = arith.index_cast %scan3A_56 : i32 to index
      %get3A_409 = arith.constant 560 : index
      %get3A_410 = tpu.vector_load %arg8[%get3A_408, %get3A_409] {strides = array<i32>} : memref<32x1024xf32, #tpu.memory_space<vmem>>, vector<16xf32>,
      %add3A_411 = arith.addf %get3A_407, %get3A_410 : vector<16xf32>
      %swap3A_412 = arith.index_cast %scan3A_56 : i32 to index
      %swap3A_413 = arith.constant 560 : index
      %swap3A_414 = tpu.vector_load %arg7[%swap3A_412, %swap3A_413] {strides = array<i32>} : memref<32x1024xf32, #tpu.memory_space<vmem>>, vector<16xf32>,
      tpu.vector_store %arg7[%swap3A_412, %swap3A_413], %add3A_411 {strides = array<i32>} : memref<32x1024xf32, #tpu.memory_space<vmem>>, vector<16xf32>,
      %get3A_415 = arith.index_cast %scan3A_56 : i32 to index
      %get3A_416 = arith.constant 576 : index
      %get3A_417 = tpu.vector_load %arg7[%get3A_415, %get3A_416] {strides = array<i32>} : memref<32x1024xf32, #tpu.memory_space<vmem>>, vector<16xf32>,
      %get3A_418 = arith.index_cast %scan3A_56 : i32 to index
      %get3A_419 = arith.constant 576 : index
      %get3A_420 = tpu.vector_load %arg8[%get3A_418, %get3A_419] {strides = array<i32>} : memref<32x1024xf32, #tpu.memory_space<vmem>>, vector<16xf32>,
      %add3A_421 = arith.addf %get3A_417, %get3A_420 : vector<16xf32>
      %swap3A_422 = arith.index_cast %scan3A_56 : i32 to index
      %swap3A_423 = arith.constant 576 : index
      %swap3A_424 = tpu.vector_load %arg7[%swap3A_422, %swap3A_423] {strides = array<i32>} : memref<32x1024xf32, #tpu.memory_space<vmem>>, vector<16xf32>,
      tpu.vector_store %arg7[%swap3A_422, %swap3A_423], %add3A_421 {strides = array<i32>} : memref<32x1024xf32, #tpu.memory_space<vmem>>, vector<16xf32>,
      %get3A_425 = arith.index_cast %scan3A_56 : i32 to index
      %get3A_426 = arith.constant 592 : index
      %get3A_427 = tpu.vector_load %arg7[%get3A_425, %get3A_426] {strides = array<i32>} : memref<32x1024xf32, #tpu.memory_space<vmem>>, vector<16xf32>,
      %get3A_428 = arith.index_cast %scan3A_56 : i32 to index
      %get3A_429 = arith.constant 592 : index
      %get3A_430 = tpu.vector_load %arg8[%get3A_428, %get3A_429] {strides = array<i32>} : memref<32x1024xf32, #tpu.memory_space<vmem>>, vector<16xf32>,
      %add3A_431 = arith.addf %get3A_427, %get3A_430 : vector<16xf32>
      %swap3A_432 = arith.index_cast %scan3A_56 : i32 to index
      %swap3A_433 = arith.constant 592 : index
      %swap3A_434 = tpu.vector_load %arg7[%swap3A_432, %swap3A_433] {strides = array<i32>} : memref<32x1024xf32, #tpu.memory_space<vmem>>, vector<16xf32>,
      tpu.vector_store %arg7[%swap3A_432, %swap3A_433], %add3A_431 {strides = array<i32>} : memref<32x1024xf32, #tpu.memory_space<vmem>>, vector<16xf32>,
      %get3A_435 = arith.index_cast %scan3A_56 : i32 to index
      %get3A_436 = arith.constant 608 : index
      %get3A_437 = tpu.vector_load %arg7[%get3A_435, %get3A_436] {strides = array<i32>} : memref<32x1024xf32, #tpu.memory_space<vmem>>, vector<16xf32>,
      %get3A_438 = arith.index_cast %scan3A_56 : i32 to index
      %get3A_439 = arith.constant 608 : index
      %get3A_440 = tpu.vector_load %arg8[%get3A_438, %get3A_439] {strides = array<i32>} : memref<32x1024xf32, #tpu.memory_space<vmem>>, vector<16xf32>,
      %add3A_441 = arith.addf %get3A_437, %get3A_440 : vector<16xf32>
      %swap3A_442 = arith.index_cast %scan3A_56 : i32 to index
      %swap3A_443 = arith.constant 608 : index
      %swap3A_444 = tpu.vector_load %arg7[%swap3A_442, %swap3A_443] {strides = array<i32>} : memref<32x1024xf32, #tpu.memory_space<vmem>>, vector<16xf32>,
      tpu.vector_store %arg7[%swap3A_442, %swap3A_443], %add3A_441 {strides = array<i32>} : memref<32x1024xf32, #tpu.memory_space<vmem>>, vector<16xf32>,
      %get3A_445 = arith.index_cast %scan3A_56 : i32 to index
      %get3A_446 = arith.constant 624 : index
      %get3A_447 = tpu.vector_load %arg7[%get3A_445, %get3A_446] {strides = array<i32>} : memref<32x1024xf32, #tpu.memory_space<vmem>>, vector<16xf32>,
      %get3A_448 = arith.index_cast %scan3A_56 : i32 to index
      %get3A_449 = arith.constant 624 : index
      %get3A_450 = tpu.vector_load %arg8[%get3A_448, %get3A_449] {strides = array<i32>} : memref<32x1024xf32, #tpu.memory_space<vmem>>, vector<16xf32>,
      %add3A_451 = arith.addf %get3A_447, %get3A_450 : vector<16xf32>
      %swap3A_452 = arith.index_cast %scan3A_56 : i32 to index
      %swap3A_453 = arith.constant 624 : index
      %swap3A_454 = tpu.vector_load %arg7[%swap3A_452, %swap3A_453] {strides = array<i32>} : memref<32x1024xf32, #tpu.memory_space<vmem>>, vector<16xf32>,
      tpu.vector_store %arg7[%swap3A_452, %swap3A_453], %add3A_451 {strides = array<i32>} : memref<32x1024xf32, #tpu.memory_space<vmem>>, vector<16xf32>,
      %get3A_455 = arith.index_cast %scan3A_56 : i32 to index
      %get3A_456 = arith.constant 640 : index
      %get3A_457 = tpu.vector_load %arg7[%get3A_455, %get3A_456] {strides = array<i32>} : memref<32x1024xf32, #tpu.memory_space<vmem>>, vector<16xf32>,
      %get3A_458 = arith.index_cast %scan3A_56 : i32 to index
      %get3A_459 = arith.constant 640 : index
      %get3A_460 = tpu.vector_load %arg8[%get3A_458, %get3A_459] {strides = array<i32>} : memref<32x1024xf32, #tpu.memory_space<vmem>>, vector<16xf32>,
      %add3A_461 = arith.addf %get3A_457, %get3A_460 : vector<16xf32>
      %swap3A_462 = arith.index_cast %scan3A_56 : i32 to index
      %swap3A_463 = arith.constant 640 : index
      %swap3A_464 = tpu.vector_load %arg7[%swap3A_462, %swap3A_463] {strides = array<i32>} : memref<32x1024xf32, #tpu.memory_space<vmem>>, vector<16xf32>,
      tpu.vector_store %arg7[%swap3A_462, %swap3A_463], %add3A_461 {strides = array<i32>} : memref<32x1024xf32, #tpu.memory_space<vmem>>, vector<16xf32>,
      %get3A_465 = arith.index_cast %scan3A_56 : i32 to index
      %get3A_466 = arith.constant 656 : index
      %get3A_467 = tpu.vector_load %arg7[%get3A_465, %get3A_466] {strides = array<i32>} : memref<32x1024xf32, #tpu.memory_space<vmem>>, vector<16xf32>,
      %get3A_468 = arith.index_cast %scan3A_56 : i32 to index
      %get3A_469 = arith.constant 656 : index
      %get3A_470 = tpu.vector_load %arg8[%get3A_468, %get3A_469] {strides = array<i32>} : memref<32x1024xf32, #tpu.memory_space<vmem>>, vector<16xf32>,
      %add3A_471 = arith.addf %get3A_467, %get3A_470 : vector<16xf32>
      %swap3A_472 = arith.index_cast %scan3A_56 : i32 to index
      %swap3A_473 = arith.constant 656 : index
      %swap3A_474 = tpu.vector_load %arg7[%swap3A_472, %swap3A_473] {strides = array<i32>} : memref<32x1024xf32, #tpu.memory_space<vmem>>, vector<16xf32>,
      tpu.vector_store %arg7[%swap3A_472, %swap3A_473], %add3A_471 {strides = array<i32>} : memref<32x1024xf32, #tpu.memory_space<vmem>>, vector<16xf32>,
      %get3A_475 = arith.index_cast %scan3A_56 : i32 to index
      %get3A_476 = arith.constant 672 : index
      %get3A_477 = tpu.vector_load %arg7[%get3A_475, %get3A_476] {strides = array<i32>} : memref<32x1024xf32, #tpu.memory_space<vmem>>, vector<16xf32>,
      %get3A_478 = arith.index_cast %scan3A_56 : i32 to index
      %get3A_479 = arith.constant 672 : index
      %get3A_480 = tpu.vector_load %arg8[%get3A_478, %get3A_479] {strides = array<i32>} : memref<32x1024xf32, #tpu.memory_space<vmem>>, vector<16xf32>,
      %add3A_481 = arith.addf %get3A_477, %get3A_480 : vector<16xf32>
      %swap3A_482 = arith.index_cast %scan3A_56 : i32 to index
      %swap3A_483 = arith.constant 672 : index
      %swap3A_484 = tpu.vector_load %arg7[%swap3A_482, %swap3A_483] {strides = array<i32>} : memref<32x1024xf32, #tpu.memory_space<vmem>>, vector<16xf32>,
      tpu.vector_store %arg7[%swap3A_482, %swap3A_483], %add3A_481 {strides = array<i32>} : memref<32x1024xf32, #tpu.memory_space<vmem>>, vector<16xf32>,
      %get3A_485 = arith.index_cast %scan3A_56 : i32 to index
      %get3A_486 = arith.constant 688 : index
      %get3A_487 = tpu.vector_load %arg7[%get3A_485, %get3A_486] {strides = array<i32>} : memref<32x1024xf32, #tpu.memory_space<vmem>>, vector<16xf32>,
      %get3A_488 = arith.index_cast %scan3A_56 : i32 to index
      %get3A_489 = arith.constant 688 : index
      %get3A_490 = tpu.vector_load %arg8[%get3A_488, %get3A_489] {strides = array<i32>} : memref<32x1024xf32, #tpu.memory_space<vmem>>, vector<16xf32>,
      %add3A_491 = arith.addf %get3A_487, %get3A_490 : vector<16xf32>
      %swap3A_492 = arith.index_cast %scan3A_56 : i32 to index
      %swap3A_493 = arith.constant 688 : index
      %swap3A_494 = tpu.vector_load %arg7[%swap3A_492, %swap3A_493] {strides = array<i32>} : memref<32x1024xf32, #tpu.memory_space<vmem>>, vector<16xf32>,
      tpu.vector_store %arg7[%swap3A_492, %swap3A_493], %add3A_491 {strides = array<i32>} : memref<32x1024xf32, #tpu.memory_space<vmem>>, vector<16xf32>,
      %get3A_495 = arith.index_cast %scan3A_56 : i32 to index
      %get3A_496 = arith.constant 704 : index
      %get3A_497 = tpu.vector_load %arg7[%get3A_495, %get3A_496] {strides = array<i32>} : memref<32x1024xf32, #tpu.memory_space<vmem>>, vector<16xf32>,
      %get3A_498 = arith.index_cast %scan3A_56 : i32 to index
      %get3A_499 = arith.constant 704 : index
      %get3A_500 = tpu.vector_load %arg8[%get3A_498, %get3A_499] {strides = array<i32>} : memref<32x1024xf32, #tpu.memory_space<vmem>>, vector<16xf32>,
      %add3A_501 = arith.addf %get3A_497, %get3A_500 : vector<16xf32>
      %swap3A_502 = arith.index_cast %scan3A_56 : i32 to index
      %swap3A_503 = arith.constant 704 : index
      %swap3A_504 = tpu.vector_load %arg7[%swap3A_502, %swap3A_503] {strides = array<i32>} : memref<32x1024xf32, #tpu.memory_space<vmem>>, vector<16xf32>,
      tpu.vector_store %arg7[%swap3A_502, %swap3A_503], %add3A_501 {strides = array<i32>} : memref<32x1024xf32, #tpu.memory_space<vmem>>, vector<16xf32>,
      %get3A_505 = arith.index_cast %scan3A_56 : i32 to index
      %get3A_506 = arith.constant 720 : index
      %get3A_507 = tpu.vector_load %arg7[%get3A_505, %get3A_506] {strides = array<i32>} : memref<32x1024xf32, #tpu.memory_space<vmem>>, vector<16xf32>,
      %get3A_508 = arith.index_cast %scan3A_56 : i32 to index
      %get3A_509 = arith.constant 720 : index
      %get3A_510 = tpu.vector_load %arg8[%get3A_508, %get3A_509] {strides = array<i32>} : memref<32x1024xf32, #tpu.memory_space<vmem>>, vector<16xf32>,
      %add3A_511 = arith.addf %get3A_507, %get3A_510 : vector<16xf32>
      %swap3A_512 = arith.index_cast %scan3A_56 : i32 to index
      %swap3A_513 = arith.constant 720 : index
      %swap3A_514 = tpu.vector_load %arg7[%swap3A_512, %swap3A_513] {strides = array<i32>} : memref<32x1024xf32, #tpu.memory_space<vmem>>, vector<16xf32>,
      tpu.vector_store %arg7[%swap3A_512, %swap3A_513], %add3A_511 {strides = array<i32>} : memref<32x1024xf32, #tpu.memory_space<vmem>>, vector<16xf32>,
      %get3A_515 = arith.index_cast %scan3A_56 : i32 to index
      %get3A_516 = arith.constant 736 : index
      %get3A_517 = tpu.vector_load %arg7[%get3A_515, %get3A_516] {strides = array<i32>} : memref<32x1024xf32, #tpu.memory_space<vmem>>, vector<16xf32>,
      %get3A_518 = arith.index_cast %scan3A_56 : i32 to index
      %get3A_519 = arith.constant 736 : index
      %get3A_520 = tpu.vector_load %arg8[%get3A_518, %get3A_519] {strides = array<i32>} : memref<32x1024xf32, #tpu.memory_space<vmem>>, vector<16xf32>,
      %add3A_521 = arith.addf %get3A_517, %get3A_520 : vector<16xf32>
      %swap3A_522 = arith.index_cast %scan3A_56 : i32 to index
      %swap3A_523 = arith.constant 736 : index
      %swap3A_524 = tpu.vector_load %arg7[%swap3A_522, %swap3A_523] {strides = array<i32>} : memref<32x1024xf32, #tpu.memory_space<vmem>>, vector<16xf32>,
      tpu.vector_store %arg7[%swap3A_522, %swap3A_523], %add3A_521 {strides = array<i32>} : memref<32x1024xf32, #tpu.memory_space<vmem>>, vector<16xf32>,
      %get3A_525 = arith.index_cast %scan3A_56 : i32 to index
      %get3A_526 = arith.constant 752 : index
      %get3A_527 = tpu.vector_load %arg7[%get3A_525, %get3A_526] {strides = array<i32>} : memref<32x1024xf32, #tpu.memory_space<vmem>>, vector<16xf32>,
      %get3A_528 = arith.index_cast %scan3A_56 : i32 to index
      %get3A_529 = arith.constant 752 : index
      %get3A_530 = tpu.vector_load %arg8[%get3A_528, %get3A_529] {strides = array<i32>} : memref<32x1024xf32, #tpu.memory_space<vmem>>, vector<16xf32>,
      %add3A_531 = arith.addf %get3A_527, %get3A_530 : vector<16xf32>
      %swap3A_532 = arith.index_cast %scan3A_56 : i32 to index
      %swap3A_533 = arith.constant 752 : index
      %swap3A_534 = tpu.vector_load %arg7[%swap3A_532, %swap3A_533] {strides = array<i32>} : memref<32x1024xf32, #tpu.memory_space<vmem>>, vector<16xf32>,
      tpu.vector_store %arg7[%swap3A_532, %swap3A_533], %add3A_531 {strides = array<i32>} : memref<32x1024xf32, #tpu.memory_space<vmem>>, vector<16xf32>,
      %get3A_535 = arith.index_cast %scan3A_56 : i32 to index
      %get3A_536 = arith.constant 768 : index
      %get3A_537 = tpu.vector_load %arg7[%get3A_535, %get3A_536] {strides = array<i32>} : memref<32x1024xf32, #tpu.memory_space<vmem>>, vector<16xf32>,
      %get3A_538 = arith.index_cast %scan3A_56 : i32 to index
      %get3A_539 = arith.constant 768 : index
      %get3A_540 = tpu.vector_load %arg8[%get3A_538, %get3A_539] {strides = array<i32>} : memref<32x1024xf32, #tpu.memory_space<vmem>>, vector<16xf32>,
      %add3A_541 = arith.addf %get3A_537, %get3A_540 : vector<16xf32>
      %swap3A_542 = arith.index_cast %scan3A_56 : i32 to index
      %swap3A_543 = arith.constant 768 : index
      %swap3A_544 = tpu.vector_load %arg7[%swap3A_542, %swap3A_543] {strides = array<i32>} : memref<32x1024xf32, #tpu.memory_space<vmem>>, vector<16xf32>,
      tpu.vector_store %arg7[%swap3A_542, %swap3A_543], %add3A_541 {strides = array<i32>} : memref<32x1024xf32, #tpu.memory_space<vmem>>, vector<16xf32>,
      %get3A_545 = arith.index_cast %scan3A_56 : i32 to index
      %get3A_546 = arith.constant 784 : index
      %get3A_547 = tpu.vector_load %arg7[%get3A_545, %get3A_546] {strides = array<i32>} : memref<32x1024xf32, #tpu.memory_space<vmem>>, vector<16xf32>,
      %get3A_548 = arith.index_cast %scan3A_56 : i32 to index
      %get3A_549 = arith.constant 784 : index
      %get3A_550 = tpu.vector_load %arg8[%get3A_548, %get3A_549] {strides = array<i32>} : memref<32x1024xf32, #tpu.memory_space<vmem>>, vector<16xf32>,
      %add3A_551 = arith.addf %get3A_547, %get3A_550 : vector<16xf32>
      %swap3A_552 = arith.index_cast %scan3A_56 : i32 to index
      %swap3A_553 = arith.constant 784 : index
      %swap3A_554 = tpu.vector_load %arg7[%swap3A_552, %swap3A_553] {strides = array<i32>} : memref<32x1024xf32, #tpu.memory_space<vmem>>, vector<16xf32>,
      tpu.vector_store %arg7[%swap3A_552, %swap3A_553], %add3A_551 {strides = array<i32>} : memref<32x1024xf32, #tpu.memory_space<vmem>>, vector<16xf32>,
      %get3A_555 = arith.index_cast %scan3A_56 : i32 to index
      %get3A_556 = arith.constant 800 : index
      %get3A_557 = tpu.vector_load %arg7[%get3A_555, %get3A_556] {strides = array<i32>} : memref<32x1024xf32, #tpu.memory_space<vmem>>, vector<16xf32>,
      %get3A_558 = arith.index_cast %scan3A_56 : i32 to index
      %get3A_559 = arith.constant 800 : index
      %get3A_560 = tpu.vector_load %arg8[%get3A_558, %get3A_559] {strides = array<i32>} : memref<32x1024xf32, #tpu.memory_space<vmem>>, vector<16xf32>,
      %add3A_561 = arith.addf %get3A_557, %get3A_560 : vector<16xf32>
      %swap3A_562 = arith.index_cast %scan3A_56 : i32 to index
      %swap3A_563 = arith.constant 800 : index
      %swap3A_564 = tpu.vector_load %arg7[%swap3A_562, %swap3A_563] {strides = array<i32>} : memref<32x1024xf32, #tpu.memory_space<vmem>>, vector<16xf32>,
      tpu.vector_store %arg7[%swap3A_562, %swap3A_563], %add3A_561 {strides = array<i32>} : memref<32x1024xf32, #tpu.memory_space<vmem>>, vector<16xf32>,
      %get3A_565 = arith.index_cast %scan3A_56 : i32 to index
      %get3A_566 = arith.constant 816 : index
      %get3A_567 = tpu.vector_load %arg7[%get3A_565, %get3A_566] {strides = array<i32>} : memref<32x1024xf32, #tpu.memory_space<vmem>>, vector<16xf32>,
      %get3A_568 = arith.index_cast %scan3A_56 : i32 to index
      %get3A_569 = arith.constant 816 : index
      %get3A_570 = tpu.vector_load %arg8[%get3A_568, %get3A_569] {strides = array<i32>} : memref<32x1024xf32, #tpu.memory_space<vmem>>, vector<16xf32>,
      %add3A_571 = arith.addf %get3A_567, %get3A_570 : vector<16xf32>
      %swap3A_572 = arith.index_cast %scan3A_56 : i32 to index
      %swap3A_573 = arith.constant 816 : index
      %swap3A_574 = tpu.vector_load %arg7[%swap3A_572, %swap3A_573] {strides = array<i32>} : memref<32x1024xf32, #tpu.memory_space<vmem>>, vector<16xf32>,
      tpu.vector_store %arg7[%swap3A_572, %swap3A_573], %add3A_571 {strides = array<i32>} : memref<32x1024xf32, #tpu.memory_space<vmem>>, vector<16xf32>,
      %get3A_575 = arith.index_cast %scan3A_56 : i32 to index
      %get3A_576 = arith.constant 832 : index
      %get3A_577 = tpu.vector_load %arg7[%get3A_575, %get3A_576] {strides = array<i32>} : memref<32x1024xf32, #tpu.memory_space<vmem>>, vector<16xf32>,
      %get3A_578 = arith.index_cast %scan3A_56 : i32 to index
      %get3A_579 = arith.constant 832 : index
      %get3A_580 = tpu.vector_load %arg8[%get3A_578, %get3A_579] {strides = array<i32>} : memref<32x1024xf32, #tpu.memory_space<vmem>>, vector<16xf32>,
      %add3A_581 = arith.addf %get3A_577, %get3A_580 : vector<16xf32>
      %swap3A_582 = arith.index_cast %scan3A_56 : i32 to index
      %swap3A_583 = arith.constant 832 : index
      %swap3A_584 = tpu.vector_load %arg7[%swap3A_582, %swap3A_583] {strides = array<i32>} : memref<32x1024xf32, #tpu.memory_space<vmem>>, vector<16xf32>,
      tpu.vector_store %arg7[%swap3A_582, %swap3A_583], %add3A_581 {strides = array<i32>} : memref<32x1024xf32, #tpu.memory_space<vmem>>, vector<16xf32>,
      %get3A_585 = arith.index_cast %scan3A_56 : i32 to index
      %get3A_586 = arith.constant 848 : index
      %get3A_587 = tpu.vector_load %arg7[%get3A_585, %get3A_586] {strides = array<i32>} : memref<32x1024xf32, #tpu.memory_space<vmem>>, vector<16xf32>,
      %get3A_588 = arith.index_cast %scan3A_56 : i32 to index
      %get3A_589 = arith.constant 848 : index
      %get3A_590 = tpu.vector_load %arg8[%get3A_588, %get3A_589] {strides = array<i32>} : memref<32x1024xf32, #tpu.memory_space<vmem>>, vector<16xf32>,
      %add3A_591 = arith.addf %get3A_587, %get3A_590 : vector<16xf32>
      %swap3A_592 = arith.index_cast %scan3A_56 : i32 to index
      %swap3A_593 = arith.constant 848 : index
      %swap3A_594 = tpu.vector_load %arg7[%swap3A_592, %swap3A_593] {strides = array<i32>} : memref<32x1024xf32, #tpu.memory_space<vmem>>, vector<16xf32>,
      tpu.vector_store %arg7[%swap3A_592, %swap3A_593], %add3A_591 {strides = array<i32>} : memref<32x1024xf32, #tpu.memory_space<vmem>>, vector<16xf32>,
      %get3A_595 = arith.index_cast %scan3A_56 : i32 to index
      %get3A_596 = arith.constant 864 : index
      %get3A_597 = tpu.vector_load %arg7[%get3A_595, %get3A_596] {strides = array<i32>} : memref<32x1024xf32, #tpu.memory_space<vmem>>, vector<16xf32>,
      %get3A_598 = arith.index_cast %scan3A_56 : i32 to index
      %get3A_599 = arith.constant 864 : index
      %get3A_600 = tpu.vector_load %arg8[%get3A_598, %get3A_599] {strides = array<i32>} : memref<32x1024xf32, #tpu.memory_space<vmem>>, vector<16xf32>,
      %add3A_601 = arith.addf %get3A_597, %get3A_600 : vector<16xf32>
      %swap3A_602 = arith.index_cast %scan3A_56 : i32 to index
      %swap3A_603 = arith.constant 864 : index
      %swap3A_604 = tpu.vector_load %arg7[%swap3A_602, %swap3A_603] {strides = array<i32>} : memref<32x1024xf32, #tpu.memory_space<vmem>>, vector<16xf32>,
      tpu.vector_store %arg7[%swap3A_602, %swap3A_603], %add3A_601 {strides = array<i32>} : memref<32x1024xf32, #tpu.memory_space<vmem>>, vector<16xf32>,
      %get3A_605 = arith.index_cast %scan3A_56 : i32 to index
      %get3A_606 = arith.constant 880 : index
      %get3A_607 = tpu.vector_load %arg7[%get3A_605, %get3A_606] {strides = array<i32>} : memref<32x1024xf32, #tpu.memory_space<vmem>>, vector<16xf32>,
      %get3A_608 = arith.index_cast %scan3A_56 : i32 to index
      %get3A_609 = arith.constant 880 : index
      %get3A_610 = tpu.vector_load %arg8[%get3A_608, %get3A_609] {strides = array<i32>} : memref<32x1024xf32, #tpu.memory_space<vmem>>, vector<16xf32>,
      %add3A_611 = arith.addf %get3A_607, %get3A_610 : vector<16xf32>
      %swap3A_612 = arith.index_cast %scan3A_56 : i32 to index
      %swap3A_613 = arith.constant 880 : index
      %swap3A_614 = tpu.vector_load %arg7[%swap3A_612, %swap3A_613] {strides = array<i32>} : memref<32x1024xf32, #tpu.memory_space<vmem>>, vector<16xf32>,
      tpu.vector_store %arg7[%swap3A_612, %swap3A_613], %add3A_611 {strides = array<i32>} : memref<32x1024xf32, #tpu.memory_space<vmem>>, vector<16xf32>,
      %get3A_615 = arith.index_cast %scan3A_56 : i32 to index
      %get3A_616 = arith.constant 896 : index
      %get3A_617 = tpu.vector_load %arg7[%get3A_615, %get3A_616] {strides = array<i32>} : memref<32x1024xf32, #tpu.memory_space<vmem>>, vector<16xf32>,
      %get3A_618 = arith.index_cast %scan3A_56 : i32 to index
      %get3A_619 = arith.constant 896 : index
      %get3A_620 = tpu.vector_load %arg8[%get3A_618, %get3A_619] {strides = array<i32>} : memref<32x1024xf32, #tpu.memory_space<vmem>>, vector<16xf32>,
      %add3A_621 = arith.addf %get3A_617, %get3A_620 : vector<16xf32>
      %swap3A_622 = arith.index_cast %scan3A_56 : i32 to index
      %swap3A_623 = arith.constant 896 : index
      %swap3A_624 = tpu.vector_load %arg7[%swap3A_622, %swap3A_623] {strides = array<i32>} : memref<32x1024xf32, #tpu.memory_space<vmem>>, vector<16xf32>,
      tpu.vector_store %arg7[%swap3A_622, %swap3A_623], %add3A_621 {strides = array<i32>} : memref<32x1024xf32, #tpu.memory_space<vmem>>, vector<16xf32>,
      %get3A_625 = arith.index_cast %scan3A_56 : i32 to index
      %get3A_626 = arith.constant 912 : index
      %get3A_627 = tpu.vector_load %arg7[%get3A_625, %get3A_626] {strides = array<i32>} : memref<32x1024xf32, #tpu.memory_space<vmem>>, vector<16xf32>,
      %get3A_628 = arith.index_cast %scan3A_56 : i32 to index
      %get3A_629 = arith.constant 912 : index
      %get3A_630 = tpu.vector_load %arg8[%get3A_628, %get3A_629] {strides = array<i32>} : memref<32x1024xf32, #tpu.memory_space<vmem>>, vector<16xf32>,
      %add3A_631 = arith.addf %get3A_627, %get3A_630 : vector<16xf32>
      %swap3A_632 = arith.index_cast %scan3A_56 : i32 to index
      %swap3A_633 = arith.constant 912 : index
      %swap3A_634 = tpu.vector_load %arg7[%swap3A_632, %swap3A_633] {strides = array<i32>} : memref<32x1024xf32, #tpu.memory_space<vmem>>, vector<16xf32>,
      tpu.vector_store %arg7[%swap3A_632, %swap3A_633], %add3A_631 {strides = array<i32>} : memref<32x1024xf32, #tpu.memory_space<vmem>>, vector<16xf32>,
      %get3A_635 = arith.index_cast %scan3A_56 : i32 to index
      %get3A_636 = arith.constant 928 : index
      %get3A_637 = tpu.vector_load %arg7[%get3A_635, %get3A_636] {strides = array<i32>} : memref<32x1024xf32, #tpu.memory_space<vmem>>, vector<16xf32>,
      %get3A_638 = arith.index_cast %scan3A_56 : i32 to index
      %get3A_639 = arith.constant 928 : index
      %get3A_640 = tpu.vector_load %arg8[%get3A_638, %get3A_639] {strides = array<i32>} : memref<32x1024xf32, #tpu.memory_space<vmem>>, vector<16xf32>,
      %add3A_641 = arith.addf %get3A_637, %get3A_640 : vector<16xf32>
      %swap3A_642 = arith.index_cast %scan3A_56 : i32 to index
      %swap3A_643 = arith.constant 928 : index
      %swap3A_644 = tpu.vector_load %arg7[%swap3A_642, %swap3A_643] {strides = array<i32>} : memref<32x1024xf32, #tpu.memory_space<vmem>>, vector<16xf32>,
      tpu.vector_store %arg7[%swap3A_642, %swap3A_643], %add3A_641 {strides = array<i32>} : memref<32x1024xf32, #tpu.memory_space<vmem>>, vector<16xf32>,
      %get3A_645 = arith.index_cast %scan3A_56 : i32 to index
      %get3A_646 = arith.constant 944 : index
      %get3A_647 = tpu.vector_load %arg7[%get3A_645, %get3A_646] {strides = array<i32>} : memref<32x1024xf32, #tpu.memory_space<vmem>>, vector<16xf32>,
      %get3A_648 = arith.index_cast %scan3A_56 : i32 to index
      %get3A_649 = arith.constant 944 : index
      %get3A_650 = tpu.vector_load %arg8[%get3A_648, %get3A_649] {strides = array<i32>} : memref<32x1024xf32, #tpu.memory_space<vmem>>, vector<16xf32>,
      %add3A_651 = arith.addf %get3A_647, %get3A_650 : vector<16xf32>
      %swap3A_652 = arith.index_cast %scan3A_56 : i32 to index
      %swap3A_653 = arith.constant 944 : index
      %swap3A_654 = tpu.vector_load %arg7[%swap3A_652, %swap3A_653] {strides = array<i32>} : memref<32x1024xf32, #tpu.memory_space<vmem>>, vector<16xf32>,
      tpu.vector_store %arg7[%swap3A_652, %swap3A_653], %add3A_651 {strides = array<i32>} : memref<32x1024xf32, #tpu.memory_space<vmem>>, vector<16xf32>,
      %get3A_655 = arith.index_cast %scan3A_56 : i32 to index
      %get3A_656 = arith.constant 960 : index
      %get3A_657 = tpu.vector_load %arg7[%get3A_655, %get3A_656] {strides = array<i32>} : memref<32x1024xf32, #tpu.memory_space<vmem>>, vector<16xf32>,
      %get3A_658 = arith.index_cast %scan3A_56 : i32 to index
      %get3A_659 = arith.constant 960 : index
      %get3A_660 = tpu.vector_load %arg8[%get3A_658, %get3A_659] {strides = array<i32>} : memref<32x1024xf32, #tpu.memory_space<vmem>>, vector<16xf32>,
      %add3A_661 = arith.addf %get3A_657, %get3A_660 : vector<16xf32>
      %swap3A_662 = arith.index_cast %scan3A_56 : i32 to index
      %swap3A_663 = arith.constant 960 : index
      %swap3A_664 = tpu.vector_load %arg7[%swap3A_662, %swap3A_663] {strides = array<i32>} : memref<32x1024xf32, #tpu.memory_space<vmem>>, vector<16xf32>,
      tpu.vector_store %arg7[%swap3A_662, %swap3A_663], %add3A_661 {strides = array<i32>} : memref<32x1024xf32, #tpu.memory_space<vmem>>, vector<16xf32>,
      %get3A_665 = arith.index_cast %scan3A_56 : i32 to index
      %get3A_666 = arith.constant 976 : index
      %get3A_667 = tpu.vector_load %arg7[%get3A_665, %get3A_666] {strides = array<i32>} : memref<32x1024xf32, #tpu.memory_space<vmem>>, vector<16xf32>,
      %get3A_668 = arith.index_cast %scan3A_56 : i32 to index
      %get3A_669 = arith.constant 976 : index
      %get3A_670 = tpu.vector_load %arg8[%get3A_668, %get3A_669] {strides = array<i32>} : memref<32x1024xf32, #tpu.memory_space<vmem>>, vector<16xf32>,
      %add3A_671 = arith.addf %get3A_667, %get3A_670 : vector<16xf32>
      %swap3A_672 = arith.index_cast %scan3A_56 : i32 to index
      %swap3A_673 = arith.constant 976 : index
      %swap3A_674 = tpu.vector_load %arg7[%swap3A_672, %swap3A_673] {strides = array<i32>} : memref<32x1024xf32, #tpu.memory_space<vmem>>, vector<16xf32>,
      tpu.vector_store %arg7[%swap3A_672, %swap3A_673], %add3A_671 {strides = array<i32>} : memref<32x1024xf32, #tpu.memory_space<vmem>>, vector<16xf32>,
      %get3A_675 = arith.index_cast %scan3A_56 : i32 to index
      %get3A_676 = arith.constant 992 : index
      %get3A_677 = tpu.vector_load %arg7[%get3A_675, %get3A_676] {strides = array<i32>} : memref<32x1024xf32, #tpu.memory_space<vmem>>, vector<16xf32>,
      %get3A_678 = arith.index_cast %scan3A_56 : i32 to index
      %get3A_679 = arith.constant 992 : index
      %get3A_680 = tpu.vector_load %arg8[%get3A_678, %get3A_679] {strides = array<i32>} : memref<32x1024xf32, #tpu.memory_space<vmem>>, vector<16xf32>,
      %add3A_681 = arith.addf %get3A_677, %get3A_680 : vector<16xf32>
      %swap3A_682 = arith.index_cast %scan3A_56 : i32 to index
      %swap3A_683 = arith.constant 992 : index
      %swap3A_684 = tpu.vector_load %arg7[%swap3A_682, %swap3A_683] {strides = array<i32>} : memref<32x1024xf32, #tpu.memory_space<vmem>>, vector<16xf32>,
      tpu.vector_store %arg7[%swap3A_682, %swap3A_683], %add3A_681 {strides = array<i32>} : memref<32x1024xf32, #tpu.memory_space<vmem>>, vector<16xf32>,
      %get3A_685 = arith.index_cast %scan3A_56 : i32 to index
      %get3A_686 = arith.constant 1008 : index
      %get3A_687 = tpu.vector_load %arg7[%get3A_685, %get3A_686] {strides = array<i32>} : memref<32x1024xf32, #tpu.memory_space<vmem>>, vector<16xf32>,
      %get3A_688 = arith.index_cast %scan3A_56 : i32 to index
      %get3A_689 = arith.constant 1008 : index
      %get3A_690 = tpu.vector_load %arg8[%get3A_688, %get3A_689] {strides = array<i32>} : memref<32x1024xf32, #tpu.memory_space<vmem>>, vector<16xf32>,
      %add3A_691 = arith.addf %get3A_687, %get3A_690 : vector<16xf32>
      %swap3A_692 = arith.index_cast %scan3A_56 : i32 to index
      %swap3A_693 = arith.constant 1008 : index
      %swap3A_694 = tpu.vector_load %arg7[%swap3A_692, %swap3A_693] {strides = array<i32>} : memref<32x1024xf32, #tpu.memory_space<vmem>>, vector<16xf32>,
      tpu.vector_store %arg7[%swap3A_692, %swap3A_693], %add3A_691 {strides = array<i32>} : memref<32x1024xf32, #tpu.memory_space<vmem>>, vector<16xf32>,
    }
    %scan3A_27 = arith.constant 32 : i32
    "tpu.region"() ({
      %run_scoped3A = tpu.sem_alloc : memref<!tpu.dma_semaphore, #tpu.memory_space<semaphore_mem>>
      %dma_start3A_56 = arith.constant 0 : i32
      %dma_start3A_57 = tpu.memref_slice %arg5[%add3A_4, %dma_start3A_56] : memref<2048x1024xf32, #tpu.memory_space<hbm>> -> memref<32x1024xf32, #tpu.memory_space<hbm>>
      %dma_start3A_58 = arith.constant 0 : i32
      %dma_start3A_59 = tpu.memref_slice %arg5[%add3A_4, %dma_start3A_58] : memref<2048x1024xf32, #tpu.memory_space<hbm>> -> memref<32x1024xf32, #tpu.memory_space<hbm>>
      tpu.enqueue_dma source(%arg7 : memref<32x1024xf32, #tpu.memory_space<vmem>>) target(%dma_start3A_59 : memref<32x1024xf32, #tpu.memory_space<hbm>>) target_semaphore(%run_scoped3A : memref<!tpu.dma_semaphore, #tpu.memory_space<semaphore_mem>>)
      %dma_wait3A_60 = arith.constant 0 : i32
      %dma_wait3A_61 = tpu.memref_slice %arg5[%add3A_4, %dma_wait3A_60] : memref<2048x1024xf32, #tpu.memory_space<hbm>> -> memref<32x1024xf32, #tpu.memory_space<hbm>>
      %dma_wait3A_62 = arith.constant 0 : i32
      %dma_wait3A_63 = tpu.memref_slice %arg5[%add3A_4, %dma_wait3A_62] : memref<2048x1024xf32, #tpu.memory_space<hbm>> -> memref<32x1024xf32, #tpu.memory_space<hbm>>
      tpu.wait_dma2 semaphore(%run_scoped3A : memref<!tpu.dma_semaphore, #tpu.memory_space<semaphore_mem>>) src(%arg7 : memref<32x1024xf32, #tpu.memory_space<vmem>>) dst(%dma_wait3A_63 : memref<32x1024xf32, #tpu.memory_space<hbm>>)
      tpu.yield
    }) : () -> ()
    %add3A_28 = arith.constant 32 : i32
    %add3A_29 = arith.addi %mul3A_2, %add3A_28 : i32
    "tpu.region"() ({
      %run_scoped3A = tpu.sem_alloc : memref<!tpu.dma_semaphore, #tpu.memory_space<semaphore_mem>>
      %dma_start3A_56 = tpu.memref_slice %arg2[%add3A_29] : memref<2048xi32, #tpu.memory_space<hbm>> -> memref<32xi32, #tpu.memory_space<hbm>>
      %dma_start3A_57 = tpu.memref_slice %arg2[%add3A_29] : memref<2048xi32, #tpu.memory_space<hbm>> -> memref<32xi32, #tpu.memory_space<hbm>>
      tpu.enqueue_dma source(%dma_start3A_57 : memref<32xi32, #tpu.memory_space<hbm>>) target(%arg6 : memref<32xi32, #tpu.memory_space<vmem>>) target_semaphore(%run_scoped3A : memref<!tpu.dma_semaphore, #tpu.memory_space<semaphore_mem>>)
      %dma_wait3A_58 = tpu.memref_slice %arg2[%add3A_29] : memref<2048xi32, #tpu.memory_space<hbm>> -> memref<32xi32, #tpu.memory_space<hbm>>
      %dma_wait3A_59 = tpu.memref_slice %arg2[%add3A_29] : memref<2048xi32, #tpu.memory_space<hbm>> -> memref<32xi32, #tpu.memory_space<hbm>>
      tpu.wait_dma2 semaphore(%run_scoped3A : memref<!tpu.dma_semaphore, #tpu.memory_space<semaphore_mem>>) src(%dma_wait3A_59 : memref<32xi32, #tpu.memory_space<hbm>>) dst(%arg6 : memref<32xi32, #tpu.memory_space<vmem>>)
      tpu.yield
    }) : () -> ()
    %dma_start3A_30 = arith.constant 0 : i32
    %dma_start3A_31 = arith.constant 0 : i32
    %dma_start3A_32 = tpu.memref_slice %arg4[%dma_start3A_30, %dma_start3A_31] : memref<8192x1024xf32, #tpu.memory_space<hbm>> -> memref<8192x1024xf32, #tpu.memory_space<hbm>>
    tpu.enqueue_indirect_dma source(%dma_start3A_32 : memref<8192x1024xf32, #tpu.memory_space<hbm>>) target(%arg7 : memref<32x1024xf32, #tpu.memory_space<vmem>>) offsets(%arg6 : memref<32xi32, #tpu.memory_space<vmem>>) semaphore(%arg9 : memref<!tpu.dma_semaphore, #tpu.memory_space<semaphore_mem>>)
    %dma_wait3A_33 = arith.constant 0 : i32
    %dma_wait3A_34 = arith.constant 0 : i32
    %dma_wait3A_35 = tpu.memref_slice %arg4[%dma_wait3A_33, %dma_wait3A_34] : memref<8192x1024xf32, #tpu.memory_space<hbm>> -> memref<8192x1024xf32, #tpu.memory_space<hbm>>
    tpu.wait_indirect_dma semaphore(%arg9 : memref<!tpu.dma_semaphore, #tpu.memory_space<semaphore_mem>>) src(%dma_wait3A_35 : memref<8192x1024xf32, #tpu.memory_space<hbm>>) dst(%arg7 : memref<32x1024xf32, #tpu.memory_space<vmem>>)
    "tpu.region"() ({
      %run_scoped3A = tpu.sem_alloc : memref<!tpu.dma_semaphore, #tpu.memory_space<semaphore_mem>>
      %dma_start3A_56 = tpu.memref_slice %arg3[%add3A_29] : memref<2048xi32, #tpu.memory_space<hbm>> -> memref<32xi32, #tpu.memory_space<hbm>>
      %dma_start3A_57 = tpu.memref_slice %arg3[%add3A_29] : memref<2048xi32, #tpu.memory_space<hbm>> -> memref<32xi32, #tpu.memory_space<hbm>>
      tpu.enqueue_dma source(%dma_start3A_57 : memref<32xi32, #tpu.memory_space<hbm>>) target(%arg6 : memref<32xi32, #tpu.memory_space<vmem>>) target_semaphore(%run_scoped3A : memref<!tpu.dma_semaphore, #tpu.memory_space<semaphore_mem>>)
      %dma_wait3A_58 = tpu.memref_slice %arg3[%add3A_29] : memref<2048xi32, #tpu.memory_space<hbm>> -> memref<32xi32, #tpu.memory_space<hbm>>
      %dma_wait3A_59 = tpu.memref_slice %arg3[%add3A_29] : memref<2048xi32, #tpu.memory_space<hbm>> -> memref<32xi32, #tpu.memory_space<hbm>>
      tpu.wait_dma2 semaphore(%run_scoped3A : memref<!tpu.dma_semaphore, #tpu.memory_space<semaphore_mem>>) src(%dma_wait3A_59 : memref<32xi32, #tpu.memory_space<hbm>>) dst(%arg6 : memref<32xi32, #tpu.memory_space<vmem>>)
      tpu.yield
    }) : () -> ()
    %dma_start3A_36 = arith.constant 0 : i32
    %dma_start3A_37 = arith.constant 0 : i32
    %dma_start3A_38 = tpu.memref_slice %arg4[%dma_start3A_36, %dma_start3A_37] : memref<8192x1024xf32, #tpu.memory_space<hbm>> -> memref<8192x1024xf32, #tpu.memory_space<hbm>>
    tpu.enqueue_indirect_dma source(%dma_start3A_38 : memref<8192x1024xf32, #tpu.memory_space<hbm>>) target(%arg8 : memref<32x1024xf32, #tpu.memory_space<vmem>>) offsets(%arg6 : memref<32xi32, #tpu.memory_space<vmem>>) semaphore(%arg9 : memref<!tpu.dma_semaphore, #tpu.memory_space<semaphore_mem>>)
    %dma_wait3A_39 = arith.constant 0 : i32
    %dma_wait3A_40 = arith.constant 0 : i32
    %dma_wait3A_41 = tpu.memref_slice %arg4[%dma_wait3A_39, %dma_wait3A_40] : memref<8192x1024xf32, #tpu.memory_space<hbm>> -> memref<8192x1024xf32, #tpu.memory_space<hbm>>
    tpu.wait_indirect_dma semaphore(%arg9 : memref<!tpu.dma_semaphore, #tpu.memory_space<semaphore_mem>>) src(%dma_wait3A_41 : memref<8192x1024xf32, #tpu.memory_space<hbm>>) dst(%arg8 : memref<32x1024xf32, #tpu.memory_space<vmem>>)
    %scan3A_42 = arith.constant 0 : i32
    %scan3A_43 = arith.constant 0 : i32
    %scan3A_44 = arith.constant 32 : i32
    %scan3A_45 = arith.addi %scan3A_43, %scan3A_44 : i32
    %scan3A_46 = arith.constant 1 : i32
    scf.for %scan3A_56 = %scan3A_43 to %scan3A_45 step %scan3A_46  : i32 {
      %get3A = arith.index_cast %scan3A_56 : i32 to index
      %get3A_57 = arith.constant 0 : index
      %get3A_58 = tpu.vector_load %arg7[%get3A, %get3A_57] {strides = array<i32>} : memref<32x1024xf32, #tpu.memory_space<vmem>>, vector<16xf32>,
      %get3A_59 = arith.index_cast %scan3A_56 : i32 to index
      %get3A_60 = arith.constant 0 : index
      %get3A_61 = tpu.vector_load %arg8[%get3A_59, %get3A_60] {strides = array<i32>} : memref<32x1024xf32, #tpu.memory_space<vmem>>, vector<16xf32>,
      %add3A_62 = arith.addf %get3A_58, %get3A_61 : vector<16xf32>
      %swap3A = arith.index_cast %scan3A_56 : i32 to index
      %swap3A_63 = arith.constant 0 : index
      %swap3A_64 = tpu.vector_load %arg7[%swap3A, %swap3A_63] {strides = array<i32>} : memref<32x1024xf32, #tpu.memory_space<vmem>>, vector<16xf32>,
      tpu.vector_store %arg7[%swap3A, %swap3A_63], %add3A_62 {strides = array<i32>} : memref<32x1024xf32, #tpu.memory_space<vmem>>, vector<16xf32>,
      %get3A_65 = arith.index_cast %scan3A_56 : i32 to index
      %get3A_66 = arith.constant 16 : index
      %get3A_67 = tpu.vector_load %arg7[%get3A_65, %get3A_66] {strides = array<i32>} : memref<32x1024xf32, #tpu.memory_space<vmem>>, vector<16xf32>,
      %get3A_68 = arith.index_cast %scan3A_56 : i32 to index
      %get3A_69 = arith.constant 16 : index
      %get3A_70 = tpu.vector_load %arg8[%get3A_68, %get3A_69] {strides = array<i32>} : memref<32x1024xf32, #tpu.memory_space<vmem>>, vector<16xf32>,
      %add3A_71 = arith.addf %get3A_67, %get3A_70 : vector<16xf32>
      %swap3A_72 = arith.index_cast %scan3A_56 : i32 to index
      %swap3A_73 = arith.constant 16 : index
      %swap3A_74 = tpu.vector_load %arg7[%swap3A_72, %swap3A_73] {strides = array<i32>} : memref<32x1024xf32, #tpu.memory_space<vmem>>, vector<16xf32>,
      tpu.vector_store %arg7[%swap3A_72, %swap3A_73], %add3A_71 {strides = array<i32>} : memref<32x1024xf32, #tpu.memory_space<vmem>>, vector<16xf32>,
      %get3A_75 = arith.index_cast %scan3A_56 : i32 to index
      %get3A_76 = arith.constant 32 : index
      %get3A_77 = tpu.vector_load %arg7[%get3A_75, %get3A_76] {strides = array<i32>} : memref<32x1024xf32, #tpu.memory_space<vmem>>, vector<16xf32>,
      %get3A_78 = arith.index_cast %scan3A_56 : i32 to index
      %get3A_79 = arith.constant 32 : index
      %get3A_80 = tpu.vector_load %arg8[%get3A_78, %get3A_79] {strides = array<i32>} : memref<32x1024xf32, #tpu.memory_space<vmem>>, vector<16xf32>,
      %add3A_81 = arith.addf %get3A_77, %get3A_80 : vector<16xf32>
      %swap3A_82 = arith.index_cast %scan3A_56 : i32 to index
      %swap3A_83 = arith.constant 32 : index
      %swap3A_84 = tpu.vector_load %arg7[%swap3A_82, %swap3A_83] {strides = array<i32>} : memref<32x1024xf32, #tpu.memory_space<vmem>>, vector<16xf32>,
      tpu.vector_store %arg7[%swap3A_82, %swap3A_83], %add3A_81 {strides = array<i32>} : memref<32x1024xf32, #tpu.memory_space<vmem>>, vector<16xf32>,
      %get3A_85 = arith.index_cast %scan3A_56 : i32 to index
      %get3A_86 = arith.constant 48 : index
      %get3A_87 = tpu.vector_load %arg7[%get3A_85, %get3A_86] {strides = array<i32>} : memref<32x1024xf32, #tpu.memory_space<vmem>>, vector<16xf32>,
      %get3A_88 = arith.index_cast %scan3A_56 : i32 to index
      %get3A_89 = arith.constant 48 : index
      %get3A_90 = tpu.vector_load %arg8[%get3A_88, %get3A_89] {strides = array<i32>} : memref<32x1024xf32, #tpu.memory_space<vmem>>, vector<16xf32>,
      %add3A_91 = arith.addf %get3A_87, %get3A_90 : vector<16xf32>
      %swap3A_92 = arith.index_cast %scan3A_56 : i32 to index
      %swap3A_93 = arith.constant 48 : index
      %swap3A_94 = tpu.vector_load %arg7[%swap3A_92, %swap3A_93] {strides = array<i32>} : memref<32x1024xf32, #tpu.memory_space<vmem>>, vector<16xf32>,
      tpu.vector_store %arg7[%swap3A_92, %swap3A_93], %add3A_91 {strides = array<i32>} : memref<32x1024xf32, #tpu.memory_space<vmem>>, vector<16xf32>,
      %get3A_95 = arith.index_cast %scan3A_56 : i32 to index
      %get3A_96 = arith.constant 64 : index
      %get3A_97 = tpu.vector_load %arg7[%get3A_95, %get3A_96] {strides = array<i32>} : memref<32x1024xf32, #tpu.memory_space<vmem>>, vector<16xf32>,
      %get3A_98 = arith.index_cast %scan3A_56 : i32 to index
      %get3A_99 = arith.constant 64 : index
      %get3A_100 = tpu.vector_load %arg8[%get3A_98, %get3A_99] {strides = array<i32>} : memref<32x1024xf32, #tpu.memory_space<vmem>>, vector<16xf32>,
      %add3A_101 = arith.addf %get3A_97, %get3A_100 : vector<16xf32>
      %swap3A_102 = arith.index_cast %scan3A_56 : i32 to index
      %swap3A_103 = arith.constant 64 : index
      %swap3A_104 = tpu.vector_load %arg7[%swap3A_102, %swap3A_103] {strides = array<i32>} : memref<32x1024xf32, #tpu.memory_space<vmem>>, vector<16xf32>,
      tpu.vector_store %arg7[%swap3A_102, %swap3A_103], %add3A_101 {strides = array<i32>} : memref<32x1024xf32, #tpu.memory_space<vmem>>, vector<16xf32>,
      %get3A_105 = arith.index_cast %scan3A_56 : i32 to index
      %get3A_106 = arith.constant 80 : index
      %get3A_107 = tpu.vector_load %arg7[%get3A_105, %get3A_106] {strides = array<i32>} : memref<32x1024xf32, #tpu.memory_space<vmem>>, vector<16xf32>,
      %get3A_108 = arith.index_cast %scan3A_56 : i32 to index
      %get3A_109 = arith.constant 80 : index
      %get3A_110 = tpu.vector_load %arg8[%get3A_108, %get3A_109] {strides = array<i32>} : memref<32x1024xf32, #tpu.memory_space<vmem>>, vector<16xf32>,
      %add3A_111 = arith.addf %get3A_107, %get3A_110 : vector<16xf32>
      %swap3A_112 = arith.index_cast %scan3A_56 : i32 to index
      %swap3A_113 = arith.constant 80 : index
      %swap3A_114 = tpu.vector_load %arg7[%swap3A_112, %swap3A_113] {strides = array<i32>} : memref<32x1024xf32, #tpu.memory_space<vmem>>, vector<16xf32>,
      tpu.vector_store %arg7[%swap3A_112, %swap3A_113], %add3A_111 {strides = array<i32>} : memref<32x1024xf32, #tpu.memory_space<vmem>>, vector<16xf32>,
      %get3A_115 = arith.index_cast %scan3A_56 : i32 to index
      %get3A_116 = arith.constant 96 : index
      %get3A_117 = tpu.vector_load %arg7[%get3A_115, %get3A_116] {strides = array<i32>} : memref<32x1024xf32, #tpu.memory_space<vmem>>, vector<16xf32>,
      %get3A_118 = arith.index_cast %scan3A_56 : i32 to index
      %get3A_119 = arith.constant 96 : index
      %get3A_120 = tpu.vector_load %arg8[%get3A_118, %get3A_119] {strides = array<i32>} : memref<32x1024xf32, #tpu.memory_space<vmem>>, vector<16xf32>,
      %add3A_121 = arith.addf %get3A_117, %get3A_120 : vector<16xf32>
      %swap3A_122 = arith.index_cast %scan3A_56 : i32 to index
      %swap3A_123 = arith.constant 96 : index
      %swap3A_124 = tpu.vector_load %arg7[%swap3A_122, %swap3A_123] {strides = array<i32>} : memref<32x1024xf32, #tpu.memory_space<vmem>>, vector<16xf32>,
      tpu.vector_store %arg7[%swap3A_122, %swap3A_123], %add3A_121 {strides = array<i32>} : memref<32x1024xf32, #tpu.memory_space<vmem>>, vector<16xf32>,
      %get3A_125 = arith.index_cast %scan3A_56 : i32 to index
      %get3A_126 = arith.constant 112 : index
      %get3A_127 = tpu.vector_load %arg7[%get3A_125, %get3A_126] {strides = array<i32>} : memref<32x1024xf32, #tpu.memory_space<vmem>>, vector<16xf32>,
      %get3A_128 = arith.index_cast %scan3A_56 : i32 to index
      %get3A_129 = arith.constant 112 : index
      %get3A_130 = tpu.vector_load %arg8[%get3A_128, %get3A_129] {strides = array<i32>} : memref<32x1024xf32, #tpu.memory_space<vmem>>, vector<16xf32>,
      %add3A_131 = arith.addf %get3A_127, %get3A_130 : vector<16xf32>
      %swap3A_132 = arith.index_cast %scan3A_56 : i32 to index
      %swap3A_133 = arith.constant 112 : index
      %swap3A_134 = tpu.vector_load %arg7[%swap3A_132, %swap3A_133] {strides = array<i32>} : memref<32x1024xf32, #tpu.memory_space<vmem>>, vector<16xf32>,
      tpu.vector_store %arg7[%swap3A_132, %swap3A_133], %add3A_131 {strides = array<i32>} : memref<32x1024xf32, #tpu.memory_space<vmem>>, vector<16xf32>,
      %get3A_135 = arith.index_cast %scan3A_56 : i32 to index
      %get3A_136 = arith.constant 128 : index
      %get3A_137 = tpu.vector_load %arg7[%get3A_135, %get3A_136] {strides = array<i32>} : memref<32x1024xf32, #tpu.memory_space<vmem>>, vector<16xf32>,
      %get3A_138 = arith.index_cast %scan3A_56 : i32 to index
      %get3A_139 = arith.constant 128 : index
      %get3A_140 = tpu.vector_load %arg8[%get3A_138, %get3A_139] {strides = array<i32>} : memref<32x1024xf32, #tpu.memory_space<vmem>>, vector<16xf32>,
      %add3A_141 = arith.addf %get3A_137, %get3A_140 : vector<16xf32>
      %swap3A_142 = arith.index_cast %scan3A_56 : i32 to index
      %swap3A_143 = arith.constant 128 : index
      %swap3A_144 = tpu.vector_load %arg7[%swap3A_142, %swap3A_143] {strides = array<i32>} : memref<32x1024xf32, #tpu.memory_space<vmem>>, vector<16xf32>,
      tpu.vector_store %arg7[%swap3A_142, %swap3A_143], %add3A_141 {strides = array<i32>} : memref<32x1024xf32, #tpu.memory_space<vmem>>, vector<16xf32>,
      %get3A_145 = arith.index_cast %scan3A_56 : i32 to index
      %get3A_146 = arith.constant 144 : index
      %get3A_147 = tpu.vector_load %arg7[%get3A_145, %get3A_146] {strides = array<i32>} : memref<32x1024xf32, #tpu.memory_space<vmem>>, vector<16xf32>,
      %get3A_148 = arith.index_cast %scan3A_56 : i32 to index
      %get3A_149 = arith.constant 144 : index
      %get3A_150 = tpu.vector_load %arg8[%get3A_148, %get3A_149] {strides = array<i32>} : memref<32x1024xf32, #tpu.memory_space<vmem>>, vector<16xf32>,
      %add3A_151 = arith.addf %get3A_147, %get3A_150 : vector<16xf32>
      %swap3A_152 = arith.index_cast %scan3A_56 : i32 to index
      %swap3A_153 = arith.constant 144 : index
      %swap3A_154 = tpu.vector_load %arg7[%swap3A_152, %swap3A_153] {strides = array<i32>} : memref<32x1024xf32, #tpu.memory_space<vmem>>, vector<16xf32>,
      tpu.vector_store %arg7[%swap3A_152, %swap3A_153], %add3A_151 {strides = array<i32>} : memref<32x1024xf32, #tpu.memory_space<vmem>>, vector<16xf32>,
      %get3A_155 = arith.index_cast %scan3A_56 : i32 to index
      %get3A_156 = arith.constant 160 : index
      %get3A_157 = tpu.vector_load %arg7[%get3A_155, %get3A_156] {strides = array<i32>} : memref<32x1024xf32, #tpu.memory_space<vmem>>, vector<16xf32>,
      %get3A_158 = arith.index_cast %scan3A_56 : i32 to index
      %get3A_159 = arith.constant 160 : index
      %get3A_160 = tpu.vector_load %arg8[%get3A_158, %get3A_159] {strides = array<i32>} : memref<32x1024xf32, #tpu.memory_space<vmem>>, vector<16xf32>,
      %add3A_161 = arith.addf %get3A_157, %get3A_160 : vector<16xf32>
      %swap3A_162 = arith.index_cast %scan3A_56 : i32 to index
      %swap3A_163 = arith.constant 160 : index
      %swap3A_164 = tpu.vector_load %arg7[%swap3A_162, %swap3A_163] {strides = array<i32>} : memref<32x1024xf32, #tpu.memory_space<vmem>>, vector<16xf32>,
      tpu.vector_store %arg7[%swap3A_162, %swap3A_163], %add3A_161 {strides = array<i32>} : memref<32x1024xf32, #tpu.memory_space<vmem>>, vector<16xf32>,
      %get3A_165 = arith.index_cast %scan3A_56 : i32 to index
      %get3A_166 = arith.constant 176 : index
      %get3A_167 = tpu.vector_load %arg7[%get3A_165, %get3A_166] {strides = array<i32>} : memref<32x1024xf32, #tpu.memory_space<vmem>>, vector<16xf32>,
      %get3A_168 = arith.index_cast %scan3A_56 : i32 to index
      %get3A_169 = arith.constant 176 : index
      %get3A_170 = tpu.vector_load %arg8[%get3A_168, %get3A_169] {strides = array<i32>} : memref<32x1024xf32, #tpu.memory_space<vmem>>, vector<16xf32>,
      %add3A_171 = arith.addf %get3A_167, %get3A_170 : vector<16xf32>
      %swap3A_172 = arith.index_cast %scan3A_56 : i32 to index
      %swap3A_173 = arith.constant 176 : index
      %swap3A_174 = tpu.vector_load %arg7[%swap3A_172, %swap3A_173] {strides = array<i32>} : memref<32x1024xf32, #tpu.memory_space<vmem>>, vector<16xf32>,
      tpu.vector_store %arg7[%swap3A_172, %swap3A_173], %add3A_171 {strides = array<i32>} : memref<32x1024xf32, #tpu.memory_space<vmem>>, vector<16xf32>,
      %get3A_175 = arith.index_cast %scan3A_56 : i32 to index
      %get3A_176 = arith.constant 192 : index
      %get3A_177 = tpu.vector_load %arg7[%get3A_175, %get3A_176] {strides = array<i32>} : memref<32x1024xf32, #tpu.memory_space<vmem>>, vector<16xf32>,
      %get3A_178 = arith.index_cast %scan3A_56 : i32 to index
      %get3A_179 = arith.constant 192 : index
      %get3A_180 = tpu.vector_load %arg8[%get3A_178, %get3A_179] {strides = array<i32>} : memref<32x1024xf32, #tpu.memory_space<vmem>>, vector<16xf32>,
      %add3A_181 = arith.addf %get3A_177, %get3A_180 : vector<16xf32>
      %swap3A_182 = arith.index_cast %scan3A_56 : i32 to index
      %swap3A_183 = arith.constant 192 : index
      %swap3A_184 = tpu.vector_load %arg7[%swap3A_182, %swap3A_183] {strides = array<i32>} : memref<32x1024xf32, #tpu.memory_space<vmem>>, vector<16xf32>,
      tpu.vector_store %arg7[%swap3A_182, %swap3A_183], %add3A_181 {strides = array<i32>} : memref<32x1024xf32, #tpu.memory_space<vmem>>, vector<16xf32>,
      %get3A_185 = arith.index_cast %scan3A_56 : i32 to index
      %get3A_186 = arith.constant 208 : index
      %get3A_187 = tpu.vector_load %arg7[%get3A_185, %get3A_186] {strides = array<i32>} : memref<32x1024xf32, #tpu.memory_space<vmem>>, vector<16xf32>,
      %get3A_188 = arith.index_cast %scan3A_56 : i32 to index
      %get3A_189 = arith.constant 208 : index
      %get3A_190 = tpu.vector_load %arg8[%get3A_188, %get3A_189] {strides = array<i32>} : memref<32x1024xf32, #tpu.memory_space<vmem>>, vector<16xf32>,
      %add3A_191 = arith.addf %get3A_187, %get3A_190 : vector<16xf32>
      %swap3A_192 = arith.index_cast %scan3A_56 : i32 to index
      %swap3A_193 = arith.constant 208 : index
      %swap3A_194 = tpu.vector_load %arg7[%swap3A_192, %swap3A_193] {strides = array<i32>} : memref<32x1024xf32, #tpu.memory_space<vmem>>, vector<16xf32>,
      tpu.vector_store %arg7[%swap3A_192, %swap3A_193], %add3A_191 {strides = array<i32>} : memref<32x1024xf32, #tpu.memory_space<vmem>>, vector<16xf32>,
      %get3A_195 = arith.index_cast %scan3A_56 : i32 to index
      %get3A_196 = arith.constant 224 : index
      %get3A_197 = tpu.vector_load %arg7[%get3A_195, %get3A_196] {strides = array<i32>} : memref<32x1024xf32, #tpu.memory_space<vmem>>, vector<16xf32>,
      %get3A_198 = arith.index_cast %scan3A_56 : i32 to index
      %get3A_199 = arith.constant 224 : index
      %get3A_200 = tpu.vector_load %arg8[%get3A_198, %get3A_199] {strides = array<i32>} : memref<32x1024xf32, #tpu.memory_space<vmem>>, vector<16xf32>,
      %add3A_201 = arith.addf %get3A_197, %get3A_200 : vector<16xf32>
      %swap3A_202 = arith.index_cast %scan3A_56 : i32 to index
      %swap3A_203 = arith.constant 224 : index
      %swap3A_204 = tpu.vector_load %arg7[%swap3A_202, %swap3A_203] {strides = array<i32>} : memref<32x1024xf32, #tpu.memory_space<vmem>>, vector<16xf32>,
      tpu.vector_store %arg7[%swap3A_202, %swap3A_203], %add3A_201 {strides = array<i32>} : memref<32x1024xf32, #tpu.memory_space<vmem>>, vector<16xf32>,
      %get3A_205 = arith.index_cast %scan3A_56 : i32 to index
      %get3A_206 = arith.constant 240 : index
      %get3A_207 = tpu.vector_load %arg7[%get3A_205, %get3A_206] {strides = array<i32>} : memref<32x1024xf32, #tpu.memory_space<vmem>>, vector<16xf32>,
      %get3A_208 = arith.index_cast %scan3A_56 : i32 to index
      %get3A_209 = arith.constant 240 : index
      %get3A_210 = tpu.vector_load %arg8[%get3A_208, %get3A_209] {strides = array<i32>} : memref<32x1024xf32, #tpu.memory_space<vmem>>, vector<16xf32>,
      %add3A_211 = arith.addf %get3A_207, %get3A_210 : vector<16xf32>
      %swap3A_212 = arith.index_cast %scan3A_56 : i32 to index
      %swap3A_213 = arith.constant 240 : index
      %swap3A_214 = tpu.vector_load %arg7[%swap3A_212, %swap3A_213] {strides = array<i32>} : memref<32x1024xf32, #tpu.memory_space<vmem>>, vector<16xf32>,
      tpu.vector_store %arg7[%swap3A_212, %swap3A_213], %add3A_211 {strides = array<i32>} : memref<32x1024xf32, #tpu.memory_space<vmem>>, vector<16xf32>,
      %get3A_215 = arith.index_cast %scan3A_56 : i32 to index
      %get3A_216 = arith.constant 256 : index
      %get3A_217 = tpu.vector_load %arg7[%get3A_215, %get3A_216] {strides = array<i32>} : memref<32x1024xf32, #tpu.memory_space<vmem>>, vector<16xf32>,
      %get3A_218 = arith.index_cast %scan3A_56 : i32 to index
      %get3A_219 = arith.constant 256 : index
      %get3A_220 = tpu.vector_load %arg8[%get3A_218, %get3A_219] {strides = array<i32>} : memref<32x1024xf32, #tpu.memory_space<vmem>>, vector<16xf32>,
      %add3A_221 = arith.addf %get3A_217, %get3A_220 : vector<16xf32>
      %swap3A_222 = arith.index_cast %scan3A_56 : i32 to index
      %swap3A_223 = arith.constant 256 : index
      %swap3A_224 = tpu.vector_load %arg7[%swap3A_222, %swap3A_223] {strides = array<i32>} : memref<32x1024xf32, #tpu.memory_space<vmem>>, vector<16xf32>,
      tpu.vector_store %arg7[%swap3A_222, %swap3A_223], %add3A_221 {strides = array<i32>} : memref<32x1024xf32, #tpu.memory_space<vmem>>, vector<16xf32>,
      %get3A_225 = arith.index_cast %scan3A_56 : i32 to index
      %get3A_226 = arith.constant 272 : index
      %get3A_227 = tpu.vector_load %arg7[%get3A_225, %get3A_226] {strides = array<i32>} : memref<32x1024xf32, #tpu.memory_space<vmem>>, vector<16xf32>,
      %get3A_228 = arith.index_cast %scan3A_56 : i32 to index
      %get3A_229 = arith.constant 272 : index
      %get3A_230 = tpu.vector_load %arg8[%get3A_228, %get3A_229] {strides = array<i32>} : memref<32x1024xf32, #tpu.memory_space<vmem>>, vector<16xf32>,
      %add3A_231 = arith.addf %get3A_227, %get3A_230 : vector<16xf32>
      %swap3A_232 = arith.index_cast %scan3A_56 : i32 to index
      %swap3A_233 = arith.constant 272 : index
      %swap3A_234 = tpu.vector_load %arg7[%swap3A_232, %swap3A_233] {strides = array<i32>} : memref<32x1024xf32, #tpu.memory_space<vmem>>, vector<16xf32>,
      tpu.vector_store %arg7[%swap3A_232, %swap3A_233], %add3A_231 {strides = array<i32>} : memref<32x1024xf32, #tpu.memory_space<vmem>>, vector<16xf32>,
      %get3A_235 = arith.index_cast %scan3A_56 : i32 to index
      %get3A_236 = arith.constant 288 : index
      %get3A_237 = tpu.vector_load %arg7[%get3A_235, %get3A_236] {strides = array<i32>} : memref<32x1024xf32, #tpu.memory_space<vmem>>, vector<16xf32>,
      %get3A_238 = arith.index_cast %scan3A_56 : i32 to index
      %get3A_239 = arith.constant 288 : index
      %get3A_240 = tpu.vector_load %arg8[%get3A_238, %get3A_239] {strides = array<i32>} : memref<32x1024xf32, #tpu.memory_space<vmem>>, vector<16xf32>,
      %add3A_241 = arith.addf %get3A_237, %get3A_240 : vector<16xf32>
      %swap3A_242 = arith.index_cast %scan3A_56 : i32 to index
      %swap3A_243 = arith.constant 288 : index
      %swap3A_244 = tpu.vector_load %arg7[%swap3A_242, %swap3A_243] {strides = array<i32>} : memref<32x1024xf32, #tpu.memory_space<vmem>>, vector<16xf32>,
      tpu.vector_store %arg7[%swap3A_242, %swap3A_243], %add3A_241 {strides = array<i32>} : memref<32x1024xf32, #tpu.memory_space<vmem>>, vector<16xf32>,
      %get3A_245 = arith.index_cast %scan3A_56 : i32 to index
      %get3A_246 = arith.constant 304 : index
      %get3A_247 = tpu.vector_load %arg7[%get3A_245, %get3A_246] {strides = array<i32>} : memref<32x1024xf32, #tpu.memory_space<vmem>>, vector<16xf32>,
      %get3A_248 = arith.index_cast %scan3A_56 : i32 to index
      %get3A_249 = arith.constant 304 : index
      %get3A_250 = tpu.vector_load %arg8[%get3A_248, %get3A_249] {strides = array<i32>} : memref<32x1024xf32, #tpu.memory_space<vmem>>, vector<16xf32>,
      %add3A_251 = arith.addf %get3A_247, %get3A_250 : vector<16xf32>
      %swap3A_252 = arith.index_cast %scan3A_56 : i32 to index
      %swap3A_253 = arith.constant 304 : index
      %swap3A_254 = tpu.vector_load %arg7[%swap3A_252, %swap3A_253] {strides = array<i32>} : memref<32x1024xf32, #tpu.memory_space<vmem>>, vector<16xf32>,
      tpu.vector_store %arg7[%swap3A_252, %swap3A_253], %add3A_251 {strides = array<i32>} : memref<32x1024xf32, #tpu.memory_space<vmem>>, vector<16xf32>,
      %get3A_255 = arith.index_cast %scan3A_56 : i32 to index
      %get3A_256 = arith.constant 320 : index
      %get3A_257 = tpu.vector_load %arg7[%get3A_255, %get3A_256] {strides = array<i32>} : memref<32x1024xf32, #tpu.memory_space<vmem>>, vector<16xf32>,
      %get3A_258 = arith.index_cast %scan3A_56 : i32 to index
      %get3A_259 = arith.constant 320 : index
      %get3A_260 = tpu.vector_load %arg8[%get3A_258, %get3A_259] {strides = array<i32>} : memref<32x1024xf32, #tpu.memory_space<vmem>>, vector<16xf32>,
      %add3A_261 = arith.addf %get3A_257, %get3A_260 : vector<16xf32>
      %swap3A_262 = arith.index_cast %scan3A_56 : i32 to index
      %swap3A_263 = arith.constant 320 : index
      %swap3A_264 = tpu.vector_load %arg7[%swap3A_262, %swap3A_263] {strides = array<i32>} : memref<32x1024xf32, #tpu.memory_space<vmem>>, vector<16xf32>,
      tpu.vector_store %arg7[%swap3A_262, %swap3A_263], %add3A_261 {strides = array<i32>} : memref<32x1024xf32, #tpu.memory_space<vmem>>, vector<16xf32>,
      %get3A_265 = arith.index_cast %scan3A_56 : i32 to index
      %get3A_266 = arith.constant 336 : index
      %get3A_267 = tpu.vector_load %arg7[%get3A_265, %get3A_266] {strides = array<i32>} : memref<32x1024xf32, #tpu.memory_space<vmem>>, vector<16xf32>,
      %get3A_268 = arith.index_cast %scan3A_56 : i32 to index
      %get3A_269 = arith.constant 336 : index
      %get3A_270 = tpu.vector_load %arg8[%get3A_268, %get3A_269] {strides = array<i32>} : memref<32x1024xf32, #tpu.memory_space<vmem>>, vector<16xf32>,
      %add3A_271 = arith.addf %get3A_267, %get3A_270 : vector<16xf32>
      %swap3A_272 = arith.index_cast %scan3A_56 : i32 to index
      %swap3A_273 = arith.constant 336 : index
      %swap3A_274 = tpu.vector_load %arg7[%swap3A_272, %swap3A_273] {strides = array<i32>} : memref<32x1024xf32, #tpu.memory_space<vmem>>, vector<16xf32>,
      tpu.vector_store %arg7[%swap3A_272, %swap3A_273], %add3A_271 {strides = array<i32>} : memref<32x1024xf32, #tpu.memory_space<vmem>>, vector<16xf32>,
      %get3A_275 = arith.index_cast %scan3A_56 : i32 to index
      %get3A_276 = arith.constant 352 : index
      %get3A_277 = tpu.vector_load %arg7[%get3A_275, %get3A_276] {strides = array<i32>} : memref<32x1024xf32, #tpu.memory_space<vmem>>, vector<16xf32>,
      %get3A_278 = arith.index_cast %scan3A_56 : i32 to index
      %get3A_279 = arith.constant 352 : index
      %get3A_280 = tpu.vector_load %arg8[%get3A_278, %get3A_279] {strides = array<i32>} : memref<32x1024xf32, #tpu.memory_space<vmem>>, vector<16xf32>,
      %add3A_281 = arith.addf %get3A_277, %get3A_280 : vector<16xf32>
      %swap3A_282 = arith.index_cast %scan3A_56 : i32 to index
      %swap3A_283 = arith.constant 352 : index
      %swap3A_284 = tpu.vector_load %arg7[%swap3A_282, %swap3A_283] {strides = array<i32>} : memref<32x1024xf32, #tpu.memory_space<vmem>>, vector<16xf32>,
      tpu.vector_store %arg7[%swap3A_282, %swap3A_283], %add3A_281 {strides = array<i32>} : memref<32x1024xf32, #tpu.memory_space<vmem>>, vector<16xf32>,
      %get3A_285 = arith.index_cast %scan3A_56 : i32 to index
      %get3A_286 = arith.constant 368 : index
      %get3A_287 = tpu.vector_load %arg7[%get3A_285, %get3A_286] {strides = array<i32>} : memref<32x1024xf32, #tpu.memory_space<vmem>>, vector<16xf32>,
      %get3A_288 = arith.index_cast %scan3A_56 : i32 to index
      %get3A_289 = arith.constant 368 : index
      %get3A_290 = tpu.vector_load %arg8[%get3A_288, %get3A_289] {strides = array<i32>} : memref<32x1024xf32, #tpu.memory_space<vmem>>, vector<16xf32>,
      %add3A_291 = arith.addf %get3A_287, %get3A_290 : vector<16xf32>
      %swap3A_292 = arith.index_cast %scan3A_56 : i32 to index
      %swap3A_293 = arith.constant 368 : index
      %swap3A_294 = tpu.vector_load %arg7[%swap3A_292, %swap3A_293] {strides = array<i32>} : memref<32x1024xf32, #tpu.memory_space<vmem>>, vector<16xf32>,
      tpu.vector_store %arg7[%swap3A_292, %swap3A_293], %add3A_291 {strides = array<i32>} : memref<32x1024xf32, #tpu.memory_space<vmem>>, vector<16xf32>,
      %get3A_295 = arith.index_cast %scan3A_56 : i32 to index
      %get3A_296 = arith.constant 384 : index
      %get3A_297 = tpu.vector_load %arg7[%get3A_295, %get3A_296] {strides = array<i32>} : memref<32x1024xf32, #tpu.memory_space<vmem>>, vector<16xf32>,
      %get3A_298 = arith.index_cast %scan3A_56 : i32 to index
      %get3A_299 = arith.constant 384 : index
      %get3A_300 = tpu.vector_load %arg8[%get3A_298, %get3A_299] {strides = array<i32>} : memref<32x1024xf32, #tpu.memory_space<vmem>>, vector<16xf32>,
      %add3A_301 = arith.addf %get3A_297, %get3A_300 : vector<16xf32>
      %swap3A_302 = arith.index_cast %scan3A_56 : i32 to index
      %swap3A_303 = arith.constant 384 : index
      %swap3A_304 = tpu.vector_load %arg7[%swap3A_302, %swap3A_303] {strides = array<i32>} : memref<32x1024xf32, #tpu.memory_space<vmem>>, vector<16xf32>,
      tpu.vector_store %arg7[%swap3A_302, %swap3A_303], %add3A_301 {strides = array<i32>} : memref<32x1024xf32, #tpu.memory_space<vmem>>, vector<16xf32>,
      %get3A_305 = arith.index_cast %scan3A_56 : i32 to index
      %get3A_306 = arith.constant 400 : index
      %get3A_307 = tpu.vector_load %arg7[%get3A_305, %get3A_306] {strides = array<i32>} : memref<32x1024xf32, #tpu.memory_space<vmem>>, vector<16xf32>,
      %get3A_308 = arith.index_cast %scan3A_56 : i32 to index
      %get3A_309 = arith.constant 400 : index
      %get3A_310 = tpu.vector_load %arg8[%get3A_308, %get3A_309] {strides = array<i32>} : memref<32x1024xf32, #tpu.memory_space<vmem>>, vector<16xf32>,
      %add3A_311 = arith.addf %get3A_307, %get3A_310 : vector<16xf32>
      %swap3A_312 = arith.index_cast %scan3A_56 : i32 to index
      %swap3A_313 = arith.constant 400 : index
      %swap3A_314 = tpu.vector_load %arg7[%swap3A_312, %swap3A_313] {strides = array<i32>} : memref<32x1024xf32, #tpu.memory_space<vmem>>, vector<16xf32>,
      tpu.vector_store %arg7[%swap3A_312, %swap3A_313], %add3A_311 {strides = array<i32>} : memref<32x1024xf32, #tpu.memory_space<vmem>>, vector<16xf32>,
      %get3A_315 = arith.index_cast %scan3A_56 : i32 to index
      %get3A_316 = arith.constant 416 : index
      %get3A_317 = tpu.vector_load %arg7[%get3A_315, %get3A_316] {strides = array<i32>} : memref<32x1024xf32, #tpu.memory_space<vmem>>, vector<16xf32>,
      %get3A_318 = arith.index_cast %scan3A_56 : i32 to index
      %get3A_319 = arith.constant 416 : index
      %get3A_320 = tpu.vector_load %arg8[%get3A_318, %get3A_319] {strides = array<i32>} : memref<32x1024xf32, #tpu.memory_space<vmem>>, vector<16xf32>,
      %add3A_321 = arith.addf %get3A_317, %get3A_320 : vector<16xf32>
      %swap3A_322 = arith.index_cast %scan3A_56 : i32 to index
      %swap3A_323 = arith.constant 416 : index
      %swap3A_324 = tpu.vector_load %arg7[%swap3A_322, %swap3A_323] {strides = array<i32>} : memref<32x1024xf32, #tpu.memory_space<vmem>>, vector<16xf32>,
      tpu.vector_store %arg7[%swap3A_322, %swap3A_323], %add3A_321 {strides = array<i32>} : memref<32x1024xf32, #tpu.memory_space<vmem>>, vector<16xf32>,
      %get3A_325 = arith.index_cast %scan3A_56 : i32 to index
      %get3A_326 = arith.constant 432 : index
      %get3A_327 = tpu.vector_load %arg7[%get3A_325, %get3A_326] {strides = array<i32>} : memref<32x1024xf32, #tpu.memory_space<vmem>>, vector<16xf32>,
      %get3A_328 = arith.index_cast %scan3A_56 : i32 to index
      %get3A_329 = arith.constant 432 : index
      %get3A_330 = tpu.vector_load %arg8[%get3A_328, %get3A_329] {strides = array<i32>} : memref<32x1024xf32, #tpu.memory_space<vmem>>, vector<16xf32>,
      %add3A_331 = arith.addf %get3A_327, %get3A_330 : vector<16xf32>
      %swap3A_332 = arith.index_cast %scan3A_56 : i32 to index
      %swap3A_333 = arith.constant 432 : index
      %swap3A_334 = tpu.vector_load %arg7[%swap3A_332, %swap3A_333] {strides = array<i32>} : memref<32x1024xf32, #tpu.memory_space<vmem>>, vector<16xf32>,
      tpu.vector_store %arg7[%swap3A_332, %swap3A_333], %add3A_331 {strides = array<i32>} : memref<32x1024xf32, #tpu.memory_space<vmem>>, vector<16xf32>,
      %get3A_335 = arith.index_cast %scan3A_56 : i32 to index
      %get3A_336 = arith.constant 448 : index
      %get3A_337 = tpu.vector_load %arg7[%get3A_335, %get3A_336] {strides = array<i32>} : memref<32x1024xf32, #tpu.memory_space<vmem>>, vector<16xf32>,
      %get3A_338 = arith.index_cast %scan3A_56 : i32 to index
      %get3A_339 = arith.constant 448 : index
      %get3A_340 = tpu.vector_load %arg8[%get3A_338, %get3A_339] {strides = array<i32>} : memref<32x1024xf32, #tpu.memory_space<vmem>>, vector<16xf32>,
      %add3A_341 = arith.addf %get3A_337, %get3A_340 : vector<16xf32>
      %swap3A_342 = arith.index_cast %scan3A_56 : i32 to index
      %swap3A_343 = arith.constant 448 : index
      %swap3A_344 = tpu.vector_load %arg7[%swap3A_342, %swap3A_343] {strides = array<i32>} : memref<32x1024xf32, #tpu.memory_space<vmem>>, vector<16xf32>,
      tpu.vector_store %arg7[%swap3A_342, %swap3A_343], %add3A_341 {strides = array<i32>} : memref<32x1024xf32, #tpu.memory_space<vmem>>, vector<16xf32>,
      %get3A_345 = arith.index_cast %scan3A_56 : i32 to index
      %get3A_346 = arith.constant 464 : index
      %get3A_347 = tpu.vector_load %arg7[%get3A_345, %get3A_346] {strides = array<i32>} : memref<32x1024xf32, #tpu.memory_space<vmem>>, vector<16xf32>,
      %get3A_348 = arith.index_cast %scan3A_56 : i32 to index
      %get3A_349 = arith.constant 464 : index
      %get3A_350 = tpu.vector_load %arg8[%get3A_348, %get3A_349] {strides = array<i32>} : memref<32x1024xf32, #tpu.memory_space<vmem>>, vector<16xf32>,
      %add3A_351 = arith.addf %get3A_347, %get3A_350 : vector<16xf32>
      %swap3A_352 = arith.index_cast %scan3A_56 : i32 to index
      %swap3A_353 = arith.constant 464 : index
      %swap3A_354 = tpu.vector_load %arg7[%swap3A_352, %swap3A_353] {strides = array<i32>} : memref<32x1024xf32, #tpu.memory_space<vmem>>, vector<16xf32>,
      tpu.vector_store %arg7[%swap3A_352, %swap3A_353], %add3A_351 {strides = array<i32>} : memref<32x1024xf32, #tpu.memory_space<vmem>>, vector<16xf32>,
      %get3A_355 = arith.index_cast %scan3A_56 : i32 to index
      %get3A_356 = arith.constant 480 : index
      %get3A_357 = tpu.vector_load %arg7[%get3A_355, %get3A_356] {strides = array<i32>} : memref<32x1024xf32, #tpu.memory_space<vmem>>, vector<16xf32>,
      %get3A_358 = arith.index_cast %scan3A_56 : i32 to index
      %get3A_359 = arith.constant 480 : index
      %get3A_360 = tpu.vector_load %arg8[%get3A_358, %get3A_359] {strides = array<i32>} : memref<32x1024xf32, #tpu.memory_space<vmem>>, vector<16xf32>,
      %add3A_361 = arith.addf %get3A_357, %get3A_360 : vector<16xf32>
      %swap3A_362 = arith.index_cast %scan3A_56 : i32 to index
      %swap3A_363 = arith.constant 480 : index
      %swap3A_364 = tpu.vector_load %arg7[%swap3A_362, %swap3A_363] {strides = array<i32>} : memref<32x1024xf32, #tpu.memory_space<vmem>>, vector<16xf32>,
      tpu.vector_store %arg7[%swap3A_362, %swap3A_363], %add3A_361 {strides = array<i32>} : memref<32x1024xf32, #tpu.memory_space<vmem>>, vector<16xf32>,
      %get3A_365 = arith.index_cast %scan3A_56 : i32 to index
      %get3A_366 = arith.constant 496 : index
      %get3A_367 = tpu.vector_load %arg7[%get3A_365, %get3A_366] {strides = array<i32>} : memref<32x1024xf32, #tpu.memory_space<vmem>>, vector<16xf32>,
      %get3A_368 = arith.index_cast %scan3A_56 : i32 to index
      %get3A_369 = arith.constant 496 : index
      %get3A_370 = tpu.vector_load %arg8[%get3A_368, %get3A_369] {strides = array<i32>} : memref<32x1024xf32, #tpu.memory_space<vmem>>, vector<16xf32>,
      %add3A_371 = arith.addf %get3A_367, %get3A_370 : vector<16xf32>
      %swap3A_372 = arith.index_cast %scan3A_56 : i32 to index
      %swap3A_373 = arith.constant 496 : index
      %swap3A_374 = tpu.vector_load %arg7[%swap3A_372, %swap3A_373] {strides = array<i32>} : memref<32x1024xf32, #tpu.memory_space<vmem>>, vector<16xf32>,
      tpu.vector_store %arg7[%swap3A_372, %swap3A_373], %add3A_371 {strides = array<i32>} : memref<32x1024xf32, #tpu.memory_space<vmem>>, vector<16xf32>,
      %get3A_375 = arith.index_cast %scan3A_56 : i32 to index
      %get3A_376 = arith.constant 512 : index
      %get3A_377 = tpu.vector_load %arg7[%get3A_375, %get3A_376] {strides = array<i32>} : memref<32x1024xf32, #tpu.memory_space<vmem>>, vector<16xf32>,
      %get3A_378 = arith.index_cast %scan3A_56 : i32 to index
      %get3A_379 = arith.constant 512 : index
      %get3A_380 = tpu.vector_load %arg8[%get3A_378, %get3A_379] {strides = array<i32>} : memref<32x1024xf32, #tpu.memory_space<vmem>>, vector<16xf32>,
      %add3A_381 = arith.addf %get3A_377, %get3A_380 : vector<16xf32>
      %swap3A_382 = arith.index_cast %scan3A_56 : i32 to index
      %swap3A_383 = arith.constant 512 : index
      %swap3A_384 = tpu.vector_load %arg7[%swap3A_382, %swap3A_383] {strides = array<i32>} : memref<32x1024xf32, #tpu.memory_space<vmem>>, vector<16xf32>,
      tpu.vector_store %arg7[%swap3A_382, %swap3A_383], %add3A_381 {strides = array<i32>} : memref<32x1024xf32, #tpu.memory_space<vmem>>, vector<16xf32>,
      %get3A_385 = arith.index_cast %scan3A_56 : i32 to index
      %get3A_386 = arith.constant 528 : index
      %get3A_387 = tpu.vector_load %arg7[%get3A_385, %get3A_386] {strides = array<i32>} : memref<32x1024xf32, #tpu.memory_space<vmem>>, vector<16xf32>,
      %get3A_388 = arith.index_cast %scan3A_56 : i32 to index
      %get3A_389 = arith.constant 528 : index
      %get3A_390 = tpu.vector_load %arg8[%get3A_388, %get3A_389] {strides = array<i32>} : memref<32x1024xf32, #tpu.memory_space<vmem>>, vector<16xf32>,
      %add3A_391 = arith.addf %get3A_387, %get3A_390 : vector<16xf32>
      %swap3A_392 = arith.index_cast %scan3A_56 : i32 to index
      %swap3A_393 = arith.constant 528 : index
      %swap3A_394 = tpu.vector_load %arg7[%swap3A_392, %swap3A_393] {strides = array<i32>} : memref<32x1024xf32, #tpu.memory_space<vmem>>, vector<16xf32>,
      tpu.vector_store %arg7[%swap3A_392, %swap3A_393], %add3A_391 {strides = array<i32>} : memref<32x1024xf32, #tpu.memory_space<vmem>>, vector<16xf32>,
      %get3A_395 = arith.index_cast %scan3A_56 : i32 to index
      %get3A_396 = arith.constant 544 : index
      %get3A_397 = tpu.vector_load %arg7[%get3A_395, %get3A_396] {strides = array<i32>} : memref<32x1024xf32, #tpu.memory_space<vmem>>, vector<16xf32>,
      %get3A_398 = arith.index_cast %scan3A_56 : i32 to index
      %get3A_399 = arith.constant 544 : index
      %get3A_400 = tpu.vector_load %arg8[%get3A_398, %get3A_399] {strides = array<i32>} : memref<32x1024xf32, #tpu.memory_space<vmem>>, vector<16xf32>,
      %add3A_401 = arith.addf %get3A_397, %get3A_400 : vector<16xf32>
      %swap3A_402 = arith.index_cast %scan3A_56 : i32 to index
      %swap3A_403 = arith.constant 544 : index
      %swap3A_404 = tpu.vector_load %arg7[%swap3A_402, %swap3A_403] {strides = array<i32>} : memref<32x1024xf32, #tpu.memory_space<vmem>>, vector<16xf32>,
      tpu.vector_store %arg7[%swap3A_402, %swap3A_403], %add3A_401 {strides = array<i32>} : memref<32x1024xf32, #tpu.memory_space<vmem>>, vector<16xf32>,
      %get3A_405 = arith.index_cast %scan3A_56 : i32 to index
      %get3A_406 = arith.constant 560 : index
      %get3A_407 = tpu.vector_load %arg7[%get3A_405, %get3A_406] {strides = array<i32>} : memref<32x1024xf32, #tpu.memory_space<vmem>>, vector<16xf32>,
      %get3A_408 = arith.index_cast %scan3A_56 : i32 to index
      %get3A_409 = arith.constant 560 : index
      %get3A_410 = tpu.vector_load %arg8[%get3A_408, %get3A_409] {strides = array<i32>} : memref<32x1024xf32, #tpu.memory_space<vmem>>, vector<16xf32>,
      %add3A_411 = arith.addf %get3A_407, %get3A_410 : vector<16xf32>
      %swap3A_412 = arith.index_cast %scan3A_56 : i32 to index
      %swap3A_413 = arith.constant 560 : index
      %swap3A_414 = tpu.vector_load %arg7[%swap3A_412, %swap3A_413] {strides = array<i32>} : memref<32x1024xf32, #tpu.memory_space<vmem>>, vector<16xf32>,
      tpu.vector_store %arg7[%swap3A_412, %swap3A_413], %add3A_411 {strides = array<i32>} : memref<32x1024xf32, #tpu.memory_space<vmem>>, vector<16xf32>,
      %get3A_415 = arith.index_cast %scan3A_56 : i32 to index
      %get3A_416 = arith.constant 576 : index
      %get3A_417 = tpu.vector_load %arg7[%get3A_415, %get3A_416] {strides = array<i32>} : memref<32x1024xf32, #tpu.memory_space<vmem>>, vector<16xf32>,
      %get3A_418 = arith.index_cast %scan3A_56 : i32 to index
      %get3A_419 = arith.constant 576 : index
      %get3A_420 = tpu.vector_load %arg8[%get3A_418, %get3A_419] {strides = array<i32>} : memref<32x1024xf32, #tpu.memory_space<vmem>>, vector<16xf32>,
      %add3A_421 = arith.addf %get3A_417, %get3A_420 : vector<16xf32>
      %swap3A_422 = arith.index_cast %scan3A_56 : i32 to index
      %swap3A_423 = arith.constant 576 : index
      %swap3A_424 = tpu.vector_load %arg7[%swap3A_422, %swap3A_423] {strides = array<i32>} : memref<32x1024xf32, #tpu.memory_space<vmem>>, vector<16xf32>,
      tpu.vector_store %arg7[%swap3A_422, %swap3A_423], %add3A_421 {strides = array<i32>} : memref<32x1024xf32, #tpu.memory_space<vmem>>, vector<16xf32>,
      %get3A_425 = arith.index_cast %scan3A_56 : i32 to index
      %get3A_426 = arith.constant 592 : index
      %get3A_427 = tpu.vector_load %arg7[%get3A_425, %get3A_426] {strides = array<i32>} : memref<32x1024xf32, #tpu.memory_space<vmem>>, vector<16xf32>,
      %get3A_428 = arith.index_cast %scan3A_56 : i32 to index
      %get3A_429 = arith.constant 592 : index
      %get3A_430 = tpu.vector_load %arg8[%get3A_428, %get3A_429] {strides = array<i32>} : memref<32x1024xf32, #tpu.memory_space<vmem>>, vector<16xf32>,
      %add3A_431 = arith.addf %get3A_427, %get3A_430 : vector<16xf32>
      %swap3A_432 = arith.index_cast %scan3A_56 : i32 to index
      %swap3A_433 = arith.constant 592 : index
      %swap3A_434 = tpu.vector_load %arg7[%swap3A_432, %swap3A_433] {strides = array<i32>} : memref<32x1024xf32, #tpu.memory_space<vmem>>, vector<16xf32>,
      tpu.vector_store %arg7[%swap3A_432, %swap3A_433], %add3A_431 {strides = array<i32>} : memref<32x1024xf32, #tpu.memory_space<vmem>>, vector<16xf32>,
      %get3A_435 = arith.index_cast %scan3A_56 : i32 to index
      %get3A_436 = arith.constant 608 : index
      %get3A_437 = tpu.vector_load %arg7[%get3A_435, %get3A_436] {strides = array<i32>} : memref<32x1024xf32, #tpu.memory_space<vmem>>, vector<16xf32>,
      %get3A_438 = arith.index_cast %scan3A_56 : i32 to index
      %get3A_439 = arith.constant 608 : index
      %get3A_440 = tpu.vector_load %arg8[%get3A_438, %get3A_439] {strides = array<i32>} : memref<32x1024xf32, #tpu.memory_space<vmem>>, vector<16xf32>,
      %add3A_441 = arith.addf %get3A_437, %get3A_440 : vector<16xf32>
      %swap3A_442 = arith.index_cast %scan3A_56 : i32 to index
      %swap3A_443 = arith.constant 608 : index
      %swap3A_444 = tpu.vector_load %arg7[%swap3A_442, %swap3A_443] {strides = array<i32>} : memref<32x1024xf32, #tpu.memory_space<vmem>>, vector<16xf32>,
      tpu.vector_store %arg7[%swap3A_442, %swap3A_443], %add3A_441 {strides = array<i32>} : memref<32x1024xf32, #tpu.memory_space<vmem>>, vector<16xf32>,
      %get3A_445 = arith.index_cast %scan3A_56 : i32 to index
      %get3A_446 = arith.constant 624 : index
      %get3A_447 = tpu.vector_load %arg7[%get3A_445, %get3A_446] {strides = array<i32>} : memref<32x1024xf32, #tpu.memory_space<vmem>>, vector<16xf32>,
      %get3A_448 = arith.index_cast %scan3A_56 : i32 to index
      %get3A_449 = arith.constant 624 : index
      %get3A_450 = tpu.vector_load %arg8[%get3A_448, %get3A_449] {strides = array<i32>} : memref<32x1024xf32, #tpu.memory_space<vmem>>, vector<16xf32>,
      %add3A_451 = arith.addf %get3A_447, %get3A_450 : vector<16xf32>
      %swap3A_452 = arith.index_cast %scan3A_56 : i32 to index
      %swap3A_453 = arith.constant 624 : index
      %swap3A_454 = tpu.vector_load %arg7[%swap3A_452, %swap3A_453] {strides = array<i32>} : memref<32x1024xf32, #tpu.memory_space<vmem>>, vector<16xf32>,
      tpu.vector_store %arg7[%swap3A_452, %swap3A_453], %add3A_451 {strides = array<i32>} : memref<32x1024xf32, #tpu.memory_space<vmem>>, vector<16xf32>,
      %get3A_455 = arith.index_cast %scan3A_56 : i32 to index
      %get3A_456 = arith.constant 640 : index
      %get3A_457 = tpu.vector_load %arg7[%get3A_455, %get3A_456] {strides = array<i32>} : memref<32x1024xf32, #tpu.memory_space<vmem>>, vector<16xf32>,
      %get3A_458 = arith.index_cast %scan3A_56 : i32 to index
      %get3A_459 = arith.constant 640 : index
      %get3A_460 = tpu.vector_load %arg8[%get3A_458, %get3A_459] {strides = array<i32>} : memref<32x1024xf32, #tpu.memory_space<vmem>>, vector<16xf32>,
      %add3A_461 = arith.addf %get3A_457, %get3A_460 : vector<16xf32>
      %swap3A_462 = arith.index_cast %scan3A_56 : i32 to index
      %swap3A_463 = arith.constant 640 : index
      %swap3A_464 = tpu.vector_load %arg7[%swap3A_462, %swap3A_463] {strides = array<i32>} : memref<32x1024xf32, #tpu.memory_space<vmem>>, vector<16xf32>,
      tpu.vector_store %arg7[%swap3A_462, %swap3A_463], %add3A_461 {strides = array<i32>} : memref<32x1024xf32, #tpu.memory_space<vmem>>, vector<16xf32>,
      %get3A_465 = arith.index_cast %scan3A_56 : i32 to index
      %get3A_466 = arith.constant 656 : index
      %get3A_467 = tpu.vector_load %arg7[%get3A_465, %get3A_466] {strides = array<i32>} : memref<32x1024xf32, #tpu.memory_space<vmem>>, vector<16xf32>,
      %get3A_468 = arith.index_cast %scan3A_56 : i32 to index
      %get3A_469 = arith.constant 656 : index
      %get3A_470 = tpu.vector_load %arg8[%get3A_468, %get3A_469] {strides = array<i32>} : memref<32x1024xf32, #tpu.memory_space<vmem>>, vector<16xf32>,
      %add3A_471 = arith.addf %get3A_467, %get3A_470 : vector<16xf32>
      %swap3A_472 = arith.index_cast %scan3A_56 : i32 to index
      %swap3A_473 = arith.constant 656 : index
      %swap3A_474 = tpu.vector_load %arg7[%swap3A_472, %swap3A_473] {strides = array<i32>} : memref<32x1024xf32, #tpu.memory_space<vmem>>, vector<16xf32>,
      tpu.vector_store %arg7[%swap3A_472, %swap3A_473], %add3A_471 {strides = array<i32>} : memref<32x1024xf32, #tpu.memory_space<vmem>>, vector<16xf32>,
      %get3A_475 = arith.index_cast %scan3A_56 : i32 to index
      %get3A_476 = arith.constant 672 : index
      %get3A_477 = tpu.vector_load %arg7[%get3A_475, %get3A_476] {strides = array<i32>} : memref<32x1024xf32, #tpu.memory_space<vmem>>, vector<16xf32>,
      %get3A_478 = arith.index_cast %scan3A_56 : i32 to index
      %get3A_479 = arith.constant 672 : index
      %get3A_480 = tpu.vector_load %arg8[%get3A_478, %get3A_479] {strides = array<i32>} : memref<32x1024xf32, #tpu.memory_space<vmem>>, vector<16xf32>,
      %add3A_481 = arith.addf %get3A_477, %get3A_480 : vector<16xf32>
      %swap3A_482 = arith.index_cast %scan3A_56 : i32 to index
      %swap3A_483 = arith.constant 672 : index
      %swap3A_484 = tpu.vector_load %arg7[%swap3A_482, %swap3A_483] {strides = array<i32>} : memref<32x1024xf32, #tpu.memory_space<vmem>>, vector<16xf32>,
      tpu.vector_store %arg7[%swap3A_482, %swap3A_483], %add3A_481 {strides = array<i32>} : memref<32x1024xf32, #tpu.memory_space<vmem>>, vector<16xf32>,
      %get3A_485 = arith.index_cast %scan3A_56 : i32 to index
      %get3A_486 = arith.constant 688 : index
      %get3A_487 = tpu.vector_load %arg7[%get3A_485, %get3A_486] {strides = array<i32>} : memref<32x1024xf32, #tpu.memory_space<vmem>>, vector<16xf32>,
      %get3A_488 = arith.index_cast %scan3A_56 : i32 to index
      %get3A_489 = arith.constant 688 : index
      %get3A_490 = tpu.vector_load %arg8[%get3A_488, %get3A_489] {strides = array<i32>} : memref<32x1024xf32, #tpu.memory_space<vmem>>, vector<16xf32>,
      %add3A_491 = arith.addf %get3A_487, %get3A_490 : vector<16xf32>
      %swap3A_492 = arith.index_cast %scan3A_56 : i32 to index
      %swap3A_493 = arith.constant 688 : index
      %swap3A_494 = tpu.vector_load %arg7[%swap3A_492, %swap3A_493] {strides = array<i32>} : memref<32x1024xf32, #tpu.memory_space<vmem>>, vector<16xf32>,
      tpu.vector_store %arg7[%swap3A_492, %swap3A_493], %add3A_491 {strides = array<i32>} : memref<32x1024xf32, #tpu.memory_space<vmem>>, vector<16xf32>,
      %get3A_495 = arith.index_cast %scan3A_56 : i32 to index
      %get3A_496 = arith.constant 704 : index
      %get3A_497 = tpu.vector_load %arg7[%get3A_495, %get3A_496] {strides = array<i32>} : memref<32x1024xf32, #tpu.memory_space<vmem>>, vector<16xf32>,
      %get3A_498 = arith.index_cast %scan3A_56 : i32 to index
      %get3A_499 = arith.constant 704 : index
      %get3A_500 = tpu.vector_load %arg8[%get3A_498, %get3A_499] {strides = array<i32>} : memref<32x1024xf32, #tpu.memory_space<vmem>>, vector<16xf32>,
      %add3A_501 = arith.addf %get3A_497, %get3A_500 : vector<16xf32>
      %swap3A_502 = arith.index_cast %scan3A_56 : i32 to index
      %swap3A_503 = arith.constant 704 : index
      %swap3A_504 = tpu.vector_load %arg7[%swap3A_502, %swap3A_503] {strides = array<i32>} : memref<32x1024xf32, #tpu.memory_space<vmem>>, vector<16xf32>,
      tpu.vector_store %arg7[%swap3A_502, %swap3A_503], %add3A_501 {strides = array<i32>} : memref<32x1024xf32, #tpu.memory_space<vmem>>, vector<16xf32>,
      %get3A_505 = arith.index_cast %scan3A_56 : i32 to index
      %get3A_506 = arith.constant 720 : index
      %get3A_507 = tpu.vector_load %arg7[%get3A_505, %get3A_506] {strides = array<i32>} : memref<32x1024xf32, #tpu.memory_space<vmem>>, vector<16xf32>,
      %get3A_508 = arith.index_cast %scan3A_56 : i32 to index
      %get3A_509 = arith.constant 720 : index
      %get3A_510 = tpu.vector_load %arg8[%get3A_508, %get3A_509] {strides = array<i32>} : memref<32x1024xf32, #tpu.memory_space<vmem>>, vector<16xf32>,
      %add3A_511 = arith.addf %get3A_507, %get3A_510 : vector<16xf32>
      %swap3A_512 = arith.index_cast %scan3A_56 : i32 to index
      %swap3A_513 = arith.constant 720 : index
      %swap3A_514 = tpu.vector_load %arg7[%swap3A_512, %swap3A_513] {strides = array<i32>} : memref<32x1024xf32, #tpu.memory_space<vmem>>, vector<16xf32>,
      tpu.vector_store %arg7[%swap3A_512, %swap3A_513], %add3A_511 {strides = array<i32>} : memref<32x1024xf32, #tpu.memory_space<vmem>>, vector<16xf32>,
      %get3A_515 = arith.index_cast %scan3A_56 : i32 to index
      %get3A_516 = arith.constant 736 : index
      %get3A_517 = tpu.vector_load %arg7[%get3A_515, %get3A_516] {strides = array<i32>} : memref<32x1024xf32, #tpu.memory_space<vmem>>, vector<16xf32>,
      %get3A_518 = arith.index_cast %scan3A_56 : i32 to index
      %get3A_519 = arith.constant 736 : index
      %get3A_520 = tpu.vector_load %arg8[%get3A_518, %get3A_519] {strides = array<i32>} : memref<32x1024xf32, #tpu.memory_space<vmem>>, vector<16xf32>,
      %add3A_521 = arith.addf %get3A_517, %get3A_520 : vector<16xf32>
      %swap3A_522 = arith.index_cast %scan3A_56 : i32 to index
      %swap3A_523 = arith.constant 736 : index
      %swap3A_524 = tpu.vector_load %arg7[%swap3A_522, %swap3A_523] {strides = array<i32>} : memref<32x1024xf32, #tpu.memory_space<vmem>>, vector<16xf32>,
      tpu.vector_store %arg7[%swap3A_522, %swap3A_523], %add3A_521 {strides = array<i32>} : memref<32x1024xf32, #tpu.memory_space<vmem>>, vector<16xf32>,
      %get3A_525 = arith.index_cast %scan3A_56 : i32 to index
      %get3A_526 = arith.constant 752 : index
      %get3A_527 = tpu.vector_load %arg7[%get3A_525, %get3A_526] {strides = array<i32>} : memref<32x1024xf32, #tpu.memory_space<vmem>>, vector<16xf32>,
      %get3A_528 = arith.index_cast %scan3A_56 : i32 to index
      %get3A_529 = arith.constant 752 : index
      %get3A_530 = tpu.vector_load %arg8[%get3A_528, %get3A_529] {strides = array<i32>} : memref<32x1024xf32, #tpu.memory_space<vmem>>, vector<16xf32>,
      %add3A_531 = arith.addf %get3A_527, %get3A_530 : vector<16xf32>
      %swap3A_532 = arith.index_cast %scan3A_56 : i32 to index
      %swap3A_533 = arith.constant 752 : index
      %swap3A_534 = tpu.vector_load %arg7[%swap3A_532, %swap3A_533] {strides = array<i32>} : memref<32x1024xf32, #tpu.memory_space<vmem>>, vector<16xf32>,
      tpu.vector_store %arg7[%swap3A_532, %swap3A_533], %add3A_531 {strides = array<i32>} : memref<32x1024xf32, #tpu.memory_space<vmem>>, vector<16xf32>,
      %get3A_535 = arith.index_cast %scan3A_56 : i32 to index
      %get3A_536 = arith.constant 768 : index
      %get3A_537 = tpu.vector_load %arg7[%get3A_535, %get3A_536] {strides = array<i32>} : memref<32x1024xf32, #tpu.memory_space<vmem>>, vector<16xf32>,
      %get3A_538 = arith.index_cast %scan3A_56 : i32 to index
      %get3A_539 = arith.constant 768 : index
      %get3A_540 = tpu.vector_load %arg8[%get3A_538, %get3A_539] {strides = array<i32>} : memref<32x1024xf32, #tpu.memory_space<vmem>>, vector<16xf32>,
      %add3A_541 = arith.addf %get3A_537, %get3A_540 : vector<16xf32>
      %swap3A_542 = arith.index_cast %scan3A_56 : i32 to index
      %swap3A_543 = arith.constant 768 : index
      %swap3A_544 = tpu.vector_load %arg7[%swap3A_542, %swap3A_543] {strides = array<i32>} : memref<32x1024xf32, #tpu.memory_space<vmem>>, vector<16xf32>,
      tpu.vector_store %arg7[%swap3A_542, %swap3A_543], %add3A_541 {strides = array<i32>} : memref<32x1024xf32, #tpu.memory_space<vmem>>, vector<16xf32>,
      %get3A_545 = arith.index_cast %scan3A_56 : i32 to index
      %get3A_546 = arith.constant 784 : index
      %get3A_547 = tpu.vector_load %arg7[%get3A_545, %get3A_546] {strides = array<i32>} : memref<32x1024xf32, #tpu.memory_space<vmem>>, vector<16xf32>,
      %get3A_548 = arith.index_cast %scan3A_56 : i32 to index
      %get3A_549 = arith.constant 784 : index
      %get3A_550 = tpu.vector_load %arg8[%get3A_548, %get3A_549] {strides = array<i32>} : memref<32x1024xf32, #tpu.memory_space<vmem>>, vector<16xf32>,
      %add3A_551 = arith.addf %get3A_547, %get3A_550 : vector<16xf32>
      %swap3A_552 = arith.index_cast %scan3A_56 : i32 to index
      %swap3A_553 = arith.constant 784 : index
      %swap3A_554 = tpu.vector_load %arg7[%swap3A_552, %swap3A_553] {strides = array<i32>} : memref<32x1024xf32, #tpu.memory_space<vmem>>, vector<16xf32>,
      tpu.vector_store %arg7[%swap3A_552, %swap3A_553], %add3A_551 {strides = array<i32>} : memref<32x1024xf32, #tpu.memory_space<vmem>>, vector<16xf32>,
      %get3A_555 = arith.index_cast %scan3A_56 : i32 to index
      %get3A_556 = arith.constant 800 : index
      %get3A_557 = tpu.vector_load %arg7[%get3A_555, %get3A_556] {strides = array<i32>} : memref<32x1024xf32, #tpu.memory_space<vmem>>, vector<16xf32>,
      %get3A_558 = arith.index_cast %scan3A_56 : i32 to index
      %get3A_559 = arith.constant 800 : index
      %get3A_560 = tpu.vector_load %arg8[%get3A_558, %get3A_559] {strides = array<i32>} : memref<32x1024xf32, #tpu.memory_space<vmem>>, vector<16xf32>,
      %add3A_561 = arith.addf %get3A_557, %get3A_560 : vector<16xf32>
      %swap3A_562 = arith.index_cast %scan3A_56 : i32 to index
      %swap3A_563 = arith.constant 800 : index
      %swap3A_564 = tpu.vector_load %arg7[%swap3A_562, %swap3A_563] {strides = array<i32>} : memref<32x1024xf32, #tpu.memory_space<vmem>>, vector<16xf32>,
      tpu.vector_store %arg7[%swap3A_562, %swap3A_563], %add3A_561 {strides = array<i32>} : memref<32x1024xf32, #tpu.memory_space<vmem>>, vector<16xf32>,
      %get3A_565 = arith.index_cast %scan3A_56 : i32 to index
      %get3A_566 = arith.constant 816 : index
      %get3A_567 = tpu.vector_load %arg7[%get3A_565, %get3A_566] {strides = array<i32>} : memref<32x1024xf32, #tpu.memory_space<vmem>>, vector<16xf32>,
      %get3A_568 = arith.index_cast %scan3A_56 : i32 to index
      %get3A_569 = arith.constant 816 : index
      %get3A_570 = tpu.vector_load %arg8[%get3A_568, %get3A_569] {strides = array<i32>} : memref<32x1024xf32, #tpu.memory_space<vmem>>, vector<16xf32>,
      %add3A_571 = arith.addf %get3A_567, %get3A_570 : vector<16xf32>
      %swap3A_572 = arith.index_cast %scan3A_56 : i32 to index
      %swap3A_573 = arith.constant 816 : index
      %swap3A_574 = tpu.vector_load %arg7[%swap3A_572, %swap3A_573] {strides = array<i32>} : memref<32x1024xf32, #tpu.memory_space<vmem>>, vector<16xf32>,
      tpu.vector_store %arg7[%swap3A_572, %swap3A_573], %add3A_571 {strides = array<i32>} : memref<32x1024xf32, #tpu.memory_space<vmem>>, vector<16xf32>,
      %get3A_575 = arith.index_cast %scan3A_56 : i32 to index
      %get3A_576 = arith.constant 832 : index
      %get3A_577 = tpu.vector_load %arg7[%get3A_575, %get3A_576] {strides = array<i32>} : memref<32x1024xf32, #tpu.memory_space<vmem>>, vector<16xf32>,
      %get3A_578 = arith.index_cast %scan3A_56 : i32 to index
      %get3A_579 = arith.constant 832 : index
      %get3A_580 = tpu.vector_load %arg8[%get3A_578, %get3A_579] {strides = array<i32>} : memref<32x1024xf32, #tpu.memory_space<vmem>>, vector<16xf32>,
      %add3A_581 = arith.addf %get3A_577, %get3A_580 : vector<16xf32>
      %swap3A_582 = arith.index_cast %scan3A_56 : i32 to index
      %swap3A_583 = arith.constant 832 : index
      %swap3A_584 = tpu.vector_load %arg7[%swap3A_582, %swap3A_583] {strides = array<i32>} : memref<32x1024xf32, #tpu.memory_space<vmem>>, vector<16xf32>,
      tpu.vector_store %arg7[%swap3A_582, %swap3A_583], %add3A_581 {strides = array<i32>} : memref<32x1024xf32, #tpu.memory_space<vmem>>, vector<16xf32>,
      %get3A_585 = arith.index_cast %scan3A_56 : i32 to index
      %get3A_586 = arith.constant 848 : index
      %get3A_587 = tpu.vector_load %arg7[%get3A_585, %get3A_586] {strides = array<i32>} : memref<32x1024xf32, #tpu.memory_space<vmem>>, vector<16xf32>,
      %get3A_588 = arith.index_cast %scan3A_56 : i32 to index
      %get3A_589 = arith.constant 848 : index
      %get3A_590 = tpu.vector_load %arg8[%get3A_588, %get3A_589] {strides = array<i32>} : memref<32x1024xf32, #tpu.memory_space<vmem>>, vector<16xf32>,
      %add3A_591 = arith.addf %get3A_587, %get3A_590 : vector<16xf32>
      %swap3A_592 = arith.index_cast %scan3A_56 : i32 to index
      %swap3A_593 = arith.constant 848 : index
      %swap3A_594 = tpu.vector_load %arg7[%swap3A_592, %swap3A_593] {strides = array<i32>} : memref<32x1024xf32, #tpu.memory_space<vmem>>, vector<16xf32>,
      tpu.vector_store %arg7[%swap3A_592, %swap3A_593], %add3A_591 {strides = array<i32>} : memref<32x1024xf32, #tpu.memory_space<vmem>>, vector<16xf32>,
      %get3A_595 = arith.index_cast %scan3A_56 : i32 to index
      %get3A_596 = arith.constant 864 : index
      %get3A_597 = tpu.vector_load %arg7[%get3A_595, %get3A_596] {strides = array<i32>} : memref<32x1024xf32, #tpu.memory_space<vmem>>, vector<16xf32>,
      %get3A_598 = arith.index_cast %scan3A_56 : i32 to index
      %get3A_599 = arith.constant 864 : index
      %get3A_600 = tpu.vector_load %arg8[%get3A_598, %get3A_599] {strides = array<i32>} : memref<32x1024xf32, #tpu.memory_space<vmem>>, vector<16xf32>,
      %add3A_601 = arith.addf %get3A_597, %get3A_600 : vector<16xf32>
      %swap3A_602 = arith.index_cast %scan3A_56 : i32 to index
      %swap3A_603 = arith.constant 864 : index
      %swap3A_604 = tpu.vector_load %arg7[%swap3A_602, %swap3A_603] {strides = array<i32>} : memref<32x1024xf32, #tpu.memory_space<vmem>>, vector<16xf32>,
      tpu.vector_store %arg7[%swap3A_602, %swap3A_603], %add3A_601 {strides = array<i32>} : memref<32x1024xf32, #tpu.memory_space<vmem>>, vector<16xf32>,
      %get3A_605 = arith.index_cast %scan3A_56 : i32 to index
      %get3A_606 = arith.constant 880 : index
      %get3A_607 = tpu.vector_load %arg7[%get3A_605, %get3A_606] {strides = array<i32>} : memref<32x1024xf32, #tpu.memory_space<vmem>>, vector<16xf32>,
      %get3A_608 = arith.index_cast %scan3A_56 : i32 to index
      %get3A_609 = arith.constant 880 : index
      %get3A_610 = tpu.vector_load %arg8[%get3A_608, %get3A_609] {strides = array<i32>} : memref<32x1024xf32, #tpu.memory_space<vmem>>, vector<16xf32>,
      %add3A_611 = arith.addf %get3A_607, %get3A_610 : vector<16xf32>
      %swap3A_612 = arith.index_cast %scan3A_56 : i32 to index
      %swap3A_613 = arith.constant 880 : index
      %swap3A_614 = tpu.vector_load %arg7[%swap3A_612, %swap3A_613] {strides = array<i32>} : memref<32x1024xf32, #tpu.memory_space<vmem>>, vector<16xf32>,
      tpu.vector_store %arg7[%swap3A_612, %swap3A_613], %add3A_611 {strides = array<i32>} : memref<32x1024xf32, #tpu.memory_space<vmem>>, vector<16xf32>,
      %get3A_615 = arith.index_cast %scan3A_56 : i32 to index
      %get3A_616 = arith.constant 896 : index
      %get3A_617 = tpu.vector_load %arg7[%get3A_615, %get3A_616] {strides = array<i32>} : memref<32x1024xf32, #tpu.memory_space<vmem>>, vector<16xf32>,
      %get3A_618 = arith.index_cast %scan3A_56 : i32 to index
      %get3A_619 = arith.constant 896 : index
      %get3A_620 = tpu.vector_load %arg8[%get3A_618, %get3A_619] {strides = array<i32>} : memref<32x1024xf32, #tpu.memory_space<vmem>>, vector<16xf32>,
      %add3A_621 = arith.addf %get3A_617, %get3A_620 : vector<16xf32>
      %swap3A_622 = arith.index_cast %scan3A_56 : i32 to index
      %swap3A_623 = arith.constant 896 : index
      %swap3A_624 = tpu.vector_load %arg7[%swap3A_622, %swap3A_623] {strides = array<i32>} : memref<32x1024xf32, #tpu.memory_space<vmem>>, vector<16xf32>,
      tpu.vector_store %arg7[%swap3A_622, %swap3A_623], %add3A_621 {strides = array<i32>} : memref<32x1024xf32, #tpu.memory_space<vmem>>, vector<16xf32>,
      %get3A_625 = arith.index_cast %scan3A_56 : i32 to index
      %get3A_626 = arith.constant 912 : index
      %get3A_627 = tpu.vector_load %arg7[%get3A_625, %get3A_626] {strides = array<i32>} : memref<32x1024xf32, #tpu.memory_space<vmem>>, vector<16xf32>,
      %get3A_628 = arith.index_cast %scan3A_56 : i32 to index
      %get3A_629 = arith.constant 912 : index
      %get3A_630 = tpu.vector_load %arg8[%get3A_628, %get3A_629] {strides = array<i32>} : memref<32x1024xf32, #tpu.memory_space<vmem>>, vector<16xf32>,
      %add3A_631 = arith.addf %get3A_627, %get3A_630 : vector<16xf32>
      %swap3A_632 = arith.index_cast %scan3A_56 : i32 to index
      %swap3A_633 = arith.constant 912 : index
      %swap3A_634 = tpu.vector_load %arg7[%swap3A_632, %swap3A_633] {strides = array<i32>} : memref<32x1024xf32, #tpu.memory_space<vmem>>, vector<16xf32>,
      tpu.vector_store %arg7[%swap3A_632, %swap3A_633], %add3A_631 {strides = array<i32>} : memref<32x1024xf32, #tpu.memory_space<vmem>>, vector<16xf32>,
      %get3A_635 = arith.index_cast %scan3A_56 : i32 to index
      %get3A_636 = arith.constant 928 : index
      %get3A_637 = tpu.vector_load %arg7[%get3A_635, %get3A_636] {strides = array<i32>} : memref<32x1024xf32, #tpu.memory_space<vmem>>, vector<16xf32>,
      %get3A_638 = arith.index_cast %scan3A_56 : i32 to index
      %get3A_639 = arith.constant 928 : index
      %get3A_640 = tpu.vector_load %arg8[%get3A_638, %get3A_639] {strides = array<i32>} : memref<32x1024xf32, #tpu.memory_space<vmem>>, vector<16xf32>,
      %add3A_641 = arith.addf %get3A_637, %get3A_640 : vector<16xf32>
      %swap3A_642 = arith.index_cast %scan3A_56 : i32 to index
      %swap3A_643 = arith.constant 928 : index
      %swap3A_644 = tpu.vector_load %arg7[%swap3A_642, %swap3A_643] {strides = array<i32>} : memref<32x1024xf32, #tpu.memory_space<vmem>>, vector<16xf32>,
      tpu.vector_store %arg7[%swap3A_642, %swap3A_643], %add3A_641 {strides = array<i32>} : memref<32x1024xf32, #tpu.memory_space<vmem>>, vector<16xf32>,
      %get3A_645 = arith.index_cast %scan3A_56 : i32 to index
      %get3A_646 = arith.constant 944 : index
      %get3A_647 = tpu.vector_load %arg7[%get3A_645, %get3A_646] {strides = array<i32>} : memref<32x1024xf32, #tpu.memory_space<vmem>>, vector<16xf32>,
      %get3A_648 = arith.index_cast %scan3A_56 : i32 to index
      %get3A_649 = arith.constant 944 : index
      %get3A_650 = tpu.vector_load %arg8[%get3A_648, %get3A_649] {strides = array<i32>} : memref<32x1024xf32, #tpu.memory_space<vmem>>, vector<16xf32>,
      %add3A_651 = arith.addf %get3A_647, %get3A_650 : vector<16xf32>
      %swap3A_652 = arith.index_cast %scan3A_56 : i32 to index
      %swap3A_653 = arith.constant 944 : index
      %swap3A_654 = tpu.vector_load %arg7[%swap3A_652, %swap3A_653] {strides = array<i32>} : memref<32x1024xf32, #tpu.memory_space<vmem>>, vector<16xf32>,
      tpu.vector_store %arg7[%swap3A_652, %swap3A_653], %add3A_651 {strides = array<i32>} : memref<32x1024xf32, #tpu.memory_space<vmem>>, vector<16xf32>,
      %get3A_655 = arith.index_cast %scan3A_56 : i32 to index
      %get3A_656 = arith.constant 960 : index
      %get3A_657 = tpu.vector_load %arg7[%get3A_655, %get3A_656] {strides = array<i32>} : memref<32x1024xf32, #tpu.memory_space<vmem>>, vector<16xf32>,
      %get3A_658 = arith.index_cast %scan3A_56 : i32 to index
      %get3A_659 = arith.constant 960 : index
      %get3A_660 = tpu.vector_load %arg8[%get3A_658, %get3A_659] {strides = array<i32>} : memref<32x1024xf32, #tpu.memory_space<vmem>>, vector<16xf32>,
      %add3A_661 = arith.addf %get3A_657, %get3A_660 : vector<16xf32>
      %swap3A_662 = arith.index_cast %scan3A_56 : i32 to index
      %swap3A_663 = arith.constant 960 : index
      %swap3A_664 = tpu.vector_load %arg7[%swap3A_662, %swap3A_663] {strides = array<i32>} : memref<32x1024xf32, #tpu.memory_space<vmem>>, vector<16xf32>,
      tpu.vector_store %arg7[%swap3A_662, %swap3A_663], %add3A_661 {strides = array<i32>} : memref<32x1024xf32, #tpu.memory_space<vmem>>, vector<16xf32>,
      %get3A_665 = arith.index_cast %scan3A_56 : i32 to index
      %get3A_666 = arith.constant 976 : index
      %get3A_667 = tpu.vector_load %arg7[%get3A_665, %get3A_666] {strides = array<i32>} : memref<32x1024xf32, #tpu.memory_space<vmem>>, vector<16xf32>,
      %get3A_668 = arith.index_cast %scan3A_56 : i32 to index
      %get3A_669 = arith.constant 976 : index
      %get3A_670 = tpu.vector_load %arg8[%get3A_668, %get3A_669] {strides = array<i32>} : memref<32x1024xf32, #tpu.memory_space<vmem>>, vector<16xf32>,
      %add3A_671 = arith.addf %get3A_667, %get3A_670 : vector<16xf32>
      %swap3A_672 = arith.index_cast %scan3A_56 : i32 to index
      %swap3A_673 = arith.constant 976 : index
      %swap3A_674 = tpu.vector_load %arg7[%swap3A_672, %swap3A_673] {strides = array<i32>} : memref<32x1024xf32, #tpu.memory_space<vmem>>, vector<16xf32>,
      tpu.vector_store %arg7[%swap3A_672, %swap3A_673], %add3A_671 {strides = array<i32>} : memref<32x1024xf32, #tpu.memory_space<vmem>>, vector<16xf32>,
      %get3A_675 = arith.index_cast %scan3A_56 : i32 to index
      %get3A_676 = arith.constant 992 : index
      %get3A_677 = tpu.vector_load %arg7[%get3A_675, %get3A_676] {strides = array<i32>} : memref<32x1024xf32, #tpu.memory_space<vmem>>, vector<16xf32>,
      %get3A_678 = arith.index_cast %scan3A_56 : i32 to index
      %get3A_679 = arith.constant 992 : index
      %get3A_680 = tpu.vector_load %arg8[%get3A_678, %get3A_679] {strides = array<i32>} : memref<32x1024xf32, #tpu.memory_space<vmem>>, vector<16xf32>,
      %add3A_681 = arith.addf %get3A_677, %get3A_680 : vector<16xf32>
      %swap3A_682 = arith.index_cast %scan3A_56 : i32 to index
      %swap3A_683 = arith.constant 992 : index
      %swap3A_684 = tpu.vector_load %arg7[%swap3A_682, %swap3A_683] {strides = array<i32>} : memref<32x1024xf32, #tpu.memory_space<vmem>>, vector<16xf32>,
      tpu.vector_store %arg7[%swap3A_682, %swap3A_683], %add3A_681 {strides = array<i32>} : memref<32x1024xf32, #tpu.memory_space<vmem>>, vector<16xf32>,
      %get3A_685 = arith.index_cast %scan3A_56 : i32 to index
      %get3A_686 = arith.constant 1008 : index
      %get3A_687 = tpu.vector_load %arg7[%get3A_685, %get3A_686] {strides = array<i32>} : memref<32x1024xf32, #tpu.memory_space<vmem>>, vector<16xf32>,
      %get3A_688 = arith.index_cast %scan3A_56 : i32 to index
      %get3A_689 = arith.constant 1008 : index
      %get3A_690 = tpu.vector_load %arg8[%get3A_688, %get3A_689] {strides = array<i32>} : memref<32x1024xf32, #tpu.memory_space<vmem>>, vector<16xf32>,
      %add3A_691 = arith.addf %get3A_687, %get3A_690 : vector<16xf32>
      %swap3A_692 = arith.index_cast %scan3A_56 : i32 to index
      %swap3A_693 = arith.constant 1008 : index
      %swap3A_694 = tpu.vector_load %arg7[%swap3A_692, %swap3A_693] {strides = array<i32>} : memref<32x1024xf32, #tpu.memory_space<vmem>>, vector<16xf32>,
      tpu.vector_store %arg7[%swap3A_692, %swap3A_693], %add3A_691 {strides = array<i32>} : memref<32x1024xf32, #tpu.memory_space<vmem>>, vector<16xf32>,
    }
    %scan3A_47 = arith.constant 32 : i32
    %add3A_48 = arith.constant 6144 : i32
    %add3A_49 = arith.addi %add3A_48, %add3A_29 : i32
    "tpu.region"() ({
      %run_scoped3A = tpu.sem_alloc : memref<!tpu.dma_semaphore, #tpu.memory_space<semaphore_mem>>
      %dma_start3A_56 = arith.constant 0 : i32
      %dma_start3A_57 = tpu.memref_slice %arg4[%add3A_49, %dma_start3A_56] : memref<8192x1024xf32, #tpu.memory_space<hbm>> -> memref<32x1024xf32, #tpu.memory_space<hbm>>
      %dma_start3A_58 = arith.constant 0 : i32
      %dma_start3A_59 = tpu.memref_slice %arg4[%add3A_49, %dma_start3A_58] : memref<8192x1024xf32, #tpu.memory_space<hbm>> -> memref<32x1024xf32, #tpu.memory_space<hbm>>
      tpu.enqueue_dma source(%dma_start3A_59 : memref<32x1024xf32, #tpu.memory_space<hbm>>) target(%arg8 : memref<32x1024xf32, #tpu.memory_space<vmem>>) target_semaphore(%run_scoped3A : memref<!tpu.dma_semaphore, #tpu.memory_space<semaphore_mem>>)
      %dma_wait3A_60 = arith.constant 0 : i32
      %dma_wait3A_61 = tpu.memref_slice %arg4[%add3A_49, %dma_wait3A_60] : memref<8192x1024xf32, #tpu.memory_space<hbm>> -> memref<32x1024xf32, #tpu.memory_space<hbm>>
      %dma_wait3A_62 = arith.constant 0 : i32
      %dma_wait3A_63 = tpu.memref_slice %arg4[%add3A_49, %dma_wait3A_62] : memref<8192x1024xf32, #tpu.memory_space<hbm>> -> memref<32x1024xf32, #tpu.memory_space<hbm>>
      tpu.wait_dma2 semaphore(%run_scoped3A : memref<!tpu.dma_semaphore, #tpu.memory_space<semaphore_mem>>) src(%dma_wait3A_63 : memref<32x1024xf32, #tpu.memory_space<hbm>>) dst(%arg8 : memref<32x1024xf32, #tpu.memory_space<vmem>>)
      tpu.yield
    }) : () -> ()
    %scan3A_50 = arith.constant 0 : i32
    %scan3A_51 = arith.constant 0 : i32
    %scan3A_52 = arith.constant 32 : i32
    %scan3A_53 = arith.addi %scan3A_51, %scan3A_52 : i32
    %scan3A_54 = arith.constant 1 : i32
    scf.for %scan3A_56 = %scan3A_51 to %scan3A_53 step %scan3A_54  : i32 {
      %get3A = arith.index_cast %scan3A_56 : i32 to index
      %get3A_57 = arith.constant 0 : index
      %get3A_58 = tpu.vector_load %arg7[%get3A, %get3A_57] {strides = array<i32>} : memref<32x1024xf32, #tpu.memory_space<vmem>>, vector<16xf32>,
      %get3A_59 = arith.index_cast %scan3A_56 : i32 to index
      %get3A_60 = arith.constant 0 : index
      %get3A_61 = tpu.vector_load %arg8[%get3A_59, %get3A_60] {strides = array<i32>} : memref<32x1024xf32, #tpu.memory_space<vmem>>, vector<16xf32>,
      %add3A_62 = arith.addf %get3A_58, %get3A_61 : vector<16xf32>
      %swap3A = arith.index_cast %scan3A_56 : i32 to index
      %swap3A_63 = arith.constant 0 : index
      %swap3A_64 = tpu.vector_load %arg7[%swap3A, %swap3A_63] {strides = array<i32>} : memref<32x1024xf32, #tpu.memory_space<vmem>>, vector<16xf32>,
      tpu.vector_store %arg7[%swap3A, %swap3A_63], %add3A_62 {strides = array<i32>} : memref<32x1024xf32, #tpu.memory_space<vmem>>, vector<16xf32>,
      %get3A_65 = arith.index_cast %scan3A_56 : i32 to index
      %get3A_66 = arith.constant 16 : index
      %get3A_67 = tpu.vector_load %arg7[%get3A_65, %get3A_66] {strides = array<i32>} : memref<32x1024xf32, #tpu.memory_space<vmem>>, vector<16xf32>,
      %get3A_68 = arith.index_cast %scan3A_56 : i32 to index
      %get3A_69 = arith.constant 16 : index
      %get3A_70 = tpu.vector_load %arg8[%get3A_68, %get3A_69] {strides = array<i32>} : memref<32x1024xf32, #tpu.memory_space<vmem>>, vector<16xf32>,
      %add3A_71 = arith.addf %get3A_67, %get3A_70 : vector<16xf32>
      %swap3A_72 = arith.index_cast %scan3A_56 : i32 to index
      %swap3A_73 = arith.constant 16 : index
      %swap3A_74 = tpu.vector_load %arg7[%swap3A_72, %swap3A_73] {strides = array<i32>} : memref<32x1024xf32, #tpu.memory_space<vmem>>, vector<16xf32>,
      tpu.vector_store %arg7[%swap3A_72, %swap3A_73], %add3A_71 {strides = array<i32>} : memref<32x1024xf32, #tpu.memory_space<vmem>>, vector<16xf32>,
      %get3A_75 = arith.index_cast %scan3A_56 : i32 to index
      %get3A_76 = arith.constant 32 : index
      %get3A_77 = tpu.vector_load %arg7[%get3A_75, %get3A_76] {strides = array<i32>} : memref<32x1024xf32, #tpu.memory_space<vmem>>, vector<16xf32>,
      %get3A_78 = arith.index_cast %scan3A_56 : i32 to index
      %get3A_79 = arith.constant 32 : index
      %get3A_80 = tpu.vector_load %arg8[%get3A_78, %get3A_79] {strides = array<i32>} : memref<32x1024xf32, #tpu.memory_space<vmem>>, vector<16xf32>,
      %add3A_81 = arith.addf %get3A_77, %get3A_80 : vector<16xf32>
      %swap3A_82 = arith.index_cast %scan3A_56 : i32 to index
      %swap3A_83 = arith.constant 32 : index
      %swap3A_84 = tpu.vector_load %arg7[%swap3A_82, %swap3A_83] {strides = array<i32>} : memref<32x1024xf32, #tpu.memory_space<vmem>>, vector<16xf32>,
      tpu.vector_store %arg7[%swap3A_82, %swap3A_83], %add3A_81 {strides = array<i32>} : memref<32x1024xf32, #tpu.memory_space<vmem>>, vector<16xf32>,
      %get3A_85 = arith.index_cast %scan3A_56 : i32 to index
      %get3A_86 = arith.constant 48 : index
      %get3A_87 = tpu.vector_load %arg7[%get3A_85, %get3A_86] {strides = array<i32>} : memref<32x1024xf32, #tpu.memory_space<vmem>>, vector<16xf32>,
      %get3A_88 = arith.index_cast %scan3A_56 : i32 to index
      %get3A_89 = arith.constant 48 : index
      %get3A_90 = tpu.vector_load %arg8[%get3A_88, %get3A_89] {strides = array<i32>} : memref<32x1024xf32, #tpu.memory_space<vmem>>, vector<16xf32>,
      %add3A_91 = arith.addf %get3A_87, %get3A_90 : vector<16xf32>
      %swap3A_92 = arith.index_cast %scan3A_56 : i32 to index
      %swap3A_93 = arith.constant 48 : index
      %swap3A_94 = tpu.vector_load %arg7[%swap3A_92, %swap3A_93] {strides = array<i32>} : memref<32x1024xf32, #tpu.memory_space<vmem>>, vector<16xf32>,
      tpu.vector_store %arg7[%swap3A_92, %swap3A_93], %add3A_91 {strides = array<i32>} : memref<32x1024xf32, #tpu.memory_space<vmem>>, vector<16xf32>,
      %get3A_95 = arith.index_cast %scan3A_56 : i32 to index
      %get3A_96 = arith.constant 64 : index
      %get3A_97 = tpu.vector_load %arg7[%get3A_95, %get3A_96] {strides = array<i32>} : memref<32x1024xf32, #tpu.memory_space<vmem>>, vector<16xf32>,
      %get3A_98 = arith.index_cast %scan3A_56 : i32 to index
      %get3A_99 = arith.constant 64 : index
      %get3A_100 = tpu.vector_load %arg8[%get3A_98, %get3A_99] {strides = array<i32>} : memref<32x1024xf32, #tpu.memory_space<vmem>>, vector<16xf32>,
      %add3A_101 = arith.addf %get3A_97, %get3A_100 : vector<16xf32>
      %swap3A_102 = arith.index_cast %scan3A_56 : i32 to index
      %swap3A_103 = arith.constant 64 : index
      %swap3A_104 = tpu.vector_load %arg7[%swap3A_102, %swap3A_103] {strides = array<i32>} : memref<32x1024xf32, #tpu.memory_space<vmem>>, vector<16xf32>,
      tpu.vector_store %arg7[%swap3A_102, %swap3A_103], %add3A_101 {strides = array<i32>} : memref<32x1024xf32, #tpu.memory_space<vmem>>, vector<16xf32>,
      %get3A_105 = arith.index_cast %scan3A_56 : i32 to index
      %get3A_106 = arith.constant 80 : index
      %get3A_107 = tpu.vector_load %arg7[%get3A_105, %get3A_106] {strides = array<i32>} : memref<32x1024xf32, #tpu.memory_space<vmem>>, vector<16xf32>,
      %get3A_108 = arith.index_cast %scan3A_56 : i32 to index
      %get3A_109 = arith.constant 80 : index
      %get3A_110 = tpu.vector_load %arg8[%get3A_108, %get3A_109] {strides = array<i32>} : memref<32x1024xf32, #tpu.memory_space<vmem>>, vector<16xf32>,
      %add3A_111 = arith.addf %get3A_107, %get3A_110 : vector<16xf32>
      %swap3A_112 = arith.index_cast %scan3A_56 : i32 to index
      %swap3A_113 = arith.constant 80 : index
      %swap3A_114 = tpu.vector_load %arg7[%swap3A_112, %swap3A_113] {strides = array<i32>} : memref<32x1024xf32, #tpu.memory_space<vmem>>, vector<16xf32>,
      tpu.vector_store %arg7[%swap3A_112, %swap3A_113], %add3A_111 {strides = array<i32>} : memref<32x1024xf32, #tpu.memory_space<vmem>>, vector<16xf32>,
      %get3A_115 = arith.index_cast %scan3A_56 : i32 to index
      %get3A_116 = arith.constant 96 : index
      %get3A_117 = tpu.vector_load %arg7[%get3A_115, %get3A_116] {strides = array<i32>} : memref<32x1024xf32, #tpu.memory_space<vmem>>, vector<16xf32>,
      %get3A_118 = arith.index_cast %scan3A_56 : i32 to index
      %get3A_119 = arith.constant 96 : index
      %get3A_120 = tpu.vector_load %arg8[%get3A_118, %get3A_119] {strides = array<i32>} : memref<32x1024xf32, #tpu.memory_space<vmem>>, vector<16xf32>,
      %add3A_121 = arith.addf %get3A_117, %get3A_120 : vector<16xf32>
      %swap3A_122 = arith.index_cast %scan3A_56 : i32 to index
      %swap3A_123 = arith.constant 96 : index
      %swap3A_124 = tpu.vector_load %arg7[%swap3A_122, %swap3A_123] {strides = array<i32>} : memref<32x1024xf32, #tpu.memory_space<vmem>>, vector<16xf32>,
      tpu.vector_store %arg7[%swap3A_122, %swap3A_123], %add3A_121 {strides = array<i32>} : memref<32x1024xf32, #tpu.memory_space<vmem>>, vector<16xf32>,
      %get3A_125 = arith.index_cast %scan3A_56 : i32 to index
      %get3A_126 = arith.constant 112 : index
      %get3A_127 = tpu.vector_load %arg7[%get3A_125, %get3A_126] {strides = array<i32>} : memref<32x1024xf32, #tpu.memory_space<vmem>>, vector<16xf32>,
      %get3A_128 = arith.index_cast %scan3A_56 : i32 to index
      %get3A_129 = arith.constant 112 : index
      %get3A_130 = tpu.vector_load %arg8[%get3A_128, %get3A_129] {strides = array<i32>} : memref<32x1024xf32, #tpu.memory_space<vmem>>, vector<16xf32>,
      %add3A_131 = arith.addf %get3A_127, %get3A_130 : vector<16xf32>
      %swap3A_132 = arith.index_cast %scan3A_56 : i32 to index
      %swap3A_133 = arith.constant 112 : index
      %swap3A_134 = tpu.vector_load %arg7[%swap3A_132, %swap3A_133] {strides = array<i32>} : memref<32x1024xf32, #tpu.memory_space<vmem>>, vector<16xf32>,
      tpu.vector_store %arg7[%swap3A_132, %swap3A_133], %add3A_131 {strides = array<i32>} : memref<32x1024xf32, #tpu.memory_space<vmem>>, vector<16xf32>,
      %get3A_135 = arith.index_cast %scan3A_56 : i32 to index
      %get3A_136 = arith.constant 128 : index
      %get3A_137 = tpu.vector_load %arg7[%get3A_135, %get3A_136] {strides = array<i32>} : memref<32x1024xf32, #tpu.memory_space<vmem>>, vector<16xf32>,
      %get3A_138 = arith.index_cast %scan3A_56 : i32 to index
      %get3A_139 = arith.constant 128 : index
      %get3A_140 = tpu.vector_load %arg8[%get3A_138, %get3A_139] {strides = array<i32>} : memref<32x1024xf32, #tpu.memory_space<vmem>>, vector<16xf32>,
      %add3A_141 = arith.addf %get3A_137, %get3A_140 : vector<16xf32>
      %swap3A_142 = arith.index_cast %scan3A_56 : i32 to index
      %swap3A_143 = arith.constant 128 : index
      %swap3A_144 = tpu.vector_load %arg7[%swap3A_142, %swap3A_143] {strides = array<i32>} : memref<32x1024xf32, #tpu.memory_space<vmem>>, vector<16xf32>,
      tpu.vector_store %arg7[%swap3A_142, %swap3A_143], %add3A_141 {strides = array<i32>} : memref<32x1024xf32, #tpu.memory_space<vmem>>, vector<16xf32>,
      %get3A_145 = arith.index_cast %scan3A_56 : i32 to index
      %get3A_146 = arith.constant 144 : index
      %get3A_147 = tpu.vector_load %arg7[%get3A_145, %get3A_146] {strides = array<i32>} : memref<32x1024xf32, #tpu.memory_space<vmem>>, vector<16xf32>,
      %get3A_148 = arith.index_cast %scan3A_56 : i32 to index
      %get3A_149 = arith.constant 144 : index
      %get3A_150 = tpu.vector_load %arg8[%get3A_148, %get3A_149] {strides = array<i32>} : memref<32x1024xf32, #tpu.memory_space<vmem>>, vector<16xf32>,
      %add3A_151 = arith.addf %get3A_147, %get3A_150 : vector<16xf32>
      %swap3A_152 = arith.index_cast %scan3A_56 : i32 to index
      %swap3A_153 = arith.constant 144 : index
      %swap3A_154 = tpu.vector_load %arg7[%swap3A_152, %swap3A_153] {strides = array<i32>} : memref<32x1024xf32, #tpu.memory_space<vmem>>, vector<16xf32>,
      tpu.vector_store %arg7[%swap3A_152, %swap3A_153], %add3A_151 {strides = array<i32>} : memref<32x1024xf32, #tpu.memory_space<vmem>>, vector<16xf32>,
      %get3A_155 = arith.index_cast %scan3A_56 : i32 to index
      %get3A_156 = arith.constant 160 : index
      %get3A_157 = tpu.vector_load %arg7[%get3A_155, %get3A_156] {strides = array<i32>} : memref<32x1024xf32, #tpu.memory_space<vmem>>, vector<16xf32>,
      %get3A_158 = arith.index_cast %scan3A_56 : i32 to index
      %get3A_159 = arith.constant 160 : index
      %get3A_160 = tpu.vector_load %arg8[%get3A_158, %get3A_159] {strides = array<i32>} : memref<32x1024xf32, #tpu.memory_space<vmem>>, vector<16xf32>,
      %add3A_161 = arith.addf %get3A_157, %get3A_160 : vector<16xf32>
      %swap3A_162 = arith.index_cast %scan3A_56 : i32 to index
      %swap3A_163 = arith.constant 160 : index
      %swap3A_164 = tpu.vector_load %arg7[%swap3A_162, %swap3A_163] {strides = array<i32>} : memref<32x1024xf32, #tpu.memory_space<vmem>>, vector<16xf32>,
      tpu.vector_store %arg7[%swap3A_162, %swap3A_163], %add3A_161 {strides = array<i32>} : memref<32x1024xf32, #tpu.memory_space<vmem>>, vector<16xf32>,
      %get3A_165 = arith.index_cast %scan3A_56 : i32 to index
      %get3A_166 = arith.constant 176 : index
      %get3A_167 = tpu.vector_load %arg7[%get3A_165, %get3A_166] {strides = array<i32>} : memref<32x1024xf32, #tpu.memory_space<vmem>>, vector<16xf32>,
      %get3A_168 = arith.index_cast %scan3A_56 : i32 to index
      %get3A_169 = arith.constant 176 : index
      %get3A_170 = tpu.vector_load %arg8[%get3A_168, %get3A_169] {strides = array<i32>} : memref<32x1024xf32, #tpu.memory_space<vmem>>, vector<16xf32>,
      %add3A_171 = arith.addf %get3A_167, %get3A_170 : vector<16xf32>
      %swap3A_172 = arith.index_cast %scan3A_56 : i32 to index
      %swap3A_173 = arith.constant 176 : index
      %swap3A_174 = tpu.vector_load %arg7[%swap3A_172, %swap3A_173] {strides = array<i32>} : memref<32x1024xf32, #tpu.memory_space<vmem>>, vector<16xf32>,
      tpu.vector_store %arg7[%swap3A_172, %swap3A_173], %add3A_171 {strides = array<i32>} : memref<32x1024xf32, #tpu.memory_space<vmem>>, vector<16xf32>,
      %get3A_175 = arith.index_cast %scan3A_56 : i32 to index
      %get3A_176 = arith.constant 192 : index
      %get3A_177 = tpu.vector_load %arg7[%get3A_175, %get3A_176] {strides = array<i32>} : memref<32x1024xf32, #tpu.memory_space<vmem>>, vector<16xf32>,
      %get3A_178 = arith.index_cast %scan3A_56 : i32 to index
      %get3A_179 = arith.constant 192 : index
      %get3A_180 = tpu.vector_load %arg8[%get3A_178, %get3A_179] {strides = array<i32>} : memref<32x1024xf32, #tpu.memory_space<vmem>>, vector<16xf32>,
      %add3A_181 = arith.addf %get3A_177, %get3A_180 : vector<16xf32>
      %swap3A_182 = arith.index_cast %scan3A_56 : i32 to index
      %swap3A_183 = arith.constant 192 : index
      %swap3A_184 = tpu.vector_load %arg7[%swap3A_182, %swap3A_183] {strides = array<i32>} : memref<32x1024xf32, #tpu.memory_space<vmem>>, vector<16xf32>,
      tpu.vector_store %arg7[%swap3A_182, %swap3A_183], %add3A_181 {strides = array<i32>} : memref<32x1024xf32, #tpu.memory_space<vmem>>, vector<16xf32>,
      %get3A_185 = arith.index_cast %scan3A_56 : i32 to index
      %get3A_186 = arith.constant 208 : index
      %get3A_187 = tpu.vector_load %arg7[%get3A_185, %get3A_186] {strides = array<i32>} : memref<32x1024xf32, #tpu.memory_space<vmem>>, vector<16xf32>,
      %get3A_188 = arith.index_cast %scan3A_56 : i32 to index
      %get3A_189 = arith.constant 208 : index
      %get3A_190 = tpu.vector_load %arg8[%get3A_188, %get3A_189] {strides = array<i32>} : memref<32x1024xf32, #tpu.memory_space<vmem>>, vector<16xf32>,
      %add3A_191 = arith.addf %get3A_187, %get3A_190 : vector<16xf32>
      %swap3A_192 = arith.index_cast %scan3A_56 : i32 to index
      %swap3A_193 = arith.constant 208 : index
      %swap3A_194 = tpu.vector_load %arg7[%swap3A_192, %swap3A_193] {strides = array<i32>} : memref<32x1024xf32, #tpu.memory_space<vmem>>, vector<16xf32>,
      tpu.vector_store %arg7[%swap3A_192, %swap3A_193], %add3A_191 {strides = array<i32>} : memref<32x1024xf32, #tpu.memory_space<vmem>>, vector<16xf32>,
      %get3A_195 = arith.index_cast %scan3A_56 : i32 to index
      %get3A_196 = arith.constant 224 : index
      %get3A_197 = tpu.vector_load %arg7[%get3A_195, %get3A_196] {strides = array<i32>} : memref<32x1024xf32, #tpu.memory_space<vmem>>, vector<16xf32>,
      %get3A_198 = arith.index_cast %scan3A_56 : i32 to index
      %get3A_199 = arith.constant 224 : index
      %get3A_200 = tpu.vector_load %arg8[%get3A_198, %get3A_199] {strides = array<i32>} : memref<32x1024xf32, #tpu.memory_space<vmem>>, vector<16xf32>,
      %add3A_201 = arith.addf %get3A_197, %get3A_200 : vector<16xf32>
      %swap3A_202 = arith.index_cast %scan3A_56 : i32 to index
      %swap3A_203 = arith.constant 224 : index
      %swap3A_204 = tpu.vector_load %arg7[%swap3A_202, %swap3A_203] {strides = array<i32>} : memref<32x1024xf32, #tpu.memory_space<vmem>>, vector<16xf32>,
      tpu.vector_store %arg7[%swap3A_202, %swap3A_203], %add3A_201 {strides = array<i32>} : memref<32x1024xf32, #tpu.memory_space<vmem>>, vector<16xf32>,
      %get3A_205 = arith.index_cast %scan3A_56 : i32 to index
      %get3A_206 = arith.constant 240 : index
      %get3A_207 = tpu.vector_load %arg7[%get3A_205, %get3A_206] {strides = array<i32>} : memref<32x1024xf32, #tpu.memory_space<vmem>>, vector<16xf32>,
      %get3A_208 = arith.index_cast %scan3A_56 : i32 to index
      %get3A_209 = arith.constant 240 : index
      %get3A_210 = tpu.vector_load %arg8[%get3A_208, %get3A_209] {strides = array<i32>} : memref<32x1024xf32, #tpu.memory_space<vmem>>, vector<16xf32>,
      %add3A_211 = arith.addf %get3A_207, %get3A_210 : vector<16xf32>
      %swap3A_212 = arith.index_cast %scan3A_56 : i32 to index
      %swap3A_213 = arith.constant 240 : index
      %swap3A_214 = tpu.vector_load %arg7[%swap3A_212, %swap3A_213] {strides = array<i32>} : memref<32x1024xf32, #tpu.memory_space<vmem>>, vector<16xf32>,
      tpu.vector_store %arg7[%swap3A_212, %swap3A_213], %add3A_211 {strides = array<i32>} : memref<32x1024xf32, #tpu.memory_space<vmem>>, vector<16xf32>,
      %get3A_215 = arith.index_cast %scan3A_56 : i32 to index
      %get3A_216 = arith.constant 256 : index
      %get3A_217 = tpu.vector_load %arg7[%get3A_215, %get3A_216] {strides = array<i32>} : memref<32x1024xf32, #tpu.memory_space<vmem>>, vector<16xf32>,
      %get3A_218 = arith.index_cast %scan3A_56 : i32 to index
      %get3A_219 = arith.constant 256 : index
      %get3A_220 = tpu.vector_load %arg8[%get3A_218, %get3A_219] {strides = array<i32>} : memref<32x1024xf32, #tpu.memory_space<vmem>>, vector<16xf32>,
      %add3A_221 = arith.addf %get3A_217, %get3A_220 : vector<16xf32>
      %swap3A_222 = arith.index_cast %scan3A_56 : i32 to index
      %swap3A_223 = arith.constant 256 : index
      %swap3A_224 = tpu.vector_load %arg7[%swap3A_222, %swap3A_223] {strides = array<i32>} : memref<32x1024xf32, #tpu.memory_space<vmem>>, vector<16xf32>,
      tpu.vector_store %arg7[%swap3A_222, %swap3A_223], %add3A_221 {strides = array<i32>} : memref<32x1024xf32, #tpu.memory_space<vmem>>, vector<16xf32>,
      %get3A_225 = arith.index_cast %scan3A_56 : i32 to index
      %get3A_226 = arith.constant 272 : index
      %get3A_227 = tpu.vector_load %arg7[%get3A_225, %get3A_226] {strides = array<i32>} : memref<32x1024xf32, #tpu.memory_space<vmem>>, vector<16xf32>,
      %get3A_228 = arith.index_cast %scan3A_56 : i32 to index
      %get3A_229 = arith.constant 272 : index
      %get3A_230 = tpu.vector_load %arg8[%get3A_228, %get3A_229] {strides = array<i32>} : memref<32x1024xf32, #tpu.memory_space<vmem>>, vector<16xf32>,
      %add3A_231 = arith.addf %get3A_227, %get3A_230 : vector<16xf32>
      %swap3A_232 = arith.index_cast %scan3A_56 : i32 to index
      %swap3A_233 = arith.constant 272 : index
      %swap3A_234 = tpu.vector_load %arg7[%swap3A_232, %swap3A_233] {strides = array<i32>} : memref<32x1024xf32, #tpu.memory_space<vmem>>, vector<16xf32>,
      tpu.vector_store %arg7[%swap3A_232, %swap3A_233], %add3A_231 {strides = array<i32>} : memref<32x1024xf32, #tpu.memory_space<vmem>>, vector<16xf32>,
      %get3A_235 = arith.index_cast %scan3A_56 : i32 to index
      %get3A_236 = arith.constant 288 : index
      %get3A_237 = tpu.vector_load %arg7[%get3A_235, %get3A_236] {strides = array<i32>} : memref<32x1024xf32, #tpu.memory_space<vmem>>, vector<16xf32>,
      %get3A_238 = arith.index_cast %scan3A_56 : i32 to index
      %get3A_239 = arith.constant 288 : index
      %get3A_240 = tpu.vector_load %arg8[%get3A_238, %get3A_239] {strides = array<i32>} : memref<32x1024xf32, #tpu.memory_space<vmem>>, vector<16xf32>,
      %add3A_241 = arith.addf %get3A_237, %get3A_240 : vector<16xf32>
      %swap3A_242 = arith.index_cast %scan3A_56 : i32 to index
      %swap3A_243 = arith.constant 288 : index
      %swap3A_244 = tpu.vector_load %arg7[%swap3A_242, %swap3A_243] {strides = array<i32>} : memref<32x1024xf32, #tpu.memory_space<vmem>>, vector<16xf32>,
      tpu.vector_store %arg7[%swap3A_242, %swap3A_243], %add3A_241 {strides = array<i32>} : memref<32x1024xf32, #tpu.memory_space<vmem>>, vector<16xf32>,
      %get3A_245 = arith.index_cast %scan3A_56 : i32 to index
      %get3A_246 = arith.constant 304 : index
      %get3A_247 = tpu.vector_load %arg7[%get3A_245, %get3A_246] {strides = array<i32>} : memref<32x1024xf32, #tpu.memory_space<vmem>>, vector<16xf32>,
      %get3A_248 = arith.index_cast %scan3A_56 : i32 to index
      %get3A_249 = arith.constant 304 : index
      %get3A_250 = tpu.vector_load %arg8[%get3A_248, %get3A_249] {strides = array<i32>} : memref<32x1024xf32, #tpu.memory_space<vmem>>, vector<16xf32>,
      %add3A_251 = arith.addf %get3A_247, %get3A_250 : vector<16xf32>
      %swap3A_252 = arith.index_cast %scan3A_56 : i32 to index
      %swap3A_253 = arith.constant 304 : index
      %swap3A_254 = tpu.vector_load %arg7[%swap3A_252, %swap3A_253] {strides = array<i32>} : memref<32x1024xf32, #tpu.memory_space<vmem>>, vector<16xf32>,
      tpu.vector_store %arg7[%swap3A_252, %swap3A_253], %add3A_251 {strides = array<i32>} : memref<32x1024xf32, #tpu.memory_space<vmem>>, vector<16xf32>,
      %get3A_255 = arith.index_cast %scan3A_56 : i32 to index
      %get3A_256 = arith.constant 320 : index
      %get3A_257 = tpu.vector_load %arg7[%get3A_255, %get3A_256] {strides = array<i32>} : memref<32x1024xf32, #tpu.memory_space<vmem>>, vector<16xf32>,
      %get3A_258 = arith.index_cast %scan3A_56 : i32 to index
      %get3A_259 = arith.constant 320 : index
      %get3A_260 = tpu.vector_load %arg8[%get3A_258, %get3A_259] {strides = array<i32>} : memref<32x1024xf32, #tpu.memory_space<vmem>>, vector<16xf32>,
      %add3A_261 = arith.addf %get3A_257, %get3A_260 : vector<16xf32>
      %swap3A_262 = arith.index_cast %scan3A_56 : i32 to index
      %swap3A_263 = arith.constant 320 : index
      %swap3A_264 = tpu.vector_load %arg7[%swap3A_262, %swap3A_263] {strides = array<i32>} : memref<32x1024xf32, #tpu.memory_space<vmem>>, vector<16xf32>,
      tpu.vector_store %arg7[%swap3A_262, %swap3A_263], %add3A_261 {strides = array<i32>} : memref<32x1024xf32, #tpu.memory_space<vmem>>, vector<16xf32>,
      %get3A_265 = arith.index_cast %scan3A_56 : i32 to index
      %get3A_266 = arith.constant 336 : index
      %get3A_267 = tpu.vector_load %arg7[%get3A_265, %get3A_266] {strides = array<i32>} : memref<32x1024xf32, #tpu.memory_space<vmem>>, vector<16xf32>,
      %get3A_268 = arith.index_cast %scan3A_56 : i32 to index
      %get3A_269 = arith.constant 336 : index
      %get3A_270 = tpu.vector_load %arg8[%get3A_268, %get3A_269] {strides = array<i32>} : memref<32x1024xf32, #tpu.memory_space<vmem>>, vector<16xf32>,
      %add3A_271 = arith.addf %get3A_267, %get3A_270 : vector<16xf32>
      %swap3A_272 = arith.index_cast %scan3A_56 : i32 to index
      %swap3A_273 = arith.constant 336 : index
      %swap3A_274 = tpu.vector_load %arg7[%swap3A_272, %swap3A_273] {strides = array<i32>} : memref<32x1024xf32, #tpu.memory_space<vmem>>, vector<16xf32>,
      tpu.vector_store %arg7[%swap3A_272, %swap3A_273], %add3A_271 {strides = array<i32>} : memref<32x1024xf32, #tpu.memory_space<vmem>>, vector<16xf32>,
      %get3A_275 = arith.index_cast %scan3A_56 : i32 to index
      %get3A_276 = arith.constant 352 : index
      %get3A_277 = tpu.vector_load %arg7[%get3A_275, %get3A_276] {strides = array<i32>} : memref<32x1024xf32, #tpu.memory_space<vmem>>, vector<16xf32>,
      %get3A_278 = arith.index_cast %scan3A_56 : i32 to index
      %get3A_279 = arith.constant 352 : index
      %get3A_280 = tpu.vector_load %arg8[%get3A_278, %get3A_279] {strides = array<i32>} : memref<32x1024xf32, #tpu.memory_space<vmem>>, vector<16xf32>,
      %add3A_281 = arith.addf %get3A_277, %get3A_280 : vector<16xf32>
      %swap3A_282 = arith.index_cast %scan3A_56 : i32 to index
      %swap3A_283 = arith.constant 352 : index
      %swap3A_284 = tpu.vector_load %arg7[%swap3A_282, %swap3A_283] {strides = array<i32>} : memref<32x1024xf32, #tpu.memory_space<vmem>>, vector<16xf32>,
      tpu.vector_store %arg7[%swap3A_282, %swap3A_283], %add3A_281 {strides = array<i32>} : memref<32x1024xf32, #tpu.memory_space<vmem>>, vector<16xf32>,
      %get3A_285 = arith.index_cast %scan3A_56 : i32 to index
      %get3A_286 = arith.constant 368 : index
      %get3A_287 = tpu.vector_load %arg7[%get3A_285, %get3A_286] {strides = array<i32>} : memref<32x1024xf32, #tpu.memory_space<vmem>>, vector<16xf32>,
      %get3A_288 = arith.index_cast %scan3A_56 : i32 to index
      %get3A_289 = arith.constant 368 : index
      %get3A_290 = tpu.vector_load %arg8[%get3A_288, %get3A_289] {strides = array<i32>} : memref<32x1024xf32, #tpu.memory_space<vmem>>, vector<16xf32>,
      %add3A_291 = arith.addf %get3A_287, %get3A_290 : vector<16xf32>
      %swap3A_292 = arith.index_cast %scan3A_56 : i32 to index
      %swap3A_293 = arith.constant 368 : index
      %swap3A_294 = tpu.vector_load %arg7[%swap3A_292, %swap3A_293] {strides = array<i32>} : memref<32x1024xf32, #tpu.memory_space<vmem>>, vector<16xf32>,
      tpu.vector_store %arg7[%swap3A_292, %swap3A_293], %add3A_291 {strides = array<i32>} : memref<32x1024xf32, #tpu.memory_space<vmem>>, vector<16xf32>,
      %get3A_295 = arith.index_cast %scan3A_56 : i32 to index
      %get3A_296 = arith.constant 384 : index
      %get3A_297 = tpu.vector_load %arg7[%get3A_295, %get3A_296] {strides = array<i32>} : memref<32x1024xf32, #tpu.memory_space<vmem>>, vector<16xf32>,
      %get3A_298 = arith.index_cast %scan3A_56 : i32 to index
      %get3A_299 = arith.constant 384 : index
      %get3A_300 = tpu.vector_load %arg8[%get3A_298, %get3A_299] {strides = array<i32>} : memref<32x1024xf32, #tpu.memory_space<vmem>>, vector<16xf32>,
      %add3A_301 = arith.addf %get3A_297, %get3A_300 : vector<16xf32>
      %swap3A_302 = arith.index_cast %scan3A_56 : i32 to index
      %swap3A_303 = arith.constant 384 : index
      %swap3A_304 = tpu.vector_load %arg7[%swap3A_302, %swap3A_303] {strides = array<i32>} : memref<32x1024xf32, #tpu.memory_space<vmem>>, vector<16xf32>,
      tpu.vector_store %arg7[%swap3A_302, %swap3A_303], %add3A_301 {strides = array<i32>} : memref<32x1024xf32, #tpu.memory_space<vmem>>, vector<16xf32>,
      %get3A_305 = arith.index_cast %scan3A_56 : i32 to index
      %get3A_306 = arith.constant 400 : index
      %get3A_307 = tpu.vector_load %arg7[%get3A_305, %get3A_306] {strides = array<i32>} : memref<32x1024xf32, #tpu.memory_space<vmem>>, vector<16xf32>,
      %get3A_308 = arith.index_cast %scan3A_56 : i32 to index
      %get3A_309 = arith.constant 400 : index
      %get3A_310 = tpu.vector_load %arg8[%get3A_308, %get3A_309] {strides = array<i32>} : memref<32x1024xf32, #tpu.memory_space<vmem>>, vector<16xf32>,
      %add3A_311 = arith.addf %get3A_307, %get3A_310 : vector<16xf32>
      %swap3A_312 = arith.index_cast %scan3A_56 : i32 to index
      %swap3A_313 = arith.constant 400 : index
      %swap3A_314 = tpu.vector_load %arg7[%swap3A_312, %swap3A_313] {strides = array<i32>} : memref<32x1024xf32, #tpu.memory_space<vmem>>, vector<16xf32>,
      tpu.vector_store %arg7[%swap3A_312, %swap3A_313], %add3A_311 {strides = array<i32>} : memref<32x1024xf32, #tpu.memory_space<vmem>>, vector<16xf32>,
      %get3A_315 = arith.index_cast %scan3A_56 : i32 to index
      %get3A_316 = arith.constant 416 : index
      %get3A_317 = tpu.vector_load %arg7[%get3A_315, %get3A_316] {strides = array<i32>} : memref<32x1024xf32, #tpu.memory_space<vmem>>, vector<16xf32>,
      %get3A_318 = arith.index_cast %scan3A_56 : i32 to index
      %get3A_319 = arith.constant 416 : index
      %get3A_320 = tpu.vector_load %arg8[%get3A_318, %get3A_319] {strides = array<i32>} : memref<32x1024xf32, #tpu.memory_space<vmem>>, vector<16xf32>,
      %add3A_321 = arith.addf %get3A_317, %get3A_320 : vector<16xf32>
      %swap3A_322 = arith.index_cast %scan3A_56 : i32 to index
      %swap3A_323 = arith.constant 416 : index
      %swap3A_324 = tpu.vector_load %arg7[%swap3A_322, %swap3A_323] {strides = array<i32>} : memref<32x1024xf32, #tpu.memory_space<vmem>>, vector<16xf32>,
      tpu.vector_store %arg7[%swap3A_322, %swap3A_323], %add3A_321 {strides = array<i32>} : memref<32x1024xf32, #tpu.memory_space<vmem>>, vector<16xf32>,
      %get3A_325 = arith.index_cast %scan3A_56 : i32 to index
      %get3A_326 = arith.constant 432 : index
      %get3A_327 = tpu.vector_load %arg7[%get3A_325, %get3A_326] {strides = array<i32>} : memref<32x1024xf32, #tpu.memory_space<vmem>>, vector<16xf32>,
      %get3A_328 = arith.index_cast %scan3A_56 : i32 to index
      %get3A_329 = arith.constant 432 : index
      %get3A_330 = tpu.vector_load %arg8[%get3A_328, %get3A_329] {strides = array<i32>} : memref<32x1024xf32, #tpu.memory_space<vmem>>, vector<16xf32>,
      %add3A_331 = arith.addf %get3A_327, %get3A_330 : vector<16xf32>
      %swap3A_332 = arith.index_cast %scan3A_56 : i32 to index
      %swap3A_333 = arith.constant 432 : index
      %swap3A_334 = tpu.vector_load %arg7[%swap3A_332, %swap3A_333] {strides = array<i32>} : memref<32x1024xf32, #tpu.memory_space<vmem>>, vector<16xf32>,
      tpu.vector_store %arg7[%swap3A_332, %swap3A_333], %add3A_331 {strides = array<i32>} : memref<32x1024xf32, #tpu.memory_space<vmem>>, vector<16xf32>,
      %get3A_335 = arith.index_cast %scan3A_56 : i32 to index
      %get3A_336 = arith.constant 448 : index
      %get3A_337 = tpu.vector_load %arg7[%get3A_335, %get3A_336] {strides = array<i32>} : memref<32x1024xf32, #tpu.memory_space<vmem>>, vector<16xf32>,
      %get3A_338 = arith.index_cast %scan3A_56 : i32 to index
      %get3A_339 = arith.constant 448 : index
      %get3A_340 = tpu.vector_load %arg8[%get3A_338, %get3A_339] {strides = array<i32>} : memref<32x1024xf32, #tpu.memory_space<vmem>>, vector<16xf32>,
      %add3A_341 = arith.addf %get3A_337, %get3A_340 : vector<16xf32>
      %swap3A_342 = arith.index_cast %scan3A_56 : i32 to index
      %swap3A_343 = arith.constant 448 : index
      %swap3A_344 = tpu.vector_load %arg7[%swap3A_342, %swap3A_343] {strides = array<i32>} : memref<32x1024xf32, #tpu.memory_space<vmem>>, vector<16xf32>,
      tpu.vector_store %arg7[%swap3A_342, %swap3A_343], %add3A_341 {strides = array<i32>} : memref<32x1024xf32, #tpu.memory_space<vmem>>, vector<16xf32>,
      %get3A_345 = arith.index_cast %scan3A_56 : i32 to index
      %get3A_346 = arith.constant 464 : index
      %get3A_347 = tpu.vector_load %arg7[%get3A_345, %get3A_346] {strides = array<i32>} : memref<32x1024xf32, #tpu.memory_space<vmem>>, vector<16xf32>,
      %get3A_348 = arith.index_cast %scan3A_56 : i32 to index
      %get3A_349 = arith.constant 464 : index
      %get3A_350 = tpu.vector_load %arg8[%get3A_348, %get3A_349] {strides = array<i32>} : memref<32x1024xf32, #tpu.memory_space<vmem>>, vector<16xf32>,
      %add3A_351 = arith.addf %get3A_347, %get3A_350 : vector<16xf32>
      %swap3A_352 = arith.index_cast %scan3A_56 : i32 to index
      %swap3A_353 = arith.constant 464 : index
      %swap3A_354 = tpu.vector_load %arg7[%swap3A_352, %swap3A_353] {strides = array<i32>} : memref<32x1024xf32, #tpu.memory_space<vmem>>, vector<16xf32>,
      tpu.vector_store %arg7[%swap3A_352, %swap3A_353], %add3A_351 {strides = array<i32>} : memref<32x1024xf32, #tpu.memory_space<vmem>>, vector<16xf32>,
      %get3A_355 = arith.index_cast %scan3A_56 : i32 to index
      %get3A_356 = arith.constant 480 : index
      %get3A_357 = tpu.vector_load %arg7[%get3A_355, %get3A_356] {strides = array<i32>} : memref<32x1024xf32, #tpu.memory_space<vmem>>, vector<16xf32>,
      %get3A_358 = arith.index_cast %scan3A_56 : i32 to index
      %get3A_359 = arith.constant 480 : index
      %get3A_360 = tpu.vector_load %arg8[%get3A_358, %get3A_359] {strides = array<i32>} : memref<32x1024xf32, #tpu.memory_space<vmem>>, vector<16xf32>,
      %add3A_361 = arith.addf %get3A_357, %get3A_360 : vector<16xf32>
      %swap3A_362 = arith.index_cast %scan3A_56 : i32 to index
      %swap3A_363 = arith.constant 480 : index
      %swap3A_364 = tpu.vector_load %arg7[%swap3A_362, %swap3A_363] {strides = array<i32>} : memref<32x1024xf32, #tpu.memory_space<vmem>>, vector<16xf32>,
      tpu.vector_store %arg7[%swap3A_362, %swap3A_363], %add3A_361 {strides = array<i32>} : memref<32x1024xf32, #tpu.memory_space<vmem>>, vector<16xf32>,
      %get3A_365 = arith.index_cast %scan3A_56 : i32 to index
      %get3A_366 = arith.constant 496 : index
      %get3A_367 = tpu.vector_load %arg7[%get3A_365, %get3A_366] {strides = array<i32>} : memref<32x1024xf32, #tpu.memory_space<vmem>>, vector<16xf32>,
      %get3A_368 = arith.index_cast %scan3A_56 : i32 to index
      %get3A_369 = arith.constant 496 : index
      %get3A_370 = tpu.vector_load %arg8[%get3A_368, %get3A_369] {strides = array<i32>} : memref<32x1024xf32, #tpu.memory_space<vmem>>, vector<16xf32>,
      %add3A_371 = arith.addf %get3A_367, %get3A_370 : vector<16xf32>
      %swap3A_372 = arith.index_cast %scan3A_56 : i32 to index
      %swap3A_373 = arith.constant 496 : index
      %swap3A_374 = tpu.vector_load %arg7[%swap3A_372, %swap3A_373] {strides = array<i32>} : memref<32x1024xf32, #tpu.memory_space<vmem>>, vector<16xf32>,
      tpu.vector_store %arg7[%swap3A_372, %swap3A_373], %add3A_371 {strides = array<i32>} : memref<32x1024xf32, #tpu.memory_space<vmem>>, vector<16xf32>,
      %get3A_375 = arith.index_cast %scan3A_56 : i32 to index
      %get3A_376 = arith.constant 512 : index
      %get3A_377 = tpu.vector_load %arg7[%get3A_375, %get3A_376] {strides = array<i32>} : memref<32x1024xf32, #tpu.memory_space<vmem>>, vector<16xf32>,
      %get3A_378 = arith.index_cast %scan3A_56 : i32 to index
      %get3A_379 = arith.constant 512 : index
      %get3A_380 = tpu.vector_load %arg8[%get3A_378, %get3A_379] {strides = array<i32>} : memref<32x1024xf32, #tpu.memory_space<vmem>>, vector<16xf32>,
      %add3A_381 = arith.addf %get3A_377, %get3A_380 : vector<16xf32>
      %swap3A_382 = arith.index_cast %scan3A_56 : i32 to index
      %swap3A_383 = arith.constant 512 : index
      %swap3A_384 = tpu.vector_load %arg7[%swap3A_382, %swap3A_383] {strides = array<i32>} : memref<32x1024xf32, #tpu.memory_space<vmem>>, vector<16xf32>,
      tpu.vector_store %arg7[%swap3A_382, %swap3A_383], %add3A_381 {strides = array<i32>} : memref<32x1024xf32, #tpu.memory_space<vmem>>, vector<16xf32>,
      %get3A_385 = arith.index_cast %scan3A_56 : i32 to index
      %get3A_386 = arith.constant 528 : index
      %get3A_387 = tpu.vector_load %arg7[%get3A_385, %get3A_386] {strides = array<i32>} : memref<32x1024xf32, #tpu.memory_space<vmem>>, vector<16xf32>,
      %get3A_388 = arith.index_cast %scan3A_56 : i32 to index
      %get3A_389 = arith.constant 528 : index
      %get3A_390 = tpu.vector_load %arg8[%get3A_388, %get3A_389] {strides = array<i32>} : memref<32x1024xf32, #tpu.memory_space<vmem>>, vector<16xf32>,
      %add3A_391 = arith.addf %get3A_387, %get3A_390 : vector<16xf32>
      %swap3A_392 = arith.index_cast %scan3A_56 : i32 to index
      %swap3A_393 = arith.constant 528 : index
      %swap3A_394 = tpu.vector_load %arg7[%swap3A_392, %swap3A_393] {strides = array<i32>} : memref<32x1024xf32, #tpu.memory_space<vmem>>, vector<16xf32>,
      tpu.vector_store %arg7[%swap3A_392, %swap3A_393], %add3A_391 {strides = array<i32>} : memref<32x1024xf32, #tpu.memory_space<vmem>>, vector<16xf32>,
      %get3A_395 = arith.index_cast %scan3A_56 : i32 to index
      %get3A_396 = arith.constant 544 : index
      %get3A_397 = tpu.vector_load %arg7[%get3A_395, %get3A_396] {strides = array<i32>} : memref<32x1024xf32, #tpu.memory_space<vmem>>, vector<16xf32>,
      %get3A_398 = arith.index_cast %scan3A_56 : i32 to index
      %get3A_399 = arith.constant 544 : index
      %get3A_400 = tpu.vector_load %arg8[%get3A_398, %get3A_399] {strides = array<i32>} : memref<32x1024xf32, #tpu.memory_space<vmem>>, vector<16xf32>,
      %add3A_401 = arith.addf %get3A_397, %get3A_400 : vector<16xf32>
      %swap3A_402 = arith.index_cast %scan3A_56 : i32 to index
      %swap3A_403 = arith.constant 544 : index
      %swap3A_404 = tpu.vector_load %arg7[%swap3A_402, %swap3A_403] {strides = array<i32>} : memref<32x1024xf32, #tpu.memory_space<vmem>>, vector<16xf32>,
      tpu.vector_store %arg7[%swap3A_402, %swap3A_403], %add3A_401 {strides = array<i32>} : memref<32x1024xf32, #tpu.memory_space<vmem>>, vector<16xf32>,
      %get3A_405 = arith.index_cast %scan3A_56 : i32 to index
      %get3A_406 = arith.constant 560 : index
      %get3A_407 = tpu.vector_load %arg7[%get3A_405, %get3A_406] {strides = array<i32>} : memref<32x1024xf32, #tpu.memory_space<vmem>>, vector<16xf32>,
      %get3A_408 = arith.index_cast %scan3A_56 : i32 to index
      %get3A_409 = arith.constant 560 : index
      %get3A_410 = tpu.vector_load %arg8[%get3A_408, %get3A_409] {strides = array<i32>} : memref<32x1024xf32, #tpu.memory_space<vmem>>, vector<16xf32>,
      %add3A_411 = arith.addf %get3A_407, %get3A_410 : vector<16xf32>
      %swap3A_412 = arith.index_cast %scan3A_56 : i32 to index
      %swap3A_413 = arith.constant 560 : index
      %swap3A_414 = tpu.vector_load %arg7[%swap3A_412, %swap3A_413] {strides = array<i32>} : memref<32x1024xf32, #tpu.memory_space<vmem>>, vector<16xf32>,
      tpu.vector_store %arg7[%swap3A_412, %swap3A_413], %add3A_411 {strides = array<i32>} : memref<32x1024xf32, #tpu.memory_space<vmem>>, vector<16xf32>,
      %get3A_415 = arith.index_cast %scan3A_56 : i32 to index
      %get3A_416 = arith.constant 576 : index
      %get3A_417 = tpu.vector_load %arg7[%get3A_415, %get3A_416] {strides = array<i32>} : memref<32x1024xf32, #tpu.memory_space<vmem>>, vector<16xf32>,
      %get3A_418 = arith.index_cast %scan3A_56 : i32 to index
      %get3A_419 = arith.constant 576 : index
      %get3A_420 = tpu.vector_load %arg8[%get3A_418, %get3A_419] {strides = array<i32>} : memref<32x1024xf32, #tpu.memory_space<vmem>>, vector<16xf32>,
      %add3A_421 = arith.addf %get3A_417, %get3A_420 : vector<16xf32>
      %swap3A_422 = arith.index_cast %scan3A_56 : i32 to index
      %swap3A_423 = arith.constant 576 : index
      %swap3A_424 = tpu.vector_load %arg7[%swap3A_422, %swap3A_423] {strides = array<i32>} : memref<32x1024xf32, #tpu.memory_space<vmem>>, vector<16xf32>,
      tpu.vector_store %arg7[%swap3A_422, %swap3A_423], %add3A_421 {strides = array<i32>} : memref<32x1024xf32, #tpu.memory_space<vmem>>, vector<16xf32>,
      %get3A_425 = arith.index_cast %scan3A_56 : i32 to index
      %get3A_426 = arith.constant 592 : index
      %get3A_427 = tpu.vector_load %arg7[%get3A_425, %get3A_426] {strides = array<i32>} : memref<32x1024xf32, #tpu.memory_space<vmem>>, vector<16xf32>,
      %get3A_428 = arith.index_cast %scan3A_56 : i32 to index
      %get3A_429 = arith.constant 592 : index
      %get3A_430 = tpu.vector_load %arg8[%get3A_428, %get3A_429] {strides = array<i32>} : memref<32x1024xf32, #tpu.memory_space<vmem>>, vector<16xf32>,
      %add3A_431 = arith.addf %get3A_427, %get3A_430 : vector<16xf32>
      %swap3A_432 = arith.index_cast %scan3A_56 : i32 to index
      %swap3A_433 = arith.constant 592 : index
      %swap3A_434 = tpu.vector_load %arg7[%swap3A_432, %swap3A_433] {strides = array<i32>} : memref<32x1024xf32, #tpu.memory_space<vmem>>, vector<16xf32>,
      tpu.vector_store %arg7[%swap3A_432, %swap3A_433], %add3A_431 {strides = array<i32>} : memref<32x1024xf32, #tpu.memory_space<vmem>>, vector<16xf32>,
      %get3A_435 = arith.index_cast %scan3A_56 : i32 to index
      %get3A_436 = arith.constant 608 : index
      %get3A_437 = tpu.vector_load %arg7[%get3A_435, %get3A_436] {strides = array<i32>} : memref<32x1024xf32, #tpu.memory_space<vmem>>, vector<16xf32>,
      %get3A_438 = arith.index_cast %scan3A_56 : i32 to index
      %get3A_439 = arith.constant 608 : index
      %get3A_440 = tpu.vector_load %arg8[%get3A_438, %get3A_439] {strides = array<i32>} : memref<32x1024xf32, #tpu.memory_space<vmem>>, vector<16xf32>,
      %add3A_441 = arith.addf %get3A_437, %get3A_440 : vector<16xf32>
      %swap3A_442 = arith.index_cast %scan3A_56 : i32 to index
      %swap3A_443 = arith.constant 608 : index
      %swap3A_444 = tpu.vector_load %arg7[%swap3A_442, %swap3A_443] {strides = array<i32>} : memref<32x1024xf32, #tpu.memory_space<vmem>>, vector<16xf32>,
      tpu.vector_store %arg7[%swap3A_442, %swap3A_443], %add3A_441 {strides = array<i32>} : memref<32x1024xf32, #tpu.memory_space<vmem>>, vector<16xf32>,
      %get3A_445 = arith.index_cast %scan3A_56 : i32 to index
      %get3A_446 = arith.constant 624 : index
      %get3A_447 = tpu.vector_load %arg7[%get3A_445, %get3A_446] {strides = array<i32>} : memref<32x1024xf32, #tpu.memory_space<vmem>>, vector<16xf32>,
      %get3A_448 = arith.index_cast %scan3A_56 : i32 to index
      %get3A_449 = arith.constant 624 : index
      %get3A_450 = tpu.vector_load %arg8[%get3A_448, %get3A_449] {strides = array<i32>} : memref<32x1024xf32, #tpu.memory_space<vmem>>, vector<16xf32>,
      %add3A_451 = arith.addf %get3A_447, %get3A_450 : vector<16xf32>
      %swap3A_452 = arith.index_cast %scan3A_56 : i32 to index
      %swap3A_453 = arith.constant 624 : index
      %swap3A_454 = tpu.vector_load %arg7[%swap3A_452, %swap3A_453] {strides = array<i32>} : memref<32x1024xf32, #tpu.memory_space<vmem>>, vector<16xf32>,
      tpu.vector_store %arg7[%swap3A_452, %swap3A_453], %add3A_451 {strides = array<i32>} : memref<32x1024xf32, #tpu.memory_space<vmem>>, vector<16xf32>,
      %get3A_455 = arith.index_cast %scan3A_56 : i32 to index
      %get3A_456 = arith.constant 640 : index
      %get3A_457 = tpu.vector_load %arg7[%get3A_455, %get3A_456] {strides = array<i32>} : memref<32x1024xf32, #tpu.memory_space<vmem>>, vector<16xf32>,
      %get3A_458 = arith.index_cast %scan3A_56 : i32 to index
      %get3A_459 = arith.constant 640 : index
      %get3A_460 = tpu.vector_load %arg8[%get3A_458, %get3A_459] {strides = array<i32>} : memref<32x1024xf32, #tpu.memory_space<vmem>>, vector<16xf32>,
      %add3A_461 = arith.addf %get3A_457, %get3A_460 : vector<16xf32>
      %swap3A_462 = arith.index_cast %scan3A_56 : i32 to index
      %swap3A_463 = arith.constant 640 : index
      %swap3A_464 = tpu.vector_load %arg7[%swap3A_462, %swap3A_463] {strides = array<i32>} : memref<32x1024xf32, #tpu.memory_space<vmem>>, vector<16xf32>,
      tpu.vector_store %arg7[%swap3A_462, %swap3A_463], %add3A_461 {strides = array<i32>} : memref<32x1024xf32, #tpu.memory_space<vmem>>, vector<16xf32>,
      %get3A_465 = arith.index_cast %scan3A_56 : i32 to index
      %get3A_466 = arith.constant 656 : index
      %get3A_467 = tpu.vector_load %arg7[%get3A_465, %get3A_466] {strides = array<i32>} : memref<32x1024xf32, #tpu.memory_space<vmem>>, vector<16xf32>,
      %get3A_468 = arith.index_cast %scan3A_56 : i32 to index
      %get3A_469 = arith.constant 656 : index
      %get3A_470 = tpu.vector_load %arg8[%get3A_468, %get3A_469] {strides = array<i32>} : memref<32x1024xf32, #tpu.memory_space<vmem>>, vector<16xf32>,
      %add3A_471 = arith.addf %get3A_467, %get3A_470 : vector<16xf32>
      %swap3A_472 = arith.index_cast %scan3A_56 : i32 to index
      %swap3A_473 = arith.constant 656 : index
      %swap3A_474 = tpu.vector_load %arg7[%swap3A_472, %swap3A_473] {strides = array<i32>} : memref<32x1024xf32, #tpu.memory_space<vmem>>, vector<16xf32>,
      tpu.vector_store %arg7[%swap3A_472, %swap3A_473], %add3A_471 {strides = array<i32>} : memref<32x1024xf32, #tpu.memory_space<vmem>>, vector<16xf32>,
      %get3A_475 = arith.index_cast %scan3A_56 : i32 to index
      %get3A_476 = arith.constant 672 : index
      %get3A_477 = tpu.vector_load %arg7[%get3A_475, %get3A_476] {strides = array<i32>} : memref<32x1024xf32, #tpu.memory_space<vmem>>, vector<16xf32>,
      %get3A_478 = arith.index_cast %scan3A_56 : i32 to index
      %get3A_479 = arith.constant 672 : index
      %get3A_480 = tpu.vector_load %arg8[%get3A_478, %get3A_479] {strides = array<i32>} : memref<32x1024xf32, #tpu.memory_space<vmem>>, vector<16xf32>,
      %add3A_481 = arith.addf %get3A_477, %get3A_480 : vector<16xf32>
      %swap3A_482 = arith.index_cast %scan3A_56 : i32 to index
      %swap3A_483 = arith.constant 672 : index
      %swap3A_484 = tpu.vector_load %arg7[%swap3A_482, %swap3A_483] {strides = array<i32>} : memref<32x1024xf32, #tpu.memory_space<vmem>>, vector<16xf32>,
      tpu.vector_store %arg7[%swap3A_482, %swap3A_483], %add3A_481 {strides = array<i32>} : memref<32x1024xf32, #tpu.memory_space<vmem>>, vector<16xf32>,
      %get3A_485 = arith.index_cast %scan3A_56 : i32 to index
      %get3A_486 = arith.constant 688 : index
      %get3A_487 = tpu.vector_load %arg7[%get3A_485, %get3A_486] {strides = array<i32>} : memref<32x1024xf32, #tpu.memory_space<vmem>>, vector<16xf32>,
      %get3A_488 = arith.index_cast %scan3A_56 : i32 to index
      %get3A_489 = arith.constant 688 : index
      %get3A_490 = tpu.vector_load %arg8[%get3A_488, %get3A_489] {strides = array<i32>} : memref<32x1024xf32, #tpu.memory_space<vmem>>, vector<16xf32>,
      %add3A_491 = arith.addf %get3A_487, %get3A_490 : vector<16xf32>
      %swap3A_492 = arith.index_cast %scan3A_56 : i32 to index
      %swap3A_493 = arith.constant 688 : index
      %swap3A_494 = tpu.vector_load %arg7[%swap3A_492, %swap3A_493] {strides = array<i32>} : memref<32x1024xf32, #tpu.memory_space<vmem>>, vector<16xf32>,
      tpu.vector_store %arg7[%swap3A_492, %swap3A_493], %add3A_491 {strides = array<i32>} : memref<32x1024xf32, #tpu.memory_space<vmem>>, vector<16xf32>,
      %get3A_495 = arith.index_cast %scan3A_56 : i32 to index
      %get3A_496 = arith.constant 704 : index
      %get3A_497 = tpu.vector_load %arg7[%get3A_495, %get3A_496] {strides = array<i32>} : memref<32x1024xf32, #tpu.memory_space<vmem>>, vector<16xf32>,
      %get3A_498 = arith.index_cast %scan3A_56 : i32 to index
      %get3A_499 = arith.constant 704 : index
      %get3A_500 = tpu.vector_load %arg8[%get3A_498, %get3A_499] {strides = array<i32>} : memref<32x1024xf32, #tpu.memory_space<vmem>>, vector<16xf32>,
      %add3A_501 = arith.addf %get3A_497, %get3A_500 : vector<16xf32>
      %swap3A_502 = arith.index_cast %scan3A_56 : i32 to index
      %swap3A_503 = arith.constant 704 : index
      %swap3A_504 = tpu.vector_load %arg7[%swap3A_502, %swap3A_503] {strides = array<i32>} : memref<32x1024xf32, #tpu.memory_space<vmem>>, vector<16xf32>,
      tpu.vector_store %arg7[%swap3A_502, %swap3A_503], %add3A_501 {strides = array<i32>} : memref<32x1024xf32, #tpu.memory_space<vmem>>, vector<16xf32>,
      %get3A_505 = arith.index_cast %scan3A_56 : i32 to index
      %get3A_506 = arith.constant 720 : index
      %get3A_507 = tpu.vector_load %arg7[%get3A_505, %get3A_506] {strides = array<i32>} : memref<32x1024xf32, #tpu.memory_space<vmem>>, vector<16xf32>,
      %get3A_508 = arith.index_cast %scan3A_56 : i32 to index
      %get3A_509 = arith.constant 720 : index
      %get3A_510 = tpu.vector_load %arg8[%get3A_508, %get3A_509] {strides = array<i32>} : memref<32x1024xf32, #tpu.memory_space<vmem>>, vector<16xf32>,
      %add3A_511 = arith.addf %get3A_507, %get3A_510 : vector<16xf32>
      %swap3A_512 = arith.index_cast %scan3A_56 : i32 to index
      %swap3A_513 = arith.constant 720 : index
      %swap3A_514 = tpu.vector_load %arg7[%swap3A_512, %swap3A_513] {strides = array<i32>} : memref<32x1024xf32, #tpu.memory_space<vmem>>, vector<16xf32>,
      tpu.vector_store %arg7[%swap3A_512, %swap3A_513], %add3A_511 {strides = array<i32>} : memref<32x1024xf32, #tpu.memory_space<vmem>>, vector<16xf32>,
      %get3A_515 = arith.index_cast %scan3A_56 : i32 to index
      %get3A_516 = arith.constant 736 : index
      %get3A_517 = tpu.vector_load %arg7[%get3A_515, %get3A_516] {strides = array<i32>} : memref<32x1024xf32, #tpu.memory_space<vmem>>, vector<16xf32>,
      %get3A_518 = arith.index_cast %scan3A_56 : i32 to index
      %get3A_519 = arith.constant 736 : index
      %get3A_520 = tpu.vector_load %arg8[%get3A_518, %get3A_519] {strides = array<i32>} : memref<32x1024xf32, #tpu.memory_space<vmem>>, vector<16xf32>,
      %add3A_521 = arith.addf %get3A_517, %get3A_520 : vector<16xf32>
      %swap3A_522 = arith.index_cast %scan3A_56 : i32 to index
      %swap3A_523 = arith.constant 736 : index
      %swap3A_524 = tpu.vector_load %arg7[%swap3A_522, %swap3A_523] {strides = array<i32>} : memref<32x1024xf32, #tpu.memory_space<vmem>>, vector<16xf32>,
      tpu.vector_store %arg7[%swap3A_522, %swap3A_523], %add3A_521 {strides = array<i32>} : memref<32x1024xf32, #tpu.memory_space<vmem>>, vector<16xf32>,
      %get3A_525 = arith.index_cast %scan3A_56 : i32 to index
      %get3A_526 = arith.constant 752 : index
      %get3A_527 = tpu.vector_load %arg7[%get3A_525, %get3A_526] {strides = array<i32>} : memref<32x1024xf32, #tpu.memory_space<vmem>>, vector<16xf32>,
      %get3A_528 = arith.index_cast %scan3A_56 : i32 to index
      %get3A_529 = arith.constant 752 : index
      %get3A_530 = tpu.vector_load %arg8[%get3A_528, %get3A_529] {strides = array<i32>} : memref<32x1024xf32, #tpu.memory_space<vmem>>, vector<16xf32>,
      %add3A_531 = arith.addf %get3A_527, %get3A_530 : vector<16xf32>
      %swap3A_532 = arith.index_cast %scan3A_56 : i32 to index
      %swap3A_533 = arith.constant 752 : index
      %swap3A_534 = tpu.vector_load %arg7[%swap3A_532, %swap3A_533] {strides = array<i32>} : memref<32x1024xf32, #tpu.memory_space<vmem>>, vector<16xf32>,
      tpu.vector_store %arg7[%swap3A_532, %swap3A_533], %add3A_531 {strides = array<i32>} : memref<32x1024xf32, #tpu.memory_space<vmem>>, vector<16xf32>,
      %get3A_535 = arith.index_cast %scan3A_56 : i32 to index
      %get3A_536 = arith.constant 768 : index
      %get3A_537 = tpu.vector_load %arg7[%get3A_535, %get3A_536] {strides = array<i32>} : memref<32x1024xf32, #tpu.memory_space<vmem>>, vector<16xf32>,
      %get3A_538 = arith.index_cast %scan3A_56 : i32 to index
      %get3A_539 = arith.constant 768 : index
      %get3A_540 = tpu.vector_load %arg8[%get3A_538, %get3A_539] {strides = array<i32>} : memref<32x1024xf32, #tpu.memory_space<vmem>>, vector<16xf32>,
      %add3A_541 = arith.addf %get3A_537, %get3A_540 : vector<16xf32>
      %swap3A_542 = arith.index_cast %scan3A_56 : i32 to index
      %swap3A_543 = arith.constant 768 : index
      %swap3A_544 = tpu.vector_load %arg7[%swap3A_542, %swap3A_543] {strides = array<i32>} : memref<32x1024xf32, #tpu.memory_space<vmem>>, vector<16xf32>,
      tpu.vector_store %arg7[%swap3A_542, %swap3A_543], %add3A_541 {strides = array<i32>} : memref<32x1024xf32, #tpu.memory_space<vmem>>, vector<16xf32>,
      %get3A_545 = arith.index_cast %scan3A_56 : i32 to index
      %get3A_546 = arith.constant 784 : index
      %get3A_547 = tpu.vector_load %arg7[%get3A_545, %get3A_546] {strides = array<i32>} : memref<32x1024xf32, #tpu.memory_space<vmem>>, vector<16xf32>,
      %get3A_548 = arith.index_cast %scan3A_56 : i32 to index
      %get3A_549 = arith.constant 784 : index
      %get3A_550 = tpu.vector_load %arg8[%get3A_548, %get3A_549] {strides = array<i32>} : memref<32x1024xf32, #tpu.memory_space<vmem>>, vector<16xf32>,
      %add3A_551 = arith.addf %get3A_547, %get3A_550 : vector<16xf32>
      %swap3A_552 = arith.index_cast %scan3A_56 : i32 to index
      %swap3A_553 = arith.constant 784 : index
      %swap3A_554 = tpu.vector_load %arg7[%swap3A_552, %swap3A_553] {strides = array<i32>} : memref<32x1024xf32, #tpu.memory_space<vmem>>, vector<16xf32>,
      tpu.vector_store %arg7[%swap3A_552, %swap3A_553], %add3A_551 {strides = array<i32>} : memref<32x1024xf32, #tpu.memory_space<vmem>>, vector<16xf32>,
      %get3A_555 = arith.index_cast %scan3A_56 : i32 to index
      %get3A_556 = arith.constant 800 : index
      %get3A_557 = tpu.vector_load %arg7[%get3A_555, %get3A_556] {strides = array<i32>} : memref<32x1024xf32, #tpu.memory_space<vmem>>, vector<16xf32>,
      %get3A_558 = arith.index_cast %scan3A_56 : i32 to index
      %get3A_559 = arith.constant 800 : index
      %get3A_560 = tpu.vector_load %arg8[%get3A_558, %get3A_559] {strides = array<i32>} : memref<32x1024xf32, #tpu.memory_space<vmem>>, vector<16xf32>,
      %add3A_561 = arith.addf %get3A_557, %get3A_560 : vector<16xf32>
      %swap3A_562 = arith.index_cast %scan3A_56 : i32 to index
      %swap3A_563 = arith.constant 800 : index
      %swap3A_564 = tpu.vector_load %arg7[%swap3A_562, %swap3A_563] {strides = array<i32>} : memref<32x1024xf32, #tpu.memory_space<vmem>>, vector<16xf32>,
      tpu.vector_store %arg7[%swap3A_562, %swap3A_563], %add3A_561 {strides = array<i32>} : memref<32x1024xf32, #tpu.memory_space<vmem>>, vector<16xf32>,
      %get3A_565 = arith.index_cast %scan3A_56 : i32 to index
      %get3A_566 = arith.constant 816 : index
      %get3A_567 = tpu.vector_load %arg7[%get3A_565, %get3A_566] {strides = array<i32>} : memref<32x1024xf32, #tpu.memory_space<vmem>>, vector<16xf32>,
      %get3A_568 = arith.index_cast %scan3A_56 : i32 to index
      %get3A_569 = arith.constant 816 : index
      %get3A_570 = tpu.vector_load %arg8[%get3A_568, %get3A_569] {strides = array<i32>} : memref<32x1024xf32, #tpu.memory_space<vmem>>, vector<16xf32>,
      %add3A_571 = arith.addf %get3A_567, %get3A_570 : vector<16xf32>
      %swap3A_572 = arith.index_cast %scan3A_56 : i32 to index
      %swap3A_573 = arith.constant 816 : index
      %swap3A_574 = tpu.vector_load %arg7[%swap3A_572, %swap3A_573] {strides = array<i32>} : memref<32x1024xf32, #tpu.memory_space<vmem>>, vector<16xf32>,
      tpu.vector_store %arg7[%swap3A_572, %swap3A_573], %add3A_571 {strides = array<i32>} : memref<32x1024xf32, #tpu.memory_space<vmem>>, vector<16xf32>,
      %get3A_575 = arith.index_cast %scan3A_56 : i32 to index
      %get3A_576 = arith.constant 832 : index
      %get3A_577 = tpu.vector_load %arg7[%get3A_575, %get3A_576] {strides = array<i32>} : memref<32x1024xf32, #tpu.memory_space<vmem>>, vector<16xf32>,
      %get3A_578 = arith.index_cast %scan3A_56 : i32 to index
      %get3A_579 = arith.constant 832 : index
      %get3A_580 = tpu.vector_load %arg8[%get3A_578, %get3A_579] {strides = array<i32>} : memref<32x1024xf32, #tpu.memory_space<vmem>>, vector<16xf32>,
      %add3A_581 = arith.addf %get3A_577, %get3A_580 : vector<16xf32>
      %swap3A_582 = arith.index_cast %scan3A_56 : i32 to index
      %swap3A_583 = arith.constant 832 : index
      %swap3A_584 = tpu.vector_load %arg7[%swap3A_582, %swap3A_583] {strides = array<i32>} : memref<32x1024xf32, #tpu.memory_space<vmem>>, vector<16xf32>,
      tpu.vector_store %arg7[%swap3A_582, %swap3A_583], %add3A_581 {strides = array<i32>} : memref<32x1024xf32, #tpu.memory_space<vmem>>, vector<16xf32>,
      %get3A_585 = arith.index_cast %scan3A_56 : i32 to index
      %get3A_586 = arith.constant 848 : index
      %get3A_587 = tpu.vector_load %arg7[%get3A_585, %get3A_586] {strides = array<i32>} : memref<32x1024xf32, #tpu.memory_space<vmem>>, vector<16xf32>,
      %get3A_588 = arith.index_cast %scan3A_56 : i32 to index
      %get3A_589 = arith.constant 848 : index
      %get3A_590 = tpu.vector_load %arg8[%get3A_588, %get3A_589] {strides = array<i32>} : memref<32x1024xf32, #tpu.memory_space<vmem>>, vector<16xf32>,
      %add3A_591 = arith.addf %get3A_587, %get3A_590 : vector<16xf32>
      %swap3A_592 = arith.index_cast %scan3A_56 : i32 to index
      %swap3A_593 = arith.constant 848 : index
      %swap3A_594 = tpu.vector_load %arg7[%swap3A_592, %swap3A_593] {strides = array<i32>} : memref<32x1024xf32, #tpu.memory_space<vmem>>, vector<16xf32>,
      tpu.vector_store %arg7[%swap3A_592, %swap3A_593], %add3A_591 {strides = array<i32>} : memref<32x1024xf32, #tpu.memory_space<vmem>>, vector<16xf32>,
      %get3A_595 = arith.index_cast %scan3A_56 : i32 to index
      %get3A_596 = arith.constant 864 : index
      %get3A_597 = tpu.vector_load %arg7[%get3A_595, %get3A_596] {strides = array<i32>} : memref<32x1024xf32, #tpu.memory_space<vmem>>, vector<16xf32>,
      %get3A_598 = arith.index_cast %scan3A_56 : i32 to index
      %get3A_599 = arith.constant 864 : index
      %get3A_600 = tpu.vector_load %arg8[%get3A_598, %get3A_599] {strides = array<i32>} : memref<32x1024xf32, #tpu.memory_space<vmem>>, vector<16xf32>,
      %add3A_601 = arith.addf %get3A_597, %get3A_600 : vector<16xf32>
      %swap3A_602 = arith.index_cast %scan3A_56 : i32 to index
      %swap3A_603 = arith.constant 864 : index
      %swap3A_604 = tpu.vector_load %arg7[%swap3A_602, %swap3A_603] {strides = array<i32>} : memref<32x1024xf32, #tpu.memory_space<vmem>>, vector<16xf32>,
      tpu.vector_store %arg7[%swap3A_602, %swap3A_603], %add3A_601 {strides = array<i32>} : memref<32x1024xf32, #tpu.memory_space<vmem>>, vector<16xf32>,
      %get3A_605 = arith.index_cast %scan3A_56 : i32 to index
      %get3A_606 = arith.constant 880 : index
      %get3A_607 = tpu.vector_load %arg7[%get3A_605, %get3A_606] {strides = array<i32>} : memref<32x1024xf32, #tpu.memory_space<vmem>>, vector<16xf32>,
      %get3A_608 = arith.index_cast %scan3A_56 : i32 to index
      %get3A_609 = arith.constant 880 : index
      %get3A_610 = tpu.vector_load %arg8[%get3A_608, %get3A_609] {strides = array<i32>} : memref<32x1024xf32, #tpu.memory_space<vmem>>, vector<16xf32>,
      %add3A_611 = arith.addf %get3A_607, %get3A_610 : vector<16xf32>
      %swap3A_612 = arith.index_cast %scan3A_56 : i32 to index
      %swap3A_613 = arith.constant 880 : index
      %swap3A_614 = tpu.vector_load %arg7[%swap3A_612, %swap3A_613] {strides = array<i32>} : memref<32x1024xf32, #tpu.memory_space<vmem>>, vector<16xf32>,
      tpu.vector_store %arg7[%swap3A_612, %swap3A_613], %add3A_611 {strides = array<i32>} : memref<32x1024xf32, #tpu.memory_space<vmem>>, vector<16xf32>,
      %get3A_615 = arith.index_cast %scan3A_56 : i32 to index
      %get3A_616 = arith.constant 896 : index
      %get3A_617 = tpu.vector_load %arg7[%get3A_615, %get3A_616] {strides = array<i32>} : memref<32x1024xf32, #tpu.memory_space<vmem>>, vector<16xf32>,
      %get3A_618 = arith.index_cast %scan3A_56 : i32 to index
      %get3A_619 = arith.constant 896 : index
      %get3A_620 = tpu.vector_load %arg8[%get3A_618, %get3A_619] {strides = array<i32>} : memref<32x1024xf32, #tpu.memory_space<vmem>>, vector<16xf32>,
      %add3A_621 = arith.addf %get3A_617, %get3A_620 : vector<16xf32>
      %swap3A_622 = arith.index_cast %scan3A_56 : i32 to index
      %swap3A_623 = arith.constant 896 : index
      %swap3A_624 = tpu.vector_load %arg7[%swap3A_622, %swap3A_623] {strides = array<i32>} : memref<32x1024xf32, #tpu.memory_space<vmem>>, vector<16xf32>,
      tpu.vector_store %arg7[%swap3A_622, %swap3A_623], %add3A_621 {strides = array<i32>} : memref<32x1024xf32, #tpu.memory_space<vmem>>, vector<16xf32>,
      %get3A_625 = arith.index_cast %scan3A_56 : i32 to index
      %get3A_626 = arith.constant 912 : index
      %get3A_627 = tpu.vector_load %arg7[%get3A_625, %get3A_626] {strides = array<i32>} : memref<32x1024xf32, #tpu.memory_space<vmem>>, vector<16xf32>,
      %get3A_628 = arith.index_cast %scan3A_56 : i32 to index
      %get3A_629 = arith.constant 912 : index
      %get3A_630 = tpu.vector_load %arg8[%get3A_628, %get3A_629] {strides = array<i32>} : memref<32x1024xf32, #tpu.memory_space<vmem>>, vector<16xf32>,
      %add3A_631 = arith.addf %get3A_627, %get3A_630 : vector<16xf32>
      %swap3A_632 = arith.index_cast %scan3A_56 : i32 to index
      %swap3A_633 = arith.constant 912 : index
      %swap3A_634 = tpu.vector_load %arg7[%swap3A_632, %swap3A_633] {strides = array<i32>} : memref<32x1024xf32, #tpu.memory_space<vmem>>, vector<16xf32>,
      tpu.vector_store %arg7[%swap3A_632, %swap3A_633], %add3A_631 {strides = array<i32>} : memref<32x1024xf32, #tpu.memory_space<vmem>>, vector<16xf32>,
      %get3A_635 = arith.index_cast %scan3A_56 : i32 to index
      %get3A_636 = arith.constant 928 : index
      %get3A_637 = tpu.vector_load %arg7[%get3A_635, %get3A_636] {strides = array<i32>} : memref<32x1024xf32, #tpu.memory_space<vmem>>, vector<16xf32>,
      %get3A_638 = arith.index_cast %scan3A_56 : i32 to index
      %get3A_639 = arith.constant 928 : index
      %get3A_640 = tpu.vector_load %arg8[%get3A_638, %get3A_639] {strides = array<i32>} : memref<32x1024xf32, #tpu.memory_space<vmem>>, vector<16xf32>,
      %add3A_641 = arith.addf %get3A_637, %get3A_640 : vector<16xf32>
      %swap3A_642 = arith.index_cast %scan3A_56 : i32 to index
      %swap3A_643 = arith.constant 928 : index
      %swap3A_644 = tpu.vector_load %arg7[%swap3A_642, %swap3A_643] {strides = array<i32>} : memref<32x1024xf32, #tpu.memory_space<vmem>>, vector<16xf32>,
      tpu.vector_store %arg7[%swap3A_642, %swap3A_643], %add3A_641 {strides = array<i32>} : memref<32x1024xf32, #tpu.memory_space<vmem>>, vector<16xf32>,
      %get3A_645 = arith.index_cast %scan3A_56 : i32 to index
      %get3A_646 = arith.constant 944 : index
      %get3A_647 = tpu.vector_load %arg7[%get3A_645, %get3A_646] {strides = array<i32>} : memref<32x1024xf32, #tpu.memory_space<vmem>>, vector<16xf32>,
      %get3A_648 = arith.index_cast %scan3A_56 : i32 to index
      %get3A_649 = arith.constant 944 : index
      %get3A_650 = tpu.vector_load %arg8[%get3A_648, %get3A_649] {strides = array<i32>} : memref<32x1024xf32, #tpu.memory_space<vmem>>, vector<16xf32>,
      %add3A_651 = arith.addf %get3A_647, %get3A_650 : vector<16xf32>
      %swap3A_652 = arith.index_cast %scan3A_56 : i32 to index
      %swap3A_653 = arith.constant 944 : index
      %swap3A_654 = tpu.vector_load %arg7[%swap3A_652, %swap3A_653] {strides = array<i32>} : memref<32x1024xf32, #tpu.memory_space<vmem>>, vector<16xf32>,
      tpu.vector_store %arg7[%swap3A_652, %swap3A_653], %add3A_651 {strides = array<i32>} : memref<32x1024xf32, #tpu.memory_space<vmem>>, vector<16xf32>,
      %get3A_655 = arith.index_cast %scan3A_56 : i32 to index
      %get3A_656 = arith.constant 960 : index
      %get3A_657 = tpu.vector_load %arg7[%get3A_655, %get3A_656] {strides = array<i32>} : memref<32x1024xf32, #tpu.memory_space<vmem>>, vector<16xf32>,
      %get3A_658 = arith.index_cast %scan3A_56 : i32 to index
      %get3A_659 = arith.constant 960 : index
      %get3A_660 = tpu.vector_load %arg8[%get3A_658, %get3A_659] {strides = array<i32>} : memref<32x1024xf32, #tpu.memory_space<vmem>>, vector<16xf32>,
      %add3A_661 = arith.addf %get3A_657, %get3A_660 : vector<16xf32>
      %swap3A_662 = arith.index_cast %scan3A_56 : i32 to index
      %swap3A_663 = arith.constant 960 : index
      %swap3A_664 = tpu.vector_load %arg7[%swap3A_662, %swap3A_663] {strides = array<i32>} : memref<32x1024xf32, #tpu.memory_space<vmem>>, vector<16xf32>,
      tpu.vector_store %arg7[%swap3A_662, %swap3A_663], %add3A_661 {strides = array<i32>} : memref<32x1024xf32, #tpu.memory_space<vmem>>, vector<16xf32>,
      %get3A_665 = arith.index_cast %scan3A_56 : i32 to index
      %get3A_666 = arith.constant 976 : index
      %get3A_667 = tpu.vector_load %arg7[%get3A_665, %get3A_666] {strides = array<i32>} : memref<32x1024xf32, #tpu.memory_space<vmem>>, vector<16xf32>,
      %get3A_668 = arith.index_cast %scan3A_56 : i32 to index
      %get3A_669 = arith.constant 976 : index
      %get3A_670 = tpu.vector_load %arg8[%get3A_668, %get3A_669] {strides = array<i32>} : memref<32x1024xf32, #tpu.memory_space<vmem>>, vector<16xf32>,
      %add3A_671 = arith.addf %get3A_667, %get3A_670 : vector<16xf32>
      %swap3A_672 = arith.index_cast %scan3A_56 : i32 to index
      %swap3A_673 = arith.constant 976 : index
      %swap3A_674 = tpu.vector_load %arg7[%swap3A_672, %swap3A_673] {strides = array<i32>} : memref<32x1024xf32, #tpu.memory_space<vmem>>, vector<16xf32>,
      tpu.vector_store %arg7[%swap3A_672, %swap3A_673], %add3A_671 {strides = array<i32>} : memref<32x1024xf32, #tpu.memory_space<vmem>>, vector<16xf32>,
      %get3A_675 = arith.index_cast %scan3A_56 : i32 to index
      %get3A_676 = arith.constant 992 : index
      %get3A_677 = tpu.vector_load %arg7[%get3A_675, %get3A_676] {strides = array<i32>} : memref<32x1024xf32, #tpu.memory_space<vmem>>, vector<16xf32>,
      %get3A_678 = arith.index_cast %scan3A_56 : i32 to index
      %get3A_679 = arith.constant 992 : index
      %get3A_680 = tpu.vector_load %arg8[%get3A_678, %get3A_679] {strides = array<i32>} : memref<32x1024xf32, #tpu.memory_space<vmem>>, vector<16xf32>,
      %add3A_681 = arith.addf %get3A_677, %get3A_680 : vector<16xf32>
      %swap3A_682 = arith.index_cast %scan3A_56 : i32 to index
      %swap3A_683 = arith.constant 992 : index
      %swap3A_684 = tpu.vector_load %arg7[%swap3A_682, %swap3A_683] {strides = array<i32>} : memref<32x1024xf32, #tpu.memory_space<vmem>>, vector<16xf32>,
      tpu.vector_store %arg7[%swap3A_682, %swap3A_683], %add3A_681 {strides = array<i32>} : memref<32x1024xf32, #tpu.memory_space<vmem>>, vector<16xf32>,
      %get3A_685 = arith.index_cast %scan3A_56 : i32 to index
      %get3A_686 = arith.constant 1008 : index
      %get3A_687 = tpu.vector_load %arg7[%get3A_685, %get3A_686] {strides = array<i32>} : memref<32x1024xf32, #tpu.memory_space<vmem>>, vector<16xf32>,
      %get3A_688 = arith.index_cast %scan3A_56 : i32 to index
      %get3A_689 = arith.constant 1008 : index
      %get3A_690 = tpu.vector_load %arg8[%get3A_688, %get3A_689] {strides = array<i32>} : memref<32x1024xf32, #tpu.memory_space<vmem>>, vector<16xf32>,
      %add3A_691 = arith.addf %get3A_687, %get3A_690 : vector<16xf32>
      %swap3A_692 = arith.index_cast %scan3A_56 : i32 to index
      %swap3A_693 = arith.constant 1008 : index
      %swap3A_694 = tpu.vector_load %arg7[%swap3A_692, %swap3A_693] {strides = array<i32>} : memref<32x1024xf32, #tpu.memory_space<vmem>>, vector<16xf32>,
      tpu.vector_store %arg7[%swap3A_692, %swap3A_693], %add3A_691 {strides = array<i32>} : memref<32x1024xf32, #tpu.memory_space<vmem>>, vector<16xf32>,
    }
    %scan3A_55 = arith.constant 32 : i32
    "tpu.region"() ({
      %run_scoped3A = tpu.sem_alloc : memref<!tpu.dma_semaphore, #tpu.memory_space<semaphore_mem>>
      %dma_start3A_56 = arith.constant 0 : i32
      %dma_start3A_57 = tpu.memref_slice %arg5[%add3A_29, %dma_start3A_56] : memref<2048x1024xf32, #tpu.memory_space<hbm>> -> memref<32x1024xf32, #tpu.memory_space<hbm>>
      %dma_start3A_58 = arith.constant 0 : i32
      %dma_start3A_59 = tpu.memref_slice %arg5[%add3A_29, %dma_start3A_58] : memref<2048x1024xf32, #tpu.memory_space<hbm>> -> memref<32x1024xf32, #tpu.memory_space<hbm>>
      tpu.enqueue_dma source(%arg7 : memref<32x1024xf32, #tpu.memory_space<vmem>>) target(%dma_start3A_59 : memref<32x1024xf32, #tpu.memory_space<hbm>>) target_semaphore(%run_scoped3A : memref<!tpu.dma_semaphore, #tpu.memory_space<semaphore_mem>>)
      %dma_wait3A_60 = arith.constant 0 : i32
      %dma_wait3A_61 = tpu.memref_slice %arg5[%add3A_29, %dma_wait3A_60] : memref<2048x1024xf32, #tpu.memory_space<hbm>> -> memref<32x1024xf32, #tpu.memory_space<hbm>>
      %dma_wait3A_62 = arith.constant 0 : i32
      %dma_wait3A_63 = tpu.memref_slice %arg5[%add3A_29, %dma_wait3A_62] : memref<2048x1024xf32, #tpu.memory_space<hbm>> -> memref<32x1024xf32, #tpu.memory_space<hbm>>
      tpu.wait_dma2 semaphore(%run_scoped3A : memref<!tpu.dma_semaphore, #tpu.memory_space<semaphore_mem>>) src(%arg7 : memref<32x1024xf32, #tpu.memory_space<vmem>>) dst(%dma_wait3A_63 : memref<32x1024xf32, #tpu.memory_space<hbm>>)
      tpu.yield
    }) : () -> ()
    return
  }
}

#map = affine_map<(d0, d1) -> (0)>
#map1 = affine_map<(d0, d1) -> (0, 0)>
module attributes {stable_mosaic.version = 14 : i64} {
  func.func @_dispatch_sc_body(%arg0: i32, %arg1: i32, %arg2: memref<4096xi32, #tpu.memory_space<hbm>>, %arg3: memref<4096xf32, #tpu.memory_space<hbm>>, %arg4: memref<2048x1024xf32, #tpu.memory_space<hbm>>, %arg5: memref<6144x1024xf32, #tpu.memory_space<hbm>>, %arg6: memref<6144xf32, #tpu.memory_space<hbm>>, %arg7: memref<4096xi32, #tpu.memory_space<vmem>>, %arg8: memref<4096xf32, #tpu.memory_space<vmem>>, %arg9: memref<6144xi32, #tpu.memory_space<vmem>>, %arg10: memref<6144xf32, #tpu.memory_space<vmem>>, %arg11: memref<6144xi32, #tpu.memory_space<vmem_shared>>, %arg12: memref<192xi32, #tpu.memory_space<vmem>>, %arg13: memref<96x1024xf32, #tpu.memory_space<vmem>>, %arg14: memref<!tpu.dma_semaphore, #tpu.memory_space<semaphore_mem>>) attributes {dimension_semantics = [#tpu.dimension_semantics<core_parallel>, #tpu.dimension_semantics<subcore_parallel>], iteration_bounds = array<i64: 2, 16>, scalar_prefetch = 0 : i64, scratch_operands = 8 : i64, tpu.core_type = #tpu.core_type<sc_vector_subcore>, window_params = [{transform_indices = #map}, {transform_indices = #map}, {transform_indices = #map1}, {transform_indices = #map1}, {transform_indices = #map}]} {
    %eq3A = arith.constant 0 : i32
    %eq3A_0 = arith.cmpi eq, %arg1, %eq3A : i32
    %convert_element_type3A = arith.extui %eq3A_0 : i1 to i32
    %cond3A = arith.constant 0 : i32
    %cond3A_1 = arith.cmpi ne, %convert_element_type3A, %cond3A : i32
    scf.if %cond3A_1 {
      "tpu.region"() ({
        %run_scoped3A = tpu.sem_alloc : memref<!tpu.dma_semaphore, #tpu.memory_space<semaphore_mem>>
        tpu.enqueue_dma source(%arg2 : memref<4096xi32, #tpu.memory_space<hbm>>) target(%arg7 : memref<4096xi32, #tpu.memory_space<vmem>>) target_semaphore(%run_scoped3A : memref<!tpu.dma_semaphore, #tpu.memory_space<semaphore_mem>>)
        tpu.wait_dma2 semaphore(%run_scoped3A : memref<!tpu.dma_semaphore, #tpu.memory_space<semaphore_mem>>) src(%arg2 : memref<4096xi32, #tpu.memory_space<hbm>>) dst(%arg7 : memref<4096xi32, #tpu.memory_space<vmem>>)
        tpu.yield
      }) : () -> ()
      "tpu.region"() ({
        %run_scoped3A = tpu.sem_alloc : memref<!tpu.dma_semaphore, #tpu.memory_space<semaphore_mem>>
        tpu.enqueue_dma source(%arg3 : memref<4096xf32, #tpu.memory_space<hbm>>) target(%arg8 : memref<4096xf32, #tpu.memory_space<vmem>>) target_semaphore(%run_scoped3A : memref<!tpu.dma_semaphore, #tpu.memory_space<semaphore_mem>>)
        tpu.wait_dma2 semaphore(%run_scoped3A : memref<!tpu.dma_semaphore, #tpu.memory_space<semaphore_mem>>) src(%arg3 : memref<4096xf32, #tpu.memory_space<hbm>>) dst(%arg8 : memref<4096xf32, #tpu.memory_space<vmem>>)
        tpu.yield
      }) : () -> ()
      %broadcast_in_dim3A = arith.constant 0.000000e+00 : f32
      %broadcast_in_dim3A_27 = vector.broadcast %broadcast_in_dim3A : f32 to vector<16xf32>
      %scan3A = arith.constant 0 : i32
      %scan3A_28 = arith.constant 0 : i32
      %scan3A_29 = arith.constant 384 : i32
      %scan3A_30 = arith.addi %scan3A_28, %scan3A_29 : i32
      %scan3A_31 = arith.constant 1 : i32
      scf.for %scan3A_44 = %scan3A_28 to %scan3A_30 step %scan3A_31  : i32 {
        %iota3A = tpu.iota {dimensions = array<i32: 0>} : vector<16xi32>
        %mul3A_45 = arith.constant 16 : i32
        %mul3A_46 = arith.muli %scan3A_44, %mul3A_45 : i32
        %add3A_47 = vector.broadcast %mul3A_46 : i32 to vector<16xi32>
        %add3A_48 = arith.addi %iota3A, %add3A_47 : vector<16xi32>
        %and3A = arith.constant 2047 : i32
        %and3A_49 = vector.broadcast %and3A : i32 to vector<16xi32>
        %and3A_50 = arith.andi %add3A_48, %and3A_49 : vector<16xi32>
        %mul3A_51 = arith.constant 16 : i32
        %mul3A_52 = arith.muli %scan3A_44, %mul3A_51 : i32
        %swap3A = arith.index_cast %mul3A_52 : i32 to index
        %swap3A_53 = tpu.vector_load %arg9[%swap3A] {strides = array<i32>} : memref<6144xi32, #tpu.memory_space<vmem>>, vector<16xi32>,
        tpu.vector_store %arg9[%swap3A], %and3A_50 {strides = array<i32>} : memref<6144xi32, #tpu.memory_space<vmem>>, vector<16xi32>,
        %mul3A_54 = arith.constant 16 : i32
        %mul3A_55 = arith.muli %scan3A_44, %mul3A_54 : i32
        %swap3A_56 = arith.index_cast %mul3A_55 : i32 to index
        %swap3A_57 = tpu.vector_load %arg10[%swap3A_56] {strides = array<i32>} : memref<6144xf32, #tpu.memory_space<vmem>>, vector<16xf32>,
        tpu.vector_store %arg10[%swap3A_56], %broadcast_in_dim3A_27 {strides = array<i32>} : memref<6144xf32, #tpu.memory_space<vmem>>, vector<16xf32>,
      }
      %scan3A_32 = arith.constant 384 : i32
      %scan3A_33 = arith.constant 0 : i32
      %scan3A_34 = arith.constant 0 : i32
      %scan3A_35 = arith.constant 256 : i32
      %scan3A_36 = arith.addi %scan3A_34, %scan3A_35 : i32
      %scan3A_37 = arith.constant 1 : i32
      scf.for %scan3A_44 = %scan3A_34 to %scan3A_36 step %scan3A_37  : i32 {
        %mul3A_45 = arith.constant 16 : i32
        %mul3A_46 = arith.muli %scan3A_44, %mul3A_45 : i32
        %get3A = arith.index_cast %mul3A_46 : i32 to index
        %get3A_47 = tpu.vector_load %arg7[%get3A] {strides = array<i32>} : memref<4096xi32, #tpu.memory_space<vmem>>, vector<16xi32>,
        %iota3A = tpu.iota {dimensions = array<i32: 0>} : vector<16xi32>
        %mul3A_48 = arith.constant 16 : i32
        %mul3A_49 = arith.muli %scan3A_44, %mul3A_48 : i32
        %add3A_50 = vector.broadcast %mul3A_49 : i32 to vector<16xi32>
        %add3A_51 = arith.addi %iota3A, %add3A_50 : vector<16xi32>
        %shift_right_logical3A = arith.constant 1 : i32
        %shift_right_logical3A_52 = vector.broadcast %shift_right_logical3A : i32 to vector<16xi32>
        %shift_right_logical3A_53 = arith.shrui %add3A_51, %shift_right_logical3A_52 : vector<16xi32>
        %mul3A_54 = arith.constant 16 : i32
        %mul3A_55 = arith.muli %scan3A_44, %mul3A_54 : i32
        %get3A_56 = arith.index_cast %mul3A_55 : i32 to index
        %get3A_57 = tpu.vector_load %arg8[%get3A_56] {strides = array<i32>} : memref<4096xf32, #tpu.memory_space<vmem>>, vector<16xf32>,
        tpu.vector_store_idx %arg9[%get3A_47], %shift_right_logical3A_53 : memref<6144xi32, #tpu.memory_space<vmem>>[vector<16xi32>], vector<16xi32>,
        tpu.vector_store_idx %arg10[%get3A_47], %get3A_57 : memref<6144xf32, #tpu.memory_space<vmem>>[vector<16xi32>], vector<16xf32>,
      }
      %scan3A_38 = arith.constant 256 : i32
      "tpu.region"() ({
        %run_scoped3A = tpu.sem_alloc : memref<!tpu.dma_semaphore, #tpu.memory_space<semaphore_mem>>
        tpu.enqueue_dma source(%arg9 : memref<6144xi32, #tpu.memory_space<vmem>>) target(%arg11 : memref<6144xi32, #tpu.memory_space<vmem_shared>>) target_semaphore(%run_scoped3A : memref<!tpu.dma_semaphore, #tpu.memory_space<semaphore_mem>>)
        tpu.wait_dma2 semaphore(%run_scoped3A : memref<!tpu.dma_semaphore, #tpu.memory_space<semaphore_mem>>) src(%arg9 : memref<6144xi32, #tpu.memory_space<vmem>>) dst(%arg11 : memref<6144xi32, #tpu.memory_space<vmem_shared>>)
        tpu.yield
      }) : () -> ()
      %eq3A_39 = arith.constant 0 : i32
      %eq3A_40 = arith.cmpi eq, %arg0, %eq3A_39 : i32
      %convert_element_type3A_41 = arith.extui %eq3A_40 : i1 to i32
      %cond3A_42 = arith.constant 0 : i32
      %cond3A_43 = arith.cmpi ne, %convert_element_type3A_41, %cond3A_42 : i32
      scf.if %cond3A_43 {
        "tpu.region"() ({
          %run_scoped3A = tpu.sem_alloc : memref<!tpu.dma_semaphore, #tpu.memory_space<semaphore_mem>>
          tpu.enqueue_dma source(%arg10 : memref<6144xf32, #tpu.memory_space<vmem>>) target(%arg6 : memref<6144xf32, #tpu.memory_space<hbm>>) target_semaphore(%run_scoped3A : memref<!tpu.dma_semaphore, #tpu.memory_space<semaphore_mem>>)
          tpu.wait_dma2 semaphore(%run_scoped3A : memref<!tpu.dma_semaphore, #tpu.memory_space<semaphore_mem>>) src(%arg10 : memref<6144xf32, #tpu.memory_space<vmem>>) dst(%arg6 : memref<6144xf32, #tpu.memory_space<hbm>>)
          tpu.yield
        }) : () -> ()
      } else {
      }
    } else {
    }
    %barrier3A = arith.constant 0 : index
    tpu.barrier barrier_id(%barrier3A)
    %mul3A = arith.constant 2 : i32
    %mul3A_2 = arith.muli %arg1, %mul3A : i32
    %add3A = arith.addi %mul3A_2, %arg0 : i32
    %mul3A_3 = arith.constant 192 : i32
    %mul3A_4 = arith.muli %add3A, %mul3A_3 : i32
    "tpu.region"() ({
      %run_scoped3A = tpu.sem_alloc : memref<!tpu.dma_semaphore, #tpu.memory_space<semaphore_mem>>
      %dma_start3A_27 = tpu.memref_slice %arg11[%mul3A_4] : memref<6144xi32, #tpu.memory_space<vmem_shared>> -> memref<192xi32, #tpu.memory_space<vmem_shared>>
      %dma_start3A_28 = tpu.memref_slice %arg11[%mul3A_4] : memref<6144xi32, #tpu.memory_space<vmem_shared>> -> memref<192xi32, #tpu.memory_space<vmem_shared>>
      tpu.enqueue_dma source(%dma_start3A_28 : memref<192xi32, #tpu.memory_space<vmem_shared>>) target(%arg12 : memref<192xi32, #tpu.memory_space<vmem>>) target_semaphore(%run_scoped3A : memref<!tpu.dma_semaphore, #tpu.memory_space<semaphore_mem>>)
      %dma_wait3A_29 = tpu.memref_slice %arg11[%mul3A_4] : memref<6144xi32, #tpu.memory_space<vmem_shared>> -> memref<192xi32, #tpu.memory_space<vmem_shared>>
      %dma_wait3A_30 = tpu.memref_slice %arg11[%mul3A_4] : memref<6144xi32, #tpu.memory_space<vmem_shared>> -> memref<192xi32, #tpu.memory_space<vmem_shared>>
      tpu.wait_dma2 semaphore(%run_scoped3A : memref<!tpu.dma_semaphore, #tpu.memory_space<semaphore_mem>>) src(%dma_wait3A_30 : memref<192xi32, #tpu.memory_space<vmem_shared>>) dst(%arg12 : memref<192xi32, #tpu.memory_space<vmem>>)
      tpu.yield
    }) : () -> ()
    %dma_start3A = arith.constant 0 : i32
    %dma_start3A_5 = tpu.memref_slice %arg12[%dma_start3A] : memref<192xi32, #tpu.memory_space<vmem>> -> memref<96xi32, #tpu.memory_space<vmem>>
    %dma_start3A_6 = arith.constant 0 : i32
    %dma_start3A_7 = arith.constant 0 : i32
    %dma_start3A_8 = tpu.memref_slice %arg4[%dma_start3A_6, %dma_start3A_7] : memref<2048x1024xf32, #tpu.memory_space<hbm>> -> memref<2048x1024xf32, #tpu.memory_space<hbm>>
    tpu.enqueue_indirect_dma source(%dma_start3A_8 : memref<2048x1024xf32, #tpu.memory_space<hbm>>) target(%arg13 : memref<96x1024xf32, #tpu.memory_space<vmem>>) offsets(%dma_start3A_5 : memref<96xi32, #tpu.memory_space<vmem>>) semaphore(%arg14 : memref<!tpu.dma_semaphore, #tpu.memory_space<semaphore_mem>>)
    %dma_wait3A = arith.constant 0 : i32
    %dma_wait3A_9 = tpu.memref_slice %arg12[%dma_wait3A] : memref<192xi32, #tpu.memory_space<vmem>> -> memref<96xi32, #tpu.memory_space<vmem>>
    %dma_wait3A_10 = arith.constant 0 : i32
    %dma_wait3A_11 = arith.constant 0 : i32
    %dma_wait3A_12 = tpu.memref_slice %arg4[%dma_wait3A_10, %dma_wait3A_11] : memref<2048x1024xf32, #tpu.memory_space<hbm>> -> memref<2048x1024xf32, #tpu.memory_space<hbm>>
    tpu.wait_indirect_dma semaphore(%arg14 : memref<!tpu.dma_semaphore, #tpu.memory_space<semaphore_mem>>) src(%dma_wait3A_12 : memref<2048x1024xf32, #tpu.memory_space<hbm>>) dst(%arg13 : memref<96x1024xf32, #tpu.memory_space<vmem>>)
    %add3A_13 = arith.constant 0 : i32
    %add3A_14 = arith.addi %mul3A_4, %add3A_13 : i32
    "tpu.region"() ({
      %run_scoped3A = tpu.sem_alloc : memref<!tpu.dma_semaphore, #tpu.memory_space<semaphore_mem>>
      %dma_start3A_27 = arith.constant 0 : i32
      %dma_start3A_28 = tpu.memref_slice %arg5[%add3A_14, %dma_start3A_27] : memref<6144x1024xf32, #tpu.memory_space<hbm>> -> memref<96x1024xf32, #tpu.memory_space<hbm>>
      %dma_start3A_29 = arith.constant 0 : i32
      %dma_start3A_30 = tpu.memref_slice %arg5[%add3A_14, %dma_start3A_29] : memref<6144x1024xf32, #tpu.memory_space<hbm>> -> memref<96x1024xf32, #tpu.memory_space<hbm>>
      tpu.enqueue_dma source(%arg13 : memref<96x1024xf32, #tpu.memory_space<vmem>>) target(%dma_start3A_30 : memref<96x1024xf32, #tpu.memory_space<hbm>>) target_semaphore(%run_scoped3A : memref<!tpu.dma_semaphore, #tpu.memory_space<semaphore_mem>>)
      %dma_wait3A_31 = arith.constant 0 : i32
      %dma_wait3A_32 = tpu.memref_slice %arg5[%add3A_14, %dma_wait3A_31] : memref<6144x1024xf32, #tpu.memory_space<hbm>> -> memref<96x1024xf32, #tpu.memory_space<hbm>>
      %dma_wait3A_33 = arith.constant 0 : i32
      %dma_wait3A_34 = tpu.memref_slice %arg5[%add3A_14, %dma_wait3A_33] : memref<6144x1024xf32, #tpu.memory_space<hbm>> -> memref<96x1024xf32, #tpu.memory_space<hbm>>
      tpu.wait_dma2 semaphore(%run_scoped3A : memref<!tpu.dma_semaphore, #tpu.memory_space<semaphore_mem>>) src(%arg13 : memref<96x1024xf32, #tpu.memory_space<vmem>>) dst(%dma_wait3A_34 : memref<96x1024xf32, #tpu.memory_space<hbm>>)
      tpu.yield
    }) : () -> ()
    %dma_start3A_15 = arith.constant 96 : i32
    %dma_start3A_16 = tpu.memref_slice %arg12[%dma_start3A_15] : memref<192xi32, #tpu.memory_space<vmem>> -> memref<96xi32, #tpu.memory_space<vmem>>
    %dma_start3A_17 = arith.constant 0 : i32
    %dma_start3A_18 = arith.constant 0 : i32
    %dma_start3A_19 = tpu.memref_slice %arg4[%dma_start3A_17, %dma_start3A_18] : memref<2048x1024xf32, #tpu.memory_space<hbm>> -> memref<2048x1024xf32, #tpu.memory_space<hbm>>
    tpu.enqueue_indirect_dma source(%dma_start3A_19 : memref<2048x1024xf32, #tpu.memory_space<hbm>>) target(%arg13 : memref<96x1024xf32, #tpu.memory_space<vmem>>) offsets(%dma_start3A_16 : memref<96xi32, #tpu.memory_space<vmem>>) semaphore(%arg14 : memref<!tpu.dma_semaphore, #tpu.memory_space<semaphore_mem>>)
    %dma_wait3A_20 = arith.constant 96 : i32
    %dma_wait3A_21 = tpu.memref_slice %arg12[%dma_wait3A_20] : memref<192xi32, #tpu.memory_space<vmem>> -> memref<96xi32, #tpu.memory_space<vmem>>
    %dma_wait3A_22 = arith.constant 0 : i32
    %dma_wait3A_23 = arith.constant 0 : i32
    %dma_wait3A_24 = tpu.memref_slice %arg4[%dma_wait3A_22, %dma_wait3A_23] : memref<2048x1024xf32, #tpu.memory_space<hbm>> -> memref<2048x1024xf32, #tpu.memory_space<hbm>>
    tpu.wait_indirect_dma semaphore(%arg14 : memref<!tpu.dma_semaphore, #tpu.memory_space<semaphore_mem>>) src(%dma_wait3A_24 : memref<2048x1024xf32, #tpu.memory_space<hbm>>) dst(%arg13 : memref<96x1024xf32, #tpu.memory_space<vmem>>)
    %add3A_25 = arith.constant 96 : i32
    %add3A_26 = arith.addi %mul3A_4, %add3A_25 : i32
    "tpu.region"() ({
      %run_scoped3A = tpu.sem_alloc : memref<!tpu.dma_semaphore, #tpu.memory_space<semaphore_mem>>
      %dma_start3A_27 = arith.constant 0 : i32
      %dma_start3A_28 = tpu.memref_slice %arg5[%add3A_26, %dma_start3A_27] : memref<6144x1024xf32, #tpu.memory_space<hbm>> -> memref<96x1024xf32, #tpu.memory_space<hbm>>
      %dma_start3A_29 = arith.constant 0 : i32
      %dma_start3A_30 = tpu.memref_slice %arg5[%add3A_26, %dma_start3A_29] : memref<6144x1024xf32, #tpu.memory_space<hbm>> -> memref<96x1024xf32, #tpu.memory_space<hbm>>
      tpu.enqueue_dma source(%arg13 : memref<96x1024xf32, #tpu.memory_space<vmem>>) target(%dma_start3A_30 : memref<96x1024xf32, #tpu.memory_space<hbm>>) target_semaphore(%run_scoped3A : memref<!tpu.dma_semaphore, #tpu.memory_space<semaphore_mem>>)
      %dma_wait3A_31 = arith.constant 0 : i32
      %dma_wait3A_32 = tpu.memref_slice %arg5[%add3A_26, %dma_wait3A_31] : memref<6144x1024xf32, #tpu.memory_space<hbm>> -> memref<96x1024xf32, #tpu.memory_space<hbm>>
      %dma_wait3A_33 = arith.constant 0 : i32
      %dma_wait3A_34 = tpu.memref_slice %arg5[%add3A_26, %dma_wait3A_33] : memref<6144x1024xf32, #tpu.memory_space<hbm>> -> memref<96x1024xf32, #tpu.memory_space<hbm>>
      tpu.wait_dma2 semaphore(%run_scoped3A : memref<!tpu.dma_semaphore, #tpu.memory_space<semaphore_mem>>) src(%arg13 : memref<96x1024xf32, #tpu.memory_space<vmem>>) dst(%dma_wait3A_34 : memref<96x1024xf32, #tpu.memory_space<hbm>>)
      tpu.yield
    }) : () -> ()
    return
  }
}

module attributes {stable_mosaic.version = 14 : i64} {
  func.func @_meta_body(%arg0: memref<2048x1024xf32, #tpu.memory_space<vmem>>, %arg1: memref<8x1024xf32, #tpu.memory_space<vmem>>, %arg2: memref<2048x2xi32, #tpu.memory_space<vmem>>, %arg3: memref<2048x2xf32, #tpu.memory_space<vmem>>, %arg4: memref<32x1xi32, #tpu.memory_space<vmem>>, %arg5: memref<32x1xi32, #tpu.memory_space<vmem>>) attributes {dimension_semantics = [], scalar_prefetch = 0 : i64, scratch_operands = 0 : i64, tpu.core_type = #tpu.core_type<tc>} {
    %get3A = arith.constant 0 : index
    %get3A_0 = arith.constant 0 : index
    %get3A_1 = vector.load %arg0[%get3A, %get3A_0] : memref<2048x1024xf32, #tpu.memory_space<vmem>>, vector<2048x1024xf32>
    %get3A_2 = arith.constant 0 : index
    %get3A_3 = arith.constant 0 : index
    %get3A_4 = vector.load %arg1[%get3A_2, %get3A_3] : memref<8x1024xf32, #tpu.memory_space<vmem>>, vector<8x1024xf32>
    %dot_general3A = arith.constant dense<0.000000e+00> : vector<2048x8xf32>
    %dot_general3A_5 = tpu.matmul %get3A_1, %get3A_4, %dot_general3A {dimension_numbers = #tpu.dot_dimension_numbers<[1], [1], [0], [0], [0, 0, 1, 0], [], []>, transpose_lhs_hint = false} : vector<2048x1024xf32>, vector<8x1024xf32>, vector<2048x8xf32> -> vector<2048x8xf32>
    %reduce_max3A = arith.constant dense<0xFF800000> : vector<2048xf32>
    %reduce_max3A_6 = vector.multi_reduction <maximumf>, %dot_general3A_5, %reduce_max3A [1] : vector<2048x8xf32> to vector<2048xf32>
    %broadcast_in_dim3A = vector.shape_cast %reduce_max3A_6 : vector<2048xf32> to vector<2048x1xf32>
    %sub3A = vector.broadcast %broadcast_in_dim3A : vector<2048x1xf32> to vector<2048x8xf32>
    %sub3A_7 = arith.subf %dot_general3A_5, %sub3A : vector<2048x8xf32>
    %exp3A = math.exp %sub3A_7 : vector<2048x8xf32>
    %reduce_sum3A = arith.constant dense<0.000000e+00> : vector<2048xf32>
    %reduce_sum3A_8 = vector.multi_reduction <add>, %exp3A, %reduce_sum3A [1] : vector<2048x8xf32> to vector<2048xf32>
    %broadcast_in_dim3A_9 = vector.shape_cast %reduce_sum3A_8 : vector<2048xf32> to vector<2048x1xf32>
    %div3A = vector.broadcast %broadcast_in_dim3A_9 : vector<2048x1xf32> to vector<2048x8xf32>
    %div3A_10 = arith.divf %exp3A, %div3A : vector<2048x8xf32>
    %iota3A = tpu.iota {dimensions = array<i32: 1>} : vector<2048x8xi32>
    %reduce_max3A_11 = arith.constant dense<0xFF800000> : vector<2048xf32>
    %reduce_max3A_12 = vector.multi_reduction <maximumf>, %div3A_10, %reduce_max3A_11 [1] : vector<2048x8xf32> to vector<2048xf32>
    %broadcast_in_dim3A_13 = vector.shape_cast %reduce_max3A_12 : vector<2048xf32> to vector<2048x1xf32>
    %ge3A = vector.broadcast %broadcast_in_dim3A_13 : vector<2048x1xf32> to vector<2048x8xf32>
    %ge3A_14 = arith.cmpf oge, %div3A_10, %ge3A : vector<2048x8xf32>
    %jit3A = arith.constant 8 : i32
    %broadcast_in_dim3A_15 = vector.broadcast %jit3A : i32 to vector<2048x8xi32>
    %select_n3A = arith.select %ge3A_14, %iota3A, %broadcast_in_dim3A_15 : vector<2048x8xi1>, vector<2048x8xi32>
    %reduce_min3A = arith.constant dense<2147483647> : vector<2048xi32>
    %reduce_min3A_16 = vector.multi_reduction <minsi>, %select_n3A, %reduce_min3A [1] : vector<2048x8xi32> to vector<2048xi32>
    %broadcast_in_dim3A_17 = vector.shape_cast %reduce_min3A_16 : vector<2048xi32> to vector<2048x1xi32>
    %eq3A = vector.broadcast %broadcast_in_dim3A_17 : vector<2048x1xi32> to vector<2048x8xi32>
    %eq3A_18 = arith.cmpi eq, %iota3A, %eq3A : vector<2048x8xi32>
    %jit3A_19 = arith.constant 0xFF800000 : f32
    %broadcast_in_dim3A_20 = vector.broadcast %jit3A_19 : f32 to vector<2048x8xf32>
    %select_n3A_21 = arith.select %eq3A_18, %broadcast_in_dim3A_20, %div3A_10 : vector<2048x8xi1>, vector<2048x8xf32>
    %reduce_max3A_22 = arith.constant dense<0xFF800000> : vector<2048xf32>
    %reduce_max3A_23 = vector.multi_reduction <maximumf>, %select_n3A_21, %reduce_max3A_22 [1] : vector<2048x8xf32> to vector<2048xf32>
    %broadcast_in_dim3A_24 = vector.shape_cast %reduce_max3A_23 : vector<2048xf32> to vector<2048x1xf32>
    %ge3A_25 = vector.broadcast %broadcast_in_dim3A_24 : vector<2048x1xf32> to vector<2048x8xf32>
    %ge3A_26 = arith.cmpf oge, %select_n3A_21, %ge3A_25 : vector<2048x8xf32>
    %jit3A_27 = arith.constant 8 : i32
    %broadcast_in_dim3A_28 = vector.broadcast %jit3A_27 : i32 to vector<2048x8xi32>
    %select_n3A_29 = arith.select %ge3A_26, %iota3A, %broadcast_in_dim3A_28 : vector<2048x8xi1>, vector<2048x8xi32>
    %reduce_min3A_30 = arith.constant dense<2147483647> : vector<2048xi32>
    %reduce_min3A_31 = vector.multi_reduction <minsi>, %select_n3A_29, %reduce_min3A_30 [1] : vector<2048x8xi32> to vector<2048xi32>
    %broadcast_in_dim3A_32 = vector.shape_cast %reduce_min3A_31 : vector<2048xi32> to vector<2048x1xi32>
    %convert_element_type3A = arith.sitofp %broadcast_in_dim3A_17 : vector<2048x1xi32> to vector<2048x1xf32>
    %convert_element_type3A_33 = arith.sitofp %broadcast_in_dim3A_32 : vector<2048x1xi32> to vector<2048x1xf32>
    %swap3A = arith.constant 0 : index
    %swap3A_34 = arith.constant 0 : index
    %swap3A_35 = vector.load %arg3[%swap3A, %swap3A_34] : memref<2048x2xf32, #tpu.memory_space<vmem>>, vector<2048x1xf32>
    tpu.vector_store %arg3[%swap3A, %swap3A_34], %broadcast_in_dim3A_13 {strides = array<i32>} : memref<2048x2xf32, #tpu.memory_space<vmem>>, vector<2048x1xf32>,
    %swap3A_36 = arith.constant 0 : index
    %swap3A_37 = arith.constant 1 : index
    %swap3A_38 = vector.load %arg3[%swap3A_36, %swap3A_37] : memref<2048x2xf32, #tpu.memory_space<vmem>>, vector<2048x1xf32>
    tpu.vector_store %arg3[%swap3A_36, %swap3A_37], %broadcast_in_dim3A_24 {strides = array<i32>} : memref<2048x2xf32, #tpu.memory_space<vmem>>, vector<2048x1xf32>,
    %iota3A_39 = tpu.iota {dimensions = array<i32: 1>} : vector<512x8xi32>
    %convert_element_type3A_40 = arith.sitofp %iota3A_39 : vector<512x8xi32> to vector<512x8xf32>
    %iota3A_41 = tpu.iota {dimensions = array<i32: 0>} : vector<512x512xi32>
    %iota3A_42 = tpu.iota {dimensions = array<i32: 1>} : vector<512x512xi32>
    %gt3A = arith.cmpi sgt, %iota3A_41, %iota3A_42 : vector<512x512xi32>
    %convert_element_type3A_43 = arith.extui %gt3A : vector<512x512xi1> to vector<512x512xi32>
    %convert_element_type3A_44 = arith.sitofp %convert_element_type3A_43 : vector<512x512xi32> to vector<512x512xf32>
    %broadcast_in_dim3A_45 = arith.constant 0.000000e+00 : f32
    %broadcast_in_dim3A_46 = vector.broadcast %broadcast_in_dim3A_45 : f32 to vector<1x8xf32>
    %slice3A = vector.extract_strided_slice %convert_element_type3A {offsets = [0, 0], sizes = [512, 1], strides = [1, 1]} : vector<2048x1xf32> to vector<512x1xf32>
    %eq3A_47 = vector.broadcast %slice3A : vector<512x1xf32> to vector<512x8xf32>
    %eq3A_48 = arith.cmpf oeq, %eq3A_47, %convert_element_type3A_40 : vector<512x8xf32>
    %convert_element_type3A_49 = arith.extui %eq3A_48 : vector<512x8xi1> to vector<512x8xi32>
    %convert_element_type3A_50 = arith.sitofp %convert_element_type3A_49 : vector<512x8xi32> to vector<512x8xf32>
    %dot_general3A_51 = arith.constant dense<0.000000e+00> : vector<512x8xf32>
    %dot_general3A_52 = tpu.matmul %convert_element_type3A_44, %convert_element_type3A_50, %dot_general3A_51 {dimension_numbers = #tpu.dot_dimension_numbers<[1], [0], [0], [1], [0, 0, 1, 1], [], []>, transpose_lhs_hint = false} : vector<512x512xf32>, vector<512x8xf32>, vector<512x8xf32> -> vector<512x8xf32>
    %add3A = vector.broadcast %broadcast_in_dim3A_46 : vector<1x8xf32> to vector<512x8xf32>
    %add3A_53 = arith.addf %dot_general3A_52, %add3A : vector<512x8xf32>
    %mul3A = arith.mulf %convert_element_type3A_50, %add3A_53 : vector<512x8xf32>
    %reduce_sum3A_54 = arith.constant dense<0.000000e+00> : vector<512xf32>
    %reduce_sum3A_55 = vector.multi_reduction <add>, %mul3A, %reduce_sum3A_54 [1] : vector<512x8xf32> to vector<512xf32>
    %broadcast_in_dim3A_56 = vector.shape_cast %reduce_sum3A_55 : vector<512xf32> to vector<512x1xf32>
    %reduce_sum3A_57 = arith.constant dense<0.000000e+00> : vector<8xf32>
    %reduce_sum3A_58 = vector.multi_reduction <add>, %convert_element_type3A_50, %reduce_sum3A_57 [0] : vector<512x8xf32> to vector<8xf32>
    %broadcast_in_dim3A_59 = vector.shape_cast %reduce_sum3A_58 : vector<8xf32> to vector<1x8xf32>
    %add3A_60 = arith.addf %broadcast_in_dim3A_46, %broadcast_in_dim3A_59 : vector<1x8xf32>
    %slice3A_61 = vector.extract_strided_slice %convert_element_type3A {offsets = [512, 0], sizes = [512, 1], strides = [1, 1]} : vector<2048x1xf32> to vector<512x1xf32>
    %eq3A_62 = vector.broadcast %slice3A_61 : vector<512x1xf32> to vector<512x8xf32>
    %eq3A_63 = arith.cmpf oeq, %eq3A_62, %convert_element_type3A_40 : vector<512x8xf32>
    %convert_element_type3A_64 = arith.extui %eq3A_63 : vector<512x8xi1> to vector<512x8xi32>
    %convert_element_type3A_65 = arith.sitofp %convert_element_type3A_64 : vector<512x8xi32> to vector<512x8xf32>
    %dot_general3A_66 = arith.constant dense<0.000000e+00> : vector<512x8xf32>
    %dot_general3A_67 = tpu.matmul %convert_element_type3A_44, %convert_element_type3A_65, %dot_general3A_66 {dimension_numbers = #tpu.dot_dimension_numbers<[1], [0], [0], [1], [0, 0, 1, 1], [], []>, transpose_lhs_hint = false} : vector<512x512xf32>, vector<512x8xf32>, vector<512x8xf32> -> vector<512x8xf32>
    %add3A_68 = vector.broadcast %add3A_60 : vector<1x8xf32> to vector<512x8xf32>
    %add3A_69 = arith.addf %dot_general3A_67, %add3A_68 : vector<512x8xf32>
    %mul3A_70 = arith.mulf %convert_element_type3A_65, %add3A_69 : vector<512x8xf32>
    %reduce_sum3A_71 = arith.constant dense<0.000000e+00> : vector<512xf32>
    %reduce_sum3A_72 = vector.multi_reduction <add>, %mul3A_70, %reduce_sum3A_71 [1] : vector<512x8xf32> to vector<512xf32>
    %broadcast_in_dim3A_73 = vector.shape_cast %reduce_sum3A_72 : vector<512xf32> to vector<512x1xf32>
    %reduce_sum3A_74 = arith.constant dense<0.000000e+00> : vector<8xf32>
    %reduce_sum3A_75 = vector.multi_reduction <add>, %convert_element_type3A_65, %reduce_sum3A_74 [0] : vector<512x8xf32> to vector<8xf32>
    %broadcast_in_dim3A_76 = vector.shape_cast %reduce_sum3A_75 : vector<8xf32> to vector<1x8xf32>
    %add3A_77 = arith.addf %add3A_60, %broadcast_in_dim3A_76 : vector<1x8xf32>
    %slice3A_78 = vector.extract_strided_slice %convert_element_type3A {offsets = [1024, 0], sizes = [512, 1], strides = [1, 1]} : vector<2048x1xf32> to vector<512x1xf32>
    %eq3A_79 = vector.broadcast %slice3A_78 : vector<512x1xf32> to vector<512x8xf32>
    %eq3A_80 = arith.cmpf oeq, %eq3A_79, %convert_element_type3A_40 : vector<512x8xf32>
    %convert_element_type3A_81 = arith.extui %eq3A_80 : vector<512x8xi1> to vector<512x8xi32>
    %convert_element_type3A_82 = arith.sitofp %convert_element_type3A_81 : vector<512x8xi32> to vector<512x8xf32>
    %dot_general3A_83 = arith.constant dense<0.000000e+00> : vector<512x8xf32>
    %dot_general3A_84 = tpu.matmul %convert_element_type3A_44, %convert_element_type3A_82, %dot_general3A_83 {dimension_numbers = #tpu.dot_dimension_numbers<[1], [0], [0], [1], [0, 0, 1, 1], [], []>, transpose_lhs_hint = false} : vector<512x512xf32>, vector<512x8xf32>, vector<512x8xf32> -> vector<512x8xf32>
    %add3A_85 = vector.broadcast %add3A_77 : vector<1x8xf32> to vector<512x8xf32>
    %add3A_86 = arith.addf %dot_general3A_84, %add3A_85 : vector<512x8xf32>
    %mul3A_87 = arith.mulf %convert_element_type3A_82, %add3A_86 : vector<512x8xf32>
    %reduce_sum3A_88 = arith.constant dense<0.000000e+00> : vector<512xf32>
    %reduce_sum3A_89 = vector.multi_reduction <add>, %mul3A_87, %reduce_sum3A_88 [1] : vector<512x8xf32> to vector<512xf32>
    %broadcast_in_dim3A_90 = vector.shape_cast %reduce_sum3A_89 : vector<512xf32> to vector<512x1xf32>
    %reduce_sum3A_91 = arith.constant dense<0.000000e+00> : vector<8xf32>
    %reduce_sum3A_92 = vector.multi_reduction <add>, %convert_element_type3A_82, %reduce_sum3A_91 [0] : vector<512x8xf32> to vector<8xf32>
    %broadcast_in_dim3A_93 = vector.shape_cast %reduce_sum3A_92 : vector<8xf32> to vector<1x8xf32>
    %add3A_94 = arith.addf %add3A_77, %broadcast_in_dim3A_93 : vector<1x8xf32>
    %slice3A_95 = vector.extract_strided_slice %convert_element_type3A {offsets = [1536, 0], sizes = [512, 1], strides = [1, 1]} : vector<2048x1xf32> to vector<512x1xf32>
    %eq3A_96 = vector.broadcast %slice3A_95 : vector<512x1xf32> to vector<512x8xf32>
    %eq3A_97 = arith.cmpf oeq, %eq3A_96, %convert_element_type3A_40 : vector<512x8xf32>
    %convert_element_type3A_98 = arith.extui %eq3A_97 : vector<512x8xi1> to vector<512x8xi32>
    %convert_element_type3A_99 = arith.sitofp %convert_element_type3A_98 : vector<512x8xi32> to vector<512x8xf32>
    %dot_general3A_100 = arith.constant dense<0.000000e+00> : vector<512x8xf32>
    %dot_general3A_101 = tpu.matmul %convert_element_type3A_44, %convert_element_type3A_99, %dot_general3A_100 {dimension_numbers = #tpu.dot_dimension_numbers<[1], [0], [0], [1], [0, 0, 1, 1], [], []>, transpose_lhs_hint = false} : vector<512x512xf32>, vector<512x8xf32>, vector<512x8xf32> -> vector<512x8xf32>
    %add3A_102 = vector.broadcast %add3A_94 : vector<1x8xf32> to vector<512x8xf32>
    %add3A_103 = arith.addf %dot_general3A_101, %add3A_102 : vector<512x8xf32>
    %mul3A_104 = arith.mulf %convert_element_type3A_99, %add3A_103 : vector<512x8xf32>
    %reduce_sum3A_105 = arith.constant dense<0.000000e+00> : vector<512xf32>
    %reduce_sum3A_106 = vector.multi_reduction <add>, %mul3A_104, %reduce_sum3A_105 [1] : vector<512x8xf32> to vector<512xf32>
    %broadcast_in_dim3A_107 = vector.shape_cast %reduce_sum3A_106 : vector<512xf32> to vector<512x1xf32>
    %reduce_sum3A_108 = arith.constant dense<0.000000e+00> : vector<8xf32>
    %reduce_sum3A_109 = vector.multi_reduction <add>, %convert_element_type3A_99, %reduce_sum3A_108 [0] : vector<512x8xf32> to vector<8xf32>
    %broadcast_in_dim3A_110 = vector.shape_cast %reduce_sum3A_109 : vector<8xf32> to vector<1x8xf32>
    %add3A_111 = arith.addf %add3A_94, %broadcast_in_dim3A_110 : vector<1x8xf32>
    %slice3A_112 = vector.extract_strided_slice %convert_element_type3A_33 {offsets = [0, 0], sizes = [512, 1], strides = [1, 1]} : vector<2048x1xf32> to vector<512x1xf32>
    %eq3A_113 = vector.broadcast %slice3A_112 : vector<512x1xf32> to vector<512x8xf32>
    %eq3A_114 = arith.cmpf oeq, %eq3A_113, %convert_element_type3A_40 : vector<512x8xf32>
    %convert_element_type3A_115 = arith.extui %eq3A_114 : vector<512x8xi1> to vector<512x8xi32>
    %convert_element_type3A_116 = arith.sitofp %convert_element_type3A_115 : vector<512x8xi32> to vector<512x8xf32>
    %dot_general3A_117 = arith.constant dense<0.000000e+00> : vector<512x8xf32>
    %dot_general3A_118 = tpu.matmul %convert_element_type3A_44, %convert_element_type3A_116, %dot_general3A_117 {dimension_numbers = #tpu.dot_dimension_numbers<[1], [0], [0], [1], [0, 0, 1, 1], [], []>, transpose_lhs_hint = false} : vector<512x512xf32>, vector<512x8xf32>, vector<512x8xf32> -> vector<512x8xf32>
    %add3A_119 = vector.broadcast %add3A_111 : vector<1x8xf32> to vector<512x8xf32>
    %add3A_120 = arith.addf %dot_general3A_118, %add3A_119 : vector<512x8xf32>
    %mul3A_121 = arith.mulf %convert_element_type3A_116, %add3A_120 : vector<512x8xf32>
    %reduce_sum3A_122 = arith.constant dense<0.000000e+00> : vector<512xf32>
    %reduce_sum3A_123 = vector.multi_reduction <add>, %mul3A_121, %reduce_sum3A_122 [1] : vector<512x8xf32> to vector<512xf32>
    %broadcast_in_dim3A_124 = vector.shape_cast %reduce_sum3A_123 : vector<512xf32> to vector<512x1xf32>
    %reduce_sum3A_125 = arith.constant dense<0.000000e+00> : vector<8xf32>
    %reduce_sum3A_126 = vector.multi_reduction <add>, %convert_element_type3A_116, %reduce_sum3A_125 [0] : vector<512x8xf32> to vector<8xf32>
    %broadcast_in_dim3A_127 = vector.shape_cast %reduce_sum3A_126 : vector<8xf32> to vector<1x8xf32>
    %add3A_128 = arith.addf %add3A_111, %broadcast_in_dim3A_127 : vector<1x8xf32>
    %slice3A_129 = vector.extract_strided_slice %convert_element_type3A_33 {offsets = [512, 0], sizes = [512, 1], strides = [1, 1]} : vector<2048x1xf32> to vector<512x1xf32>
    %eq3A_130 = vector.broadcast %slice3A_129 : vector<512x1xf32> to vector<512x8xf32>
    %eq3A_131 = arith.cmpf oeq, %eq3A_130, %convert_element_type3A_40 : vector<512x8xf32>
    %convert_element_type3A_132 = arith.extui %eq3A_131 : vector<512x8xi1> to vector<512x8xi32>
    %convert_element_type3A_133 = arith.sitofp %convert_element_type3A_132 : vector<512x8xi32> to vector<512x8xf32>
    %dot_general3A_134 = arith.constant dense<0.000000e+00> : vector<512x8xf32>
    %dot_general3A_135 = tpu.matmul %convert_element_type3A_44, %convert_element_type3A_133, %dot_general3A_134 {dimension_numbers = #tpu.dot_dimension_numbers<[1], [0], [0], [1], [0, 0, 1, 1], [], []>, transpose_lhs_hint = false} : vector<512x512xf32>, vector<512x8xf32>, vector<512x8xf32> -> vector<512x8xf32>
    %add3A_136 = vector.broadcast %add3A_128 : vector<1x8xf32> to vector<512x8xf32>
    %add3A_137 = arith.addf %dot_general3A_135, %add3A_136 : vector<512x8xf32>
    %mul3A_138 = arith.mulf %convert_element_type3A_133, %add3A_137 : vector<512x8xf32>
    %reduce_sum3A_139 = arith.constant dense<0.000000e+00> : vector<512xf32>
    %reduce_sum3A_140 = vector.multi_reduction <add>, %mul3A_138, %reduce_sum3A_139 [1] : vector<512x8xf32> to vector<512xf32>
    %broadcast_in_dim3A_141 = vector.shape_cast %reduce_sum3A_140 : vector<512xf32> to vector<512x1xf32>
    %reduce_sum3A_142 = arith.constant dense<0.000000e+00> : vector<8xf32>
    %reduce_sum3A_143 = vector.multi_reduction <add>, %convert_element_type3A_133, %reduce_sum3A_142 [0] : vector<512x8xf32> to vector<8xf32>
    %broadcast_in_dim3A_144 = vector.shape_cast %reduce_sum3A_143 : vector<8xf32> to vector<1x8xf32>
    %add3A_145 = arith.addf %add3A_128, %broadcast_in_dim3A_144 : vector<1x8xf32>
    %slice3A_146 = vector.extract_strided_slice %convert_element_type3A_33 {offsets = [1024, 0], sizes = [512, 1], strides = [1, 1]} : vector<2048x1xf32> to vector<512x1xf32>
    %eq3A_147 = vector.broadcast %slice3A_146 : vector<512x1xf32> to vector<512x8xf32>
    %eq3A_148 = arith.cmpf oeq, %eq3A_147, %convert_element_type3A_40 : vector<512x8xf32>
    %convert_element_type3A_149 = arith.extui %eq3A_148 : vector<512x8xi1> to vector<512x8xi32>
    %convert_element_type3A_150 = arith.sitofp %convert_element_type3A_149 : vector<512x8xi32> to vector<512x8xf32>
    %dot_general3A_151 = arith.constant dense<0.000000e+00> : vector<512x8xf32>
    %dot_general3A_152 = tpu.matmul %convert_element_type3A_44, %convert_element_type3A_150, %dot_general3A_151 {dimension_numbers = #tpu.dot_dimension_numbers<[1], [0], [0], [1], [0, 0, 1, 1], [], []>, transpose_lhs_hint = false} : vector<512x512xf32>, vector<512x8xf32>, vector<512x8xf32> -> vector<512x8xf32>
    %add3A_153 = vector.broadcast %add3A_145 : vector<1x8xf32> to vector<512x8xf32>
    %add3A_154 = arith.addf %dot_general3A_152, %add3A_153 : vector<512x8xf32>
    %mul3A_155 = arith.mulf %convert_element_type3A_150, %add3A_154 : vector<512x8xf32>
    %reduce_sum3A_156 = arith.constant dense<0.000000e+00> : vector<512xf32>
    %reduce_sum3A_157 = vector.multi_reduction <add>, %mul3A_155, %reduce_sum3A_156 [1] : vector<512x8xf32> to vector<512xf32>
    %broadcast_in_dim3A_158 = vector.shape_cast %reduce_sum3A_157 : vector<512xf32> to vector<512x1xf32>
    %reduce_sum3A_159 = arith.constant dense<0.000000e+00> : vector<8xf32>
    %reduce_sum3A_160 = vector.multi_reduction <add>, %convert_element_type3A_150, %reduce_sum3A_159 [0] : vector<512x8xf32> to vector<8xf32>
    %broadcast_in_dim3A_161 = vector.shape_cast %reduce_sum3A_160 : vector<8xf32> to vector<1x8xf32>
    %add3A_162 = arith.addf %add3A_145, %broadcast_in_dim3A_161 : vector<1x8xf32>
    %slice3A_163 = vector.extract_strided_slice %convert_element_type3A_33 {offsets = [1536, 0], sizes = [512, 1], strides = [1, 1]} : vector<2048x1xf32> to vector<512x1xf32>
    %eq3A_164 = vector.broadcast %slice3A_163 : vector<512x1xf32> to vector<512x8xf32>
    %eq3A_165 = arith.cmpf oeq, %eq3A_164, %convert_element_type3A_40 : vector<512x8xf32>
    %convert_element_type3A_166 = arith.extui %eq3A_165 : vector<512x8xi1> to vector<512x8xi32>
    %convert_element_type3A_167 = arith.sitofp %convert_element_type3A_166 : vector<512x8xi32> to vector<512x8xf32>
    %dot_general3A_168 = arith.constant dense<0.000000e+00> : vector<512x8xf32>
    %dot_general3A_169 = tpu.matmul %convert_element_type3A_44, %convert_element_type3A_167, %dot_general3A_168 {dimension_numbers = #tpu.dot_dimension_numbers<[1], [0], [0], [1], [0, 0, 1, 1], [], []>, transpose_lhs_hint = false} : vector<512x512xf32>, vector<512x8xf32>, vector<512x8xf32> -> vector<512x8xf32>
    %add3A_170 = vector.broadcast %add3A_162 : vector<1x8xf32> to vector<512x8xf32>
    %add3A_171 = arith.addf %dot_general3A_169, %add3A_170 : vector<512x8xf32>
    %mul3A_172 = arith.mulf %convert_element_type3A_167, %add3A_171 : vector<512x8xf32>
    %reduce_sum3A_173 = arith.constant dense<0.000000e+00> : vector<512xf32>
    %reduce_sum3A_174 = vector.multi_reduction <add>, %mul3A_172, %reduce_sum3A_173 [1] : vector<512x8xf32> to vector<512xf32>
    %broadcast_in_dim3A_175 = vector.shape_cast %reduce_sum3A_174 : vector<512xf32> to vector<512x1xf32>
    %reduce_sum3A_176 = arith.constant dense<0.000000e+00> : vector<8xf32>
    %reduce_sum3A_177 = vector.multi_reduction <add>, %convert_element_type3A_167, %reduce_sum3A_176 [0] : vector<512x8xf32> to vector<8xf32>
    %broadcast_in_dim3A_178 = vector.shape_cast %reduce_sum3A_177 : vector<8xf32> to vector<1x8xf32>
    %add3A_179 = arith.addf %add3A_162, %broadcast_in_dim3A_178 : vector<1x8xf32>
    %mul3A_180 = arith.constant 3.906250e-03 : f32
    %mul3A_181 = vector.broadcast %mul3A_180 : f32 to vector<1x8xf32>
    %mul3A_182 = arith.mulf %add3A_179, %mul3A_181 : vector<1x8xf32>
    %ceil3A = math.ceil %mul3A_182 : vector<1x8xf32>
    %mul3A_183 = arith.constant 2.560000e+02 : f32
    %mul3A_184 = vector.broadcast %mul3A_183 : f32 to vector<1x8xf32>
    %mul3A_185 = arith.mulf %ceil3A, %mul3A_184 : vector<1x8xf32>
    %iota3A_186 = tpu.iota {dimensions = array<i32: 0>} : vector<8x8xi32>
    %iota3A_187 = tpu.iota {dimensions = array<i32: 1>} : vector<8x8xi32>
    %lt3A = arith.cmpi slt, %iota3A_186, %iota3A_187 : vector<8x8xi32>
    %convert_element_type3A_188 = arith.extui %lt3A : vector<8x8xi1> to vector<8x8xi32>
    %convert_element_type3A_189 = arith.sitofp %convert_element_type3A_188 : vector<8x8xi32> to vector<8x8xf32>
    %dot_general3A_190 = arith.constant dense<0.000000e+00> : vector<1x8xf32>
    %dot_general3A_191 = tpu.matmul %mul3A_185, %convert_element_type3A_189, %dot_general3A_190 {dimension_numbers = #tpu.dot_dimension_numbers<[1], [0], [0], [1], [0, 0, 1, 1], [], []>, transpose_lhs_hint = false} : vector<1x8xf32>, vector<8x8xf32>, vector<1x8xf32> -> vector<1x8xf32>
    %mul3A_192 = vector.broadcast %dot_general3A_191 : vector<1x8xf32> to vector<512x8xf32>
    %mul3A_193 = arith.mulf %convert_element_type3A_50, %mul3A_192 : vector<512x8xf32>
    %reduce_sum3A_194 = arith.constant dense<0.000000e+00> : vector<512xf32>
    %reduce_sum3A_195 = vector.multi_reduction <add>, %mul3A_193, %reduce_sum3A_194 [1] : vector<512x8xf32> to vector<512xf32>
    %broadcast_in_dim3A_196 = vector.shape_cast %reduce_sum3A_195 : vector<512xf32> to vector<512x1xf32>
    %add3A_197 = arith.addf %broadcast_in_dim3A_56, %broadcast_in_dim3A_196 : vector<512x1xf32>
    %convert_element_type3A_198 = arith.fptosi %add3A_197 : vector<512x1xf32> to vector<512x1xi32>
    %swap3A_199 = arith.constant 0 : index
    %swap3A_200 = arith.constant 0 : index
    %swap3A_201 = vector.load %arg2[%swap3A_199, %swap3A_200] : memref<2048x2xi32, #tpu.memory_space<vmem>>, vector<512x1xi32>
    tpu.vector_store %arg2[%swap3A_199, %swap3A_200], %convert_element_type3A_198 {strides = array<i32>} : memref<2048x2xi32, #tpu.memory_space<vmem>>, vector<512x1xi32>,
    %mul3A_202 = vector.broadcast %dot_general3A_191 : vector<1x8xf32> to vector<512x8xf32>
    %mul3A_203 = arith.mulf %convert_element_type3A_65, %mul3A_202 : vector<512x8xf32>
    %reduce_sum3A_204 = arith.constant dense<0.000000e+00> : vector<512xf32>
    %reduce_sum3A_205 = vector.multi_reduction <add>, %mul3A_203, %reduce_sum3A_204 [1] : vector<512x8xf32> to vector<512xf32>
    %broadcast_in_dim3A_206 = vector.shape_cast %reduce_sum3A_205 : vector<512xf32> to vector<512x1xf32>
    %add3A_207 = arith.addf %broadcast_in_dim3A_73, %broadcast_in_dim3A_206 : vector<512x1xf32>
    %convert_element_type3A_208 = arith.fptosi %add3A_207 : vector<512x1xf32> to vector<512x1xi32>
    %swap3A_209 = arith.constant 512 : index
    %swap3A_210 = arith.constant 0 : index
    %swap3A_211 = vector.load %arg2[%swap3A_209, %swap3A_210] : memref<2048x2xi32, #tpu.memory_space<vmem>>, vector<512x1xi32>
    tpu.vector_store %arg2[%swap3A_209, %swap3A_210], %convert_element_type3A_208 {strides = array<i32>} : memref<2048x2xi32, #tpu.memory_space<vmem>>, vector<512x1xi32>,
    %mul3A_212 = vector.broadcast %dot_general3A_191 : vector<1x8xf32> to vector<512x8xf32>
    %mul3A_213 = arith.mulf %convert_element_type3A_82, %mul3A_212 : vector<512x8xf32>
    %reduce_sum3A_214 = arith.constant dense<0.000000e+00> : vector<512xf32>
    %reduce_sum3A_215 = vector.multi_reduction <add>, %mul3A_213, %reduce_sum3A_214 [1] : vector<512x8xf32> to vector<512xf32>
    %broadcast_in_dim3A_216 = vector.shape_cast %reduce_sum3A_215 : vector<512xf32> to vector<512x1xf32>
    %add3A_217 = arith.addf %broadcast_in_dim3A_90, %broadcast_in_dim3A_216 : vector<512x1xf32>
    %convert_element_type3A_218 = arith.fptosi %add3A_217 : vector<512x1xf32> to vector<512x1xi32>
    %swap3A_219 = arith.constant 1024 : index
    %swap3A_220 = arith.constant 0 : index
    %swap3A_221 = vector.load %arg2[%swap3A_219, %swap3A_220] : memref<2048x2xi32, #tpu.memory_space<vmem>>, vector<512x1xi32>
    tpu.vector_store %arg2[%swap3A_219, %swap3A_220], %convert_element_type3A_218 {strides = array<i32>} : memref<2048x2xi32, #tpu.memory_space<vmem>>, vector<512x1xi32>,
    %mul3A_222 = vector.broadcast %dot_general3A_191 : vector<1x8xf32> to vector<512x8xf32>
    %mul3A_223 = arith.mulf %convert_element_type3A_99, %mul3A_222 : vector<512x8xf32>
    %reduce_sum3A_224 = arith.constant dense<0.000000e+00> : vector<512xf32>
    %reduce_sum3A_225 = vector.multi_reduction <add>, %mul3A_223, %reduce_sum3A_224 [1] : vector<512x8xf32> to vector<512xf32>
    %broadcast_in_dim3A_226 = vector.shape_cast %reduce_sum3A_225 : vector<512xf32> to vector<512x1xf32>
    %add3A_227 = arith.addf %broadcast_in_dim3A_107, %broadcast_in_dim3A_226 : vector<512x1xf32>
    %convert_element_type3A_228 = arith.fptosi %add3A_227 : vector<512x1xf32> to vector<512x1xi32>
    %swap3A_229 = arith.constant 1536 : index
    %swap3A_230 = arith.constant 0 : index
    %swap3A_231 = vector.load %arg2[%swap3A_229, %swap3A_230] : memref<2048x2xi32, #tpu.memory_space<vmem>>, vector<512x1xi32>
    tpu.vector_store %arg2[%swap3A_229, %swap3A_230], %convert_element_type3A_228 {strides = array<i32>} : memref<2048x2xi32, #tpu.memory_space<vmem>>, vector<512x1xi32>,
    %mul3A_232 = vector.broadcast %dot_general3A_191 : vector<1x8xf32> to vector<512x8xf32>
    %mul3A_233 = arith.mulf %convert_element_type3A_116, %mul3A_232 : vector<512x8xf32>
    %reduce_sum3A_234 = arith.constant dense<0.000000e+00> : vector<512xf32>
    %reduce_sum3A_235 = vector.multi_reduction <add>, %mul3A_233, %reduce_sum3A_234 [1] : vector<512x8xf32> to vector<512xf32>
    %broadcast_in_dim3A_236 = vector.shape_cast %reduce_sum3A_235 : vector<512xf32> to vector<512x1xf32>
    %add3A_237 = arith.addf %broadcast_in_dim3A_124, %broadcast_in_dim3A_236 : vector<512x1xf32>
    %convert_element_type3A_238 = arith.fptosi %add3A_237 : vector<512x1xf32> to vector<512x1xi32>
    %swap3A_239 = arith.constant 0 : index
    %swap3A_240 = arith.constant 1 : index
    %swap3A_241 = vector.load %arg2[%swap3A_239, %swap3A_240] : memref<2048x2xi32, #tpu.memory_space<vmem>>, vector<512x1xi32>
    tpu.vector_store %arg2[%swap3A_239, %swap3A_240], %convert_element_type3A_238 {strides = array<i32>} : memref<2048x2xi32, #tpu.memory_space<vmem>>, vector<512x1xi32>,
    %mul3A_242 = vector.broadcast %dot_general3A_191 : vector<1x8xf32> to vector<512x8xf32>
    %mul3A_243 = arith.mulf %convert_element_type3A_133, %mul3A_242 : vector<512x8xf32>
    %reduce_sum3A_244 = arith.constant dense<0.000000e+00> : vector<512xf32>
    %reduce_sum3A_245 = vector.multi_reduction <add>, %mul3A_243, %reduce_sum3A_244 [1] : vector<512x8xf32> to vector<512xf32>
    %broadcast_in_dim3A_246 = vector.shape_cast %reduce_sum3A_245 : vector<512xf32> to vector<512x1xf32>
    %add3A_247 = arith.addf %broadcast_in_dim3A_141, %broadcast_in_dim3A_246 : vector<512x1xf32>
    %convert_element_type3A_248 = arith.fptosi %add3A_247 : vector<512x1xf32> to vector<512x1xi32>
    %swap3A_249 = arith.constant 512 : index
    %swap3A_250 = arith.constant 1 : index
    %swap3A_251 = vector.load %arg2[%swap3A_249, %swap3A_250] : memref<2048x2xi32, #tpu.memory_space<vmem>>, vector<512x1xi32>
    tpu.vector_store %arg2[%swap3A_249, %swap3A_250], %convert_element_type3A_248 {strides = array<i32>} : memref<2048x2xi32, #tpu.memory_space<vmem>>, vector<512x1xi32>,
    %mul3A_252 = vector.broadcast %dot_general3A_191 : vector<1x8xf32> to vector<512x8xf32>
    %mul3A_253 = arith.mulf %convert_element_type3A_150, %mul3A_252 : vector<512x8xf32>
    %reduce_sum3A_254 = arith.constant dense<0.000000e+00> : vector<512xf32>
    %reduce_sum3A_255 = vector.multi_reduction <add>, %mul3A_253, %reduce_sum3A_254 [1] : vector<512x8xf32> to vector<512xf32>
    %broadcast_in_dim3A_256 = vector.shape_cast %reduce_sum3A_255 : vector<512xf32> to vector<512x1xf32>
    %add3A_257 = arith.addf %broadcast_in_dim3A_158, %broadcast_in_dim3A_256 : vector<512x1xf32>
    %convert_element_type3A_258 = arith.fptosi %add3A_257 : vector<512x1xf32> to vector<512x1xi32>
    %swap3A_259 = arith.constant 1024 : index
    %swap3A_260 = arith.constant 1 : index
    %swap3A_261 = vector.load %arg2[%swap3A_259, %swap3A_260] : memref<2048x2xi32, #tpu.memory_space<vmem>>, vector<512x1xi32>
    tpu.vector_store %arg2[%swap3A_259, %swap3A_260], %convert_element_type3A_258 {strides = array<i32>} : memref<2048x2xi32, #tpu.memory_space<vmem>>, vector<512x1xi32>,
    %mul3A_262 = vector.broadcast %dot_general3A_191 : vector<1x8xf32> to vector<512x8xf32>
    %mul3A_263 = arith.mulf %convert_element_type3A_167, %mul3A_262 : vector<512x8xf32>
    %reduce_sum3A_264 = arith.constant dense<0.000000e+00> : vector<512xf32>
    %reduce_sum3A_265 = vector.multi_reduction <add>, %mul3A_263, %reduce_sum3A_264 [1] : vector<512x8xf32> to vector<512xf32>
    %broadcast_in_dim3A_266 = vector.shape_cast %reduce_sum3A_265 : vector<512xf32> to vector<512x1xf32>
    %add3A_267 = arith.addf %broadcast_in_dim3A_175, %broadcast_in_dim3A_266 : vector<512x1xf32>
    %convert_element_type3A_268 = arith.fptosi %add3A_267 : vector<512x1xf32> to vector<512x1xi32>
    %swap3A_269 = arith.constant 1536 : index
    %swap3A_270 = arith.constant 1 : index
    %swap3A_271 = vector.load %arg2[%swap3A_269, %swap3A_270] : memref<2048x2xi32, #tpu.memory_space<vmem>>, vector<512x1xi32>
    tpu.vector_store %arg2[%swap3A_269, %swap3A_270], %convert_element_type3A_268 {strides = array<i32>} : memref<2048x2xi32, #tpu.memory_space<vmem>>, vector<512x1xi32>,
    %add3A_272 = arith.addf %dot_general3A_191, %mul3A_185 : vector<1x8xf32>
    %iota3A_273 = tpu.iota {dimensions = array<i32: 0>} : vector<32x1xi32>
    %convert_element_type3A_274 = arith.sitofp %iota3A_273 : vector<32x1xi32> to vector<32x1xf32>
    %mul3A_275 = arith.constant 2.560000e+02 : f32
    %mul3A_276 = vector.broadcast %mul3A_275 : f32 to vector<32x1xf32>
    %mul3A_277 = arith.mulf %convert_element_type3A_274, %mul3A_276 : vector<32x1xf32>
    %le3A = vector.broadcast %add3A_272 : vector<1x8xf32> to vector<32x8xf32>
    %le3A_278 = vector.broadcast %mul3A_277 : vector<32x1xf32> to vector<32x8xf32>
    %le3A_279 = arith.cmpf ole, %le3A, %le3A_278 : vector<32x8xf32>
    %convert_element_type3A_280 = arith.extui %le3A_279 : vector<32x8xi1> to vector<32x8xi32>
    %convert_element_type3A_281 = arith.sitofp %convert_element_type3A_280 : vector<32x8xi32> to vector<32x8xf32>
    %reduce_sum3A_282 = arith.constant dense<0.000000e+00> : vector<32xf32>
    %reduce_sum3A_283 = vector.multi_reduction <add>, %convert_element_type3A_281, %reduce_sum3A_282 [1] : vector<32x8xf32> to vector<32xf32>
    %broadcast_in_dim3A_284 = vector.shape_cast %reduce_sum3A_283 : vector<32xf32> to vector<32x1xf32>
    %min3A = arith.constant 7.000000e+00 : f32
    %min3A_285 = vector.broadcast %min3A : f32 to vector<32x1xf32>
    %min3A_286 = arith.minimumf %broadcast_in_dim3A_284, %min3A_285 : vector<32x1xf32>
    %reduce_sum3A_287 = arith.constant dense<0.000000e+00> : vector<1xf32>
    %reduce_sum3A_288 = vector.multi_reduction <add>, %mul3A_185, %reduce_sum3A_287 [1] : vector<1x8xf32> to vector<1xf32>
    %broadcast_in_dim3A_289 = vector.shape_cast %reduce_sum3A_288 : vector<1xf32> to vector<1x1xf32>
    %lt3A_290 = vector.broadcast %broadcast_in_dim3A_289 : vector<1x1xf32> to vector<32x1xf32>
    %lt3A_291 = arith.cmpf olt, %mul3A_277, %lt3A_290 : vector<32x1xf32>
    %convert_element_type3A_292 = arith.extui %lt3A_291 : vector<32x1xi1> to vector<32x1xi32>
    %convert_element_type3A_293 = arith.fptosi %min3A_286 : vector<32x1xf32> to vector<32x1xi32>
    %swap3A_294 = arith.constant 0 : index
    %swap3A_295 = arith.constant 0 : index
    %swap3A_296 = vector.load %arg4[%swap3A_294, %swap3A_295] : memref<32x1xi32, #tpu.memory_space<vmem>>, vector<32x1xi32>
    tpu.vector_store %arg4[%swap3A_294, %swap3A_295], %convert_element_type3A_293 {strides = array<i32>} : memref<32x1xi32, #tpu.memory_space<vmem>>, vector<32x1xi32>,
    %swap3A_297 = arith.constant 0 : index
    %swap3A_298 = arith.constant 0 : index
    %swap3A_299 = vector.load %arg5[%swap3A_297, %swap3A_298] : memref<32x1xi32, #tpu.memory_space<vmem>>, vector<32x1xi32>
    tpu.vector_store %arg5[%swap3A_297, %swap3A_298], %convert_element_type3A_292 {strides = array<i32>} : memref<32x1xi32, #tpu.memory_space<vmem>>, vector<32x1xi32>,
    return
  }
}

module attributes {stable_mosaic.version = 14 : i64} {
  func.func @_gmm_body(%arg0: i32, %arg1: memref<32xi32, #tpu.memory_space<smem>>, %arg2: memref<32xi32, #tpu.memory_space<smem>>, %arg3: memref<256x1024xf32, #tpu.memory_space<vmem>>, %arg4: memref<256x1024xf32, #tpu.memory_space<vmem>>, %arg5: memref<256x1xf32, #tpu.memory_space<vmem>>, %arg6: memref<1x1024x1024xf32, #tpu.memory_space<vmem>>, %arg7: memref<1x1024x512xf32, #tpu.memory_space<vmem>>, %arg8: memref<1024x1024xf32, #tpu.memory_space<vmem>>, %arg9: memref<1024x512xf32, #tpu.memory_space<vmem>>, %arg10: memref<256x1024xf32, #tpu.memory_space<vmem>>) attributes {dimension_semantics = [#tpu.dimension_semantics<arbitrary>], iteration_bounds = array<i64: 32>, scalar_prefetch = 2 : i64, scratch_operands = 0 : i64, tpu.core_type = #tpu.core_type<tc>, window_params = [{transform_indices = @transform_0, window_bounds = array<i64: 256, 1024>}, {transform_indices = @transform_1, window_bounds = array<i64: 256, 1024>}, {transform_indices = @transform_2, window_bounds = array<i64: 256, 1>}, {transform_indices = @transform_3, window_bounds = array<i64: 1, 1024, 1024>}, {transform_indices = @transform_4, window_bounds = array<i64: 1, 1024, 512>}, {pipeline_mode = #tpu.pipeline_mode<synchronous>, transform_indices = @transform_5, window_bounds = array<i64: 1024, 1024>}, {pipeline_mode = #tpu.pipeline_mode<synchronous>, transform_indices = @transform_6, window_bounds = array<i64: 1024, 512>}, {transform_indices = @transform_7, window_bounds = array<i64: 256, 1024>}]} {
    %lt3A = arith.constant 24 : i32
    %lt3A_0 = arith.cmpi slt, %arg0, %lt3A : i32
    %convert_element_type3A = arith.extui %lt3A_0 : i1 to i32
    %cond3A = arith.constant 0 : i32
    %cond3A_1 = arith.cmpi ne, %convert_element_type3A, %cond3A : i32
    scf.if %cond3A_1 {
      %get3A = arith.index_cast %arg0 : i32 to index
      %get3A_6 = memref.load %arg2[%get3A] : memref<32xi32, #tpu.memory_space<smem>>
      %ne3A = arith.constant 0 : i32
      %ne3A_7 = arith.cmpi ne, %get3A_6, %ne3A : i32
      %convert_element_type3A_8 = arith.extui %ne3A_7 : i1 to i32
      %cond3A_9 = arith.constant 0 : i32
      %cond3A_10 = arith.cmpi ne, %convert_element_type3A_8, %cond3A_9 : i32
      scf.if %cond3A_10 {
        %get3A_11 = arith.constant 0 : index
        %get3A_12 = arith.constant 0 : index
        %get3A_13 = vector.load %arg3[%get3A_11, %get3A_12] : memref<256x1024xf32, #tpu.memory_space<vmem>>, vector<256x1024xf32>
        %get3A_14 = arith.constant 0 : index
        %get3A_15 = arith.constant 0 : index
        %get3A_16 = arith.constant 0 : index
        %get3A_17 = vector.load %arg6[%get3A_14, %get3A_15, %get3A_16] : memref<1x1024x1024xf32, #tpu.memory_space<vmem>>, vector<1x1024x1024xf32>
        %get3A_18 = vector.shape_cast %get3A_17 : vector<1x1024x1024xf32> to vector<1024x1024xf32>
        %get3A_19 = arith.constant 0 : index
        %get3A_20 = arith.constant 0 : index
        %get3A_21 = arith.constant 0 : index
        %get3A_22 = vector.load %arg7[%get3A_19, %get3A_20, %get3A_21] : memref<1x1024x512xf32, #tpu.memory_space<vmem>>, vector<1x1024x512xf32>
        %get3A_23 = vector.shape_cast %get3A_22 : vector<1x1024x512xf32> to vector<1024x512xf32>
        %get3A_24 = arith.constant 0 : index
        %get3A_25 = arith.constant 0 : index
        %get3A_26 = vector.load %arg5[%get3A_24, %get3A_25] : memref<256x1xf32, #tpu.memory_space<vmem>>, vector<256x1xf32>
        %dot_general3A = arith.constant dense<0.000000e+00> : vector<256x1024xf32>
        %dot_general3A_27 = tpu.matmul %get3A_13, %get3A_18, %dot_general3A {dimension_numbers = #tpu.dot_dimension_numbers<[1], [1], [0], [0], [0, 0, 1, 0], [], []>, transpose_lhs_hint = false} : vector<256x1024xf32>, vector<1024x1024xf32>, vector<256x1024xf32> -> vector<256x1024xf32>
        %slice3A = vector.extract_strided_slice %dot_general3A_27 {offsets = [0, 0], sizes = [256, 512], strides = [1, 1]} : vector<256x1024xf32> to vector<256x512xf32>
        %slice3A_28 = vector.extract_strided_slice %dot_general3A_27 {offsets = [0, 512], sizes = [256, 512], strides = [1, 1]} : vector<256x1024xf32> to vector<256x512xf32>
        %logistic3A = arith.negf %slice3A_28 : vector<256x512xf32>
        %logistic3A_29 = math.exp %logistic3A : vector<256x512xf32>
        %logistic3A_30 = arith.constant 1.000000e+00 : f32
        %logistic3A_31 = vector.broadcast %logistic3A_30 : f32 to vector<256x512xf32>
        %logistic3A_32 = arith.addf %logistic3A_31, %logistic3A_29 : vector<256x512xf32>
        %logistic3A_33 = arith.divf %logistic3A_31, %logistic3A_32 : vector<256x512xf32>
        %mul3A = arith.mulf %slice3A_28, %logistic3A_33 : vector<256x512xf32>
        %mul3A_34 = arith.mulf %slice3A, %mul3A : vector<256x512xf32>
        %mul3A_35 = vector.broadcast %get3A_26 : vector<256x1xf32> to vector<256x512xf32>
        %mul3A_36 = arith.mulf %mul3A_34, %mul3A_35 : vector<256x512xf32>
        %dot_general3A_37 = arith.constant dense<0.000000e+00> : vector<256x1024xf32>
        %dot_general3A_38 = tpu.matmul %mul3A_36, %get3A_23, %dot_general3A_37 {dimension_numbers = #tpu.dot_dimension_numbers<[1], [1], [0], [0], [0, 0, 1, 0], [], []>, transpose_lhs_hint = false} : vector<256x512xf32>, vector<1024x512xf32>, vector<256x1024xf32> -> vector<256x1024xf32>
        %swap3A = arith.constant 0 : index
        %swap3A_39 = arith.constant 0 : index
        %swap3A_40 = vector.load %arg10[%swap3A, %swap3A_39] : memref<256x1024xf32, #tpu.memory_space<vmem>>, vector<256x1024xf32>
        tpu.vector_store %arg10[%swap3A, %swap3A_39], %dot_general3A_38 {strides = array<i32>} : memref<256x1024xf32, #tpu.memory_space<vmem>>, vector<256x1024xf32>,
      } else {
      }
    } else {
    }
    %ge3A = arith.constant 24 : i32
    %ge3A_2 = arith.cmpi sge, %arg0, %ge3A : i32
    %convert_element_type3A_3 = arith.extui %ge3A_2 : i1 to i32
    %cond3A_4 = arith.constant 0 : i32
    %cond3A_5 = arith.cmpi ne, %convert_element_type3A_3, %cond3A_4 : i32
    scf.if %cond3A_5 {
      %get3A = arith.constant 0 : index
      %get3A_6 = arith.constant 0 : index
      %get3A_7 = vector.load %arg4[%get3A, %get3A_6] : memref<256x1024xf32, #tpu.memory_space<vmem>>, vector<256x1024xf32>
      %get3A_8 = arith.constant 0 : index
      %get3A_9 = arith.constant 0 : index
      %get3A_10 = vector.load %arg8[%get3A_8, %get3A_9] : memref<1024x1024xf32, #tpu.memory_space<vmem>>, vector<1024x1024xf32>
      %get3A_11 = arith.constant 0 : index
      %get3A_12 = arith.constant 0 : index
      %get3A_13 = vector.load %arg9[%get3A_11, %get3A_12] : memref<1024x512xf32, #tpu.memory_space<vmem>>, vector<1024x512xf32>
      %dot_general3A = arith.constant dense<0.000000e+00> : vector<256x1024xf32>
      %dot_general3A_14 = tpu.matmul %get3A_7, %get3A_10, %dot_general3A {dimension_numbers = #tpu.dot_dimension_numbers<[1], [1], [0], [0], [0, 0, 1, 0], [], []>, transpose_lhs_hint = false} : vector<256x1024xf32>, vector<1024x1024xf32>, vector<256x1024xf32> -> vector<256x1024xf32>
      %slice3A = vector.extract_strided_slice %dot_general3A_14 {offsets = [0, 0], sizes = [256, 512], strides = [1, 1]} : vector<256x1024xf32> to vector<256x512xf32>
      %slice3A_15 = vector.extract_strided_slice %dot_general3A_14 {offsets = [0, 512], sizes = [256, 512], strides = [1, 1]} : vector<256x1024xf32> to vector<256x512xf32>
      %logistic3A = arith.negf %slice3A_15 : vector<256x512xf32>
      %logistic3A_16 = math.exp %logistic3A : vector<256x512xf32>
      %logistic3A_17 = arith.constant 1.000000e+00 : f32
      %logistic3A_18 = vector.broadcast %logistic3A_17 : f32 to vector<256x512xf32>
      %logistic3A_19 = arith.addf %logistic3A_18, %logistic3A_16 : vector<256x512xf32>
      %logistic3A_20 = arith.divf %logistic3A_18, %logistic3A_19 : vector<256x512xf32>
      %mul3A = arith.mulf %slice3A_15, %logistic3A_20 : vector<256x512xf32>
      %mul3A_21 = arith.mulf %slice3A, %mul3A : vector<256x512xf32>
      %dot_general3A_22 = arith.constant dense<0.000000e+00> : vector<256x1024xf32>
      %dot_general3A_23 = tpu.matmul %mul3A_21, %get3A_13, %dot_general3A_22 {dimension_numbers = #tpu.dot_dimension_numbers<[1], [1], [0], [0], [0, 0, 1, 0], [], []>, transpose_lhs_hint = false} : vector<256x512xf32>, vector<1024x512xf32>, vector<256x1024xf32> -> vector<256x1024xf32>
      %swap3A = arith.constant 0 : index
      %swap3A_24 = arith.constant 0 : index
      %swap3A_25 = vector.load %arg10[%swap3A, %swap3A_24] : memref<256x1024xf32, #tpu.memory_space<vmem>>, vector<256x1024xf32>
      tpu.vector_store %arg10[%swap3A, %swap3A_24], %dot_general3A_23 {strides = array<i32>} : memref<256x1024xf32, #tpu.memory_space<vmem>>, vector<256x1024xf32>,
    } else {
    }
    return
  }
  func.func @transform_0(%arg0: i32, %arg1: memref<32xi32, #tpu.memory_space<smem>>, %arg2: memref<32xi32, #tpu.memory_space<smem>>) -> (i32, i32) {
    %min3A = arith.constant 23 : i32
    %min3A_0 = arith.minsi %arg0, %min3A : i32
    %c0_i32 = arith.constant 0 : i32
    %c0_i32_1 = arith.constant 0 : i32
    return %min3A_0, %c0_i32 : i32, i32
  }
  func.func @transform_1(%arg0: i32, %arg1: memref<32xi32, #tpu.memory_space<smem>>, %arg2: memref<32xi32, #tpu.memory_space<smem>>) -> (i32, i32) {
    %sub3A = arith.constant 24 : i32
    %sub3A_0 = arith.subi %arg0, %sub3A : i32
    %jit3A = arith.constant 0 : i32
    %jit3A_1 = arith.constant 7 : i32
    %max3A = arith.maxsi %jit3A, %sub3A_0 : i32
    %min3A = arith.minsi %jit3A_1, %max3A : i32
    %c0_i32 = arith.constant 0 : i32
    %c0_i32_2 = arith.constant 0 : i32
    return %min3A, %c0_i32 : i32, i32
  }
  func.func @transform_2(%arg0: i32, %arg1: memref<32xi32, #tpu.memory_space<smem>>, %arg2: memref<32xi32, #tpu.memory_space<smem>>) -> (i32, i32) {
    %min3A = arith.constant 23 : i32
    %min3A_0 = arith.minsi %arg0, %min3A : i32
    %c0_i32 = arith.constant 0 : i32
    %c0_i32_1 = arith.constant 0 : i32
    return %min3A_0, %c0_i32 : i32, i32
  }
  func.func @transform_3(%arg0: i32, %arg1: memref<32xi32, #tpu.memory_space<smem>>, %arg2: memref<32xi32, #tpu.memory_space<smem>>) -> (i32, i32, i32) {
    %get3A = arith.index_cast %arg0 : i32 to index
    %get3A_0 = memref.load %arg1[%get3A] : memref<32xi32, #tpu.memory_space<smem>>
    %c0_i32 = arith.constant 0 : i32
    %c0_i32_1 = arith.constant 0 : i32
    %c0_i32_2 = arith.constant 0 : i32
    return %get3A_0, %c0_i32, %c0_i32_1 : i32, i32, i32
  }
  func.func @transform_4(%arg0: i32, %arg1: memref<32xi32, #tpu.memory_space<smem>>, %arg2: memref<32xi32, #tpu.memory_space<smem>>) -> (i32, i32, i32) {
    %get3A = arith.index_cast %arg0 : i32 to index
    %get3A_0 = memref.load %arg1[%get3A] : memref<32xi32, #tpu.memory_space<smem>>
    %c0_i32 = arith.constant 0 : i32
    %c0_i32_1 = arith.constant 0 : i32
    %c0_i32_2 = arith.constant 0 : i32
    return %get3A_0, %c0_i32, %c0_i32_1 : i32, i32, i32
  }
  func.func @transform_5(%arg0: i32, %arg1: memref<32xi32, #tpu.memory_space<smem>>, %arg2: memref<32xi32, #tpu.memory_space<smem>>) -> (i32, i32) {
    %c0_i32 = arith.constant 0 : i32
    %c0_i32_0 = arith.constant 0 : i32
    %c0_i32_1 = arith.constant 0 : i32
    return %c0_i32, %c0_i32_0 : i32, i32
  }
  func.func @transform_6(%arg0: i32, %arg1: memref<32xi32, #tpu.memory_space<smem>>, %arg2: memref<32xi32, #tpu.memory_space<smem>>) -> (i32, i32) {
    %c0_i32 = arith.constant 0 : i32
    %c0_i32_0 = arith.constant 0 : i32
    %c0_i32_1 = arith.constant 0 : i32
    return %c0_i32, %c0_i32_0 : i32, i32
  }
  func.func @transform_7(%arg0: i32, %arg1: memref<32xi32, #tpu.memory_space<smem>>, %arg2: memref<32xi32, #tpu.memory_space<smem>>) -> (i32, i32) {
    %c0_i32 = arith.constant 0 : i32
    %c0_i32_0 = arith.constant 0 : i32
    return %arg0, %c0_i32 : i32, i32
  }
}

</mosaic_0001>

<sc_bundles>
// kernel: kernel.6.cloned.1.call-start
scs
__scs_entry_jumppad:
0x0: {  	(pc) =	sbr.rel $0x88, $3  }
0x1: {  	(tag) =	ssettag $0x0;
	lr =	simm.s32 $0x1  }
0x2: {  	[smem:$0x3F9B] =	sst lr;
	_ =	strace $0xD0000000  }
0x3: {  	_ = 	snop  }
0x4: {  	_ = 	snop  }
0x5: {  	_ = 	snop  }
0x6: {  	_ = 	snop  }
0x7: {  	_ = 	snop  }
__scs_overlays_trampoline_lowered:
0x8: {  	[smem:$0x3FAA] =	sst s0  }
0x9: {  	[smem:$0x3FAB] =	sst s1  }
0xa: {  	[smem:$0x3FAC] =	sst s2  }
0xb: {  	[smem:$0x3FAD] =	sst s3  }
0xc: {  	[smem:$0x3FAE] =	sst s4  }
0xd: {  	[smem:$0x3FAF] =	sst s5  }
0xe: {  	[smem:$0x3FB0] =	sst s6  }
0xf: {  	[smem:$0x3FB1] =	sst s7  }
0x10: {  	[smem:$0x3FB2] =	sst s8  }
0x11: {  	[smem:$0x3FB3] =	sst s9;
	s0 =	simm.s32 @!p0 $0x0  }
0x12: {  	s1 =	sld [smem:$0x3F99];
	s0 =	simm.s32 @p0 $0x1  }
0x13: {  	[smem:$0x3FB4] =	sst s0;
	s0 =	simm.s32 @!p1 $0x0  }
0x14: {  	s2 =	sld [smem:$0x3F98];
	s0 =	simm.s32 @p1 $0x1  }
0x15: {  	[smem:$0x3FB5] =	sst s0;
	s0 =	simm.s32 @!p2 $0x0  }
0x16: {  	s3 =	sld [smem:$0x3FDB];
	s0 =	simm.s32 @p2 $0x1  }
0x17: {  	s4 =	simm.s32 $0x1BF5;
	[smem:$0x3FB7] =	sst s0  }
0x18: {  	s0 =	sld [smem:$0x3F9A];
	_ =	swait.ge [sflag:s4], $0x0  }
0x19: {  	s7 =	sld [smem:$0x3F9B]  }
0x1a: {  	s8 =	sadd.s32 $0xFFFFE003, lr  }
0x1b: {  	s9 =	sadd.s32 $0xFFFFFEF7, lr;
	s5 =	simm.s32 $0xFFFFFFFF;
	p2 =	slt.u32 s8, $0xFFFFF086  }
0x1c: {  	p1 =	slt.u32 s9, $0xF7A;
	s5 =	simm.s32 @!p2 $0x0  }
0x1d: {  	s5 =	simm.s32 @p1 $0x1;
	p0 =	seq.s32 s7, s2  }
0x1e: {  	s7 =	smul.u32 @!p0 $0xF7A, s2;
	p2 =	seq.s32 @!p0 s5, $0x0  }
0x1f: {  	s9 =	smul.u32 $0xF7A, s1;
	s8 =	simm.s32 @!p0 $0x1BF5;
	p2 =	por !p2, p0  }
0x20: {  	[sflag:s8] =	ssyncset.s32 @!p0 $0xFFFFF086;
	s6 =	sadd.s32 @!p0 s3, s7;
	s7 =	simm.s32 @!p0 $0x108  }
0x21: {  	s3 =	sadd.s32 s3, s9;
	s6 =	sadd.s32 @!p0 $0x88, s6;
	s7 =	simm.s32 @p2 $0x1082  }
0x22: {  	[simem:s7], [sflag:s8] =	dma.local @!p0 [hbm:s6], $0xF7A  }
0x23: {  	s9 =	sor.u32 $0xD0000000, s2;
	s6 =	simm.s32 $0x108;
	_ =	swait.ge @!p0 [sflag:s8], $0x0  }
0x24: {  	s3 =	sadd.s32 $0x88, s3;
	s6 =	simm.s32 @!p1 $0x1082;
	[sflag:s4] =	ssyncset.s32 $0xFFFFF086  }
0x25: {  	[simem:s6], [sflag:s4] =	dma.local [hbm:s3], $0xF7A  }
0x26: {  	[smem:$0x3F9B] =	sst s1;
	(tag) =	ssettag s2;
	_ =	strace s9  }
0x27: {  	s1 =	sld [smem:$0x3FAB]  }
0x28: {  	s2 =	sld [smem:$0x3FAC]  }
0x29: {  	s4 =	sld [smem:$0x3FAE]  }
0x2a: {  	p0 =	seq.s32 s5, $0x0;
	s5 =	sld [smem:$0x3FAF]  }
0x2b: {  	s6 =	sld [smem:$0x3FB0]  }
0x2c: {  	s7 =	sld [smem:$0x3FB1]  }
0x2d: {  	s3 =	simm.s32 $0x108;
	s8 =	sld [smem:$0x3FB2]  }
0x2e: {  	s3 =	simm.s32 @!p0 $0x1082;
	s9 =	sld [smem:$0x3FB3]  }
0x2f: {  	lr =	sadd.s32 s0, s3;
	s0 =	sld [smem:$0x3FAA]  }
0x30: {  	s3 =	sld [smem:$0x3FAD]  }
0x31: {  	[smem:$0x3FB6] =	sst s10  }
0x32: {  	s10 =	sld [smem:$0x3FB4];
	_ =	sdelay $0x3  }
0x33: {  	p0 =	seq.s32 s10, $0x1;
	s10 =	sld [smem:$0x3FB6];
	_ =	sdelay $0x3  }
0x34: {  	[smem:$0x3FB6] =	sst s10  }
0x35: {  	s10 =	sld [smem:$0x3FB5];
	_ =	sdelay $0x3  }
0x36: {  	p1 =	seq.s32 s10, $0x1;
	s10 =	sld [smem:$0x3FB6];
	_ =	sdelay $0x3  }
0x37: {  	[smem:$0x3FB6] =	sst s10  }
0x38: {  	s10 =	sld [smem:$0x3FB7]  }
0x39: {  	_ = 	snop;
	(pc) =	sbr.ind lr, $3  }
0x3a: {  	_ = 	snop  }
0x3b: {  	_ = 	snop  }
0x3c: {  	p2 =	seq.s32 s10, $0x1;
	s10 =	sld [smem:$0x3FB6]  }
0x3d: {  	_ =	shalt  }
0x3e: {  	_ =	shalt  }
0x3f: {  	_ =	shalt  }
0x40: {  	_ =	shalt  }
0x41: {  	_ =	shalt  }
0x42: {  	_ =	shalt  }
0x43: {  	_ =	shalt  }
0x44: {  	_ =	shalt  }
0x45: {  	_ =	shalt  }
0x46: {  	_ =	shalt  }
0x47: {  	_ =	shalt  }
0x48: {  	_ =	shalt  }
0x49: {  	_ =	shalt  }
0x4a: {  	_ =	shalt  }
0x4b: {  	_ =	shalt  }
0x4c: {  	_ =	shalt  }
0x4d: {  	_ =	shalt  }
0x4e: {  	_ =	shalt  }
0x4f: {  	_ =	shalt  }
0x50: {  	_ =	shalt  }
0x51: {  	_ =	shalt  }
0x52: {  	_ =	shalt  }
0x53: {  	_ =	shalt  }
0x54: {  	_ =	shalt  }
0x55: {  	_ =	shalt  }
0x56: {  	_ =	shalt  }
0x57: {  	_ =	shalt  }
0x58: {  	_ =	shalt  }
0x59: {  	_ =	shalt  }
0x5a: {  	_ =	shalt  }
0x5b: {  	_ =	shalt  }
0x5c: {  	_ =	shalt  }
0x5d: {  	_ =	shalt  }
0x5e: {  	_ =	shalt  }
0x5f: {  	_ =	shalt  }
0x60: {  	_ =	shalt  }
0x61: {  	_ =	shalt  }
0x62: {  	_ =	shalt  }
0x63: {  	_ =	shalt  }
0x64: {  	_ =	shalt  }
0x65: {  	_ =	shalt  }
0x66: {  	_ =	shalt  }
0x67: {  	_ =	shalt  }
0x68: {  	_ =	shalt  }
0x69: {  	_ =	shalt  }
0x6a: {  	_ =	shalt  }
0x6b: {  	_ =	shalt  }
0x6c: {  	_ =	shalt  }
0x6d: {  	_ =	shalt  }
0x6e: {  	_ =	shalt  }
0x6f: {  	_ =	shalt  }
0x70: {  	_ =	shalt  }
0x71: {  	_ =	shalt  }
0x72: {  	_ =	shalt  }
0x73: {  	_ =	shalt  }
0x74: {  	_ =	shalt  }
0x75: {  	_ =	shalt  }
0x76: {  	_ =	shalt  }
0x77: {  	_ =	shalt  }
0x78: {  	_ =	shalt  }
0x79: {  	_ =	shalt  }
0x7a: {  	_ =	shalt  }
0x7b: {  	_ =	shalt  }
0x7c: {  	_ =	shalt  }
0x7d: {  	_ =	shalt  }
0x7e: {  	_ =	shalt  }
0x7f: {  	_ =	shalt  }
0x80: {  	_ =	shalt  }
0x81: {  	_ =	shalt  }
0x82: {  	_ =	shalt  }
0x83: {  	_ =	shalt  }
0x84: {  	_ =	shalt  }
0x85: {  	_ =	shalt  }
0x86: {  	_ =	shalt  }
0x87: {  	_ =	shalt  }
.Lfunc_end0:
.L_simem_size_0:
called_computation_lowered:
.L_overlay_start_0:
0x88: {  	s2 =	sld [smem:$0x3FD9]  }
0x89: {  	s3 =	sld [smem:$0x3FFE];
	_ =	sdelay $0x1  }
0x8a: {  	s1 =	srdreg.scid  }
0x8b: {  	s0 =	sand.u32 $0x1, s1  }
0x8c: {  	s17 =	sshll.u32 s0, $0xA;
	s2 =	sadd.s32 s3, s2  }
0x8d: {  	s2 =	sadd.s32 s2, s17  }
0x8e: {  	[smem:$0x3FC2] =	sst s2  }
0x8f: {  	_ = 	snop  }
0x90: {  	s2 =	sld [smem:$0x3FC9]  }
0x91: {  	s18 =	sld [smem:$0x3FD0];
	(tm) =	ssettm $0x1  }
0x92: {  	s4 =	sld [smem:$0x3FFB];
	_ =	sdelay $0x3  }
0x93: {  	_ =	strace s4  }
0x94: {  	s4 =	sld [smem:$0x3FFC];
	_ =	sdelay $0x3  }
0x95: {  	_ =	strace s4  }
0x96: {  	s4 =	sld [smem:$0x3FFD];
	_ =	sdelay $0x3  }
0x97: {  	_ =	strace s4  }
0x98: {  	_ =	strace $0x8FFFFFFF  }
0x99: {  	s19 =	sld [smem:$0x3FDB];
	_ =	sdelay $0x1  }
0x9a: {  	s5 =	simm.s32 $_scs_section_size  }
0x9b: {  	s6 =	simm.s32 $_size__tile_overlayer_lowered;
	s7 =	simm.s32 $_tile_overlayer_lowered  }
0x9c: {  	s22 =	simm.s32 $0x1BFF;
	s21 =	sshll.u32 s7, $0x1;
	s4 =	sadd.s32 s5, s19  }
0x9d: {  	s8 =	simm.s32 $0x0;
	s20 =	sshll.u32 s6, $0x1;
	s6 =	sadd.s32 s21, s4  }
0x9e: {  	[timem:s8], [sflag:s22] =	dma.local [hbm:s6], s20  }
0x9f: {  	_ =	swait.ge [sflag:s22], s20  }
0xa0: {  	s5 =	ssub.s32 $0x0, s20;
	[sflag:s22] =	ssyncset.done $0x0  }
0xa1: {  	[sflag:s22] =	ssyncadd.s32 s5;
	_ =	sdelay $0x1  }
0xa2: {  	s23 =	simm.s32 $0x1B8B  }
0xa3: {  	_ =	swait.ge [sflag:s23], $0x1  }
0xa4: {  	[sflag:s23] =	ssyncset.done $0x0  }
0xa5: {  	s25 =	simm.s32 $0x1B8E;
	s24 =	sld [smem:$0x3FFE];
	[sflag:s23] =	ssyncadd.s32 $0xFFFFFFFF  }
0xa6: {  	s26 =	simm.s32 $execute0_lowered;
	[smem:$0x3FD2] =	sst s25  }
0xa7: {  	s6 =	sshll.u32 s26, $0x1;
	_ =	strace $0x80000046;
	[dreg:$0x1] =	wrdreg $0xFFFFFFFF  }
0xa8: {  	s28 =	simm.s32 $_size_execute0_lowered;
	s4 =	sadd.s32 s4, s6;
	[dreg:$0x0] =	wrdreg $0x0  }
0xa9: {  	s6 =	sshll.u32 s28, $0x1;
	[dreg:$0x2] =	wrdreg s4  }
0xaa: {  	[dreg:$0x3] =	wrdreg s6  }
0xab: {  	[dreg:$0x4] =	wrdreg $0xC0  }
0xac: {  	_ =	task [dreg:s8], $0x5FFFF  }
0xad: {  	[dreg:$0x1] =	wrdreg $0xFFFFFFFF  }
0xae: {  	[dreg:$0x0] =	wrdreg $0x60  }
0xaf: {  	[dreg:$0x2] =	wrdreg s24  }
0xb0: {  	[dreg:$0x3] =	wrdreg s2  }
0xb1: {  	[dreg:$0x4] =	wrdreg s18  }
0xb2: {  	[dreg:$0x5] =	wrdreg $0x50000  }
0xb3: {  	[dreg:$0x6] =	wrdreg $0x9  }
0xb4: {  	_ =	task.clear_ibuf [dreg:s8], $0x7FFFF;
	_ =	strace $0x90000046  }
0xb5: {  	s29 =	simm.s32 $0x9;
	_ =	strace $0x80000048  }
0xb6: {  	_ =	swait.ge [sflag:s29], $0x1  }
0xb7: {  	[sflag:s29] =	ssyncadd.s32 $0xFFFFFFFF  }
0xb8: {  	_ =	strace $0x90000048  }
0xb9: {  	_ =	sfence  }
0xba: {  	s30 =	sld [smem:$0x0];
	_ =	sdelay $0x2  }
0xbb: {  	s31 =	sshll.u32 s1, $0xD;
	s1 =	sshrl.u32 s1, $0x2  }
0xbc: {  	s3 =	sand.u32 $0x4000, s31;
	s1 =	sadd.s32 s1, s30  }
0xbd: {  	s0 =	sor.u32 s3, s0;
	s1 =	sshll.u32 s1, $0x11  }
0xbe: {  	s0 =	sor.u32 s1, s0  }
0xbf: {  	s0 =	sadd.s32 $0x8F2B, s0  }
0xc0: {  	[sflag:s0] =	ssyncadd.remote.s32 $0x1  }
0xc1: {  	_ =	sfence.sel $0xFFFF  }
0xc2: {  	[dreg:$0x0] =	wrdreg $0xFFFFFFFF;
	(pc) =	sbr.abs _section_cstart, $3  }
0xc3: {  	[dreg:$0x1] =	wrdreg $0xFFFFFFFF  }
0xc4: {  	_ =	task.clear_ibuf [dreg:s8], $0x2FFFF;
	_ =	strace $0x9FFFFFFF  }
0xc5: {  	(tm) =	ssettm $0x7FFFFFFF  }
tec
execute0_lowered:
.L_overlay_start_1:
0x0: {  	(tag) =	ssettag $0x1  }
0x1: {  	s0 =	rddreg [dreg:$0x0]  }
0x2: {  	s1 =	rddreg [dreg:$0x1]  }
0x3: {  	s10 =	rddreg [dreg:$0x3]  }
0x4: {  	s2 =	srdreg.scid;
	s3 =	stileid.u32;
	s4 =	simm.s32 $0x0  }
0x5: {  	s16 =	simm.s32 $0x2000;
	s17 =	simm.s32 $0x3800;
	s15 =	simm.s32 $0x7A80  }
0x6: {  	s18 =	simm.s32 $0x9280;
	s11 =	simm.s32 $0xA280;
	s12 =	simm.s32 $0xAA80  }
0x7: {  	s13 =	simm.s32 $0xB280;
	s20 =	simm.s32 $0xBA80;
	s21 =	simm.s32 $0xC280  }
0x8: {  	s22 =	simm.s32 $0xCA80;
	s19 =	simm.s32 $0xDA80;
	s30 =	simm.s32 $0x10280  }
0x9: {  	s31 =	simm.s32 $0x10A80;
	s23 =	simm.s32 $0x11280;
	s2 =	sand.u32 $0x1, s2  }
0xa: {  	s5 =	sshll.u32 s3, $0x1;
	[smem:$0x7FF] =	sst s4;
	s7 =	sadd.s32 $0xC00, s0  }
0xb: {  	s24 =	sadd.s32 $0xA00, s0;
	s0 =	sadd.s32 $0xE00, s0;
	p0 =	sne.s32 s3, $0x0  }
0xc: {  	s5 =	sor.u32 s2, s5;
	_ =	strace $0x80000047;
	[dreg:$0x5] =	wrdreg s7  }
0xd: {  	s3 =	simm.s32 $0x2;
	[dreg:$0x6] =	wrdreg s24;
	s6 =	smul.u32 $0x300, s5  }
0xe: {  	s25 =	ssub.s32 $0x2, s2;
	p1 =	sne.s32 s2, $0x0;
	s9 =	smul.u32 $0x30000, s5  }
0xf: {  	s24 =	simm.s32 $0x0;
	s8 =	sshrl.u32 s25, $0x1;
	s5 =	smul.u32 $0x6000, s5  }
0x10: {  	s7 =	ssub.s32 s25, s8;
	s8 =	sadd.s32 $0x100, s1;
	s6 =	sshrl.u32 s6, $0x2  }
.Ltmp0:
0x11: {  	s26 =	sshrl.u32 s9, $0x3;
	s29 =	smax.u32 s7, $0x1;
	(pc) =	sbr.rel .LBB2_1-.Ltmp0, $4  }
0x12: {  	s9 =	sadd.s32 $0x200, s1;
	s6 =	sadd.s32 s6, s10;
	[dreg:$0xa] =	wrdreg s29  }
0x13: {  	v0 =	vlaneseq.u32;
	[dreg:$0x7] =	wrdreg s6;
	s6 =	sadd.s32 s0, s26;
	s0 =	sadd.s32 s0, s5  }
0x14: {  	v1 =	vimm.f32 $0.0e+00;
	vm0 =	vmmov $0xffff;
	v3 =	vshrl.u32 v0, $0x3;
	s7 =	simm.s32 $0x9A80;
	[dreg:$0x8] =	wrdreg s0;
	s28 =	sadd.s32 $0x3000, s6  }
0x15: {  	v2 =	vand.u32 $0x7, v0;
	v4 =	vor.u32 $0x8, v0;
	v3 =	vmul.u32 $0x8, v3;
	s10 =	sadd.s32 $0x300, s1;
	s6 =	simm.s32 $0x8A80;
	[dreg:$0x9] =	wrdreg s28  }
.LBB2_7:
0x16: {  	[bflag:$0x0] =	sbarrier.arrive $0xFFFF  }
0x17: {  	s2 =	simm.s32 $0x5180;
	s0 =	rddreg [dreg:$0x7]  }
0x18: {  	[tilespmem:s2], [sflag:$0x2] =	stream.linear.gather [spmem:s0], $0xC0, $0x38;
	[tilespmem:$0x1D280] =	vst v63  }
0x19: {  	_ =	swait.ge [sflag:s3], $0xC0  }
0x1a: {  	[sflag:s3] =	ssyncset.done $0x0  }
0x1b: {  	[sflag:s3] =	ssyncadd.s32 $0xFFFFFF40  }
0x1c: {  	v5 =	vld [tilespmem:$0x5180];
	_ =	sdelay $0x4  }
0x1d: {  	v6 =	vshll.u32 v5, $0x3  }
0x1e: {  	v5 =	vand.u32 $0x7, v5;
	v6 =	vand.u32 $0xFFFFFFC0, v6  }
0x1f: {  	v5 =	vor.u32 v5, v6  }
0x20: {  	v6 =	vperm.xlane v5, v2;
	_ =	sdelay $0x1  }
0x21: {  	v6 =	vadd.s32 v3, v6;
	_ =	sdelay $0x3  }
0x22: {  	s5 =	simm.s32 $0x5280  }
0x23: {  	[tilespmem:s5], [sflag:$0x1] =	stream.indirect_vreg.gather [hbm4b:s1+s4], $0x80, v6, vm0, $0xb8;
	[tilespmem:$0x1D280] =	vst v63  }
0x24: {  	s14 =	simm.s32 $0x5A80;
	v5 =	vperm.xlane v5, v4  }
0x25: {  	[tilespmem:s14], [sflag:$0x1] =	stream.indirect_vreg.gather [hbm4b:s8+s4], $0x80, v6, vm0, $0xb8;
	[tilespmem:$0x1D280] =	vst v63  }
0x26: {  	s25 =	simm.s32 $0x6280;
	v5 =	vadd.s32 v3, v5  }
0x27: {  	[tilespmem:s25], [sflag:$0x1] =	stream.indirect_vreg.gather [hbm4b:s9+s4], $0x80, v6, vm0, $0xb8;
	[tilespmem:$0x1D280] =	vst v63  }
0x28: {  	s26 =	simm.s32 $0x6A80  }
0x29: {  	[tilespmem:s26], [sflag:$0x1] =	stream.indirect_vreg.gather [hbm4b:s10+s4], $0x80, v6, vm0, $0xb8;
	[tilespmem:$0x1D280] =	vst v63  }
0x2a: {  	s28 =	simm.s32 $0x7280  }
0x2b: {  	[tilespmem:s28], [sflag:$0x1] =	stream.indirect_vreg.gather [hbm4b:s1+s4], $0x80, v5, vm0, $0xb8;
	[tilespmem:$0x1D280] =	vst v63  }
0x2c: {  	_ = 	snop  }
0x2d: {  	[tilespmem:s15], [sflag:$0x1] =	stream.indirect_vreg.gather [hbm4b:s8+s4], $0x80, v5, vm0, $0xb8;
	[tilespmem:$0x1D280] =	vst v63  }
0x2e: {  	s5 =	simm.s32 $0x8280  }
0x2f: {  	[tilespmem:s5], [sflag:$0x1] =	stream.indirect_vreg.gather [hbm4b:s9+s4], $0x80, v5, vm0, $0xb8;
	[tilespmem:$0x1D280] =	vst v63  }
0x30: {  	_ = 	snop  }
0x31: {  	[tilespmem:s6], [sflag:$0x1] =	stream.indirect_vreg.gather [hbm4b:s10+s4], $0x80, v5, vm0, $0xb8;
	[tilespmem:$0x1D280] =	vst v63  }
0x32: {  	v5 =	vld [tilespmem:$0x5190];
	_ =	sdelay $0x4  }
0x33: {  	v6 =	vshll.u32 v5, $0x3  }
0x34: {  	v5 =	vand.u32 $0x7, v5;
	v6 =	vand.u32 $0xFFFFFFC0, v6  }
0x35: {  	v5 =	vor.u32 v5, v6  }
0x36: {  	v6 =	vperm.xlane v5, v2;
	_ =	sdelay $0x1  }
0x37: {  	v6 =	vadd.s32 v3, v6;
	_ =	sdelay $0x4  }
0x38: {  	[tilespmem:s18], [sflag:$0x1] =	stream.indirect_vreg.gather [hbm4b:s1+s4], $0x80, v6, vm0, $0xb8;
	[tilespmem:$0x1D280] =	vst v63  }
0x39: {  	v5 =	vperm.xlane v5, v4  }
0x3a: {  	[tilespmem:s7], [sflag:$0x1] =	stream.indirect_vreg.gather [hbm4b:s8+s4], $0x80, v6, vm0, $0xb8;
	[tilespmem:$0x1D280] =	vst v63  }
0x3b: {  	v5 =	vadd.s32 v3, v5  }
0x3c: {  	[tilespmem:s11], [sflag:$0x1] =	stream.indirect_vreg.gather [hbm4b:s9+s4], $0x80, v6, vm0, $0xb8;
	[tilespmem:$0x1D280] =	vst v63  }
0x3d: {  	_ = 	snop  }
0x3e: {  	[tilespmem:s12], [sflag:$0x1] =	stream.indirect_vreg.gather [hbm4b:s10+s4], $0x80, v6, vm0, $0xb8;
	[tilespmem:$0x1D280] =	vst v63  }
0x3f: {  	_ = 	snop  }
0x40: {  	[tilespmem:s13], [sflag:$0x1] =	stream.indirect_vreg.gather [hbm4b:s1+s4], $0x80, v5, vm0, $0xb8;
	[tilespmem:$0x1D280] =	vst v63  }
0x41: {  	_ = 	snop  }
0x42: {  	[tilespmem:s20], [sflag:$0x1] =	stream.indirect_vreg.gather [hbm4b:s8+s4], $0x80, v5, vm0, $0xb8;
	[tilespmem:$0x1D280] =	vst v63  }
0x43: {  	_ = 	snop  }
0x44: {  	[tilespmem:s21], [sflag:$0x1] =	stream.indirect_vreg.gather [hbm4b:s9+s4], $0x80, v5, vm0, $0xb8;
	[tilespmem:$0x1D280] =	vst v63  }
0x45: {  	_ = 	snop  }
0x46: {  	[tilespmem:s22], [sflag:$0x1] =	stream.indirect_vreg.gather [hbm4b:s10+s4], $0x80, v5, vm0, $0xb8;
	[tilespmem:$0x1D280] =	vst v63  }
0x47: {  	v5 =	vld [tilespmem:$0x51A0];
	_ =	sdelay $0x4  }
0x48: {  	v6 =	vshll.u32 v5, $0x3  }
0x49: {  	v5 =	vand.u32 $0x7, v5;
	v6 =	vand.u32 $0xFFFFFFC0, v6  }
0x4a: {  	v5 =	vor.u32 v5, v6  }
0x4b: {  	v6 =	vperm.xlane v5, v2;
	_ =	sdelay $0x1  }
0x4c: {  	v6 =	vadd.s32 v3, v6;
	_ =	sdelay $0x3  }
0x4d: {  	s29 =	simm.s32 $0xD280  }
0x4e: {  	[tilespmem:s29], [sflag:$0x1] =	stream.indirect_vreg.gather [hbm4b:s1+s4], $0x80, v6, vm0, $0xb8;
	[tilespmem:$0x1D280] =	vst v63  }
0x4f: {  	v5 =	vperm.xlane v5, v4  }
0x50: {  	[tilespmem:s19], [sflag:$0x1] =	stream.indirect_vreg.gather [hbm4b:s8+s4], $0x80, v6, vm0, $0xb8;
	[tilespmem:$0x1D280] =	vst v63  }
0x51: {  	s26 =	simm.s32 $0xE280;
	v5 =	vadd.s32 v3, v5  }
0x52: {  	[tilespmem:s26], [sflag:$0x1] =	stream.indirect_vreg.gather [hbm4b:s9+s4], $0x80, v6, vm0, $0xb8;
	[tilespmem:$0x1D280] =	vst v63  }
0x53: {  	s28 =	simm.s32 $0xEA80  }
0x54: {  	[tilespmem:s28], [sflag:$0x1] =	stream.indirect_vreg.gather [hbm4b:s10+s4], $0x80, v6, vm0, $0xb8;
	[tilespmem:$0x1D280] =	vst v63  }
0x55: {  	s2 =	simm.s32 $0xF280  }
0x56: {  	[tilespmem:s2], [sflag:$0x1] =	stream.indirect_vreg.gather [hbm4b:s1+s4], $0x80, v5, vm0, $0xb8;
	[tilespmem:$0x1D280] =	vst v63  }
0x57: {  	s29 =	simm.s32 $0xFA80  }
0x58: {  	[tilespmem:s29], [sflag:$0x1] =	stream.indirect_vreg.gather [hbm4b:s8+s4], $0x80, v5, vm0, $0xb8;
	[tilespmem:$0x1D280] =	vst v63  }
0x59: {  	_ = 	snop  }
0x5a: {  	[tilespmem:s30], [sflag:$0x1] =	stream.indirect_vreg.gather [hbm4b:s9+s4], $0x80, v5, vm0, $0xb8;
	[tilespmem:$0x1D280] =	vst v63  }
0x5b: {  	_ = 	snop  }
0x5c: {  	[tilespmem:s31], [sflag:$0x1] =	stream.indirect_vreg.gather [hbm4b:s10+s4], $0x80, v5, vm0, $0xb8;
	[tilespmem:$0x1D280] =	vst v63  }
0x5d: {  	v5 =	vld [tilespmem:$0x51B0];
	_ =	sdelay $0x4  }
0x5e: {  	v6 =	vshll.u32 v5, $0x3  }
0x5f: {  	v5 =	vand.u32 $0x7, v5;
	v6 =	vand.u32 $0xFFFFFFC0, v6  }
0x60: {  	v5 =	vor.u32 v5, v6  }
0x61: {  	v6 =	vperm.xlane v5, v2;
	_ =	sdelay $0x1  }
0x62: {  	v6 =	vadd.s32 v3, v6;
	_ =	sdelay $0x4  }
0x63: {  	[tilespmem:s23], [sflag:$0x1] =	stream.indirect_vreg.gather [hbm4b:s1+s4], $0x80, v6, vm0, $0xb8;
	[tilespmem:$0x1D280] =	vst v63  }
0x64: {  	s25 =	simm.s32 $0x11A80;
	v5 =	vperm.xlane v5, v4  }
0x65: {  	[tilespmem:s25], [sflag:$0x1] =	stream.indirect_vreg.gather [hbm4b:s8+s4], $0x80, v6, vm0, $0xb8;
	[tilespmem:$0x1D280] =	vst v63  }
0x66: {  	s14 =	simm.s32 $0x12280;
	v5 =	vadd.s32 v3, v5  }
0x67: {  	[tilespmem:s14], [sflag:$0x1] =	stream.indirect_vreg.gather [hbm4b:s9+s4], $0x80, v6, vm0, $0xb8;
	[tilespmem:$0x1D280] =	vst v63  }
0x68: {  	s2 =	simm.s32 $0x12A80  }
0x69: {  	[tilespmem:s2], [sflag:$0x1] =	stream.indirect_vreg.gather [hbm4b:s10+s4], $0x80, v6, vm0, $0xb8;
	[tilespmem:$0x1D280] =	vst v63  }
0x6a: {  	s14 =	simm.s32 $0x13280  }
0x6b: {  	[tilespmem:s14], [sflag:$0x1] =	stream.indirect_vreg.gather [hbm4b:s1+s4], $0x80, v5, vm0, $0xb8;
	[tilespmem:$0x1D280] =	vst v63  }
0x6c: {  	s2 =	simm.s32 $0x13A80  }
0x6d: {  	[tilespmem:s2], [sflag:$0x1] =	stream.indirect_vreg.gather [hbm4b:s8+s4], $0x80, v5, vm0, $0xb8;
	[tilespmem:$0x1D280] =	vst v63  }
0x6e: {  	s14 =	simm.s32 $0x14280  }
0x6f: {  	[tilespmem:s14], [sflag:$0x1] =	stream.indirect_vreg.gather [hbm4b:s9+s4], $0x80, v5, vm0, $0xb8;
	[tilespmem:$0x1D280] =	vst v63  }
0x70: {  	s2 =	simm.s32 $0x14A80  }
0x71: {  	[tilespmem:s2], [sflag:$0x1] =	stream.indirect_vreg.gather [hbm4b:s10+s4], $0x80, v5, vm0, $0xb8;
	[tilespmem:$0x1D280] =	vst v63  }
0x72: {  	v5 =	vld [tilespmem:$0x51C0];
	_ =	sdelay $0x4  }
0x73: {  	v6 =	vshll.u32 v5, $0x3  }
0x74: {  	v5 =	vand.u32 $0x7, v5;
	v6 =	vand.u32 $0xFFFFFFC0, v6  }
0x75: {  	v5 =	vor.u32 v5, v6  }
0x76: {  	v6 =	vperm.xlane v5, v2;
	_ =	sdelay $0x1  }
0x77: {  	v6 =	vadd.s32 v3, v6;
	_ =	sdelay $0x3  }
0x78: {  	s14 =	simm.s32 $0x15280  }
0x79: {  	[tilespmem:s14], [sflag:$0x1] =	stream.indirect_vreg.gather [hbm4b:s1+s4], $0x80, v6, vm0, $0xb8;
	[tilespmem:$0x1D280] =	vst v63  }
0x7a: {  	s2 =	simm.s32 $0x15A80;
	v5 =	vperm.xlane v5, v4  }
0x7b: {  	[tilespmem:s2], [sflag:$0x1] =	stream.indirect_vreg.gather [hbm4b:s8+s4], $0x80, v6, vm0, $0xb8;
	[tilespmem:$0x1D280] =	vst v63  }
0x7c: {  	v5 =	vadd.s32 v3, v5;
	s14 =	simm.s32 $0x16280  }
0x7d: {  	[tilespmem:s14], [sflag:$0x1] =	stream.indirect_vreg.gather [hbm4b:s9+s4], $0x80, v6, vm0, $0xb8;
	[tilespmem:$0x1D280] =	vst v63  }
0x7e: {  	s2 =	simm.s32 $0x16A80  }
0x7f: {  	[tilespmem:s2], [sflag:$0x1] =	stream.indirect_vreg.gather [hbm4b:s10+s4], $0x80, v6, vm0, $0xb8;
	[tilespmem:$0x1D280] =	vst v63  }
0x80: {  	s14 =	simm.s32 $0x17280  }
0x81: {  	[tilespmem:s14], [sflag:$0x1] =	stream.indirect_vreg.gather [hbm4b:s1+s4], $0x80, v5, vm0, $0xb8;
	[tilespmem:$0x1D280] =	vst v63  }
0x82: {  	s2 =	simm.s32 $0x17A80  }
0x83: {  	[tilespmem:s2], [sflag:$0x1] =	stream.indirect_vreg.gather [hbm4b:s8+s4], $0x80, v5, vm0, $0xb8;
	[tilespmem:$0x1D280] =	vst v63  }
0x84: {  	s14 =	simm.s32 $0x18280  }
0x85: {  	[tilespmem:s14], [sflag:$0x1] =	stream.indirect_vreg.gather [hbm4b:s9+s4], $0x80, v5, vm0, $0xb8;
	[tilespmem:$0x1D280] =	vst v63  }
0x86: {  	s2 =	simm.s32 $0x18A80  }
0x87: {  	[tilespmem:s2], [sflag:$0x1] =	stream.indirect_vreg.gather [hbm4b:s10+s4], $0x80, v5, vm0, $0xb8;
	[tilespmem:$0x1D280] =	vst v63  }
0x88: {  	v5 =	vld [tilespmem:$0x51D0];
	_ =	sdelay $0x4  }
0x89: {  	v6 =	vshll.u32 v5, $0x3  }
0x8a: {  	v5 =	vand.u32 $0x7, v5;
	v6 =	vand.u32 $0xFFFFFFC0, v6  }
0x8b: {  	v5 =	vor.u32 v5, v6  }
0x8c: {  	v6 =	vperm.xlane v5, v2;
	_ =	sdelay $0x1  }
0x8d: {  	v6 =	vadd.s32 v3, v6;
	_ =	sdelay $0x3  }
0x8e: {  	s14 =	simm.s32 $0x19280  }
0x8f: {  	[tilespmem:s14], [sflag:$0x1] =	stream.indirect_vreg.gather [hbm4b:s1+s4], $0x80, v6, vm0, $0xb8;
	[tilespmem:$0x1D280] =	vst v63  }
0x90: {  	s2 =	simm.s32 $0x19A80;
	v5 =	vperm.xlane v5, v4  }
0x91: {  	[tilespmem:s2], [sflag:$0x1] =	stream.indirect_vreg.gather [hbm4b:s8+s4], $0x80, v6, vm0, $0xb8;
	[tilespmem:$0x1D280] =	vst v63  }
0x92: {  	v5 =	vadd.s32 v3, v5;
	s14 =	simm.s32 $0x1A280  }
0x93: {  	[tilespmem:s14], [sflag:$0x1] =	stream.indirect_vreg.gather [hbm4b:s9+s4], $0x80, v6, vm0, $0xb8;
	[tilespmem:$0x1D280] =	vst v63  }
0x94: {  	s2 =	simm.s32 $0x1AA80  }
0x95: {  	[tilespmem:s2], [sflag:$0x1] =	stream.indirect_vreg.gather [hbm4b:s10+s4], $0x80, v6, vm0, $0xb8;
	[tilespmem:$0x1D280] =	vst v63  }
0x96: {  	s14 =	simm.s32 $0x1B280  }
0x97: {  	[tilespmem:s14], [sflag:$0x1] =	stream.indirect_vreg.gather [hbm4b:s1+s4], $0x80, v5, vm0, $0xb8;
	[tilespmem:$0x1D280] =	vst v63  }
0x98: {  	s2 =	simm.s32 $0x1BA80  }
0x99: {  	[tilespmem:s2], [sflag:$0x1] =	stream.indirect_vreg.gather [hbm4b:s8+s4], $0x80, v5, vm0, $0xb8;
	[tilespmem:$0x1D280] =	vst v63  }
0x9a: {  	s14 =	simm.s32 $0x1C280  }
0x9b: {  	[tilespmem:s14], [sflag:$0x1] =	stream.indirect_vreg.gather [hbm4b:s9+s4], $0x80, v5, vm0, $0xb8;
	[tilespmem:$0x1D280] =	vst v63  }
0x9c: {  	s0 =	simm.s32 $0x1;
	s2 =	simm.s32 $0x1CA80  }
0x9d: {  	[tilespmem:s2], [sflag:$0x1] =	stream.indirect_vreg.gather [hbm4b:s10+s4], $0x80, v5, vm0, $0xb8;
	[tilespmem:$0x1D280] =	vst v63  }
0x9e: {  	_ =	swait.ge [sflag:s0], $0x18000  }
0x9f: {  	[sflag:s0] =	ssyncset.done $0x0  }
0xa0: {  	s14 =	simm.s32 $0x5280;
	s2 =	rddreg [dreg:$0x8];
	[sflag:s0] =	ssyncadd.s32 $0xFFFE8000  }
0xa1: {  	[hbm4b:s2+s4] =	stream.linear.scatter [tilespmem:s14], [sflag:$0x2], $0x18000, $0x38;
	[tilespmem:$0x1D280] =	vst v63  }
0xa2: {  	_ =	swait.ge [sflag:s3], $0x18000  }
0xa3: {  	[sflag:s3] =	ssyncset.done $0x0  }
0xa4: {  	[sflag:s3] =	ssyncadd.s32 $0xFFFE8000  }
0xa5: {  	v5 =	vld [tilespmem:$0x51E0];
	_ =	sdelay $0x4  }
0xa6: {  	v6 =	vshll.u32 v5, $0x3  }
0xa7: {  	v5 =	vand.u32 $0x7, v5;
	v6 =	vand.u32 $0xFFFFFFC0, v6  }
0xa8: {  	v5 =	vor.u32 v5, v6  }
0xa9: {  	v6 =	vperm.xlane v5, v2;
	_ =	sdelay $0x1  }
0xaa: {  	v6 =	vadd.s32 v3, v6;
	_ =	sdelay $0x4  }
0xab: {  	[tilespmem:s14], [sflag:$0x1] =	stream.indirect_vreg.gather [hbm4b:s1+s4], $0x80, v6, vm0, $0xb8;
	[tilespmem:$0x1D280] =	vst v63  }
0xac: {  	v5 =	vperm.xlane v5, v4;
	s14 =	simm.s32 $0x5A80  }
0xad: {  	[tilespmem:s14], [sflag:$0x1] =	stream.indirect_vreg.gather [hbm4b:s8+s4], $0x80, v6, vm0, $0xb8;
	[tilespmem:$0x1D280] =	vst v63  }
0xae: {  	v5 =	vadd.s32 v3, v5;
	s14 =	simm.s32 $0x6280  }
0xaf: {  	[tilespmem:s14], [sflag:$0x1] =	stream.indirect_vreg.gather [hbm4b:s9+s4], $0x80, v6, vm0, $0xb8;
	[tilespmem:$0x1D280] =	vst v63  }
0xb0: {  	s14 =	simm.s32 $0x6A80  }
0xb1: {  	[tilespmem:s14], [sflag:$0x1] =	stream.indirect_vreg.gather [hbm4b:s10+s4], $0x80, v6, vm0, $0xb8;
	[tilespmem:$0x1D280] =	vst v63  }
0xb2: {  	s14 =	simm.s32 $0x7280  }
0xb3: {  	[tilespmem:s14], [sflag:$0x1] =	stream.indirect_vreg.gather [hbm4b:s1+s4], $0x80, v5, vm0, $0xb8;
	[tilespmem:$0x1D280] =	vst v63  }
0xb4: {  	_ = 	snop  }
0xb5: {  	[tilespmem:s15], [sflag:$0x1] =	stream.indirect_vreg.gather [hbm4b:s8+s4], $0x80, v5, vm0, $0xb8;
	[tilespmem:$0x1D280] =	vst v63  }
0xb6: {  	_ = 	snop  }
0xb7: {  	[tilespmem:s5], [sflag:$0x1] =	stream.indirect_vreg.gather [hbm4b:s9+s4], $0x80, v5, vm0, $0xb8;
	[tilespmem:$0x1D280] =	vst v63  }
0xb8: {  	_ = 	snop  }
0xb9: {  	[tilespmem:s6], [sflag:$0x1] =	stream.indirect_vreg.gather [hbm4b:s10+s4], $0x80, v5, vm0, $0xb8;
	[tilespmem:$0x1D280] =	vst v63  }
0xba: {  	v5 =	vld [tilespmem:$0x51F0];
	_ =	sdelay $0x4  }
0xbb: {  	v6 =	vshll.u32 v5, $0x3  }
0xbc: {  	v5 =	vand.u32 $0x7, v5;
	v6 =	vand.u32 $0xFFFFFFC0, v6  }
0xbd: {  	v5 =	vor.u32 v5, v6  }
0xbe: {  	v6 =	vperm.xlane v5, v2;
	_ =	sdelay $0x1  }
0xbf: {  	v6 =	vadd.s32 v3, v6;
	_ =	sdelay $0x4  }
0xc0: {  	[tilespmem:s18], [sflag:$0x1] =	stream.indirect_vreg.gather [hbm4b:s1+s4], $0x80, v6, vm0, $0xb8;
	[tilespmem:$0x1D280] =	vst v63  }
0xc1: {  	v5 =	vperm.xlane v5, v4  }
0xc2: {  	[tilespmem:s7], [sflag:$0x1] =	stream.indirect_vreg.gather [hbm4b:s8+s4], $0x80, v6, vm0, $0xb8;
	[tilespmem:$0x1D280] =	vst v63  }
0xc3: {  	v5 =	vadd.s32 v3, v5  }
0xc4: {  	[tilespmem:s11], [sflag:$0x1] =	stream.indirect_vreg.gather [hbm4b:s9+s4], $0x80, v6, vm0, $0xb8;
	[tilespmem:$0x1D280] =	vst v63  }
0xc5: {  	_ = 	snop  }
0xc6: {  	[tilespmem:s12], [sflag:$0x1] =	stream.indirect_vreg.gather [hbm4b:s10+s4], $0x80, v6, vm0, $0xb8;
	[tilespmem:$0x1D280] =	vst v63  }
0xc7: {  	_ = 	snop  }
0xc8: {  	[tilespmem:s13], [sflag:$0x1] =	stream.indirect_vreg.gather [hbm4b:s1+s4], $0x80, v5, vm0, $0xb8;
	[tilespmem:$0x1D280] =	vst v63  }
0xc9: {  	_ = 	snop  }
0xca: {  	[tilespmem:s20], [sflag:$0x1] =	stream.indirect_vreg.gather [hbm4b:s8+s4], $0x80, v5, vm0, $0xb8;
	[tilespmem:$0x1D280] =	vst v63  }
0xcb: {  	_ = 	snop  }
0xcc: {  	[tilespmem:s21], [sflag:$0x1] =	stream.indirect_vreg.gather [hbm4b:s9+s4], $0x80, v5, vm0, $0xb8;
	[tilespmem:$0x1D280] =	vst v63  }
0xcd: {  	_ = 	snop  }
0xce: {  	[tilespmem:s22], [sflag:$0x1] =	stream.indirect_vreg.gather [hbm4b:s10+s4], $0x80, v5, vm0, $0xb8;
	[tilespmem:$0x1D280] =	vst v63  }
0xcf: {  	v5 =	vld [tilespmem:$0x5200];
	_ =	sdelay $0x4  }
0xd0: {  	v6 =	vshll.u32 v5, $0x3  }
0xd1: {  	v5 =	vand.u32 $0x7, v5;
	v6 =	vand.u32 $0xFFFFFFC0, v6  }
0xd2: {  	v5 =	vor.u32 v5, v6  }
0xd3: {  	v6 =	vperm.xlane v5, v2;
	_ =	sdelay $0x1  }
0xd4: {  	v6 =	vadd.s32 v3, v6;
	_ =	sdelay $0x3  }
0xd5: {  	s14 =	simm.s32 $0xD280  }
0xd6: {  	[tilespmem:s14], [sflag:$0x1] =	stream.indirect_vreg.gather [hbm4b:s1+s4], $0x80, v6, vm0, $0xb8;
	[tilespmem:$0x1D280] =	vst v63  }
0xd7: {  	v5 =	vperm.xlane v5, v4  }
0xd8: {  	[tilespmem:s19], [sflag:$0x1] =	stream.indirect_vreg.gather [hbm4b:s8+s4], $0x80, v6, vm0, $0xb8;
	[tilespmem:$0x1D280] =	vst v63  }
0xd9: {  	v5 =	vadd.s32 v3, v5  }
0xda: {  	[tilespmem:s26], [sflag:$0x1] =	stream.indirect_vreg.gather [hbm4b:s9+s4], $0x80, v6, vm0, $0xb8;
	[tilespmem:$0x1D280] =	vst v63  }
0xdb: {  	_ = 	snop  }
0xdc: {  	[tilespmem:s28], [sflag:$0x1] =	stream.indirect_vreg.gather [hbm4b:s10+s4], $0x80, v6, vm0, $0xb8;
	[tilespmem:$0x1D280] =	vst v63  }
0xdd: {  	s14 =	simm.s32 $0xF280  }
0xde: {  	[tilespmem:s14], [sflag:$0x1] =	stream.indirect_vreg.gather [hbm4b:s1+s4], $0x80, v5, vm0, $0xb8;
	[tilespmem:$0x1D280] =	vst v63  }
0xdf: {  	_ = 	snop  }
0xe0: {  	[tilespmem:s29], [sflag:$0x1] =	stream.indirect_vreg.gather [hbm4b:s8+s4], $0x80, v5, vm0, $0xb8;
	[tilespmem:$0x1D280] =	vst v63  }
0xe1: {  	_ = 	snop  }
0xe2: {  	[tilespmem:s30], [sflag:$0x1] =	stream.indirect_vreg.gather [hbm4b:s9+s4], $0x80, v5, vm0, $0xb8;
	[tilespmem:$0x1D280] =	vst v63  }
0xe3: {  	_ = 	snop  }
0xe4: {  	[tilespmem:s31], [sflag:$0x1] =	stream.indirect_vreg.gather [hbm4b:s10+s4], $0x80, v5, vm0, $0xb8;
	[tilespmem:$0x1D280] =	vst v63  }
0xe5: {  	v5 =	vld [tilespmem:$0x5210];
	_ =	sdelay $0x4  }
0xe6: {  	v6 =	vshll.u32 v5, $0x3  }
0xe7: {  	v5 =	vand.u32 $0x7, v5;
	v6 =	vand.u32 $0xFFFFFFC0, v6  }
0xe8: {  	v5 =	vor.u32 v5, v6  }
0xe9: {  	v6 =	vperm.xlane v5, v2;
	_ =	sdelay $0x1  }
0xea: {  	v6 =	vadd.s32 v3, v6;
	_ =	sdelay $0x4  }
0xeb: {  	[tilespmem:s23], [sflag:$0x1] =	stream.indirect_vreg.gather [hbm4b:s1+s4], $0x80, v6, vm0, $0xb8;
	[tilespmem:$0x1D280] =	vst v63  }
0xec: {  	v5 =	vperm.xlane v5, v4  }
0xed: {  	[tilespmem:s25], [sflag:$0x1] =	stream.indirect_vreg.gather [hbm4b:s8+s4], $0x80, v6, vm0, $0xb8;
	[tilespmem:$0x1D280] =	vst v63  }
0xee: {  	v5 =	vadd.s32 v3, v5;
	s25 =	simm.s32 $0x12280  }
0xef: {  	[tilespmem:s25], [sflag:$0x1] =	stream.indirect_vreg.gather [hbm4b:s9+s4], $0x80, v6, vm0, $0xb8;
	[tilespmem:$0x1D280] =	vst v63  }
0xf0: {  	s26 =	simm.s32 $0x12A80  }
0xf1: {  	[tilespmem:s26], [sflag:$0x1] =	stream.indirect_vreg.gather [hbm4b:s10+s4], $0x80, v6, vm0, $0xb8;
	[tilespmem:$0x1D280] =	vst v63  }
0xf2: {  	s28 =	simm.s32 $0x13280  }
0xf3: {  	[tilespmem:s28], [sflag:$0x1] =	stream.indirect_vreg.gather [hbm4b:s1+s4], $0x80, v5, vm0, $0xb8;
	[tilespmem:$0x1D280] =	vst v63  }
0xf4: {  	s29 =	simm.s32 $0x13A80  }
0xf5: {  	[tilespmem:s29], [sflag:$0x1] =	stream.indirect_vreg.gather [hbm4b:s8+s4], $0x80, v5, vm0, $0xb8;
	[tilespmem:$0x1D280] =	vst v63  }
0xf6: {  	s14 =	simm.s32 $0x14280  }
0xf7: {  	[tilespmem:s14], [sflag:$0x1] =	stream.indirect_vreg.gather [hbm4b:s9+s4], $0x80, v5, vm0, $0xb8;
	[tilespmem:$0x1D280] =	vst v63  }
0xf8: {  	s25 =	simm.s32 $0x14A80  }
0xf9: {  	[tilespmem:s25], [sflag:$0x1] =	stream.indirect_vreg.gather [hbm4b:s10+s4], $0x80, v5, vm0, $0xb8;
	[tilespmem:$0x1D280] =	vst v63  }
0xfa: {  	v5 =	vld [tilespmem:$0x5220];
	_ =	sdelay $0x4  }
0xfb: {  	v6 =	vshll.u32 v5, $0x3  }
0xfc: {  	v5 =	vand.u32 $0x7, v5;
	v6 =	vand.u32 $0xFFFFFFC0, v6  }
0xfd: {  	v5 =	vor.u32 v5, v6  }
0xfe: {  	v6 =	vperm.xlane v5, v2;
	_ =	sdelay $0x1  }
0xff: {  	v6 =	vadd.s32 v3, v6;
	_ =	sdelay $0x3  }
0x100: {  	s26 =	simm.s32 $0x15280  }
0x101: {  	[tilespmem:s26], [sflag:$0x1] =	stream.indirect_vreg.gather [hbm4b:s1+s4], $0x80, v6, vm0, $0xb8;
	[tilespmem:$0x1D280] =	vst v63  }
0x102: {  	s28 =	simm.s32 $0x15A80;
	v5 =	vperm.xlane v5, v4  }
0x103: {  	[tilespmem:s28], [sflag:$0x1] =	stream.indirect_vreg.gather [hbm4b:s8+s4], $0x80, v6, vm0, $0xb8;
	[tilespmem:$0x1D280] =	vst v63  }
0x104: {  	s29 =	simm.s32 $0x16280;
	v5 =	vadd.s32 v3, v5  }
0x105: {  	[tilespmem:s29], [sflag:$0x1] =	stream.indirect_vreg.gather [hbm4b:s9+s4], $0x80, v6, vm0, $0xb8;
	[tilespmem:$0x1D280] =	vst v63  }
0x106: {  	s14 =	simm.s32 $0x16A80  }
0x107: {  	[tilespmem:s14], [sflag:$0x1] =	stream.indirect_vreg.gather [hbm4b:s10+s4], $0x80, v6, vm0, $0xb8;
	[tilespmem:$0x1D280] =	vst v63  }
0x108: {  	s25 =	simm.s32 $0x17280  }
0x109: {  	[tilespmem:s25], [sflag:$0x1] =	stream.indirect_vreg.gather [hbm4b:s1+s4], $0x80, v5, vm0, $0xb8;
	[tilespmem:$0x1D280] =	vst v63  }
0x10a: {  	s26 =	simm.s32 $0x17A80  }
0x10b: {  	[tilespmem:s26], [sflag:$0x1] =	stream.indirect_vreg.gather [hbm4b:s8+s4], $0x80, v5, vm0, $0xb8;
	[tilespmem:$0x1D280] =	vst v63  }
0x10c: {  	s28 =	simm.s32 $0x18280  }
0x10d: {  	[tilespmem:s28], [sflag:$0x1] =	stream.indirect_vreg.gather [hbm4b:s9+s4], $0x80, v5, vm0, $0xb8;
	[tilespmem:$0x1D280] =	vst v63  }
0x10e: {  	s29 =	simm.s32 $0x18A80  }
0x10f: {  	[tilespmem:s29], [sflag:$0x1] =	stream.indirect_vreg.gather [hbm4b:s10+s4], $0x80, v5, vm0, $0xb8;
	[tilespmem:$0x1D280] =	vst v63  }
0x110: {  	v5 =	vld [tilespmem:$0x5230];
	_ =	sdelay $0x4  }
0x111: {  	v6 =	vshll.u32 v5, $0x3  }
0x112: {  	v5 =	vand.u32 $0x7, v5;
	v6 =	vand.u32 $0xFFFFFFC0, v6  }
0x113: {  	v5 =	vor.u32 v5, v6  }
0x114: {  	v6 =	vperm.xlane v5, v2;
	_ =	sdelay $0x1  }
0x115: {  	v6 =	vadd.s32 v3, v6;
	_ =	sdelay $0x3  }
0x116: {  	s14 =	simm.s32 $0x19280  }
0x117: {  	[tilespmem:s14], [sflag:$0x1] =	stream.indirect_vreg.gather [hbm4b:s1+s4], $0x80, v6, vm0, $0xb8;
	[tilespmem:$0x1D280] =	vst v63  }
0x118: {  	s25 =	simm.s32 $0x19A80;
	v5 =	vperm.xlane v5, v4  }
0x119: {  	[tilespmem:s25], [sflag:$0x1] =	stream.indirect_vreg.gather [hbm4b:s8+s4], $0x80, v6, vm0, $0xb8;
	[tilespmem:$0x1D280] =	vst v63  }
0x11a: {  	s26 =	simm.s32 $0x1A280;
	v5 =	vadd.s32 v3, v5  }
0x11b: {  	[tilespmem:s26], [sflag:$0x1] =	stream.indirect_vreg.gather [hbm4b:s9+s4], $0x80, v6, vm0, $0xb8;
	[tilespmem:$0x1D280] =	vst v63  }
0x11c: {  	s28 =	simm.s32 $0x1AA80  }
0x11d: {  	[tilespmem:s28], [sflag:$0x1] =	stream.indirect_vreg.gather [hbm4b:s10+s4], $0x80, v6, vm0, $0xb8;
	[tilespmem:$0x1D280] =	vst v63  }
0x11e: {  	s29 =	simm.s32 $0x1B280  }
0x11f: {  	[tilespmem:s29], [sflag:$0x1] =	stream.indirect_vreg.gather [hbm4b:s1+s4], $0x80, v5, vm0, $0xb8;
	[tilespmem:$0x1D280] =	vst v63  }
0x120: {  	s14 =	simm.s32 $0x1BA80  }
0x121: {  	[tilespmem:s14], [sflag:$0x1] =	stream.indirect_vreg.gather [hbm4b:s8+s4], $0x80, v5, vm0, $0xb8;
	[tilespmem:$0x1D280] =	vst v63  }
0x122: {  	s25 =	simm.s32 $0x1C280  }
0x123: {  	[tilespmem:s25], [sflag:$0x1] =	stream.indirect_vreg.gather [hbm4b:s9+s4], $0x80, v5, vm0, $0xb8;
	[tilespmem:$0x1D280] =	vst v63  }
0x124: {  	s26 =	simm.s32 $0x1CA80  }
0x125: {  	[tilespmem:s26], [sflag:$0x1] =	stream.indirect_vreg.gather [hbm4b:s10+s4], $0x80, v5, vm0, $0xb8;
	[tilespmem:$0x1D280] =	vst v63  }
0x126: {  	_ =	swait.ge [sflag:s0], $0x18000  }
0x127: {  	[sflag:s0] =	ssyncset.done $0x0  }
0x128: {  	s2 =	simm.s32 $0x5280;
	s28 =	rddreg [dreg:$0x9];
	[sflag:s0] =	ssyncadd.s32 $0xFFFE8000  }
0x129: {  	[hbm4b:s28+s4] =	stream.linear.scatter [tilespmem:s2], [sflag:$0x2], $0x18000, $0x38;
	[tilespmem:$0x1D280] =	vst v63  }
0x12a: {  	_ =	swait.ge [sflag:s3], $0x18000  }
0x12b: {  	s24 =	sadd.s32 $0x1, s24;
	s29 =	rddreg [dreg:$0xa]  }
0x12c: {  	p2 =	sne.s32 s24, s29  }
.Ltmp1:
0x12d: {  	_ = 	snop;
	(pc) =	sbr.rel @!p2 .LBB2_8-.Ltmp1, $3  }
0x12e: {  	_ =	sdelay $0x1  }
0x12f: {  	[sflag:s3] =	ssyncset.done $0x0  }
0x130: {  	[sflag:s3] =	ssyncadd.s32 $0xFFFE8000  }
.LBB2_1:
.Ltmp2:
0x131: {  	(pc) =	sbr.rel @p0 .LBB2_7-.Ltmp2, $1  }
0x132: {  	_ =	sdelay $0x3  }
0x133: {  	s26 =	simm.s32 $0x0;
	s25 =	rddreg [dreg:$0x5]  }
0x134: {  	[tilespmem:s26], [sflag:$0x2] =	stream.linear.gather [hbm4b:s25+s26], $0x1000, $0x38;
	[tilespmem:$0x1D280] =	vst v63  }
0x135: {  	_ =	swait.ge [sflag:s3], $0x1000  }
0x136: {  	[sflag:s3] =	ssyncset.done $0x0  }
0x137: {  	s28 =	simm.s32 $0x1000;
	s14 =	rddreg [dreg:$0x6];
	[sflag:s3] =	ssyncadd.s32 $0xFFFFF000  }
0x138: {  	[tilespmem:s28], [sflag:$0x2] =	stream.linear.gather [hbm4b:s14+s26], $0x1000, $0x38;
	[tilespmem:$0x1D280] =	vst v63  }
0x139: {  	_ =	swait.ge [sflag:s3], $0x1000  }
0x13a: {  	s29 =	simm.s32 $0x0;
	[sflag:s3] =	ssyncset.done $0x0  }
0x13b: {  	s25 =	simm.s32 $0x2000;
	s28 =	simm.s32 $0x3800;
	[sflag:s3] =	ssyncadd.s32 $0xFFFFF000  }
.LBB2_3:
0x13c: {  	p2 =	sne.s32 s29, $0x17F0  }
.Ltmp3:
0x13d: {  	_ = 	snop;
	(pc) =	sbr.rel @p2 .LBB2_3-.Ltmp3, $4  }
0x13e: {  	v5 =	vor.u32 s29, v0  }
0x13f: {  	v5 =	vand.u32 $0x7FF, v5  }
0x140: {  	[tilespmem:s25+$0x0] =	vst v5  }
0x141: {  	s29 =	sadd.s32 $0x10, s29;
	s25 =	sadd.s32 $0x10, s25;
	[tilespmem:s28+$0x0] =	vst v1;
	s28 =	sadd.s32 $0x10, s28  }
0x142: {  	v5 =	vld [tilespmem:s26+$0x0];
	_ =	sdelay $0x2  }
0x143: {  	s25 =	simm.s32 $0x1000  }
0x144: {  	v6 =	vld [tilespmem:s25+$0x0];
	_ =	sdelay $0x1  }
0x145: {  	v7 =	vor.u32 s26, v0  }
0x146: {  	v7 =	vshrl.u32 v7, $0x1  }
0x147: {  	[tilespmem:v5+s16+$0x0] =	vst.idx.msk $0xffff, v7  }
0x148: {  	s26 =	simm.s32 $0x10;
	[tilespmem:v5+s17+$0x0] =	vst.idx.msk $0xffff, v6  }
0x149: {  	v5 =	vld [tilespmem:s26+$0x0]  }
0x14a: {  	s28 =	simm.s32 $0x20;
	s29 =	simm.s32 $0x10  }
.LBB2_5:
0x14b: {  	p2 =	sne.s32 s28, $0xFF0  }
0x14c: {  	s25 =	sadd.s32 $0x10, s25  }
0x14d: {  	v6 =	vld [tilespmem:s25+$0x0];
	_ =	sdelay $0x1  }
0x14e: {  	v7 =	vor.u32 s26, v0;
	s26 =	smov.u32 s28  }
.Ltmp4:
0x14f: {  	v7 =	vshrl.u32 v7, $0x1;
	(pc) =	sbr.rel @p2 .LBB2_5-.Ltmp4, $4  }
0x150: {  	[tilespmem:v5+s16+$0x0] =	vst.idx.msk $0xffff, v7  }
0x151: {  	s29 =	sadd.s32 $0x10, s29;
	[tilespmem:v5+s17+$0x0] =	vst.idx.msk $0xffff, v6  }
0x152: {  	v5 =	vld [tilespmem:s29+$0x0]  }
0x153: {  	s28 =	sadd.s32 $0x10, s28  }
0x154: {  	_ =	sdelay $0x1  }
0x155: {  	s25 =	sadd.s32 $0x10, s25  }
0x156: {  	v6 =	vld [tilespmem:s25+$0x0];
	_ =	sdelay $0x1  }
0x157: {  	v7 =	vor.u32 s26, v0  }
0x158: {  	v7 =	vshrl.u32 v7, $0x1  }
0x159: {  	[tilespmem:v5+s16+$0x0] =	vst.idx.msk $0xffff, v7  }
0x15a: {  	s29 =	rddreg [dreg:$0x3];
	[tilespmem:v5+s17+$0x0] =	vst.idx.msk $0xffff, v6  }
0x15b: {  	[spmem:s29] =	stream.linear.scatter [tilespmem:s16], [sflag:$0x2], $0x1800, $0x38;
	[tilespmem:$0x1D280] =	vst v63  }
0x15c: {  	_ =	swait.ge [sflag:s3], $0x1800  }
0x15d: {  	[sflag:s3] =	ssyncset.done $0x0  }
0x15e: {  	[sflag:s3] =	ssyncadd.s32 $0xFFFFE800  }
0x15f: {  	s26 =	simm.s32 @!p1 $0x3800;
	s25 =	simm.s32 @!p1 $0x0;
	s28 =	rddreg [dreg:$0x2]  }
0x160: {  	[hbm4b:s28+s25] =	stream.linear.scatter @!p1 [tilespmem:s26], [sflag:$0x2], $0x1800, $0x38;
	[tilespmem:$0x1D280] =	vst v63  }
.Ltmp5:
0x161: {  	_ = 	snop;
	(pc) =	sbr.rel .LBB2_7-.Ltmp5, $4  }
0x162: {  	s25 =	simm.s32 @!p1 $0x2  }
0x163: {  	_ =	swait.ge @!p1 [sflag:s25], $0x1800  }
0x164: {  	[sflag:s25] =	ssyncset.done @!p1 $0x0  }
0x165: {  	[sflag:s25] =	ssyncadd.s32 @!p1 $0xFFFFE800  }
.LBB2_8:
0x166: {  	_ =	sfence.sel $0x180000  }
0x167: {  	[bflag:$0x0] =	sbarrier.arrive $0xFFFF  }
0x168: {  	_ =	strace $0x90000047  }
0x169: {  	[bflag:$0x2] =	sbarrier.arrive $0xFFFF  }
0x16a: {  	s0 =	rddreg [dreg:$0x4]  }
0x16b: {  	s0 =	sadd.s32 @!p0 $0x100000, s0  }
0x16c: {  	[sflag:s0] =	ssyncadd.tile.s32 @!p0 $0x1;
	_ =	shalt  }
.Lfunc_end2:
_tile_overlayer_lowered:
.L_overlay_start_2:
0x16d: {  	(tag) =	ssettag $0x2  }
0x16e: {  	s0 =	rddreg [dreg:$0x0];
	s2 =	stileid.u32  }
0x16f: {  	s1 =	rddreg [dreg:$0x1];
	p0 =	sne.s32 s2, $0x0  }
0x170: {  	s3 =	rddreg [dreg:$0x2];
	[bflag:$0x3] =	sbarrier.arrive $0xFFFF;
	s2 =	simm.s32 @!p0 $0x1C02  }
0x171: {  	[timem:s3], [sflag:s2] =	dma.local @!p0 [hbm:s0], s1  }
0x172: {  	s0 =	simm.s32 @!p0 $0x2  }
0x173: {  	_ =	swait.ge @!p0 [sflag:s0], s1  }
0x174: {  	s1 =	ssub.s32 @!p0 $0x0, s1;
	[sflag:s0] =	ssyncset.done @!p0 $0x0  }
0x175: {  	[sflag:s0] =	ssyncadd.s32 @!p0 s1  }
0x176: {  	[bflag:$0x3] =	sbarrier.arrive $0xFFFF  }
0x177: {  	_ =	shalt  }

// kernel: kernel.9.cloned.1.call-start
scs
__scs_entry_jumppad:
0x0: {  	(pc) =	sbr.rel $0x88, $3  }
0x1: {  	(tag) =	ssettag $0x0;
	lr =	simm.s32 $0x1  }
0x2: {  	[smem:$0x3F9B] =	sst lr;
	_ =	strace $0xD0000000  }
0x3: {  	_ = 	snop  }
0x4: {  	_ = 	snop  }
0x5: {  	_ = 	snop  }
0x6: {  	_ = 	snop  }
0x7: {  	_ = 	snop  }
__scs_overlays_trampoline_lowered:
0x8: {  	[smem:$0x3FAA] =	sst s0  }
0x9: {  	[smem:$0x3FAB] =	sst s1  }
0xa: {  	[smem:$0x3FAC] =	sst s2  }
0xb: {  	[smem:$0x3FAD] =	sst s3  }
0xc: {  	[smem:$0x3FAE] =	sst s4  }
0xd: {  	[smem:$0x3FAF] =	sst s5  }
0xe: {  	[smem:$0x3FB0] =	sst s6  }
0xf: {  	[smem:$0x3FB1] =	sst s7  }
0x10: {  	[smem:$0x3FB2] =	sst s8  }
0x11: {  	[smem:$0x3FB3] =	sst s9;
	s0 =	simm.s32 @!p0 $0x0  }
0x12: {  	s1 =	sld [smem:$0x3F99];
	s0 =	simm.s32 @p0 $0x1  }
0x13: {  	[smem:$0x3FB4] =	sst s0;
	s0 =	simm.s32 @!p1 $0x0  }
0x14: {  	s2 =	sld [smem:$0x3F98];
	s0 =	simm.s32 @p1 $0x1  }
0x15: {  	[smem:$0x3FB5] =	sst s0;
	s0 =	simm.s32 @!p2 $0x0  }
0x16: {  	s3 =	sld [smem:$0x3FDB];
	s0 =	simm.s32 @p2 $0x1  }
0x17: {  	s4 =	simm.s32 $0x1BF5;
	[smem:$0x3FB7] =	sst s0  }
0x18: {  	s0 =	sld [smem:$0x3F9A];
	_ =	swait.ge [sflag:s4], $0x0  }
0x19: {  	s7 =	sld [smem:$0x3F9B]  }
0x1a: {  	s8 =	sadd.s32 $0xFFFFE003, lr  }
0x1b: {  	s9 =	sadd.s32 $0xFFFFFEF7, lr;
	s5 =	simm.s32 $0xFFFFFFFF;
	p2 =	slt.u32 s8, $0xFFFFF086  }
0x1c: {  	p1 =	slt.u32 s9, $0xF7A;
	s5 =	simm.s32 @!p2 $0x0  }
0x1d: {  	s5 =	simm.s32 @p1 $0x1;
	p0 =	seq.s32 s7, s2  }
0x1e: {  	s7 =	smul.u32 @!p0 $0xF7A, s2;
	p2 =	seq.s32 @!p0 s5, $0x0  }
0x1f: {  	s9 =	smul.u32 $0xF7A, s1;
	s8 =	simm.s32 @!p0 $0x1BF5;
	p2 =	por !p2, p0  }
0x20: {  	[sflag:s8] =	ssyncset.s32 @!p0 $0xFFFFF086;
	s6 =	sadd.s32 @!p0 s3, s7;
	s7 =	simm.s32 @!p0 $0x108  }
0x21: {  	s3 =	sadd.s32 s3, s9;
	s6 =	sadd.s32 @!p0 $0x88, s6;
	s7 =	simm.s32 @p2 $0x1082  }
0x22: {  	[simem:s7], [sflag:s8] =	dma.local @!p0 [hbm:s6], $0xF7A  }
0x23: {  	s9 =	sor.u32 $0xD0000000, s2;
	s6 =	simm.s32 $0x108;
	_ =	swait.ge @!p0 [sflag:s8], $0x0  }
0x24: {  	s3 =	sadd.s32 $0x88, s3;
	s6 =	simm.s32 @!p1 $0x1082;
	[sflag:s4] =	ssyncset.s32 $0xFFFFF086  }
0x25: {  	[simem:s6], [sflag:s4] =	dma.local [hbm:s3], $0xF7A  }
0x26: {  	[smem:$0x3F9B] =	sst s1;
	(tag) =	ssettag s2;
	_ =	strace s9  }
0x27: {  	s1 =	sld [smem:$0x3FAB]  }
0x28: {  	s2 =	sld [smem:$0x3FAC]  }
0x29: {  	s4 =	sld [smem:$0x3FAE]  }
0x2a: {  	p0 =	seq.s32 s5, $0x0;
	s5 =	sld [smem:$0x3FAF]  }
0x2b: {  	s6 =	sld [smem:$0x3FB0]  }
0x2c: {  	s7 =	sld [smem:$0x3FB1]  }
0x2d: {  	s3 =	simm.s32 $0x108;
	s8 =	sld [smem:$0x3FB2]  }
0x2e: {  	s3 =	simm.s32 @!p0 $0x1082;
	s9 =	sld [smem:$0x3FB3]  }
0x2f: {  	lr =	sadd.s32 s0, s3;
	s0 =	sld [smem:$0x3FAA]  }
0x30: {  	s3 =	sld [smem:$0x3FAD]  }
0x31: {  	[smem:$0x3FB6] =	sst s10  }
0x32: {  	s10 =	sld [smem:$0x3FB4];
	_ =	sdelay $0x3  }
0x33: {  	p0 =	seq.s32 s10, $0x1;
	s10 =	sld [smem:$0x3FB6];
	_ =	sdelay $0x3  }
0x34: {  	[smem:$0x3FB6] =	sst s10  }
0x35: {  	s10 =	sld [smem:$0x3FB5];
	_ =	sdelay $0x3  }
0x36: {  	p1 =	seq.s32 s10, $0x1;
	s10 =	sld [smem:$0x3FB6];
	_ =	sdelay $0x3  }
0x37: {  	[smem:$0x3FB6] =	sst s10  }
0x38: {  	s10 =	sld [smem:$0x3FB7]  }
0x39: {  	_ = 	snop;
	(pc) =	sbr.ind lr, $3  }
0x3a: {  	_ = 	snop  }
0x3b: {  	_ = 	snop  }
0x3c: {  	p2 =	seq.s32 s10, $0x1;
	s10 =	sld [smem:$0x3FB6]  }
0x3d: {  	_ =	shalt  }
0x3e: {  	_ =	shalt  }
0x3f: {  	_ =	shalt  }
0x40: {  	_ =	shalt  }
0x41: {  	_ =	shalt  }
0x42: {  	_ =	shalt  }
0x43: {  	_ =	shalt  }
0x44: {  	_ =	shalt  }
0x45: {  	_ =	shalt  }
0x46: {  	_ =	shalt  }
0x47: {  	_ =	shalt  }
0x48: {  	_ =	shalt  }
0x49: {  	_ =	shalt  }
0x4a: {  	_ =	shalt  }
0x4b: {  	_ =	shalt  }
0x4c: {  	_ =	shalt  }
0x4d: {  	_ =	shalt  }
0x4e: {  	_ =	shalt  }
0x4f: {  	_ =	shalt  }
0x50: {  	_ =	shalt  }
0x51: {  	_ =	shalt  }
0x52: {  	_ =	shalt  }
0x53: {  	_ =	shalt  }
0x54: {  	_ =	shalt  }
0x55: {  	_ =	shalt  }
0x56: {  	_ =	shalt  }
0x57: {  	_ =	shalt  }
0x58: {  	_ =	shalt  }
0x59: {  	_ =	shalt  }
0x5a: {  	_ =	shalt  }
0x5b: {  	_ =	shalt  }
0x5c: {  	_ =	shalt  }
0x5d: {  	_ =	shalt  }
0x5e: {  	_ =	shalt  }
0x5f: {  	_ =	shalt  }
0x60: {  	_ =	shalt  }
0x61: {  	_ =	shalt  }
0x62: {  	_ =	shalt  }
0x63: {  	_ =	shalt  }
0x64: {  	_ =	shalt  }
0x65: {  	_ =	shalt  }
0x66: {  	_ =	shalt  }
0x67: {  	_ =	shalt  }
0x68: {  	_ =	shalt  }
0x69: {  	_ =	shalt  }
0x6a: {  	_ =	shalt  }
0x6b: {  	_ =	shalt  }
0x6c: {  	_ =	shalt  }
0x6d: {  	_ =	shalt  }
0x6e: {  	_ =	shalt  }
0x6f: {  	_ =	shalt  }
0x70: {  	_ =	shalt  }
0x71: {  	_ =	shalt  }
0x72: {  	_ =	shalt  }
0x73: {  	_ =	shalt  }
0x74: {  	_ =	shalt  }
0x75: {  	_ =	shalt  }
0x76: {  	_ =	shalt  }
0x77: {  	_ =	shalt  }
0x78: {  	_ =	shalt  }
0x79: {  	_ =	shalt  }
0x7a: {  	_ =	shalt  }
0x7b: {  	_ =	shalt  }
0x7c: {  	_ =	shalt  }
0x7d: {  	_ =	shalt  }
0x7e: {  	_ =	shalt  }
0x7f: {  	_ =	shalt  }
0x80: {  	_ =	shalt  }
0x81: {  	_ =	shalt  }
0x82: {  	_ =	shalt  }
0x83: {  	_ =	shalt  }
0x84: {  	_ =	shalt  }
0x85: {  	_ =	shalt  }
0x86: {  	_ =	shalt  }
0x87: {  	_ =	shalt  }
.Lfunc_end0:
.L_simem_size_0:
called_computation.1_lowered:
.L_overlay_start_0:
0x88: {  	s2 =	sld [smem:$0x3FD9]  }
0x89: {  	s3 =	sld [smem:$0x3FFE];
	_ =	sdelay $0x1  }
0x8a: {  	s1 =	srdreg.scid  }
0x8b: {  	s0 =	sand.u32 $0x1, s1  }
0x8c: {  	s17 =	sshll.u32 s0, $0xA;
	s2 =	sadd.s32 s3, s2  }
0x8d: {  	s2 =	sadd.s32 s2, s17  }
0x8e: {  	[smem:$0x3FC2] =	sst s2  }
0x8f: {  	_ = 	snop  }
0x90: {  	s2 =	sld [smem:$0x3FD0];
	(tm) =	ssettm $0x1  }
0x91: {  	s18 =	sld [smem:$0x3FFB];
	_ =	sdelay $0x3  }
0x92: {  	_ =	strace s18  }
0x93: {  	s3 =	sld [smem:$0x3FFC];
	_ =	sdelay $0x3  }
0x94: {  	_ =	strace s3  }
0x95: {  	s3 =	sld [smem:$0x3FFD];
	_ =	sdelay $0x3  }
0x96: {  	_ =	strace s3  }
0x97: {  	_ =	strace $0x8FFFFFFF  }
0x98: {  	s19 =	sld [smem:$0x3FDB];
	_ =	sdelay $0x1  }
0x99: {  	s4 =	simm.s32 $_scs_section_size  }
0x9a: {  	s5 =	simm.s32 $_size__tile_overlayer_lowered;
	s6 =	simm.s32 $_tile_overlayer_lowered  }
0x9b: {  	s22 =	simm.s32 $0x1BFF;
	s21 =	sshll.u32 s6, $0x1;
	s3 =	sadd.s32 s4, s19  }
0x9c: {  	s7 =	simm.s32 $0x0;
	s20 =	sshll.u32 s5, $0x1;
	s5 =	sadd.s32 s21, s3  }
0x9d: {  	[timem:s7], [sflag:s22] =	dma.local [hbm:s5], s20  }
0x9e: {  	_ =	swait.ge [sflag:s22], s20  }
0x9f: {  	s4 =	ssub.s32 $0x0, s20;
	[sflag:s22] =	ssyncset.done $0x0  }
0xa0: {  	[sflag:s22] =	ssyncadd.s32 s4;
	_ =	sdelay $0x1  }
0xa1: {  	s23 =	simm.s32 $0x1B8B  }
0xa2: {  	_ =	swait.ge [sflag:s23], $0x1  }
0xa3: {  	[sflag:s23] =	ssyncset.done $0x0  }
0xa4: {  	s25 =	simm.s32 $0x1B8E;
	s24 =	sld [smem:$0x3FFE];
	[sflag:s23] =	ssyncadd.s32 $0xFFFFFFFF  }
0xa5: {  	s26 =	simm.s32 $execute0_lowered;
	[smem:$0x3FD2] =	sst s25  }
0xa6: {  	s5 =	sshll.u32 s26, $0x1;
	_ =	strace $0x80000049;
	[dreg:$0x1] =	wrdreg $0xFFFFFFFF  }
0xa7: {  	s28 =	simm.s32 $_size_execute0_lowered;
	s3 =	sadd.s32 s3, s5;
	[dreg:$0x0] =	wrdreg $0x0  }
0xa8: {  	s5 =	sshll.u32 s28, $0x1;
	[dreg:$0x2] =	wrdreg s3  }
0xa9: {  	[dreg:$0x3] =	wrdreg s5  }
0xaa: {  	[dreg:$0x4] =	wrdreg $0xC0  }
0xab: {  	_ =	task [dreg:s7], $0x5FFFF  }
0xac: {  	[dreg:$0x1] =	wrdreg $0xFFFFFFFF  }
0xad: {  	[dreg:$0x0] =	wrdreg $0x60  }
0xae: {  	[dreg:$0x2] =	wrdreg s24  }
0xaf: {  	[dreg:$0x3] =	wrdreg s2  }
0xb0: {  	[dreg:$0x4] =	wrdreg $0x9  }
0xb1: {  	_ =	task.clear_ibuf [dreg:s7], $0x5FFFF;
	_ =	strace $0x90000049  }
0xb2: {  	s29 =	simm.s32 $0x9;
	_ =	strace $0x8000004B  }
0xb3: {  	_ =	swait.ge [sflag:s29], $0x1  }
0xb4: {  	[sflag:s29] =	ssyncadd.s32 $0xFFFFFFFF  }
0xb5: {  	_ =	strace $0x9000004B  }
0xb6: {  	_ =	sfence  }
0xb7: {  	s30 =	sld [smem:$0x0];
	_ =	sdelay $0x2  }
0xb8: {  	s31 =	sshll.u32 s1, $0xD;
	s1 =	sshrl.u32 s1, $0x2  }
0xb9: {  	s3 =	sand.u32 $0x4000, s31;
	s1 =	sadd.s32 s1, s30  }
0xba: {  	s0 =	sor.u32 s3, s0;
	s1 =	sshll.u32 s1, $0x11  }
0xbb: {  	s0 =	sor.u32 s1, s0  }
0xbc: {  	s0 =	sadd.s32 $0x8F2B, s0  }
0xbd: {  	[sflag:s0] =	ssyncadd.remote.s32 $0x1  }
0xbe: {  	_ =	sfence.sel $0xFFFF  }
0xbf: {  	[dreg:$0x0] =	wrdreg $0xFFFFFFFF;
	(pc) =	sbr.abs _section_cstart, $3  }
0xc0: {  	[dreg:$0x1] =	wrdreg $0xFFFFFFFF  }
0xc1: {  	_ =	task.clear_ibuf [dreg:s7], $0x2FFFF;
	_ =	strace $0x9FFFFFFF  }
0xc2: {  	(tm) =	ssettm $0x7FFFFFFF  }
0xc3: {  	_ =	shalt  }
tec
execute0_lowered:
.L_overlay_start_1:
0x0: {  	(tag) =	ssettag $0x1  }
0x1: {  	s0 =	rddreg [dreg:$0x0]  }
0x2: {  	s1 =	rddreg [dreg:$0x1];
	s2 =	simm.s32 $0x0;
	s3 =	srdreg.scid  }
0x3: {  	s4 =	stileid.u32;
	s16 =	simm.s32 $0x2;
	s17 =	simm.s32 $0x80  }
0x4: {  	s18 =	simm.s32 $0x1;
	s19 =	simm.s32 $0x8080;
	s28 =	simm.s32 $0xC880  }
0x5: {  	s29 =	simm.s32 $0xD880;
	s30 =	simm.s32 $0xE880;
	s31 =	simm.s32 $0xF080  }
0x6: {  	[smem:$0x7FF] =	sst s2;
	s3 =	sand.u32 $0x1, s3;
	s4 =	sshll.u32 s4, $0x7  }
0x7: {  	s8 =	sadd.s32 $0xC1000, s0;
	s9 =	sadd.s32 $0xC0E00, s0;
	s7 =	sadd.s32 $0xC1500, s0  }
0x8: {  	_ =	strace $0x8000004A;
	s5 =	sshll.u32 s3, $0x6;
	s6 =	ssub.s32 $0x2, s3  }
0x9: {  	s3 =	sadd.s32 $0xC1200, s0;
	s4 =	sor.u32 s5, s4;
	s20 =	sshrl.u32 s6, $0x1  }
0xa: {  	s5 =	sadd.s32 $0xC1300, s0;
	s10 =	sshrl.u32 s4, $0x3;
	s11 =	ssub.s32 s6, s20  }
0xb: {  	s6 =	sadd.s32 $0xC1400, s0;
	s12 =	sshll.u32 s4, $0x7;
	s4 =	sor.u32 $0x20, s4  }
0xc: {  	s21 =	sadd.s32 s8, s10;
	s22 =	sadd.s32 s12, s3;
	s10 =	sadd.s32 s9, s10  }
0xd: {  	s24 =	sshrl.u32 s4, $0x3;
	s12 =	sadd.s32 s1, s12;
	[dreg:$0x3] =	wrdreg s21  }
0xe: {  	s4 =	sshll.u32 s4, $0x7;
	s15 =	smax.u32 s11, $0x1;
	[dreg:$0x4] =	wrdreg s10  }
0xf: {  	s23 =	sadd.s32 $0xC0000, s22;
	[dreg:$0x6] =	wrdreg s12;
	s8 =	sadd.s32 s8, s24  }
0x10: {  	s25 =	sadd.s32 s9, s24;
	s0 =	sadd.s32 $0xC1000, s22;
	[dreg:$0x5] =	wrdreg s23  }
0x11: {  	s26 =	sadd.s32 s1, s4;
	s21 =	simm.s32 $0x9880;
	[dreg:$0x7] =	wrdreg s8  }
0x12: {  	s22 =	simm.s32 $0xA080;
	s24 =	simm.s32 $0xB080;
	[dreg:$0x8] =	wrdreg s25  }
0x13: {  	v2 =	vlaneseq.u32;
	s9 =	simm.s32 $0xE080;
	s10 =	simm.s32 $0xF880;
	[dreg:$0x9] =	wrdreg s0  }
0x14: {  	vm0 =	vmmov $0xffff;
	v1 =	vshrl.u32 v2, $0x3;
	[dreg:$0xa] =	wrdreg s26;
	s23 =	simm.s32 $0xA880;
	s25 =	simm.s32 $0xB880  }
0x15: {  	v0 =	vand.u32 $0x7, v2;
	v2 =	vor.u32 $0x8, v2;
	v1 =	vmul.u32 $0x8, v1;
	s26 =	simm.s32 $0xC080;
	s8 =	simm.s32 $0xD080;
	s0 =	simm.s32 $0x0  }
.LBB2_1:
0x16: {  	s1 =	rddreg [dreg:$0x3]  }
0x17: {  	[tilespmem:s2], [sflag:$0x2] =	stream.linear.gather [hbm4b:s1+s2], $0x20, $0x38;
	[tilespmem:$0x10080] =	vst v63  }
0x18: {  	_ =	swait.ge [sflag:s16], $0x20  }
0x19: {  	[sflag:s16] =	ssyncset.done $0x0  }
0x1a: {  	[sflag:s16] =	ssyncadd.s32 $0xFFFFFFE0  }
0x1b: {  	v3 =	vld [tilespmem:$0x0];
	_ =	sdelay $0x4  }
0x1c: {  	v4 =	vshll.u32 v3, $0x3  }
0x1d: {  	v3 =	vand.u32 $0x7, v3;
	v4 =	vand.u32 $0xFFFFFFC0, v4  }
0x1e: {  	v3 =	vor.u32 v3, v4  }
0x1f: {  	v4 =	vperm.xlane v3, v0;
	_ =	sdelay $0x1  }
0x20: {  	v4 =	vadd.s32 v1, v4;
	_ =	sdelay $0x4  }
0x21: {  	[tilespmem:s17], [sflag:$0x1] =	stream.indirect_vreg.gather [hbm4b:s3+s2], $0x80, v4, vm0, $0xb8;
	[tilespmem:$0x10080] =	vst v63  }
0x22: {  	s4 =	simm.s32 $0x880;
	v3 =	vperm.xlane v3, v2  }
0x23: {  	[tilespmem:s4], [sflag:$0x1] =	stream.indirect_vreg.gather [hbm4b:s5+s2], $0x80, v4, vm0, $0xb8;
	[tilespmem:$0x10080] =	vst v63  }
0x24: {  	s11 =	simm.s32 $0x1080;
	v3 =	vadd.s32 v1, v3  }
0x25: {  	[tilespmem:s11], [sflag:$0x1] =	stream.indirect_vreg.gather [hbm4b:s6+s2], $0x80, v4, vm0, $0xb8;
	[tilespmem:$0x10080] =	vst v63  }
0x26: {  	s12 =	simm.s32 $0x1880  }
0x27: {  	[tilespmem:s12], [sflag:$0x1] =	stream.indirect_vreg.gather [hbm4b:s7+s2], $0x80, v4, vm0, $0xb8;
	[tilespmem:$0x10080] =	vst v63  }
0x28: {  	s13 =	simm.s32 $0x2080  }
0x29: {  	[tilespmem:s13], [sflag:$0x1] =	stream.indirect_vreg.gather [hbm4b:s3+s2], $0x80, v3, vm0, $0xb8;
	[tilespmem:$0x10080] =	vst v63  }
0x2a: {  	s14 =	simm.s32 $0x2880  }
0x2b: {  	[tilespmem:s14], [sflag:$0x1] =	stream.indirect_vreg.gather [hbm4b:s5+s2], $0x80, v3, vm0, $0xb8;
	[tilespmem:$0x10080] =	vst v63  }
0x2c: {  	s20 =	simm.s32 $0x3080  }
0x2d: {  	[tilespmem:s20], [sflag:$0x1] =	stream.indirect_vreg.gather [hbm4b:s6+s2], $0x80, v3, vm0, $0xb8;
	[tilespmem:$0x10080] =	vst v63  }
0x2e: {  	s4 =	simm.s32 $0x3880  }
0x2f: {  	[tilespmem:s4], [sflag:$0x1] =	stream.indirect_vreg.gather [hbm4b:s7+s2], $0x80, v3, vm0, $0xb8;
	[tilespmem:$0x10080] =	vst v63  }
0x30: {  	v3 =	vld [tilespmem:$0x10];
	_ =	sdelay $0x4  }
0x31: {  	v61 =	vshll.u32 v3, $0x3  }
0x32: {  	v3 =	vand.u32 $0x7, v3;
	v4 =	vand.u32 $0xFFFFFFC0, v61  }
0x33: {  	v3 =	vor.u32 v3, v4  }
0x34: {  	v4 =	vperm.xlane v3, v0;
	_ =	sdelay $0x1  }
0x35: {  	v4 =	vadd.s32 v1, v4;
	_ =	sdelay $0x3  }
0x36: {  	s11 =	simm.s32 $0x4080  }
0x37: {  	[tilespmem:s11], [sflag:$0x1] =	stream.indirect_vreg.gather [hbm4b:s3+s2], $0x80, v4, vm0, $0xb8;
	[tilespmem:$0x10080] =	vst v63  }
0x38: {  	s12 =	simm.s32 $0x4880;
	v3 =	vperm.xlane v3, v2  }
0x39: {  	[tilespmem:s12], [sflag:$0x1] =	stream.indirect_vreg.gather [hbm4b:s5+s2], $0x80, v4, vm0, $0xb8;
	[tilespmem:$0x10080] =	vst v63  }
0x3a: {  	s13 =	simm.s32 $0x5080;
	v3 =	vadd.s32 v1, v3  }
0x3b: {  	[tilespmem:s13], [sflag:$0x1] =	stream.indirect_vreg.gather [hbm4b:s6+s2], $0x80, v4, vm0, $0xb8;
	[tilespmem:$0x10080] =	vst v63  }
0x3c: {  	s14 =	simm.s32 $0x5880  }
0x3d: {  	[tilespmem:s14], [sflag:$0x1] =	stream.indirect_vreg.gather [hbm4b:s7+s2], $0x80, v4, vm0, $0xb8;
	[tilespmem:$0x10080] =	vst v63  }
0x3e: {  	s20 =	simm.s32 $0x6080  }
0x3f: {  	[tilespmem:s20], [sflag:$0x1] =	stream.indirect_vreg.gather [hbm4b:s3+s2], $0x80, v3, vm0, $0xb8;
	[tilespmem:$0x10080] =	vst v63  }
0x40: {  	s4 =	simm.s32 $0x6880  }
0x41: {  	[tilespmem:s4], [sflag:$0x1] =	stream.indirect_vreg.gather [hbm4b:s5+s2], $0x80, v3, vm0, $0xb8;
	[tilespmem:$0x10080] =	vst v63  }
0x42: {  	s11 =	simm.s32 $0x7080  }
0x43: {  	[tilespmem:s11], [sflag:$0x1] =	stream.indirect_vreg.gather [hbm4b:s6+s2], $0x80, v3, vm0, $0xb8;
	[tilespmem:$0x10080] =	vst v63  }
0x44: {  	s12 =	simm.s32 $0x7880  }
0x45: {  	[tilespmem:s12], [sflag:$0x1] =	stream.indirect_vreg.gather [hbm4b:s7+s2], $0x80, v3, vm0, $0xb8;
	[tilespmem:$0x10080] =	vst v63  }
0x46: {  	_ =	swait.ge [sflag:s18], $0x8000  }
0x47: {  	[sflag:s18] =	ssyncset.done $0x0  }
0x48: {  	s13 =	rddreg [dreg:$0x4];
	[sflag:s18] =	ssyncadd.s32 $0xFFFF8000  }
0x49: {  	[tilespmem:s2], [sflag:$0x2] =	stream.linear.gather [hbm4b:s13+s2], $0x20, $0x38;
	[tilespmem:$0x10080] =	vst v63  }
0x4a: {  	_ =	swait.ge [sflag:s16], $0x20  }
0x4b: {  	[sflag:s16] =	ssyncset.done $0x0  }
0x4c: {  	[sflag:s16] =	ssyncadd.s32 $0xFFFFFFE0  }
0x4d: {  	v3 =	vld [tilespmem:$0x0];
	_ =	sdelay $0x4  }
0x4e: {  	v62 =	vshll.u32 v3, $0x3  }
0x4f: {  	v3 =	vand.u32 $0x7, v3;
	v4 =	vand.u32 $0xFFFFFFC0, v62  }
0x50: {  	v3 =	vor.u32 v3, v4  }
0x51: {  	v4 =	vperm.xlane v3, v0;
	_ =	sdelay $0x1  }
0x52: {  	v4 =	vadd.s32 v1, v4;
	_ =	sdelay $0x4  }
0x53: {  	[tilespmem:s19], [sflag:$0x1] =	stream.indirect_vreg.gather [hbm4b:s3+s2], $0x80, v4, vm0, $0xb8;
	[tilespmem:$0x10080] =	vst v63  }
0x54: {  	s14 =	simm.s32 $0x8880;
	v3 =	vperm.xlane v3, v2  }
0x55: {  	[tilespmem:s14], [sflag:$0x1] =	stream.indirect_vreg.gather [hbm4b:s5+s2], $0x80, v4, vm0, $0xb8;
	[tilespmem:$0x10080] =	vst v63  }
0x56: {  	s20 =	simm.s32 $0x9080;
	v3 =	vadd.s32 v1, v3  }
0x57: {  	[tilespmem:s20], [sflag:$0x1] =	stream.indirect_vreg.gather [hbm4b:s6+s2], $0x80, v4, vm0, $0xb8;
	[tilespmem:$0x10080] =	vst v63  }
0x58: {  	_ = 	snop  }
0x59: {  	[tilespmem:s21], [sflag:$0x1] =	stream.indirect_vreg.gather [hbm4b:s7+s2], $0x80, v4, vm0, $0xb8;
	[tilespmem:$0x10080] =	vst v63  }
0x5a: {  	_ = 	snop  }
0x5b: {  	[tilespmem:s22], [sflag:$0x1] =	stream.indirect_vreg.gather [hbm4b:s3+s2], $0x80, v3, vm0, $0xb8;
	[tilespmem:$0x10080] =	vst v63  }
0x5c: {  	_ = 	snop  }
0x5d: {  	[tilespmem:s23], [sflag:$0x1] =	stream.indirect_vreg.gather [hbm4b:s5+s2], $0x80, v3, vm0, $0xb8;
	[tilespmem:$0x10080] =	vst v63  }
0x5e: {  	_ = 	snop  }
0x5f: {  	[tilespmem:s24], [sflag:$0x1] =	stream.indirect_vreg.gather [hbm4b:s6+s2], $0x80, v3, vm0, $0xb8;
	[tilespmem:$0x10080] =	vst v63  }
0x60: {  	_ = 	snop  }
0x61: {  	[tilespmem:s25], [sflag:$0x1] =	stream.indirect_vreg.gather [hbm4b:s7+s2], $0x80, v3, vm0, $0xb8;
	[tilespmem:$0x10080] =	vst v63  }
0x62: {  	v3 =	vld [tilespmem:$0x10];
	_ =	sdelay $0x4  }
0x63: {  	v63 =	vshll.u32 v3, $0x3  }
0x64: {  	v3 =	vand.u32 $0x7, v3;
	v4 =	vand.u32 $0xFFFFFFC0, v63  }
0x65: {  	v3 =	vor.u32 v3, v4  }
0x66: {  	v4 =	vperm.xlane v3, v0;
	_ =	sdelay $0x1  }
0x67: {  	v4 =	vadd.s32 v1, v4;
	_ =	sdelay $0x4  }
0x68: {  	[tilespmem:s26], [sflag:$0x1] =	stream.indirect_vreg.gather [hbm4b:s3+s2], $0x80, v4, vm0, $0xb8;
	[tilespmem:$0x10080] =	vst v63  }
0x69: {  	v3 =	vperm.xlane v3, v2  }
0x6a: {  	[tilespmem:s28], [sflag:$0x1] =	stream.indirect_vreg.gather [hbm4b:s5+s2], $0x80, v4, vm0, $0xb8;
	[tilespmem:$0x10080] =	vst v63  }
0x6b: {  	v3 =	vadd.s32 v1, v3  }
0x6c: {  	[tilespmem:s8], [sflag:$0x1] =	stream.indirect_vreg.gather [hbm4b:s6+s2], $0x80, v4, vm0, $0xb8;
	[tilespmem:$0x10080] =	vst v63  }
0x6d: {  	_ = 	snop  }
0x6e: {  	[tilespmem:s29], [sflag:$0x1] =	stream.indirect_vreg.gather [hbm4b:s7+s2], $0x80, v4, vm0, $0xb8;
	[tilespmem:$0x10080] =	vst v63  }
0x6f: {  	_ = 	snop  }
0x70: {  	[tilespmem:s9], [sflag:$0x1] =	stream.indirect_vreg.gather [hbm4b:s3+s2], $0x80, v3, vm0, $0xb8;
	[tilespmem:$0x10080] =	vst v63  }
0x71: {  	_ = 	snop  }
0x72: {  	[tilespmem:s30], [sflag:$0x1] =	stream.indirect_vreg.gather [hbm4b:s5+s2], $0x80, v3, vm0, $0xb8;
	[tilespmem:$0x10080] =	vst v63  }
0x73: {  	_ = 	snop  }
0x74: {  	[tilespmem:s31], [sflag:$0x1] =	stream.indirect_vreg.gather [hbm4b:s6+s2], $0x80, v3, vm0, $0xb8;
	[tilespmem:$0x10080] =	vst v63  }
0x75: {  	_ = 	snop  }
0x76: {  	[tilespmem:s10], [sflag:$0x1] =	stream.indirect_vreg.gather [hbm4b:s7+s2], $0x80, v3, vm0, $0xb8;
	[tilespmem:$0x10080] =	vst v63  }
0x77: {  	_ =	swait.ge [sflag:s18], $0x8000  }
0x78: {  	s1 =	simm.s32 $0x0;
	s11 =	simm.s32 $0xFFFF8000;
	[sflag:s18] =	ssyncset.done $0x0  }
0x79: {  	s12 =	simm.s32 $0x0;
	s13 =	simm.s32 $0x0;
	[sflag:s18] =	ssyncadd.s32 $0xFFFF8000  }
.LBB2_2:
0x7a: {  	s20 =	sadd.s32 $0x8000, s11  }
0x7b: {  	s14 =	sand.u32 $0x380, s13;
	s20 =	sand.u32 $0x6000, s20  }
0x7c: {  	s20 =	sor.u32 s14, s20  }
0x7d: {  	v3 =	vld [tilespmem:s20+$0x80]  }
0x7e: {  	v4 =	vld [tilespmem:s20+$0x8080]  }
0x7f: {  	v5 =	vld [tilespmem:s20+$0x90]  }
0x80: {  	v6 =	vld [tilespmem:s20+$0x8090]  }
0x81: {  	v7 =	vld [tilespmem:s20+$0xA0]  }
0x82: {  	v8 =	vld [tilespmem:s20+$0x80A0]  }
0x83: {  	v9 =	vld [tilespmem:s20+$0xB0]  }
0x84: {  	v10 =	vld [tilespmem:s20+$0x80B0]  }
0x85: {  	v11 =	vld [tilespmem:s20+$0xC0]  }
0x86: {  	v12 =	vld [tilespmem:s20+$0x80C0]  }
0x87: {  	v13 =	vld [tilespmem:s20+$0xD0]  }
0x88: {  	v14 =	vld [tilespmem:s20+$0x80D0]  }
0x89: {  	v15 =	vld [tilespmem:s20+$0xE0]  }
0x8a: {  	v16 =	vld [tilespmem:s20+$0x80E0]  }
0x8b: {  	v17 =	vld [tilespmem:s20+$0xF0]  }
0x8c: {  	v18 =	vld [tilespmem:s20+$0x80F0]  }
0x8d: {  	v19 =	vld [tilespmem:s20+$0x480]  }
0x8e: {  	v20 =	vld [tilespmem:s20+$0x8480]  }
0x8f: {  	v21 =	vld [tilespmem:s20+$0x490]  }
0x90: {  	v22 =	vld [tilespmem:s20+$0x8490]  }
0x91: {  	v23 =	vld [tilespmem:s20+$0x4A0]  }
0x92: {  	v24 =	vld [tilespmem:s20+$0x84A0]  }
0x93: {  	v25 =	vld [tilespmem:s20+$0x4B0]  }
0x94: {  	v26 =	vld [tilespmem:s20+$0x84B0]  }
0x95: {  	v27 =	vld [tilespmem:s20+$0x4C0]  }
0x96: {  	v28 =	vld [tilespmem:s20+$0x84C0]  }
0x97: {  	v29 =	vld [tilespmem:s20+$0x4D0]  }
0x98: {  	v30 =	vld [tilespmem:s20+$0x84D0]  }
0x99: {  	v31 =	vld [tilespmem:s20+$0x4E0]  }
0x9a: {  	v32 =	vld [tilespmem:s20+$0x84E0]  }
0x9b: {  	v33 =	vld [tilespmem:s20+$0x4F0]  }
0x9c: {  	v34 =	vld [tilespmem:s20+$0x84F0]  }
0x9d: {  	v35 =	vld [tilespmem:s20+$0x880]  }
0x9e: {  	v36 =	vld [tilespmem:s20+$0x8880]  }
0x9f: {  	v37 =	vld [tilespmem:s20+$0x890]  }
0xa0: {  	v38 =	vld [tilespmem:s20+$0x8890]  }
0xa1: {  	v39 =	vld [tilespmem:s20+$0x8A0]  }
0xa2: {  	v40 =	vld [tilespmem:s20+$0x88A0]  }
0xa3: {  	v41 =	vld [tilespmem:s20+$0x8B0]  }
0xa4: {  	v42 =	vld [tilespmem:s20+$0x88B0]  }
0xa5: {  	v43 =	vld [tilespmem:s20+$0x8C0]  }
0xa6: {  	v44 =	vld [tilespmem:s20+$0x88C0]  }
0xa7: {  	v45 =	vld [tilespmem:s20+$0x8D0]  }
0xa8: {  	v46 =	vld [tilespmem:s20+$0x88D0]  }
0xa9: {  	v47 =	vld [tilespmem:s20+$0x8E0]  }
0xaa: {  	v48 =	vld [tilespmem:s20+$0x88E0]  }
0xab: {  	v49 =	vld [tilespmem:s20+$0x8F0]  }
0xac: {  	v50 =	vld [tilespmem:s20+$0x88F0]  }
0xad: {  	v51 =	vld [tilespmem:s20+$0xC80]  }
0xae: {  	v52 =	vld [tilespmem:s20+$0x8C80]  }
0xaf: {  	v53 =	vld [tilespmem:s20+$0xC90]  }
0xb0: {  	v54 =	vld [tilespmem:s20+$0x8C90]  }
0xb1: {  	v55 =	vld [tilespmem:s20+$0xCA0]  }
0xb2: {  	v56 =	vld [tilespmem:s20+$0x8CA0]  }
0xb3: {  	v57 =	vld [tilespmem:s20+$0xCB0]  }
0xb4: {  	v58 =	vld [tilespmem:s20+$0x8CB0]  }
0xb5: {  	v59 =	vld [tilespmem:s20+$0xCC0]  }
0xb6: {  	v60 =	vld [tilespmem:s20+$0x8CC0]  }
0xb7: {  	v61 =	vld [tilespmem:s20+$0xCD0]  }
0xb8: {  	v62 =	vld [tilespmem:s20+$0x8CD0]  }
0xb9: {  	v63 =	vld [tilespmem:s20+$0xCE0]  }
0xba: {  	v3 =	vadd.f32 v4, v3;
	v4 =	vld [tilespmem:s20+$0x8CE0]  }
0xbb: {  	v5 =	vadd.f32 v6, v5;
	v6 =	vld [tilespmem:s20+$0xCF0]  }
0xbc: {  	v14 =	vadd.f32 v14, v13;
	v13 =	vld [tilespmem:s20+$0x90A0];
	[tilespmem:s20+$0x80] =	vst v3;
	v3 =	vadd.f32 v8, v7  }
0xbd: {  	v18 =	vadd.f32 v18, v17;
	v17 =	vld [tilespmem:s20+$0x90C0];
	[tilespmem:s20+$0x90] =	vst v5  }
0xbe: {  	v22 =	vadd.f32 v22, v21;
	v21 =	vld [tilespmem:s20+$0x90E0];
	[tilespmem:s20+$0xA0] =	vst v3;
	v3 =	vadd.f32 v12, v11  }
0xbf: {  	v7 =	vld [tilespmem:s20+$0x8CF0];
	[tilespmem:s20+$0xD0] =	vst v14  }
0xc0: {  	v8 =	vld [tilespmem:s20+$0x1080];
	[tilespmem:s20+$0xC0] =	vst v3;
	v3 =	vadd.f32 v16, v15  }
0xc1: {  	v5 =	vadd.f32 v10, v9;
	v9 =	vld [tilespmem:s20+$0x9080];
	[tilespmem:s20+$0xF0] =	vst v18  }
0xc2: {  	v10 =	vld [tilespmem:s20+$0x1090];
	[tilespmem:s20+$0xE0] =	vst v3;
	v3 =	vadd.f32 v20, v19  }
0xc3: {  	v26 =	vadd.f32 v26, v25;
	v14 =	vld [tilespmem:s20+$0x10B0];
	[tilespmem:s20+$0x490] =	vst v22  }
0xc4: {  	v18 =	vld [tilespmem:s20+$0x10D0];
	[tilespmem:s20+$0x480] =	vst v3;
	v3 =	vadd.f32 v24, v23  }
0xc5: {  	v30 =	vadd.f32 v30, v29;
	[tilespmem:s20+$0x4B0] =	vst v26;
	v22 =	vld [tilespmem:s20+$0x10F0]  }
0xc6: {  	v19 =	vld [tilespmem:s20+$0x90D0];
	[tilespmem:s20+$0x4A0] =	vst v3;
	v3 =	vadd.f32 v28, v27  }
0xc7: {  	v34 =	vadd.f32 v34, v33;
	[tilespmem:s20+$0x4D0] =	vst v30;
	v11 =	vld [tilespmem:s20+$0x9090]  }
0xc8: {  	v12 =	vld [tilespmem:s20+$0x10A0];
	[tilespmem:s20+$0x4C0] =	vst v3;
	v3 =	vadd.f32 v32, v31  }
0xc9: {  	[tilespmem:s20+$0x4F0] =	vst v34;
	v15 =	vld [tilespmem:s20+$0x90B0]  }
0xca: {  	v16 =	vld [tilespmem:s20+$0x10C0];
	[tilespmem:s20+$0x4E0] =	vst v3;
	v3 =	vadd.f32 v36, v35  }
0xcb: {  	[tilespmem:s20+$0xB0] =	vst v5;
	v20 =	vld [tilespmem:s20+$0x10E0];
	v19 =	vadd.f32 v19, v18  }
0xcc: {  	v24 =	vld [tilespmem:s20+$0x1480];
	[tilespmem:s20+$0x880] =	vst v3;
	v3 =	vadd.f32 v40, v39  }
0xcd: {  	[tilespmem:s20+$0x10D0] =	vst v19;
	v36 =	vadd.f32 v38, v37;
	v37 =	vld [tilespmem:s20+$0x90F0]  }
0xce: {  	v38 =	vadd.f32 v42, v41;
	v41 =	vld [tilespmem:s20+$0x1490];
	[tilespmem:s20+$0x8A0] =	vst v3;
	v3 =	vadd.f32 v44, v43  }
0xcf: {  	v42 =	vld [tilespmem:s20+$0x9490];
	[tilespmem:s20+$0x890] =	vst v36  }
0xd0: {  	v35 =	vld [tilespmem:s20+$0x1890];
	[tilespmem:s20+$0x8C0] =	vst v3;
	v3 =	vadd.f32 v48, v47  }
0xd1: {  	v39 =	vld [tilespmem:s20+$0x9480];
	[tilespmem:s20+$0x8B0] =	vst v38;
	v40 =	vadd.f32 v46, v45  }
0xd2: {  	v45 =	vld [tilespmem:s20+$0x94A0];
	[tilespmem:s20+$0x8E0] =	vst v3;
	v3 =	vadd.f32 v52, v51  }
0xd3: {  	v46 =	vadd.f32 v54, v53;
	v53 =	vld [tilespmem:s20+$0x14D0];
	[tilespmem:s20+$0x8D0] =	vst v40  }
0xd4: {  	v54 =	vld [tilespmem:s20+$0x94D0];
	[tilespmem:s20+$0xC80] =	vst v3;
	v3 =	vadd.f32 v56, v55  }
0xd5: {  	v36 =	vld [tilespmem:s20+$0x9890];
	v43 =	vadd.f32 v50, v49;
	[tilespmem:s20+$0xC90] =	vst v46  }
0xd6: {  	v38 =	vld [tilespmem:s20+$0x18A0];
	[tilespmem:s20+$0xCA0] =	vst v3;
	v3 =	vadd.f32 v60, v59  }
0xd7: {  	v44 =	vld [tilespmem:s20+$0x14A0];
	v49 =	vadd.f32 v58, v57;
	[tilespmem:s20+$0x8F0] =	vst v43  }
0xd8: {  	v50 =	vld [tilespmem:s20+$0x14C0];
	[tilespmem:s20+$0xCC0] =	vst v3;
	v3 =	vadd.f32 v4, v63  }
0xd9: {  	v57 =	vld [tilespmem:s20+$0x94E0];
	v58 =	vadd.f32 v11, v10;
	[tilespmem:s20+$0xCB0] =	vst v49  }
0xda: {  	v46 =	vld [tilespmem:s20+$0x98D0];
	[tilespmem:s20+$0xCE0] =	vst v3;
	v3 =	vadd.f32 v9, v8  }
0xdb: {  	v37 =	vadd.f32 v37, v22;
	v40 =	vadd.f32 v42, v41;
	v41 =	vld [tilespmem:s20+$0x18B0];
	[tilespmem:s20+$0x1090] =	vst v58  }
0xdc: {  	v42 =	vld [tilespmem:s20+$0x98B0];
	[tilespmem:s20+$0x1080] =	vst v3;
	v3 =	vadd.f32 v13, v12  }
0xdd: {  	v47 =	vld [tilespmem:s20+$0x14B0];
	[tilespmem:s20+$0x10F0] =	vst v37  }
0xde: {  	v48 =	vld [tilespmem:s20+$0x94B0];
	[tilespmem:s20+$0x10A0] =	vst v3;
	v3 =	vadd.f32 v17, v16  }
0xdf: {  	v49 =	vld [tilespmem:s20+$0x98E0];
	[tilespmem:s20+$0x1490] =	vst v40;
	v52 =	vadd.f32 v62, v61  }
0xe0: {  	v51 =	vld [tilespmem:s20+$0x94C0];
	[tilespmem:s20+$0x10C0] =	vst v3;
	v3 =	vadd.f32 v21, v20  }
0xe1: {  	v61 =	vadd.f32 v15, v14;
	v62 =	vld [tilespmem:s20+$0x1880];
	[tilespmem:s20+$0xCD0] =	vst v52  }
0xe2: {  	v56 =	vld [tilespmem:s20+$0x14E0];
	[tilespmem:s20+$0x10E0] =	vst v3;
	v3 =	vadd.f32 v39, v24  }
0xe3: {  	v55 =	vadd.f32 v7, v6;
	[tilespmem:s20+$0x10B0] =	vst v61;
	v52 =	vld [tilespmem:s20+$0x98F0]  }
0xe4: {  	v43 =	vadd.f32 v48, v47;
	v47 =	vld [tilespmem:s20+$0x18E0];
	[tilespmem:s20+$0x1480] =	vst v3;
	v3 =	vadd.f32 v45, v44  }
0xe5: {  	[tilespmem:s20+$0xCF0] =	vst v55;
	v63 =	vld [tilespmem:s20+$0x9880]  }
0xe6: {  	v59 =	vld [tilespmem:s20+$0x14F0];
	[tilespmem:s20+$0x14A0] =	vst v3;
	v3 =	vadd.f32 v51, v50  }
0xe7: {  	[tilespmem:s20+$0x14B0] =	vst v43;
	v4 =	vadd.f32 v54, v53;
	v39 =	vld [tilespmem:s20+$0x98A0]  }
0xe8: {  	v60 =	vld [tilespmem:s20+$0x94F0];
	[tilespmem:s20+$0x14C0] =	vst v3;
	v3 =	vadd.f32 v57, v56  }
0xe9: {  	v54 =	vadd.f32 v42, v41;
	[tilespmem:s20+$0x14D0] =	vst v4;
	v45 =	vld [tilespmem:s20+$0x18D0]  }
0xea: {  	v53 =	vld [tilespmem:s20+$0x98C0];
	[tilespmem:s20+$0x14E0] =	vst v3;
	v3 =	vadd.f32 v63, v62  }
0xeb: {  	[tilespmem:s20+$0x18B0] =	vst v54;
	v55 =	vadd.f32 v49, v47;
	v50 =	vld [tilespmem:s20+$0x18F0]  }
0xec: {  	v44 =	vld [tilespmem:s20+$0x18C0];
	[tilespmem:s20+$0x1880] =	vst v3;
	v3 =	vadd.f32 v39, v38  }
0xed: {  	v48 =	vadd.f32 v60, v59;
	[tilespmem:s20+$0x18E0] =	vst v55  }
0xee: {  	[tilespmem:s20+$0x18A0] =	vst v3;
	v3 =	vadd.f32 v46, v45  }
0xef: {  	s4 =	sand.u32 $0x7, s1;
	[tilespmem:s20+$0x14F0] =	vst v48;
	v51 =	vadd.f32 v36, v35  }
0xf0: {  	s14 =	sshll.u32 s4, $0x7;
	[tilespmem:s20+$0x18D0] =	vst v3;
	v3 =	vadd.f32 v52, v50  }
0xf1: {  	s14 =	sadd.s32 s14, s12;
	[tilespmem:s20+$0x1890] =	vst v51;
	v56 =	vadd.f32 v53, v44  }
0xf2: {  	s4 =	sor.u32 $0x1C00, s14;
	[tilespmem:s20+$0x18F0] =	vst v3  }
0xf3: {  	[tilespmem:s20+$0x18C0] =	vst v56;
	v3 =	vld [tilespmem:s4+$0x80]  }
0xf4: {  	v4 =	vld [tilespmem:s4+$0x8080];
	_ =	sdelay $0x4  }
0xf5: {  	v3 =	vadd.f32 v4, v3;
	_ =	sdelay $0x1  }
0xf6: {  	s20 =	sor.u32 $0x1C10, s14;
	[tilespmem:s4+$0x80] =	vst v3  }
0xf7: {  	v3 =	vld [tilespmem:s20+$0x80]  }
0xf8: {  	v57 =	vld [tilespmem:s20+$0x8080];
	_ =	sdelay $0x4  }
0xf9: {  	v3 =	vadd.f32 v57, v3;
	_ =	sdelay $0x1  }
0xfa: {  	[tilespmem:s20+$0x80] =	vst v3;
	s20 =	sor.u32 $0x1C20, s14  }
0xfb: {  	v3 =	vld [tilespmem:s20+$0x80]  }
0xfc: {  	v58 =	vld [tilespmem:s20+$0x8080];
	_ =	sdelay $0x4  }
0xfd: {  	v3 =	vadd.f32 v58, v3;
	_ =	sdelay $0x1  }
0xfe: {  	[tilespmem:s20+$0x80] =	vst v3;
	s20 =	sor.u32 $0x1C30, s14  }
0xff: {  	v3 =	vld [tilespmem:s20+$0x80]  }
0x100: {  	v59 =	vld [tilespmem:s20+$0x8080];
	_ =	sdelay $0x4  }
0x101: {  	v3 =	vadd.f32 v59, v3;
	_ =	sdelay $0x1  }
0x102: {  	[tilespmem:s20+$0x80] =	vst v3;
	s20 =	sor.u32 $0x1C40, s14  }
0x103: {  	v3 =	vld [tilespmem:s20+$0x80]  }
0x104: {  	v60 =	vld [tilespmem:s20+$0x8080];
	_ =	sdelay $0x4  }
0x105: {  	v3 =	vadd.f32 v60, v3;
	_ =	sdelay $0x1  }
0x106: {  	[tilespmem:s20+$0x80] =	vst v3;
	s20 =	sor.u32 $0x1C50, s14  }
0x107: {  	v3 =	vld [tilespmem:s20+$0x80]  }
0x108: {  	v61 =	vld [tilespmem:s20+$0x8080];
	_ =	sdelay $0x4  }
0x109: {  	v3 =	vadd.f32 v61, v3;
	_ =	sdelay $0x1  }
0x10a: {  	[tilespmem:s20+$0x80] =	vst v3;
	s20 =	sor.u32 $0x1C60, s14  }
0x10b: {  	v3 =	vld [tilespmem:s20+$0x80]  }
0x10c: {  	v62 =	vld [tilespmem:s20+$0x8080];
	_ =	sdelay $0x4  }
0x10d: {  	v3 =	vadd.f32 v62, v3;
	_ =	sdelay $0x1  }
0x10e: {  	[tilespmem:s20+$0x80] =	vst v3;
	s20 =	sor.u32 $0x1C70, s14  }
0x10f: {  	v3 =	vld [tilespmem:s20+$0x80]  }
0x110: {  	v63 =	vld [tilespmem:s20+$0x8080];
	_ =	sdelay $0x1  }
0x111: {  	p0 =	sne.s32 s13, $0xF80  }
.Ltmp0:
0x112: {  	_ = 	snop;
	(pc) =	sbr.rel @p0 .LBB2_2-.Ltmp0, $4  }
0x113: {  	_ = 	snop  }
0x114: {  	v3 =	vadd.f32 v63, v3  }
0x115: {  	s1 =	sadd.s32 $0x1, s1  }
0x116: {  	s11 =	sadd.s32 $0x400, s11;
	s13 =	sadd.s32 $0x80, s13;
	s12 =	sadd.s32 $0x400, s12;
	[tilespmem:s20+$0x80] =	vst v3  }
0x117: {  	s11 =	simm.s32 $0x0;
	s1 =	rddreg [dreg:$0x5]  }
0x118: {  	[tilespmem:s19], [sflag:$0x2] =	stream.linear.gather [hbm4b:s1+s11], $0x8000, $0x38;
	[tilespmem:$0x10080] =	vst v63  }
0x119: {  	_ =	swait.ge [sflag:s16], $0x8000  }
0x11a: {  	s12 =	simm.s32 $0x0;
	[sflag:s16] =	ssyncset.done $0x0  }
0x11b: {  	s13 =	simm.s32 $0x0;
	s1 =	simm.s32 $0xFFFF8000;
	[sflag:s16] =	ssyncadd.s32 $0xFFFF8000  }
.LBB2_4:
0x11c: {  	s4 =	sadd.s32 $0x8000, s1  }
0x11d: {  	s14 =	sand.u32 $0x380, s13;
	s4 =	sand.u32 $0x6000, s4  }
0x11e: {  	s20 =	sor.u32 s14, s4  }
0x11f: {  	v3 =	vld [tilespmem:s20+$0x80]  }
0x120: {  	v4 =	vld [tilespmem:s20+$0x8080]  }
0x121: {  	v5 =	vld [tilespmem:s20+$0x90]  }
0x122: {  	v6 =	vld [tilespmem:s20+$0x8090]  }
0x123: {  	v7 =	vld [tilespmem:s20+$0xA0]  }
0x124: {  	v8 =	vld [tilespmem:s20+$0x80A0]  }
0x125: {  	v9 =	vld [tilespmem:s20+$0xB0]  }
0x126: {  	v10 =	vld [tilespmem:s20+$0x80B0]  }
0x127: {  	v11 =	vld [tilespmem:s20+$0xC0]  }
0x128: {  	v12 =	vld [tilespmem:s20+$0x80C0]  }
0x129: {  	v13 =	vld [tilespmem:s20+$0xD0]  }
0x12a: {  	v14 =	vld [tilespmem:s20+$0x80D0]  }
0x12b: {  	v15 =	vld [tilespmem:s20+$0xE0]  }
0x12c: {  	v16 =	vld [tilespmem:s20+$0x80E0]  }
0x12d: {  	v17 =	vld [tilespmem:s20+$0xF0]  }
0x12e: {  	v18 =	vld [tilespmem:s20+$0x80F0]  }
0x12f: {  	v19 =	vld [tilespmem:s20+$0x480]  }
0x130: {  	v20 =	vld [tilespmem:s20+$0x8480]  }
0x131: {  	v21 =	vld [tilespmem:s20+$0x490]  }
0x132: {  	v22 =	vld [tilespmem:s20+$0x8490]  }
0x133: {  	v23 =	vld [tilespmem:s20+$0x4A0]  }
0x134: {  	v24 =	vld [tilespmem:s20+$0x84A0]  }
0x135: {  	v25 =	vld [tilespmem:s20+$0x4B0]  }
0x136: {  	v26 =	vld [tilespmem:s20+$0x84B0]  }
0x137: {  	v27 =	vld [tilespmem:s20+$0x4C0]  }
0x138: {  	v28 =	vld [tilespmem:s20+$0x84C0]  }
0x139: {  	v29 =	vld [tilespmem:s20+$0x4D0]  }
0x13a: {  	v30 =	vld [tilespmem:s20+$0x84D0]  }
0x13b: {  	v31 =	vld [tilespmem:s20+$0x4E0]  }
0x13c: {  	v32 =	vld [tilespmem:s20+$0x84E0]  }
0x13d: {  	v33 =	vld [tilespmem:s20+$0x4F0]  }
0x13e: {  	v34 =	vld [tilespmem:s20+$0x84F0]  }
0x13f: {  	v35 =	vld [tilespmem:s20+$0x880]  }
0x140: {  	v36 =	vld [tilespmem:s20+$0x8880]  }
0x141: {  	v37 =	vld [tilespmem:s20+$0x890]  }
0x142: {  	v38 =	vld [tilespmem:s20+$0x8890]  }
0x143: {  	v39 =	vld [tilespmem:s20+$0x8A0]  }
0x144: {  	v40 =	vld [tilespmem:s20+$0x88A0]  }
0x145: {  	v41 =	vld [tilespmem:s20+$0x8B0]  }
0x146: {  	v42 =	vld [tilespmem:s20+$0x88B0]  }
0x147: {  	v43 =	vld [tilespmem:s20+$0x8C0]  }
0x148: {  	v44 =	vld [tilespmem:s20+$0x88C0]  }
0x149: {  	v45 =	vld [tilespmem:s20+$0x8D0]  }
0x14a: {  	v46 =	vld [tilespmem:s20+$0x88D0]  }
0x14b: {  	v47 =	vld [tilespmem:s20+$0x8E0]  }
0x14c: {  	v48 =	vld [tilespmem:s20+$0x88E0]  }
0x14d: {  	v49 =	vld [tilespmem:s20+$0x8F0]  }
0x14e: {  	v50 =	vld [tilespmem:s20+$0x88F0]  }
0x14f: {  	v51 =	vld [tilespmem:s20+$0xC80]  }
0x150: {  	v52 =	vld [tilespmem:s20+$0x8C80]  }
0x151: {  	v53 =	vld [tilespmem:s20+$0xC90]  }
0x152: {  	v54 =	vld [tilespmem:s20+$0x8C90]  }
0x153: {  	v55 =	vld [tilespmem:s20+$0xCA0]  }
0x154: {  	v56 =	vld [tilespmem:s20+$0x8CA0]  }
0x155: {  	v57 =	vld [tilespmem:s20+$0xCB0]  }
0x156: {  	v58 =	vld [tilespmem:s20+$0x8CB0]  }
0x157: {  	v59 =	vld [tilespmem:s20+$0xCC0]  }
0x158: {  	v60 =	vld [tilespmem:s20+$0x8CC0]  }
0x159: {  	v61 =	vld [tilespmem:s20+$0xCD0]  }
0x15a: {  	v62 =	vld [tilespmem:s20+$0x8CD0]  }
0x15b: {  	v63 =	vld [tilespmem:s20+$0xCE0]  }
0x15c: {  	v3 =	vadd.f32 v4, v3;
	v4 =	vld [tilespmem:s20+$0x8CE0]  }
0x15d: {  	v5 =	vadd.f32 v6, v5;
	v6 =	vld [tilespmem:s20+$0xCF0]  }
0x15e: {  	v14 =	vadd.f32 v14, v13;
	v13 =	vld [tilespmem:s20+$0x90A0];
	[tilespmem:s20+$0x80] =	vst v3;
	v3 =	vadd.f32 v8, v7  }
0x15f: {  	v18 =	vadd.f32 v18, v17;
	v17 =	vld [tilespmem:s20+$0x90C0];
	[tilespmem:s20+$0x90] =	vst v5  }
0x160: {  	v22 =	vadd.f32 v22, v21;
	v21 =	vld [tilespmem:s20+$0x90E0];
	[tilespmem:s20+$0xA0] =	vst v3;
	v3 =	vadd.f32 v12, v11  }
0x161: {  	v7 =	vld [tilespmem:s20+$0x8CF0];
	[tilespmem:s20+$0xD0] =	vst v14  }
0x162: {  	v8 =	vld [tilespmem:s20+$0x1080];
	[tilespmem:s20+$0xC0] =	vst v3;
	v3 =	vadd.f32 v16, v15  }
0x163: {  	v5 =	vadd.f32 v10, v9;
	v9 =	vld [tilespmem:s20+$0x9080];
	[tilespmem:s20+$0xF0] =	vst v18  }
0x164: {  	v10 =	vld [tilespmem:s20+$0x1090];
	[tilespmem:s20+$0xE0] =	vst v3;
	v3 =	vadd.f32 v20, v19  }
0x165: {  	v26 =	vadd.f32 v26, v25;
	v14 =	vld [tilespmem:s20+$0x10B0];
	[tilespmem:s20+$0x490] =	vst v22  }
0x166: {  	v18 =	vld [tilespmem:s20+$0x10D0];
	[tilespmem:s20+$0x480] =	vst v3;
	v3 =	vadd.f32 v24, v23  }
0x167: {  	v30 =	vadd.f32 v30, v29;
	[tilespmem:s20+$0x4B0] =	vst v26;
	v22 =	vld [tilespmem:s20+$0x10F0]  }
0x168: {  	v19 =	vld [tilespmem:s20+$0x90D0];
	[tilespmem:s20+$0x4A0] =	vst v3;
	v3 =	vadd.f32 v28, v27  }
0x169: {  	v34 =	vadd.f32 v34, v33;
	[tilespmem:s20+$0x4D0] =	vst v30;
	v11 =	vld [tilespmem:s20+$0x9090]  }
0x16a: {  	v12 =	vld [tilespmem:s20+$0x10A0];
	[tilespmem:s20+$0x4C0] =	vst v3;
	v3 =	vadd.f32 v32, v31  }
0x16b: {  	[tilespmem:s20+$0x4F0] =	vst v34;
	v15 =	vld [tilespmem:s20+$0x90B0]  }
0x16c: {  	v16 =	vld [tilespmem:s20+$0x10C0];
	[tilespmem:s20+$0x4E0] =	vst v3;
	v3 =	vadd.f32 v36, v35  }
0x16d: {  	[tilespmem:s20+$0xB0] =	vst v5;
	v20 =	vld [tilespmem:s20+$0x10E0];
	v19 =	vadd.f32 v19, v18  }
0x16e: {  	v24 =	vld [tilespmem:s20+$0x1480];
	[tilespmem:s20+$0x880] =	vst v3;
	v3 =	vadd.f32 v40, v39  }
0x16f: {  	[tilespmem:s20+$0x10D0] =	vst v19;
	v36 =	vadd.f32 v38, v37;
	v37 =	vld [tilespmem:s20+$0x90F0]  }
0x170: {  	v38 =	vadd.f32 v42, v41;
	v41 =	vld [tilespmem:s20+$0x1490];
	[tilespmem:s20+$0x8A0] =	vst v3;
	v3 =	vadd.f32 v44, v43  }
0x171: {  	v42 =	vld [tilespmem:s20+$0x9490];
	[tilespmem:s20+$0x890] =	vst v36  }
0x172: {  	v35 =	vld [tilespmem:s20+$0x1890];
	[tilespmem:s20+$0x8C0] =	vst v3;
	v3 =	vadd.f32 v48, v47  }
0x173: {  	v39 =	vld [tilespmem:s20+$0x9480];
	[tilespmem:s20+$0x8B0] =	vst v38;
	v40 =	vadd.f32 v46, v45  }
0x174: {  	v45 =	vld [tilespmem:s20+$0x94A0];
	[tilespmem:s20+$0x8E0] =	vst v3;
	v3 =	vadd.f32 v52, v51  }
0x175: {  	v46 =	vadd.f32 v54, v53;
	v53 =	vld [tilespmem:s20+$0x14D0];
	[tilespmem:s20+$0x8D0] =	vst v40  }
0x176: {  	v54 =	vld [tilespmem:s20+$0x94D0];
	[tilespmem:s20+$0xC80] =	vst v3;
	v3 =	vadd.f32 v56, v55  }
0x177: {  	v36 =	vld [tilespmem:s20+$0x9890];
	v43 =	vadd.f32 v50, v49;
	[tilespmem:s20+$0xC90] =	vst v46  }
0x178: {  	v38 =	vld [tilespmem:s20+$0x18A0];
	[tilespmem:s20+$0xCA0] =	vst v3;
	v3 =	vadd.f32 v60, v59  }
0x179: {  	v44 =	vld [tilespmem:s20+$0x14A0];
	v49 =	vadd.f32 v58, v57;
	[tilespmem:s20+$0x8F0] =	vst v43  }
0x17a: {  	v50 =	vld [tilespmem:s20+$0x14C0];
	[tilespmem:s20+$0xCC0] =	vst v3;
	v3 =	vadd.f32 v4, v63  }
0x17b: {  	v57 =	vld [tilespmem:s20+$0x94E0];
	v58 =	vadd.f32 v11, v10;
	[tilespmem:s20+$0xCB0] =	vst v49  }
0x17c: {  	v46 =	vld [tilespmem:s20+$0x98D0];
	[tilespmem:s20+$0xCE0] =	vst v3;
	v3 =	vadd.f32 v9, v8  }
0x17d: {  	v37 =	vadd.f32 v37, v22;
	v40 =	vadd.f32 v42, v41;
	v41 =	vld [tilespmem:s20+$0x18B0];
	[tilespmem:s20+$0x1090] =	vst v58  }
0x17e: {  	v42 =	vld [tilespmem:s20+$0x98B0];
	[tilespmem:s20+$0x1080] =	vst v3;
	v3 =	vadd.f32 v13, v12  }
0x17f: {  	v47 =	vld [tilespmem:s20+$0x14B0];
	[tilespmem:s20+$0x10F0] =	vst v37  }
0x180: {  	v48 =	vld [tilespmem:s20+$0x94B0];
	[tilespmem:s20+$0x10A0] =	vst v3;
	v3 =	vadd.f32 v17, v16  }
0x181: {  	v49 =	vld [tilespmem:s20+$0x98E0];
	[tilespmem:s20+$0x1490] =	vst v40;
	v52 =	vadd.f32 v62, v61  }
0x182: {  	v51 =	vld [tilespmem:s20+$0x94C0];
	[tilespmem:s20+$0x10C0] =	vst v3;
	v3 =	vadd.f32 v21, v20  }
0x183: {  	v61 =	vadd.f32 v15, v14;
	v62 =	vld [tilespmem:s20+$0x1880];
	[tilespmem:s20+$0xCD0] =	vst v52  }
0x184: {  	v56 =	vld [tilespmem:s20+$0x14E0];
	[tilespmem:s20+$0x10E0] =	vst v3;
	v3 =	vadd.f32 v39, v24  }
0x185: {  	v55 =	vadd.f32 v7, v6;
	[tilespmem:s20+$0x10B0] =	vst v61;
	v52 =	vld [tilespmem:s20+$0x98F0]  }
0x186: {  	v43 =	vadd.f32 v48, v47;
	v47 =	vld [tilespmem:s20+$0x18E0];
	[tilespmem:s20+$0x1480] =	vst v3;
	v3 =	vadd.f32 v45, v44  }
0x187: {  	[tilespmem:s20+$0xCF0] =	vst v55;
	v63 =	vld [tilespmem:s20+$0x9880]  }
0x188: {  	v59 =	vld [tilespmem:s20+$0x14F0];
	[tilespmem:s20+$0x14A0] =	vst v3;
	v3 =	vadd.f32 v51, v50  }
0x189: {  	[tilespmem:s20+$0x14B0] =	vst v43;
	v4 =	vadd.f32 v54, v53;
	v39 =	vld [tilespmem:s20+$0x98A0]  }
0x18a: {  	v60 =	vld [tilespmem:s20+$0x94F0];
	[tilespmem:s20+$0x14C0] =	vst v3;
	v3 =	vadd.f32 v57, v56  }
0x18b: {  	v54 =	vadd.f32 v42, v41;
	[tilespmem:s20+$0x14D0] =	vst v4;
	v45 =	vld [tilespmem:s20+$0x18D0]  }
0x18c: {  	v53 =	vld [tilespmem:s20+$0x98C0];
	[tilespmem:s20+$0x14E0] =	vst v3;
	v3 =	vadd.f32 v63, v62  }
0x18d: {  	[tilespmem:s20+$0x18B0] =	vst v54;
	v55 =	vadd.f32 v49, v47;
	v50 =	vld [tilespmem:s20+$0x18F0]  }
0x18e: {  	v44 =	vld [tilespmem:s20+$0x18C0];
	[tilespmem:s20+$0x1880] =	vst v3;
	v3 =	vadd.f32 v39, v38  }
0x18f: {  	v48 =	vadd.f32 v60, v59;
	[tilespmem:s20+$0x18E0] =	vst v55  }
0x190: {  	[tilespmem:s20+$0x18A0] =	vst v3;
	v3 =	vadd.f32 v46, v45  }
0x191: {  	s14 =	sand.u32 $0x7, s11;
	[tilespmem:s20+$0x14F0] =	vst v48;
	v51 =	vadd.f32 v36, v35  }
0x192: {  	s4 =	sshll.u32 s14, $0x7;
	[tilespmem:s20+$0x18D0] =	vst v3;
	v3 =	vadd.f32 v52, v50  }
0x193: {  	s4 =	sadd.s32 s4, s12;
	[tilespmem:s20+$0x1890] =	vst v51;
	v56 =	vadd.f32 v53, v44  }
0x194: {  	s14 =	sor.u32 $0x1C00, s4;
	[tilespmem:s20+$0x18F0] =	vst v3  }
0x195: {  	[tilespmem:s20+$0x18C0] =	vst v56;
	v3 =	vld [tilespmem:s14+$0x80]  }
0x196: {  	v4 =	vld [tilespmem:s14+$0x8080];
	_ =	sdelay $0x4  }
0x197: {  	v3 =	vadd.f32 v4, v3;
	_ =	sdelay $0x1  }
0x198: {  	s20 =	sor.u32 $0x1C10, s4;
	[tilespmem:s14+$0x80] =	vst v3  }
0x199: {  	v3 =	vld [tilespmem:s20+$0x80]  }
0x19a: {  	v57 =	vld [tilespmem:s20+$0x8080];
	_ =	sdelay $0x4  }
0x19b: {  	v3 =	vadd.f32 v57, v3;
	_ =	sdelay $0x1  }
0x19c: {  	[tilespmem:s20+$0x80] =	vst v3;
	s20 =	sor.u32 $0x1C20, s4  }
0x19d: {  	v3 =	vld [tilespmem:s20+$0x80]  }
0x19e: {  	v58 =	vld [tilespmem:s20+$0x8080];
	_ =	sdelay $0x4  }
0x19f: {  	v3 =	vadd.f32 v58, v3;
	_ =	sdelay $0x1  }
0x1a0: {  	[tilespmem:s20+$0x80] =	vst v3;
	s20 =	sor.u32 $0x1C30, s4  }
0x1a1: {  	v3 =	vld [tilespmem:s20+$0x80]  }
0x1a2: {  	v59 =	vld [tilespmem:s20+$0x8080];
	_ =	sdelay $0x4  }
0x1a3: {  	v3 =	vadd.f32 v59, v3;
	_ =	sdelay $0x1  }
0x1a4: {  	[tilespmem:s20+$0x80] =	vst v3;
	s20 =	sor.u32 $0x1C40, s4  }
0x1a5: {  	v3 =	vld [tilespmem:s20+$0x80]  }
0x1a6: {  	v60 =	vld [tilespmem:s20+$0x8080];
	_ =	sdelay $0x4  }
0x1a7: {  	v3 =	vadd.f32 v60, v3;
	_ =	sdelay $0x1  }
0x1a8: {  	[tilespmem:s20+$0x80] =	vst v3;
	s20 =	sor.u32 $0x1C50, s4  }
0x1a9: {  	v3 =	vld [tilespmem:s20+$0x80]  }
0x1aa: {  	v61 =	vld [tilespmem:s20+$0x8080];
	_ =	sdelay $0x4  }
0x1ab: {  	v3 =	vadd.f32 v61, v3;
	_ =	sdelay $0x1  }
0x1ac: {  	[tilespmem:s20+$0x80] =	vst v3;
	s20 =	sor.u32 $0x1C60, s4  }
0x1ad: {  	v3 =	vld [tilespmem:s20+$0x80]  }
0x1ae: {  	v62 =	vld [tilespmem:s20+$0x8080];
	_ =	sdelay $0x4  }
0x1af: {  	v3 =	vadd.f32 v62, v3;
	_ =	sdelay $0x1  }
0x1b0: {  	s4 =	sor.u32 $0x1C70, s4;
	[tilespmem:s20+$0x80] =	vst v3  }
0x1b1: {  	v3 =	vld [tilespmem:s4+$0x80]  }
0x1b2: {  	v63 =	vld [tilespmem:s4+$0x8080];
	_ =	sdelay $0x1  }
0x1b3: {  	p0 =	sne.s32 s13, $0xF80  }
.Ltmp1:
0x1b4: {  	_ = 	snop;
	(pc) =	sbr.rel @p0 .LBB2_4-.Ltmp1, $4  }
0x1b5: {  	_ = 	snop  }
0x1b6: {  	v3 =	vadd.f32 v63, v3  }
0x1b7: {  	s1 =	sadd.s32 $0x400, s1  }
0x1b8: {  	s13 =	sadd.s32 $0x80, s13;
	s11 =	sadd.s32 $0x1, s11;
	s12 =	sadd.s32 $0x400, s12;
	[tilespmem:s4+$0x80] =	vst v3  }
0x1b9: {  	s11 =	simm.s32 $0x0;
	s1 =	rddreg [dreg:$0x6]  }
0x1ba: {  	[hbm4b:s1+s11] =	stream.linear.scatter [tilespmem:s17], [sflag:$0x2], $0x8000, $0x38;
	[tilespmem:$0x10080] =	vst v63  }
0x1bb: {  	_ =	swait.ge [sflag:s16], $0x8000  }
0x1bc: {  	[sflag:s16] =	ssyncset.done $0x0  }
0x1bd: {  	s12 =	rddreg [dreg:$0x7];
	[sflag:s16] =	ssyncadd.s32 $0xFFFF8000  }
0x1be: {  	[tilespmem:s11], [sflag:$0x2] =	stream.linear.gather [hbm4b:s12+s11], $0x20, $0x38;
	[tilespmem:$0x10080] =	vst v63  }
0x1bf: {  	_ =	swait.ge [sflag:s16], $0x20  }
0x1c0: {  	[sflag:s16] =	ssyncset.done $0x0  }
0x1c1: {  	[sflag:s16] =	ssyncadd.s32 $0xFFFFFFE0  }
0x1c2: {  	v3 =	vld [tilespmem:$0x0];
	_ =	sdelay $0x4  }
0x1c3: {  	v4 =	vshll.u32 v3, $0x3  }
0x1c4: {  	v3 =	vand.u32 $0x7, v3;
	v4 =	vand.u32 $0xFFFFFFC0, v4  }
0x1c5: {  	v3 =	vor.u32 v3, v4  }
0x1c6: {  	v4 =	vperm.xlane v3, v0;
	_ =	sdelay $0x1  }
0x1c7: {  	v4 =	vadd.s32 v1, v4;
	_ =	sdelay $0x4  }
0x1c8: {  	[tilespmem:s17], [sflag:$0x1] =	stream.indirect_vreg.gather [hbm4b:s3+s11], $0x80, v4, vm0, $0xb8;
	[tilespmem:$0x10080] =	vst v63  }
0x1c9: {  	s13 =	simm.s32 $0x880;
	v3 =	vperm.xlane v3, v2  }
0x1ca: {  	[tilespmem:s13], [sflag:$0x1] =	stream.indirect_vreg.gather [hbm4b:s5+s11], $0x80, v4, vm0, $0xb8;
	[tilespmem:$0x10080] =	vst v63  }
0x1cb: {  	s14 =	simm.s32 $0x1080;
	v3 =	vadd.s32 v1, v3  }
0x1cc: {  	[tilespmem:s14], [sflag:$0x1] =	stream.indirect_vreg.gather [hbm4b:s6+s11], $0x80, v4, vm0, $0xb8;
	[tilespmem:$0x10080] =	vst v63  }
0x1cd: {  	s20 =	simm.s32 $0x1880  }
0x1ce: {  	[tilespmem:s20], [sflag:$0x1] =	stream.indirect_vreg.gather [hbm4b:s7+s11], $0x80, v4, vm0, $0xb8;
	[tilespmem:$0x10080] =	vst v63  }
0x1cf: {  	s4 =	simm.s32 $0x2080  }
0x1d0: {  	[tilespmem:s4], [sflag:$0x1] =	stream.indirect_vreg.gather [hbm4b:s3+s11], $0x80, v3, vm0, $0xb8;
	[tilespmem:$0x10080] =	vst v63  }
0x1d1: {  	s12 =	simm.s32 $0x2880  }
0x1d2: {  	[tilespmem:s12], [sflag:$0x1] =	stream.indirect_vreg.gather [hbm4b:s5+s11], $0x80, v3, vm0, $0xb8;
	[tilespmem:$0x10080] =	vst v63  }
0x1d3: {  	s13 =	simm.s32 $0x3080  }
0x1d4: {  	[tilespmem:s13], [sflag:$0x1] =	stream.indirect_vreg.gather [hbm4b:s6+s11], $0x80, v3, vm0, $0xb8;
	[tilespmem:$0x10080] =	vst v63  }
0x1d5: {  	s14 =	simm.s32 $0x3880  }
0x1d6: {  	[tilespmem:s14], [sflag:$0x1] =	stream.indirect_vreg.gather [hbm4b:s7+s11], $0x80, v3, vm0, $0xb8;
	[tilespmem:$0x10080] =	vst v63  }
0x1d7: {  	v3 =	vld [tilespmem:$0x10];
	_ =	sdelay $0x4  }
0x1d8: {  	v61 =	vshll.u32 v3, $0x3  }
0x1d9: {  	v3 =	vand.u32 $0x7, v3;
	v4 =	vand.u32 $0xFFFFFFC0, v61  }
0x1da: {  	v3 =	vor.u32 v3, v4  }
0x1db: {  	v4 =	vperm.xlane v3, v0;
	_ =	sdelay $0x1  }
0x1dc: {  	v4 =	vadd.s32 v1, v4;
	_ =	sdelay $0x3  }
0x1dd: {  	s20 =	simm.s32 $0x4080  }
0x1de: {  	[tilespmem:s20], [sflag:$0x1] =	stream.indirect_vreg.gather [hbm4b:s3+s11], $0x80, v4, vm0, $0xb8;
	[tilespmem:$0x10080] =	vst v63  }
0x1df: {  	s4 =	simm.s32 $0x4880;
	v3 =	vperm.xlane v3, v2  }
0x1e0: {  	[tilespmem:s4], [sflag:$0x1] =	stream.indirect_vreg.gather [hbm4b:s5+s11], $0x80, v4, vm0, $0xb8;
	[tilespmem:$0x10080] =	vst v63  }
0x1e1: {  	s12 =	simm.s32 $0x5080;
	v3 =	vadd.s32 v1, v3  }
0x1e2: {  	[tilespmem:s12], [sflag:$0x1] =	stream.indirect_vreg.gather [hbm4b:s6+s11], $0x80, v4, vm0, $0xb8;
	[tilespmem:$0x10080] =	vst v63  }
0x1e3: {  	s13 =	simm.s32 $0x5880  }
0x1e4: {  	[tilespmem:s13], [sflag:$0x1] =	stream.indirect_vreg.gather [hbm4b:s7+s11], $0x80, v4, vm0, $0xb8;
	[tilespmem:$0x10080] =	vst v63  }
0x1e5: {  	s14 =	simm.s32 $0x6080  }
0x1e6: {  	[tilespmem:s14], [sflag:$0x1] =	stream.indirect_vreg.gather [hbm4b:s3+s11], $0x80, v3, vm0, $0xb8;
	[tilespmem:$0x10080] =	vst v63  }
0x1e7: {  	s20 =	simm.s32 $0x6880  }
0x1e8: {  	[tilespmem:s20], [sflag:$0x1] =	stream.indirect_vreg.gather [hbm4b:s5+s11], $0x80, v3, vm0, $0xb8;
	[tilespmem:$0x10080] =	vst v63  }
0x1e9: {  	s4 =	simm.s32 $0x7080  }
0x1ea: {  	[tilespmem:s4], [sflag:$0x1] =	stream.indirect_vreg.gather [hbm4b:s6+s11], $0x80, v3, vm0, $0xb8;
	[tilespmem:$0x10080] =	vst v63  }
0x1eb: {  	s12 =	simm.s32 $0x7880  }
0x1ec: {  	[tilespmem:s12], [sflag:$0x1] =	stream.indirect_vreg.gather [hbm4b:s7+s11], $0x80, v3, vm0, $0xb8;
	[tilespmem:$0x10080] =	vst v63  }
0x1ed: {  	_ =	swait.ge [sflag:s18], $0x8000  }
0x1ee: {  	[sflag:s18] =	ssyncset.done $0x0  }
0x1ef: {  	s13 =	rddreg [dreg:$0x8];
	[sflag:s18] =	ssyncadd.s32 $0xFFFF8000  }
0x1f0: {  	[tilespmem:s11], [sflag:$0x2] =	stream.linear.gather [hbm4b:s13+s11], $0x20, $0x38;
	[tilespmem:$0x10080] =	vst v63  }
0x1f1: {  	_ =	swait.ge [sflag:s16], $0x20  }
0x1f2: {  	[sflag:s16] =	ssyncset.done $0x0  }
0x1f3: {  	[sflag:s16] =	ssyncadd.s32 $0xFFFFFFE0  }
0x1f4: {  	v3 =	vld [tilespmem:$0x0];
	_ =	sdelay $0x4  }
0x1f5: {  	v62 =	vshll.u32 v3, $0x3  }
0x1f6: {  	v3 =	vand.u32 $0x7, v3;
	v4 =	vand.u32 $0xFFFFFFC0, v62  }
0x1f7: {  	v3 =	vor.u32 v3, v4  }
0x1f8: {  	v4 =	vperm.xlane v3, v0;
	_ =	sdelay $0x1  }
0x1f9: {  	v4 =	vadd.s32 v1, v4;
	_ =	sdelay $0x4  }
0x1fa: {  	[tilespmem:s19], [sflag:$0x1] =	stream.indirect_vreg.gather [hbm4b:s3+s11], $0x80, v4, vm0, $0xb8;
	[tilespmem:$0x10080] =	vst v63  }
0x1fb: {  	s14 =	simm.s32 $0x8880;
	v3 =	vperm.xlane v3, v2  }
0x1fc: {  	[tilespmem:s14], [sflag:$0x1] =	stream.indirect_vreg.gather [hbm4b:s5+s11], $0x80, v4, vm0, $0xb8;
	[tilespmem:$0x10080] =	vst v63  }
0x1fd: {  	s20 =	simm.s32 $0x9080;
	v3 =	vadd.s32 v1, v3  }
0x1fe: {  	[tilespmem:s20], [sflag:$0x1] =	stream.indirect_vreg.gather [hbm4b:s6+s11], $0x80, v4, vm0, $0xb8;
	[tilespmem:$0x10080] =	vst v63  }
0x1ff: {  	_ = 	snop  }
0x200: {  	[tilespmem:s21], [sflag:$0x1] =	stream.indirect_vreg.gather [hbm4b:s7+s11], $0x80, v4, vm0, $0xb8;
	[tilespmem:$0x10080] =	vst v63  }
0x201: {  	_ = 	snop  }
0x202: {  	[tilespmem:s22], [sflag:$0x1] =	stream.indirect_vreg.gather [hbm4b:s3+s11], $0x80, v3, vm0, $0xb8;
	[tilespmem:$0x10080] =	vst v63  }
0x203: {  	_ = 	snop  }
0x204: {  	[tilespmem:s23], [sflag:$0x1] =	stream.indirect_vreg.gather [hbm4b:s5+s11], $0x80, v3, vm0, $0xb8;
	[tilespmem:$0x10080] =	vst v63  }
0x205: {  	_ = 	snop  }
0x206: {  	[tilespmem:s24], [sflag:$0x1] =	stream.indirect_vreg.gather [hbm4b:s6+s11], $0x80, v3, vm0, $0xb8;
	[tilespmem:$0x10080] =	vst v63  }
0x207: {  	_ = 	snop  }
0x208: {  	[tilespmem:s25], [sflag:$0x1] =	stream.indirect_vreg.gather [hbm4b:s7+s11], $0x80, v3, vm0, $0xb8;
	[tilespmem:$0x10080] =	vst v63  }
0x209: {  	v3 =	vld [tilespmem:$0x10];
	_ =	sdelay $0x4  }
0x20a: {  	v63 =	vshll.u32 v3, $0x3  }
0x20b: {  	v3 =	vand.u32 $0x7, v3;
	v4 =	vand.u32 $0xFFFFFFC0, v63  }
0x20c: {  	v3 =	vor.u32 v3, v4  }
0x20d: {  	v4 =	vperm.xlane v3, v0;
	_ =	sdelay $0x1  }
0x20e: {  	v4 =	vadd.s32 v1, v4;
	_ =	sdelay $0x4  }
0x20f: {  	[tilespmem:s26], [sflag:$0x1] =	stream.indirect_vreg.gather [hbm4b:s3+s11], $0x80, v4, vm0, $0xb8;
	[tilespmem:$0x10080] =	vst v63  }
0x210: {  	v3 =	vperm.xlane v3, v2  }
0x211: {  	[tilespmem:s28], [sflag:$0x1] =	stream.indirect_vreg.gather [hbm4b:s5+s11], $0x80, v4, vm0, $0xb8;
	[tilespmem:$0x10080] =	vst v63  }
0x212: {  	v3 =	vadd.s32 v1, v3  }
0x213: {  	[tilespmem:s8], [sflag:$0x1] =	stream.indirect_vreg.gather [hbm4b:s6+s11], $0x80, v4, vm0, $0xb8;
	[tilespmem:$0x10080] =	vst v63  }
0x214: {  	_ = 	snop  }
0x215: {  	[tilespmem:s29], [sflag:$0x1] =	stream.indirect_vreg.gather [hbm4b:s7+s11], $0x80, v4, vm0, $0xb8;
	[tilespmem:$0x10080] =	vst v63  }
0x216: {  	_ = 	snop  }
0x217: {  	[tilespmem:s9], [sflag:$0x1] =	stream.indirect_vreg.gather [hbm4b:s3+s11], $0x80, v3, vm0, $0xb8;
	[tilespmem:$0x10080] =	vst v63  }
0x218: {  	_ = 	snop  }
0x219: {  	[tilespmem:s30], [sflag:$0x1] =	stream.indirect_vreg.gather [hbm4b:s5+s11], $0x80, v3, vm0, $0xb8;
	[tilespmem:$0x10080] =	vst v63  }
0x21a: {  	_ = 	snop  }
0x21b: {  	[tilespmem:s31], [sflag:$0x1] =	stream.indirect_vreg.gather [hbm4b:s6+s11], $0x80, v3, vm0, $0xb8;
	[tilespmem:$0x10080] =	vst v63  }
0x21c: {  	_ = 	snop  }
0x21d: {  	[tilespmem:s10], [sflag:$0x1] =	stream.indirect_vreg.gather [hbm4b:s7+s11], $0x80, v3, vm0, $0xb8;
	[tilespmem:$0x10080] =	vst v63  }
0x21e: {  	_ =	swait.ge [sflag:s18], $0x8000  }
0x21f: {  	s1 =	simm.s32 $0xFFFF8000;
	[sflag:s18] =	ssyncset.done $0x0  }
0x220: {  	s12 =	simm.s32 $0x0;
	s13 =	simm.s32 $0x0;
	[sflag:s18] =	ssyncadd.s32 $0xFFFF8000  }
.LBB2_6:
0x221: {  	s4 =	sadd.s32 $0x8000, s1  }
0x222: {  	s14 =	sand.u32 $0x380, s13;
	s4 =	sand.u32 $0x6000, s4  }
0x223: {  	s20 =	sor.u32 s14, s4  }
0x224: {  	v3 =	vld [tilespmem:s20+$0x80]  }
0x225: {  	v4 =	vld [tilespmem:s20+$0x8080]  }
0x226: {  	v5 =	vld [tilespmem:s20+$0x90]  }
0x227: {  	v6 =	vld [tilespmem:s20+$0x8090]  }
0x228: {  	v7 =	vld [tilespmem:s20+$0xA0]  }
0x229: {  	v8 =	vld [tilespmem:s20+$0x80A0]  }
0x22a: {  	v9 =	vld [tilespmem:s20+$0xB0]  }
0x22b: {  	v10 =	vld [tilespmem:s20+$0x80B0]  }
0x22c: {  	v11 =	vld [tilespmem:s20+$0xC0]  }
0x22d: {  	v12 =	vld [tilespmem:s20+$0x80C0]  }
0x22e: {  	v13 =	vld [tilespmem:s20+$0xD0]  }
0x22f: {  	v14 =	vld [tilespmem:s20+$0x80D0]  }
0x230: {  	v15 =	vld [tilespmem:s20+$0xE0]  }
0x231: {  	v16 =	vld [tilespmem:s20+$0x80E0]  }
0x232: {  	v17 =	vld [tilespmem:s20+$0xF0]  }
0x233: {  	v18 =	vld [tilespmem:s20+$0x80F0]  }
0x234: {  	v19 =	vld [tilespmem:s20+$0x480]  }
0x235: {  	v20 =	vld [tilespmem:s20+$0x8480]  }
0x236: {  	v21 =	vld [tilespmem:s20+$0x490]  }
0x237: {  	v22 =	vld [tilespmem:s20+$0x8490]  }
0x238: {  	v23 =	vld [tilespmem:s20+$0x4A0]  }
0x239: {  	v24 =	vld [tilespmem:s20+$0x84A0]  }
0x23a: {  	v25 =	vld [tilespmem:s20+$0x4B0]  }
0x23b: {  	v26 =	vld [tilespmem:s20+$0x84B0]  }
0x23c: {  	v27 =	vld [tilespmem:s20+$0x4C0]  }
0x23d: {  	v28 =	vld [tilespmem:s20+$0x84C0]  }
0x23e: {  	v29 =	vld [tilespmem:s20+$0x4D0]  }
0x23f: {  	v30 =	vld [tilespmem:s20+$0x84D0]  }
0x240: {  	v31 =	vld [tilespmem:s20+$0x4E0]  }
0x241: {  	v32 =	vld [tilespmem:s20+$0x84E0]  }
0x242: {  	v33 =	vld [tilespmem:s20+$0x4F0]  }
0x243: {  	v34 =	vld [tilespmem:s20+$0x84F0]  }
0x244: {  	v35 =	vld [tilespmem:s20+$0x880]  }
0x245: {  	v36 =	vld [tilespmem:s20+$0x8880]  }
0x246: {  	v37 =	vld [tilespmem:s20+$0x890]  }
0x247: {  	v38 =	vld [tilespmem:s20+$0x8890]  }
0x248: {  	v39 =	vld [tilespmem:s20+$0x8A0]  }
0x249: {  	v40 =	vld [tilespmem:s20+$0x88A0]  }
0x24a: {  	v41 =	vld [tilespmem:s20+$0x8B0]  }
0x24b: {  	v42 =	vld [tilespmem:s20+$0x88B0]  }
0x24c: {  	v43 =	vld [tilespmem:s20+$0x8C0]  }
0x24d: {  	v44 =	vld [tilespmem:s20+$0x88C0]  }
0x24e: {  	v45 =	vld [tilespmem:s20+$0x8D0]  }
0x24f: {  	v46 =	vld [tilespmem:s20+$0x88D0]  }
0x250: {  	v47 =	vld [tilespmem:s20+$0x8E0]  }
0x251: {  	v48 =	vld [tilespmem:s20+$0x88E0]  }
0x252: {  	v49 =	vld [tilespmem:s20+$0x8F0]  }
0x253: {  	v50 =	vld [tilespmem:s20+$0x88F0]  }
0x254: {  	v51 =	vld [tilespmem:s20+$0xC80]  }
0x255: {  	v52 =	vld [tilespmem:s20+$0x8C80]  }
0x256: {  	v53 =	vld [tilespmem:s20+$0xC90]  }
0x257: {  	v54 =	vld [tilespmem:s20+$0x8C90]  }
0x258: {  	v55 =	vld [tilespmem:s20+$0xCA0]  }
0x259: {  	v56 =	vld [tilespmem:s20+$0x8CA0]  }
0x25a: {  	v57 =	vld [tilespmem:s20+$0xCB0]  }
0x25b: {  	v58 =	vld [tilespmem:s20+$0x8CB0]  }
0x25c: {  	v59 =	vld [tilespmem:s20+$0xCC0]  }
0x25d: {  	v60 =	vld [tilespmem:s20+$0x8CC0]  }
0x25e: {  	v61 =	vld [tilespmem:s20+$0xCD0]  }
0x25f: {  	v62 =	vld [tilespmem:s20+$0x8CD0]  }
0x260: {  	v63 =	vld [tilespmem:s20+$0xCE0]  }
0x261: {  	v3 =	vadd.f32 v4, v3;
	v4 =	vld [tilespmem:s20+$0x8CE0]  }
0x262: {  	v5 =	vadd.f32 v6, v5;
	v6 =	vld [tilespmem:s20+$0xCF0]  }
0x263: {  	v14 =	vadd.f32 v14, v13;
	v13 =	vld [tilespmem:s20+$0x90A0];
	[tilespmem:s20+$0x80] =	vst v3;
	v3 =	vadd.f32 v8, v7  }
0x264: {  	v18 =	vadd.f32 v18, v17;
	v17 =	vld [tilespmem:s20+$0x90C0];
	[tilespmem:s20+$0x90] =	vst v5  }
0x265: {  	v22 =	vadd.f32 v22, v21;
	v21 =	vld [tilespmem:s20+$0x90E0];
	[tilespmem:s20+$0xA0] =	vst v3;
	v3 =	vadd.f32 v12, v11  }
0x266: {  	v7 =	vld [tilespmem:s20+$0x8CF0];
	[tilespmem:s20+$0xD0] =	vst v14  }
0x267: {  	v8 =	vld [tilespmem:s20+$0x1080];
	[tilespmem:s20+$0xC0] =	vst v3;
	v3 =	vadd.f32 v16, v15  }
0x268: {  	v5 =	vadd.f32 v10, v9;
	v9 =	vld [tilespmem:s20+$0x9080];
	[tilespmem:s20+$0xF0] =	vst v18  }
0x269: {  	v10 =	vld [tilespmem:s20+$0x1090];
	[tilespmem:s20+$0xE0] =	vst v3;
	v3 =	vadd.f32 v20, v19  }
0x26a: {  	v26 =	vadd.f32 v26, v25;
	v14 =	vld [tilespmem:s20+$0x10B0];
	[tilespmem:s20+$0x490] =	vst v22  }
0x26b: {  	v18 =	vld [tilespmem:s20+$0x10D0];
	[tilespmem:s20+$0x480] =	vst v3;
	v3 =	vadd.f32 v24, v23  }
0x26c: {  	v30 =	vadd.f32 v30, v29;
	[tilespmem:s20+$0x4B0] =	vst v26;
	v22 =	vld [tilespmem:s20+$0x10F0]  }
0x26d: {  	v19 =	vld [tilespmem:s20+$0x90D0];
	[tilespmem:s20+$0x4A0] =	vst v3;
	v3 =	vadd.f32 v28, v27  }
0x26e: {  	v34 =	vadd.f32 v34, v33;
	[tilespmem:s20+$0x4D0] =	vst v30;
	v11 =	vld [tilespmem:s20+$0x9090]  }
0x26f: {  	v12 =	vld [tilespmem:s20+$0x10A0];
	[tilespmem:s20+$0x4C0] =	vst v3;
	v3 =	vadd.f32 v32, v31  }
0x270: {  	[tilespmem:s20+$0x4F0] =	vst v34;
	v15 =	vld [tilespmem:s20+$0x90B0]  }
0x271: {  	v16 =	vld [tilespmem:s20+$0x10C0];
	[tilespmem:s20+$0x4E0] =	vst v3;
	v3 =	vadd.f32 v36, v35  }
0x272: {  	[tilespmem:s20+$0xB0] =	vst v5;
	v20 =	vld [tilespmem:s20+$0x10E0];
	v19 =	vadd.f32 v19, v18  }
0x273: {  	v24 =	vld [tilespmem:s20+$0x1480];
	[tilespmem:s20+$0x880] =	vst v3;
	v3 =	vadd.f32 v40, v39  }
0x274: {  	[tilespmem:s20+$0x10D0] =	vst v19;
	v36 =	vadd.f32 v38, v37;
	v37 =	vld [tilespmem:s20+$0x90F0]  }
0x275: {  	v38 =	vadd.f32 v42, v41;
	v41 =	vld [tilespmem:s20+$0x1490];
	[tilespmem:s20+$0x8A0] =	vst v3;
	v3 =	vadd.f32 v44, v43  }
0x276: {  	v42 =	vld [tilespmem:s20+$0x9490];
	[tilespmem:s20+$0x890] =	vst v36  }
0x277: {  	v35 =	vld [tilespmem:s20+$0x1890];
	[tilespmem:s20+$0x8C0] =	vst v3;
	v3 =	vadd.f32 v48, v47  }
0x278: {  	v39 =	vld [tilespmem:s20+$0x9480];
	[tilespmem:s20+$0x8B0] =	vst v38;
	v40 =	vadd.f32 v46, v45  }
0x279: {  	v45 =	vld [tilespmem:s20+$0x94A0];
	[tilespmem:s20+$0x8E0] =	vst v3;
	v3 =	vadd.f32 v52, v51  }
0x27a: {  	v46 =	vadd.f32 v54, v53;
	v53 =	vld [tilespmem:s20+$0x14D0];
	[tilespmem:s20+$0x8D0] =	vst v40  }
0x27b: {  	v54 =	vld [tilespmem:s20+$0x94D0];
	[tilespmem:s20+$0xC80] =	vst v3;
	v3 =	vadd.f32 v56, v55  }
0x27c: {  	v36 =	vld [tilespmem:s20+$0x9890];
	v43 =	vadd.f32 v50, v49;
	[tilespmem:s20+$0xC90] =	vst v46  }
0x27d: {  	v38 =	vld [tilespmem:s20+$0x18A0];
	[tilespmem:s20+$0xCA0] =	vst v3;
	v3 =	vadd.f32 v60, v59  }
0x27e: {  	v44 =	vld [tilespmem:s20+$0x14A0];
	v49 =	vadd.f32 v58, v57;
	[tilespmem:s20+$0x8F0] =	vst v43  }
0x27f: {  	v50 =	vld [tilespmem:s20+$0x14C0];
	[tilespmem:s20+$0xCC0] =	vst v3;
	v3 =	vadd.f32 v4, v63  }
0x280: {  	v57 =	vld [tilespmem:s20+$0x94E0];
	v58 =	vadd.f32 v11, v10;
	[tilespmem:s20+$0xCB0] =	vst v49  }
0x281: {  	v46 =	vld [tilespmem:s20+$0x98D0];
	[tilespmem:s20+$0xCE0] =	vst v3;
	v3 =	vadd.f32 v9, v8  }
0x282: {  	v37 =	vadd.f32 v37, v22;
	v40 =	vadd.f32 v42, v41;
	v41 =	vld [tilespmem:s20+$0x18B0];
	[tilespmem:s20+$0x1090] =	vst v58  }
0x283: {  	v42 =	vld [tilespmem:s20+$0x98B0];
	[tilespmem:s20+$0x1080] =	vst v3;
	v3 =	vadd.f32 v13, v12  }
0x284: {  	v47 =	vld [tilespmem:s20+$0x14B0];
	[tilespmem:s20+$0x10F0] =	vst v37  }
0x285: {  	v48 =	vld [tilespmem:s20+$0x94B0];
	[tilespmem:s20+$0x10A0] =	vst v3;
	v3 =	vadd.f32 v17, v16  }
0x286: {  	v49 =	vld [tilespmem:s20+$0x98E0];
	[tilespmem:s20+$0x1490] =	vst v40;
	v52 =	vadd.f32 v62, v61  }
0x287: {  	v51 =	vld [tilespmem:s20+$0x94C0];
	[tilespmem:s20+$0x10C0] =	vst v3;
	v3 =	vadd.f32 v21, v20  }
0x288: {  	v61 =	vadd.f32 v15, v14;
	v62 =	vld [tilespmem:s20+$0x1880];
	[tilespmem:s20+$0xCD0] =	vst v52  }
0x289: {  	v56 =	vld [tilespmem:s20+$0x14E0];
	[tilespmem:s20+$0x10E0] =	vst v3;
	v3 =	vadd.f32 v39, v24  }
0x28a: {  	v55 =	vadd.f32 v7, v6;
	[tilespmem:s20+$0x10B0] =	vst v61;
	v52 =	vld [tilespmem:s20+$0x98F0]  }
0x28b: {  	v43 =	vadd.f32 v48, v47;
	v47 =	vld [tilespmem:s20+$0x18E0];
	[tilespmem:s20+$0x1480] =	vst v3;
	v3 =	vadd.f32 v45, v44  }
0x28c: {  	[tilespmem:s20+$0xCF0] =	vst v55;
	v63 =	vld [tilespmem:s20+$0x9880]  }
0x28d: {  	v59 =	vld [tilespmem:s20+$0x14F0];
	[tilespmem:s20+$0x14A0] =	vst v3;
	v3 =	vadd.f32 v51, v50  }
0x28e: {  	[tilespmem:s20+$0x14B0] =	vst v43;
	v4 =	vadd.f32 v54, v53;
	v39 =	vld [tilespmem:s20+$0x98A0]  }
0x28f: {  	v60 =	vld [tilespmem:s20+$0x94F0];
	[tilespmem:s20+$0x14C0] =	vst v3;
	v3 =	vadd.f32 v57, v56  }
0x290: {  	v54 =	vadd.f32 v42, v41;
	[tilespmem:s20+$0x14D0] =	vst v4;
	v45 =	vld [tilespmem:s20+$0x18D0]  }
0x291: {  	v53 =	vld [tilespmem:s20+$0x98C0];
	[tilespmem:s20+$0x14E0] =	vst v3;
	v3 =	vadd.f32 v63, v62  }
0x292: {  	[tilespmem:s20+$0x18B0] =	vst v54;
	v55 =	vadd.f32 v49, v47;
	v50 =	vld [tilespmem:s20+$0x18F0]  }
0x293: {  	v44 =	vld [tilespmem:s20+$0x18C0];
	[tilespmem:s20+$0x1880] =	vst v3;
	v3 =	vadd.f32 v39, v38  }
0x294: {  	v48 =	vadd.f32 v60, v59;
	[tilespmem:s20+$0x18E0] =	vst v55  }
0x295: {  	[tilespmem:s20+$0x18A0] =	vst v3;
	v3 =	vadd.f32 v46, v45  }
0x296: {  	s14 =	sand.u32 $0x7, s11;
	[tilespmem:s20+$0x14F0] =	vst v48;
	v51 =	vadd.f32 v36, v35  }
0x297: {  	s4 =	sshll.u32 s14, $0x7;
	[tilespmem:s20+$0x18D0] =	vst v3;
	v3 =	vadd.f32 v52, v50  }
0x298: {  	s4 =	sadd.s32 s4, s12;
	[tilespmem:s20+$0x1890] =	vst v51;
	v56 =	vadd.f32 v53, v44  }
0x299: {  	s14 =	sor.u32 $0x1C00, s4;
	[tilespmem:s20+$0x18F0] =	vst v3  }
0x29a: {  	[tilespmem:s20+$0x18C0] =	vst v56;
	v3 =	vld [tilespmem:s14+$0x80]  }
0x29b: {  	v4 =	vld [tilespmem:s14+$0x8080];
	_ =	sdelay $0x4  }
0x29c: {  	v3 =	vadd.f32 v4, v3;
	_ =	sdelay $0x1  }
0x29d: {  	s20 =	sor.u32 $0x1C10, s4;
	[tilespmem:s14+$0x80] =	vst v3  }
0x29e: {  	v3 =	vld [tilespmem:s20+$0x80]  }
0x29f: {  	v57 =	vld [tilespmem:s20+$0x8080];
	_ =	sdelay $0x4  }
0x2a0: {  	v3 =	vadd.f32 v57, v3;
	_ =	sdelay $0x1  }
0x2a1: {  	[tilespmem:s20+$0x80] =	vst v3;
	s20 =	sor.u32 $0x1C20, s4  }
0x2a2: {  	v3 =	vld [tilespmem:s20+$0x80]  }
0x2a3: {  	v58 =	vld [tilespmem:s20+$0x8080];
	_ =	sdelay $0x4  }
0x2a4: {  	v3 =	vadd.f32 v58, v3;
	_ =	sdelay $0x1  }
0x2a5: {  	[tilespmem:s20+$0x80] =	vst v3;
	s20 =	sor.u32 $0x1C30, s4  }
0x2a6: {  	v3 =	vld [tilespmem:s20+$0x80]  }
0x2a7: {  	v59 =	vld [tilespmem:s20+$0x8080];
	_ =	sdelay $0x4  }
0x2a8: {  	v3 =	vadd.f32 v59, v3;
	_ =	sdelay $0x1  }
0x2a9: {  	[tilespmem:s20+$0x80] =	vst v3;
	s20 =	sor.u32 $0x1C40, s4  }
0x2aa: {  	v3 =	vld [tilespmem:s20+$0x80]  }
0x2ab: {  	v60 =	vld [tilespmem:s20+$0x8080];
	_ =	sdelay $0x4  }
0x2ac: {  	v3 =	vadd.f32 v60, v3;
	_ =	sdelay $0x1  }
0x2ad: {  	[tilespmem:s20+$0x80] =	vst v3;
	s20 =	sor.u32 $0x1C50, s4  }
0x2ae: {  	v3 =	vld [tilespmem:s20+$0x80]  }
0x2af: {  	v61 =	vld [tilespmem:s20+$0x8080];
	_ =	sdelay $0x4  }
0x2b0: {  	v3 =	vadd.f32 v61, v3;
	_ =	sdelay $0x1  }
0x2b1: {  	[tilespmem:s20+$0x80] =	vst v3;
	s20 =	sor.u32 $0x1C60, s4  }
0x2b2: {  	v3 =	vld [tilespmem:s20+$0x80]  }
0x2b3: {  	v62 =	vld [tilespmem:s20+$0x8080];
	_ =	sdelay $0x4  }
0x2b4: {  	v3 =	vadd.f32 v62, v3;
	_ =	sdelay $0x1  }
0x2b5: {  	s4 =	sor.u32 $0x1C70, s4;
	[tilespmem:s20+$0x80] =	vst v3  }
0x2b6: {  	v3 =	vld [tilespmem:s4+$0x80]  }
0x2b7: {  	v63 =	vld [tilespmem:s4+$0x8080];
	_ =	sdelay $0x1  }
0x2b8: {  	p0 =	sne.s32 s13, $0xF80  }
.Ltmp2:
0x2b9: {  	_ = 	snop;
	(pc) =	sbr.rel @p0 .LBB2_6-.Ltmp2, $4  }
0x2ba: {  	_ = 	snop  }
0x2bb: {  	v3 =	vadd.f32 v63, v3  }
0x2bc: {  	s1 =	sadd.s32 $0x400, s1  }
0x2bd: {  	s13 =	sadd.s32 $0x80, s13;
	s11 =	sadd.s32 $0x1, s11;
	s12 =	sadd.s32 $0x400, s12;
	[tilespmem:s4+$0x80] =	vst v3  }
0x2be: {  	s11 =	simm.s32 $0x0;
	s1 =	rddreg [dreg:$0x9]  }
0x2bf: {  	[tilespmem:s19], [sflag:$0x2] =	stream.linear.gather [hbm4b:s1+s11], $0x8000, $0x38;
	[tilespmem:$0x10080] =	vst v63  }
0x2c0: {  	_ =	swait.ge [sflag:s16], $0x8000  }
0x2c1: {  	s12 =	simm.s32 $0x0;
	[sflag:s16] =	ssyncset.done $0x0  }
0x2c2: {  	s13 =	simm.s32 $0x0;
	s1 =	simm.s32 $0xFFFF8000;
	[sflag:s16] =	ssyncadd.s32 $0xFFFF8000  }
.LBB2_8:
0x2c3: {  	s4 =	sadd.s32 $0x8000, s1  }
0x2c4: {  	s14 =	sand.u32 $0x380, s13;
	s4 =	sand.u32 $0x6000, s4  }
0x2c5: {  	s20 =	sor.u32 s14, s4  }
0x2c6: {  	v3 =	vld [tilespmem:s20+$0x80]  }
0x2c7: {  	v4 =	vld [tilespmem:s20+$0x8080]  }
0x2c8: {  	v5 =	vld [tilespmem:s20+$0x90]  }
0x2c9: {  	v6 =	vld [tilespmem:s20+$0x8090]  }
0x2ca: {  	v7 =	vld [tilespmem:s20+$0xA0]  }
0x2cb: {  	v8 =	vld [tilespmem:s20+$0x80A0]  }
0x2cc: {  	v9 =	vld [tilespmem:s20+$0xB0]  }
0x2cd: {  	v10 =	vld [tilespmem:s20+$0x80B0]  }
0x2ce: {  	v11 =	vld [tilespmem:s20+$0xC0]  }
0x2cf: {  	v12 =	vld [tilespmem:s20+$0x80C0]  }
0x2d0: {  	v13 =	vld [tilespmem:s20+$0xD0]  }
0x2d1: {  	v14 =	vld [tilespmem:s20+$0x80D0]  }
0x2d2: {  	v15 =	vld [tilespmem:s20+$0xE0]  }
0x2d3: {  	v16 =	vld [tilespmem:s20+$0x80E0]  }
0x2d4: {  	v17 =	vld [tilespmem:s20+$0xF0]  }
0x2d5: {  	v18 =	vld [tilespmem:s20+$0x80F0]  }
0x2d6: {  	v19 =	vld [tilespmem:s20+$0x480]  }
0x2d7: {  	v20 =	vld [tilespmem:s20+$0x8480]  }
0x2d8: {  	v21 =	vld [tilespmem:s20+$0x490]  }
0x2d9: {  	v22 =	vld [tilespmem:s20+$0x8490]  }
0x2da: {  	v23 =	vld [tilespmem:s20+$0x4A0]  }
0x2db: {  	v24 =	vld [tilespmem:s20+$0x84A0]  }
0x2dc: {  	v25 =	vld [tilespmem:s20+$0x4B0]  }
0x2dd: {  	v26 =	vld [tilespmem:s20+$0x84B0]  }
0x2de: {  	v27 =	vld [tilespmem:s20+$0x4C0]  }
0x2df: {  	v28 =	vld [tilespmem:s20+$0x84C0]  }
0x2e0: {  	v29 =	vld [tilespmem:s20+$0x4D0]  }
0x2e1: {  	v30 =	vld [tilespmem:s20+$0x84D0]  }
0x2e2: {  	v31 =	vld [tilespmem:s20+$0x4E0]  }
0x2e3: {  	v32 =	vld [tilespmem:s20+$0x84E0]  }
0x2e4: {  	v33 =	vld [tilespmem:s20+$0x4F0]  }
0x2e5: {  	v34 =	vld [tilespmem:s20+$0x84F0]  }
0x2e6: {  	v35 =	vld [tilespmem:s20+$0x880]  }
0x2e7: {  	v36 =	vld [tilespmem:s20+$0x8880]  }
0x2e8: {  	v37 =	vld [tilespmem:s20+$0x890]  }
0x2e9: {  	v38 =	vld [tilespmem:s20+$0x8890]  }
0x2ea: {  	v39 =	vld [tilespmem:s20+$0x8A0]  }
0x2eb: {  	v40 =	vld [tilespmem:s20+$0x88A0]  }
0x2ec: {  	v41 =	vld [tilespmem:s20+$0x8B0]  }
0x2ed: {  	v42 =	vld [tilespmem:s20+$0x88B0]  }
0x2ee: {  	v43 =	vld [tilespmem:s20+$0x8C0]  }
0x2ef: {  	v44 =	vld [tilespmem:s20+$0x88C0]  }
0x2f0: {  	v45 =	vld [tilespmem:s20+$0x8D0]  }
0x2f1: {  	v46 =	vld [tilespmem:s20+$0x88D0]  }
0x2f2: {  	v47 =	vld [tilespmem:s20+$0x8E0]  }
0x2f3: {  	v48 =	vld [tilespmem:s20+$0x88E0]  }
0x2f4: {  	v49 =	vld [tilespmem:s20+$0x8F0]  }
0x2f5: {  	v50 =	vld [tilespmem:s20+$0x88F0]  }
0x2f6: {  	v51 =	vld [tilespmem:s20+$0xC80]  }
0x2f7: {  	v52 =	vld [tilespmem:s20+$0x8C80]  }
0x2f8: {  	v53 =	vld [tilespmem:s20+$0xC90]  }
0x2f9: {  	v54 =	vld [tilespmem:s20+$0x8C90]  }
0x2fa: {  	v55 =	vld [tilespmem:s20+$0xCA0]  }
0x2fb: {  	v56 =	vld [tilespmem:s20+$0x8CA0]  }
0x2fc: {  	v57 =	vld [tilespmem:s20+$0xCB0]  }
0x2fd: {  	v58 =	vld [tilespmem:s20+$0x8CB0]  }
0x2fe: {  	v59 =	vld [tilespmem:s20+$0xCC0]  }
0x2ff: {  	v60 =	vld [tilespmem:s20+$0x8CC0]  }
0x300: {  	v61 =	vld [tilespmem:s20+$0xCD0]  }
0x301: {  	v62 =	vld [tilespmem:s20+$0x8CD0]  }
0x302: {  	v63 =	vld [tilespmem:s20+$0xCE0]  }
0x303: {  	v3 =	vadd.f32 v4, v3;
	v4 =	vld [tilespmem:s20+$0x8CE0]  }
0x304: {  	v5 =	vadd.f32 v6, v5;
	v6 =	vld [tilespmem:s20+$0xCF0]  }
0x305: {  	v14 =	vadd.f32 v14, v13;
	v13 =	vld [tilespmem:s20+$0x90A0];
	[tilespmem:s20+$0x80] =	vst v3;
	v3 =	vadd.f32 v8, v7  }
0x306: {  	v18 =	vadd.f32 v18, v17;
	v17 =	vld [tilespmem:s20+$0x90C0];
	[tilespmem:s20+$0x90] =	vst v5  }
0x307: {  	v22 =	vadd.f32 v22, v21;
	v21 =	vld [tilespmem:s20+$0x90E0];
	[tilespmem:s20+$0xA0] =	vst v3;
	v3 =	vadd.f32 v12, v11  }
0x308: {  	v7 =	vld [tilespmem:s20+$0x8CF0];
	[tilespmem:s20+$0xD0] =	vst v14  }
0x309: {  	v8 =	vld [tilespmem:s20+$0x1080];
	[tilespmem:s20+$0xC0] =	vst v3;
	v3 =	vadd.f32 v16, v15  }
0x30a: {  	v5 =	vadd.f32 v10, v9;
	v9 =	vld [tilespmem:s20+$0x9080];
	[tilespmem:s20+$0xF0] =	vst v18  }
0x30b: {  	v10 =	vld [tilespmem:s20+$0x1090];
	[tilespmem:s20+$0xE0] =	vst v3;
	v3 =	vadd.f32 v20, v19  }
0x30c: {  	v26 =	vadd.f32 v26, v25;
	v14 =	vld [tilespmem:s20+$0x10B0];
	[tilespmem:s20+$0x490] =	vst v22  }
0x30d: {  	v18 =	vld [tilespmem:s20+$0x10D0];
	[tilespmem:s20+$0x480] =	vst v3;
	v3 =	vadd.f32 v24, v23  }
0x30e: {  	v30 =	vadd.f32 v30, v29;
	[tilespmem:s20+$0x4B0] =	vst v26;
	v22 =	vld [tilespmem:s20+$0x10F0]  }
0x30f: {  	v19 =	vld [tilespmem:s20+$0x90D0];
	[tilespmem:s20+$0x4A0] =	vst v3;
	v3 =	vadd.f32 v28, v27  }
0x310: {  	v34 =	vadd.f32 v34, v33;
	[tilespmem:s20+$0x4D0] =	vst v30;
	v11 =	vld [tilespmem:s20+$0x9090]  }
0x311: {  	v12 =	vld [tilespmem:s20+$0x10A0];
	[tilespmem:s20+$0x4C0] =	vst v3;
	v3 =	vadd.f32 v32, v31  }
0x312: {  	[tilespmem:s20+$0x4F0] =	vst v34;
	v15 =	vld [tilespmem:s20+$0x90B0]  }
0x313: {  	v16 =	vld [tilespmem:s20+$0x10C0];
	[tilespmem:s20+$0x4E0] =	vst v3;
	v3 =	vadd.f32 v36, v35  }
0x314: {  	[tilespmem:s20+$0xB0] =	vst v5;
	v20 =	vld [tilespmem:s20+$0x10E0];
	v19 =	vadd.f32 v19, v18  }
0x315: {  	v24 =	vld [tilespmem:s20+$0x1480];
	[tilespmem:s20+$0x880] =	vst v3;
	v3 =	vadd.f32 v40, v39  }
0x316: {  	[tilespmem:s20+$0x10D0] =	vst v19;
	v36 =	vadd.f32 v38, v37;
	v37 =	vld [tilespmem:s20+$0x90F0]  }
0x317: {  	v38 =	vadd.f32 v42, v41;
	v41 =	vld [tilespmem:s20+$0x1490];
	[tilespmem:s20+$0x8A0] =	vst v3;
	v3 =	vadd.f32 v44, v43  }
0x318: {  	v42 =	vld [tilespmem:s20+$0x9490];
	[tilespmem:s20+$0x890] =	vst v36  }
0x319: {  	v35 =	vld [tilespmem:s20+$0x1890];
	[tilespmem:s20+$0x8C0] =	vst v3;
	v3 =	vadd.f32 v48, v47  }
0x31a: {  	v39 =	vld [tilespmem:s20+$0x9480];
	[tilespmem:s20+$0x8B0] =	vst v38;
	v40 =	vadd.f32 v46, v45  }
0x31b: {  	v45 =	vld [tilespmem:s20+$0x94A0];
	[tilespmem:s20+$0x8E0] =	vst v3;
	v3 =	vadd.f32 v52, v51  }
0x31c: {  	v46 =	vadd.f32 v54, v53;
	v53 =	vld [tilespmem:s20+$0x14D0];
	[tilespmem:s20+$0x8D0] =	vst v40  }
0x31d: {  	v54 =	vld [tilespmem:s20+$0x94D0];
	[tilespmem:s20+$0xC80] =	vst v3;
	v3 =	vadd.f32 v56, v55  }
0x31e: {  	v36 =	vld [tilespmem:s20+$0x9890];
	v43 =	vadd.f32 v50, v49;
	[tilespmem:s20+$0xC90] =	vst v46  }
0x31f: {  	v38 =	vld [tilespmem:s20+$0x18A0];
	[tilespmem:s20+$0xCA0] =	vst v3;
	v3 =	vadd.f32 v60, v59  }
0x320: {  	v44 =	vld [tilespmem:s20+$0x14A0];
	v49 =	vadd.f32 v58, v57;
	[tilespmem:s20+$0x8F0] =	vst v43  }
0x321: {  	v50 =	vld [tilespmem:s20+$0x14C0];
	[tilespmem:s20+$0xCC0] =	vst v3;
	v3 =	vadd.f32 v4, v63  }
0x322: {  	v57 =	vld [tilespmem:s20+$0x94E0];
	v58 =	vadd.f32 v11, v10;
	[tilespmem:s20+$0xCB0] =	vst v49  }
0x323: {  	v46 =	vld [tilespmem:s20+$0x98D0];
	[tilespmem:s20+$0xCE0] =	vst v3;
	v3 =	vadd.f32 v9, v8  }
0x324: {  	v37 =	vadd.f32 v37, v22;
	v40 =	vadd.f32 v42, v41;
	v41 =	vld [tilespmem:s20+$0x18B0];
	[tilespmem:s20+$0x1090] =	vst v58  }
0x325: {  	v42 =	vld [tilespmem:s20+$0x98B0];
	[tilespmem:s20+$0x1080] =	vst v3;
	v3 =	vadd.f32 v13, v12  }
0x326: {  	v47 =	vld [tilespmem:s20+$0x14B0];
	[tilespmem:s20+$0x10F0] =	vst v37  }
0x327: {  	v48 =	vld [tilespmem:s20+$0x94B0];
	[tilespmem:s20+$0x10A0] =	vst v3;
	v3 =	vadd.f32 v17, v16  }
0x328: {  	v49 =	vld [tilespmem:s20+$0x98E0];
	[tilespmem:s20+$0x1490] =	vst v40;
	v52 =	vadd.f32 v62, v61  }
0x329: {  	v51 =	vld [tilespmem:s20+$0x94C0];
	[tilespmem:s20+$0x10C0] =	vst v3;
	v3 =	vadd.f32 v21, v20  }
0x32a: {  	v61 =	vadd.f32 v15, v14;
	v62 =	vld [tilespmem:s20+$0x1880];
	[tilespmem:s20+$0xCD0] =	vst v52  }
0x32b: {  	v56 =	vld [tilespmem:s20+$0x14E0];
	[tilespmem:s20+$0x10E0] =	vst v3;
	v3 =	vadd.f32 v39, v24  }
0x32c: {  	v55 =	vadd.f32 v7, v6;
	[tilespmem:s20+$0x10B0] =	vst v61;
	v52 =	vld [tilespmem:s20+$0x98F0]  }
0x32d: {  	v43 =	vadd.f32 v48, v47;
	v47 =	vld [tilespmem:s20+$0x18E0];
	[tilespmem:s20+$0x1480] =	vst v3;
	v3 =	vadd.f32 v45, v44  }
0x32e: {  	[tilespmem:s20+$0xCF0] =	vst v55;
	v63 =	vld [tilespmem:s20+$0x9880]  }
0x32f: {  	v59 =	vld [tilespmem:s20+$0x14F0];
	[tilespmem:s20+$0x14A0] =	vst v3;
	v3 =	vadd.f32 v51, v50  }
0x330: {  	[tilespmem:s20+$0x14B0] =	vst v43;
	v4 =	vadd.f32 v54, v53;
	v39 =	vld [tilespmem:s20+$0x98A0]  }
0x331: {  	v60 =	vld [tilespmem:s20+$0x94F0];
	[tilespmem:s20+$0x14C0] =	vst v3;
	v3 =	vadd.f32 v57, v56  }
0x332: {  	v54 =	vadd.f32 v42, v41;
	[tilespmem:s20+$0x14D0] =	vst v4;
	v45 =	vld [tilespmem:s20+$0x18D0]  }
0x333: {  	v53 =	vld [tilespmem:s20+$0x98C0];
	[tilespmem:s20+$0x14E0] =	vst v3;
	v3 =	vadd.f32 v63, v62  }
0x334: {  	[tilespmem:s20+$0x18B0] =	vst v54;
	v55 =	vadd.f32 v49, v47;
	v50 =	vld [tilespmem:s20+$0x18F0]  }
0x335: {  	v44 =	vld [tilespmem:s20+$0x18C0];
	[tilespmem:s20+$0x1880] =	vst v3;
	v3 =	vadd.f32 v39, v38  }
0x336: {  	v48 =	vadd.f32 v60, v59;
	[tilespmem:s20+$0x18E0] =	vst v55  }
0x337: {  	[tilespmem:s20+$0x18A0] =	vst v3;
	v3 =	vadd.f32 v46, v45  }
0x338: {  	s14 =	sand.u32 $0x7, s11;
	[tilespmem:s20+$0x14F0] =	vst v48;
	v51 =	vadd.f32 v36, v35  }
0x339: {  	s4 =	sshll.u32 s14, $0x7;
	[tilespmem:s20+$0x18D0] =	vst v3;
	v3 =	vadd.f32 v52, v50  }
0x33a: {  	s4 =	sadd.s32 s4, s12;
	[tilespmem:s20+$0x1890] =	vst v51;
	v56 =	vadd.f32 v53, v44  }
0x33b: {  	s14 =	sor.u32 $0x1C00, s4;
	[tilespmem:s20+$0x18F0] =	vst v3  }
0x33c: {  	[tilespmem:s20+$0x18C0] =	vst v56;
	v3 =	vld [tilespmem:s14+$0x80]  }
0x33d: {  	v4 =	vld [tilespmem:s14+$0x8080];
	_ =	sdelay $0x4  }
0x33e: {  	v3 =	vadd.f32 v4, v3;
	_ =	sdelay $0x1  }
0x33f: {  	s20 =	sor.u32 $0x1C10, s4;
	[tilespmem:s14+$0x80] =	vst v3  }
0x340: {  	v3 =	vld [tilespmem:s20+$0x80]  }
0x341: {  	v57 =	vld [tilespmem:s20+$0x8080];
	_ =	sdelay $0x4  }
0x342: {  	v3 =	vadd.f32 v57, v3;
	_ =	sdelay $0x1  }
0x343: {  	[tilespmem:s20+$0x80] =	vst v3;
	s20 =	sor.u32 $0x1C20, s4  }
0x344: {  	v3 =	vld [tilespmem:s20+$0x80]  }
0x345: {  	v58 =	vld [tilespmem:s20+$0x8080];
	_ =	sdelay $0x4  }
0x346: {  	v3 =	vadd.f32 v58, v3;
	_ =	sdelay $0x1  }
0x347: {  	[tilespmem:s20+$0x80] =	vst v3;
	s20 =	sor.u32 $0x1C30, s4  }
0x348: {  	v3 =	vld [tilespmem:s20+$0x80]  }
0x349: {  	v59 =	vld [tilespmem:s20+$0x8080];
	_ =	sdelay $0x4  }
0x34a: {  	v3 =	vadd.f32 v59, v3;
	_ =	sdelay $0x1  }
0x34b: {  	[tilespmem:s20+$0x80] =	vst v3;
	s20 =	sor.u32 $0x1C40, s4  }
0x34c: {  	v3 =	vld [tilespmem:s20+$0x80]  }
0x34d: {  	v60 =	vld [tilespmem:s20+$0x8080];
	_ =	sdelay $0x4  }
0x34e: {  	v3 =	vadd.f32 v60, v3;
	_ =	sdelay $0x1  }
0x34f: {  	[tilespmem:s20+$0x80] =	vst v3;
	s20 =	sor.u32 $0x1C50, s4  }
0x350: {  	v3 =	vld [tilespmem:s20+$0x80]  }
0x351: {  	v61 =	vld [tilespmem:s20+$0x8080];
	_ =	sdelay $0x4  }
0x352: {  	v3 =	vadd.f32 v61, v3;
	_ =	sdelay $0x1  }
0x353: {  	[tilespmem:s20+$0x80] =	vst v3;
	s20 =	sor.u32 $0x1C60, s4  }
0x354: {  	v3 =	vld [tilespmem:s20+$0x80]  }
0x355: {  	v62 =	vld [tilespmem:s20+$0x8080];
	_ =	sdelay $0x4  }
0x356: {  	v3 =	vadd.f32 v62, v3;
	_ =	sdelay $0x1  }
0x357: {  	s4 =	sor.u32 $0x1C70, s4;
	[tilespmem:s20+$0x80] =	vst v3  }
0x358: {  	v3 =	vld [tilespmem:s4+$0x80]  }
0x359: {  	v63 =	vld [tilespmem:s4+$0x8080];
	_ =	sdelay $0x1  }
0x35a: {  	p0 =	sne.s32 s13, $0xF80  }
.Ltmp3:
0x35b: {  	_ = 	snop;
	(pc) =	sbr.rel @p0 .LBB2_8-.Ltmp3, $4  }
0x35c: {  	_ = 	snop  }
0x35d: {  	v3 =	vadd.f32 v63, v3  }
0x35e: {  	s1 =	sadd.s32 $0x400, s1  }
0x35f: {  	s13 =	sadd.s32 $0x80, s13;
	s11 =	sadd.s32 $0x1, s11;
	s12 =	sadd.s32 $0x400, s12;
	[tilespmem:s4+$0x80] =	vst v3  }
0x360: {  	s0 =	sadd.s32 $0x1, s0  }
0x361: {  	p0 =	sne.s32 s0, s15  }
.Ltmp4:
0x362: {  	s1 =	rddreg [dreg:$0xa];
	(pc) =	sbr.rel @p0 .LBB2_1-.Ltmp4, $4  }
0x363: {  	[hbm4b:s1+s2] =	stream.linear.scatter [tilespmem:s17], [sflag:$0x2], $0x8000, $0x38;
	[tilespmem:$0x10080] =	vst v63  }
0x364: {  	_ =	swait.ge [sflag:s16], $0x8000  }
0x365: {  	[sflag:s16] =	ssyncset.done $0x0  }
0x366: {  	[sflag:s16] =	ssyncadd.s32 $0xFFFF8000  }
0x367: {  	_ =	sfence.sel $0x180000  }
0x368: {  	[bflag:$0x0] =	sbarrier.arrive $0xFFFF  }
0x369: {  	_ =	strace $0x9000004A  }
0x36a: {  	s0 =	stileid.u32;
	[bflag:$0x2] =	sbarrier.arrive $0xFFFF  }
0x36b: {  	p0 =	sne.s32 s0, $0x0;
	s0 =	rddreg [dreg:$0x2]  }
0x36c: {  	s0 =	sadd.s32 @!p0 $0x100000, s0  }
0x36d: {  	[sflag:s0] =	ssyncadd.tile.s32 @!p0 $0x1;
	_ =	shalt  }
.Lfunc_end2:
_tile_overlayer_lowered:
.L_overlay_start_2:
0x36e: {  	(tag) =	ssettag $0x2  }
0x36f: {  	s0 =	rddreg [dreg:$0x0];
	s2 =	stileid.u32  }
0x370: {  	s1 =	rddreg [dreg:$0x1];
	p0 =	sne.s32 s2, $0x0  }
0x371: {  	s3 =	rddreg [dreg:$0x2];
	[bflag:$0x3] =	sbarrier.arrive $0xFFFF;
	s2 =	simm.s32 @!p0 $0x1C02  }
0x372: {  	[timem:s3], [sflag:s2] =	dma.local @!p0 [hbm:s0], s1  }
0x373: {  	s0 =	simm.s32 @!p0 $0x2  }
0x374: {  	_ =	swait.ge @!p0 [sflag:s0], s1  }
0x375: {  	s1 =	ssub.s32 @!p0 $0x0, s1;
	[sflag:s0] =	ssyncset.done @!p0 $0x0  }
0x376: {  	[sflag:s0] =	ssyncadd.s32 @!p0 s1  }
0x377: {  	[bflag:$0x3] =	sbarrier.arrive $0xFFFF  }
0x378: {  	_ =	shalt  }

</sc_bundles>
